<compile_context>
chip_gen: v7x
topology: tpu7x:2x2x1
jax: 0.10.2.dev20260603
libtpu: 0.0.44.dev20260713+nightly
codegen_flags: <defaults>
</compile_context>

<pallas_src>
import functools

import jax
import jax.numpy as jnp
from jax import lax
from jax.experimental import pallas as pl
from jax.experimental.pallas import tpu as pltpu
from jax.experimental.pallas import tpu_sc as plsc

N = 10000
D_IN = 128
D_HID = 128
D_OUT = 64
NC, NS = 2, 16
NW = NC * NS
CHUNK = 128
BLKC = 16
NBUF = 4
PREF = 3
N_ACC = 10240
ZROWS = N_ACC // NS
ROWS_INIT = N // NS
ROWS_OUT = N_ACC // NS

_mesh = plsc.VectorSubcoreMesh(core_axis_name="c", subcore_axis_name="s")
_params = pltpu.CompilerParams(use_tc_tiling_on_sc=False)



def _deg_body(nrw, dst_hbm, deg_out, dstv, ones, zbuf, degs, sem):
    c = lax.axis_index("c")
    s = lax.axis_index("s")
    w = c * NS + s
    cp = pltpu.async_copy(dst_hbm.at[pl.ds(w * nrw, nrw)], dstv, sem)

    zero16 = jnp.zeros((16,), jnp.float32)
    one16 = jnp.ones((16,), jnp.float32)

    def fbody(i, _):
        ones[pl.ds(i * 16, 16)] = one16
        return 0

    lax.fori_loop(0, CHUNK // 16, fbody, 0)

    def zbody(i, _):
        zbuf[pl.ds(i * 16, 16)] = zero16
        return 0

    lax.fori_loop(0, ZROWS // 16, zbody, 0)
    pltpu.sync_copy(zbuf, degs.at[pl.ds(s * ZROWS, ZROWS)])
    cp.wait()
    plsc.subcore_barrier()

    def chunk(j, _):
        pltpu.sync_copy(ones, degs.at[dstv.at[j]], add=True)
        return 0

    lax.fori_loop(0, nrw, chunk, 0)
    plsc.subcore_barrier()

    @pl.when(s == 0)
    def _():
        pltpu.sync_copy(degs, deg_out.at[c])


def _make_deg(nrw):
    return pl.kernel(
        functools.partial(_deg_body, nrw),
        out_type=jax.ShapeDtypeStruct((NC, N_ACC), jnp.float32),
        mesh=_mesh,
        compiler_params=_params,
        scratch_types=[
            pltpu.VMEM((nrw, CHUNK), jnp.int32),
            pltpu.VMEM((CHUNK,), jnp.float32),
            pltpu.VMEM((ZROWS,), jnp.float32),
            pltpu.VMEM_SHARED((N_ACC,), jnp.float32),
            pltpu.SemaphoreType.DMA,
        ],
    )


def _prop_body(nch, half, p_hbm, src_hbm, dst_hbm, g_out, srcv, dstv, rows,
               pstage, acc, isem, gsem, ssem, csem):
    c = lax.axis_index("c")
    s = lax.axis_index("s")
    nblk = nch // BLKC
    r0 = s * ROWS_INIT

    cp_p = pltpu.async_copy(p_hbm.at[c, pl.ds(r0, ROWS_INIT)],
                            pstage.at[pl.ds(r0, ROWS_INIT)], csem)
    cp_a = pltpu.async_copy(p_hbm.at[c, pl.ds(r0, ROWS_INIT)],
                            acc.at[pl.ds(r0, ROWS_INIT)], csem)

    def idx_dma(blk, ib):
        base = s * nch + blk * BLKC
        pltpu.async_copy(src_hbm.at[pl.ds(base, BLKC)], srcv.at[ib], isem)
        pltpu.async_copy(dst_hbm.at[pl.ds(base, BLKC)], dstv.at[ib], isem)

    def idx_wait(ib):
        pltpu.make_async_copy(src_hbm.at[pl.ds(0, BLKC)], srcv.at[ib],
                              isem).wait()
        pltpu.make_async_copy(dst_hbm.at[pl.ds(0, BLKC)], dstv.at[ib],
                              isem).wait()

    idx_dma(0, 0)
    cp_p.wait()
    cp_a.wait()
    plsc.subcore_barrier()

    def gather(ib, k, b):
        return pltpu.async_copy(pstage.at[srcv.at[ib, k]], rows.at[b], gsem)

    def gather_wait(b):
        pltpu.make_async_copy(pstage.at[srcv.at[0, 0]], rows.at[b],
                              gsem).wait()

    def scat_wait():
        pltpu.make_async_copy(rows.at[0], acc.at[dstv.at[0, 0]], ssem).wait()

    def blk_loop(blk, _):
        ib = blk & 1
        idx_wait(ib)

        @pl.when(blk + 1 < nblk)
        def _():
            idx_dma(blk + 1, 1 - ib)

        for k0 in range(PREF):
            gather(ib, k0, k0 % NBUF)
        for k in range(BLKC):
            b = k % NBUF
            if k == 0:
                @pl.when(blk >= 1)
                def _():
                    scat_wait()
            else:
                scat_wait()
            if k + PREF < BLKC:
                gather(ib, k + PREF, (k + PREF) % NBUF)
            gather_wait(b)
            pltpu.async_copy(rows.at[b], acc.at[dstv.at[ib, k]], ssem,
                             add=True)
        return 0

    lax.fori_loop(0, nblk, blk_loop, 0)
    scat_wait()
    plsc.subcore_barrier()
    pltpu.sync_copy(acc.at[pl.ds(s * ROWS_OUT, ROWS_OUT)],
                    g_out.at[c, pl.ds(s * ROWS_OUT, ROWS_OUT)])


def _make_prop(nch, half):
    return pl.kernel(
        functools.partial(_prop_body, nch, half),
        out_type=jax.ShapeDtypeStruct((NC, N_ACC, half), jnp.float32),
        mesh=_mesh,
        compiler_params=_params,
        scratch_types=[
            pltpu.VMEM((2, BLKC, CHUNK), jnp.int32),
            pltpu.VMEM((2, BLKC, CHUNK), jnp.int32),
            pltpu.VMEM((NBUF, CHUNK, half), jnp.float32),
            pltpu.VMEM_SHARED((N_ACC, half), jnp.float32),
            pltpu.VMEM_SHARED((N_ACC, half), jnp.float32),
            pltpu.SemaphoreType.DMA,
            pltpu.SemaphoreType.DMA,
            pltpu.SemaphoreType.DMA,
            pltpu.SemaphoreType.DMA,
        ],
    )



_BLK = 5000
_GRID = N // _BLK


def _split_cols(p_ref, p):
    h2 = p.shape[1] // 2
    p_ref[0, ...] = p[:, :h2]
    p_ref[1, ...] = p[:, h2:]


def _prep_body(deg_ref, x_ref, w_ref, s_ref, p_ref):
    sv = lax.rsqrt(deg_ref[0, ...] + deg_ref[1, ...] + 1.0)
    h = jnp.dot(x_ref[...], w_ref[...], preferred_element_type=jnp.float32)
    s_ref[...] = sv
    _split_cols(p_ref, h * sv)


def _layer_body(g_ref, s_ref, b_ref, w_ref, p_ref):
    g = jnp.concatenate([g_ref[0, ...], g_ref[1, ...]], axis=1)
    h = jnp.maximum(g * s_ref[...] + b_ref[...], 0.0)
    _split_cols(p_ref, jnp.dot(h, w_ref[...],
                               preferred_element_type=jnp.float32) * s_ref[...])


def _final_body(g_ref, s_ref, b_ref, o_ref):
    v = jnp.concatenate([g_ref[0, ...], g_ref[1, ...]], axis=1)
    v = v * s_ref[...] + b_ref[...]
    m = jnp.max(v, axis=1, keepdims=True)
    z = v - m
    o_ref[...] = z - jnp.log(jnp.sum(jnp.exp(z), axis=1, keepdims=True))


def _row_spec(d):
    return pl.BlockSpec((_BLK, d), lambda i: (i, 0))


def _half_spec(d):
    return pl.BlockSpec((2, _BLK, d // 2), lambda i: (0, i, 0))


def _rep_spec(r, d):
    return pl.BlockSpec((r, d), lambda i: (0, 0))


def _prep(deg, x, w):
    return pl.pallas_call(
        _prep_body,
        grid=(_GRID,),
        in_specs=[pl.BlockSpec((2, _BLK, 1), lambda i: (0, i, 0)),
                  _row_spec(D_IN), _rep_spec(D_IN, D_HID)],
        out_specs=[_row_spec(1), _half_spec(D_HID)],
        out_shape=[jax.ShapeDtypeStruct((N, 1), jnp.float32),
                   jax.ShapeDtypeStruct((2, N, D_HID // 2), jnp.float32)],
    )(deg, x, w)


def _layer(g, sv, b, w, d_in, d_out):
    return pl.pallas_call(
        _layer_body,
        grid=(_GRID,),
        in_specs=[_half_spec(d_in), _row_spec(1), _rep_spec(1, d_in),
                  _rep_spec(d_in, d_out)],
        out_specs=_half_spec(d_out),
        out_shape=jax.ShapeDtypeStruct((2, N, d_out // 2), jnp.float32),
    )(g, sv, b.reshape(1, d_in), w)


def _final(g, sv, b):
    return pl.pallas_call(
        _final_body,
        grid=(_GRID,),
        in_specs=[_half_spec(D_OUT), _row_spec(1), _rep_spec(1, D_OUT)],
        out_specs=_row_spec(D_OUT),
        out_shape=jax.ShapeDtypeStruct((N, D_OUT), jnp.float32),
    )(g, sv, b.reshape(1, D_OUT))



def kernel(x, edge_index, W1, b1, W2, b2, W3, b3):
    e = edge_index.shape[1]
    nch = -(-e // (NS * CHUNK))
    nch = -(-nch // BLKC) * BLKC
    per_t = nch * CHUNK
    ei = edge_index.astype(jnp.int32)
    e_t = e // NS
    pad_t = per_t - e_t
    pad_dst = N + (jnp.arange(pad_t, dtype=jnp.int32) % (N_ACC - N))
    src2d = jnp.concatenate(
        [ei[0].reshape(NS, e_t), jnp.zeros((NS, pad_t), jnp.int32)],
        axis=1).reshape(NS * nch, CHUNK)
    dst2d = jnp.concatenate(
        [ei[1].reshape(NS, e_t), jnp.broadcast_to(pad_dst, (NS, pad_t))],
        axis=1).reshape(NS * nch, CHUNK)

    deg2 = _make_deg(NS * nch // NW)(dst2d)

    sv, p1 = _prep(deg2.reshape(NC, N_ACC, 1), x, W1)

    g = _make_prop(nch, D_HID // 2)(p1, src2d, dst2d)
    p2 = _layer(g, sv, b1, W2, D_HID, D_HID)

    g = _make_prop(nch, D_HID // 2)(p2, src2d, dst2d)
    p3 = _layer(g, sv, b2, W3, D_HID, D_OUT)

    g = _make_prop(nch, D_OUT // 2)(p3, src2d, dst2d)
    return _final(g, sv, b3)

# --- scband reference (transcript-rebuilt; emitter-appended) ---
"""Pipeline reference for scband-gcn-22333829939712 (READ-ONLY COPY).

The authoritative reference and input builder live on the scoring server;
editing this copy changes nothing except your own understanding.
"""

import jax, jax.numpy as jnp
import numpy as np

N_NODES = 10000
N_EDGES = 320000
D_IN = 128
D_HID = 128
D_OUT = 64


def setup_inputs(seed: int = 0) -> dict:
    key = jax.random.key(seed)
    k_x, k_ei, k_w1, k_b1, k_w2, k_b2, k_w3, k_b3 = jax.random.split(key, 8)
    x = jax.random.normal(k_x, (N_NODES, D_IN), dtype=jnp.float32)
    edge_index = jax.random.randint(k_ei, (2, N_EDGES), 0, N_NODES, dtype=jnp.int64)
    W1 = jax.random.normal(k_w1, (D_IN, D_HID), dtype=jnp.float32) * 0.05
    b1 = jnp.zeros((D_HID,), dtype=jnp.float32)
    W2 = jax.random.normal(k_w2, (D_HID, D_HID), dtype=jnp.float32) * 0.05
    b2 = jnp.zeros((D_HID,), dtype=jnp.float32)
    W3 = jax.random.normal(k_w3, (D_HID, D_OUT), dtype=jnp.float32) * 0.05
    b3 = jnp.zeros((D_OUT,), dtype=jnp.float32)
    return {"x": x, "edge_index": edge_index, "W1": W1, "b1": b1, "W2": W2, "b2": b2, "W3": W3, "b3": b3}


def gcn_conv(x, edge_index, W, b):
    # PyG GCNConv: add self-loops, symmetric normalization D^-1/2 (A+I) D^-1/2 X W + b
    n = x.shape[0]
    loop = jnp.arange(n, dtype=edge_index.dtype)
    src = jnp.concatenate([edge_index[0], loop])
    dst = jnp.concatenate([edge_index[1], loop])
    deg = jnp.zeros((n,), dtype=x.dtype).at[dst].add(1.0)
    deg_inv_sqrt = jnp.where(deg > 0, deg ** -0.5, 0.0)
    norm = deg_inv_sqrt[src] * deg_inv_sqrt[dst]
    h = x @ W
    msg = h[src] * norm[:, None]
    out = jnp.zeros((n, W.shape[1]), dtype=x.dtype).at[dst].add(msg)
    return out + b


def reference(x, edge_index, W1, b1, W2, b2, W3, b3):
    # eval mode: F.dropout(training=False) is identity
    h = jax.nn.relu(gcn_conv(x, edge_index, W1, b1))
    h = jax.nn.relu(gcn_conv(h, edge_index, W2, b2))
    h = gcn_conv(h, edge_index, W3, b3)
    return jax.nn.log_softmax(h, axis=1)

if __name__ == "__main__":
    import jax
    _d = setup_inputs()
    print(jax.jit(kernel)(*tuple(_d.values())))

</pallas_src>

<mosaic_0001>
#map = affine_map<(d0, d1) -> (0, 0, 0)>
#map1 = affine_map<(d0, d1) -> (0, 0)>
module attributes {stable_mosaic.version = 14 : i64} {
  func.func @_prop_body(%arg0: i32, %arg1: i32, %arg2: memref<2x10000x32xf32, #tpu.memory_space<hbm>>, %arg3: memref<2560x128xi32, #tpu.memory_space<hbm>>, %arg4: memref<2560x128xi32, #tpu.memory_space<hbm>>, %arg5: memref<2x10240x32xf32, #tpu.memory_space<hbm>>, %arg6: memref<2x16x128xi32, #tpu.memory_space<vmem>>, %arg7: memref<2x16x128xi32, #tpu.memory_space<vmem>>, %arg8: memref<4x128x32xf32, #tpu.memory_space<vmem>>, %arg9: memref<10240x32xf32, #tpu.memory_space<vmem_shared>>, %arg10: memref<10240x32xf32, #tpu.memory_space<vmem_shared>>, %arg11: memref<!tpu.dma_semaphore, #tpu.memory_space<semaphore_mem>>, %arg12: memref<!tpu.dma_semaphore, #tpu.memory_space<semaphore_mem>>, %arg13: memref<!tpu.dma_semaphore, #tpu.memory_space<semaphore_mem>>, %arg14: memref<!tpu.dma_semaphore, #tpu.memory_space<semaphore_mem>>) attributes {dimension_semantics = [#tpu.dimension_semantics<core_parallel>, #tpu.dimension_semantics<subcore_parallel>], iteration_bounds = array<i64: 2, 16>, scalar_prefetch = 0 : i64, scratch_operands = 9 : i64, tpu.core_type = #tpu.core_type<sc_vector_subcore>, window_params = [{transform_indices = #map}, {transform_indices = #map1}, {transform_indices = #map1}, {transform_indices = #map}]} {
    %mul3A = arith.constant 625 : i32
    %mul3A_0 = arith.muli %arg1, %mul3A : i32
    %dma_start3A = arith.constant 0 : i32
    %dma_start3A_1 = tpu.memref_slice %arg9[%mul3A_0, %dma_start3A] : memref<10240x32xf32, #tpu.memory_space<vmem_shared>> -> memref<625x32xf32, #tpu.memory_space<vmem_shared>>
    %dma_start3A_2 = arith.constant 0 : i32
    %dma_start3A_3 = tpu.memref_slice %arg2[%arg0, %mul3A_0, %dma_start3A_2] : memref<2x10000x32xf32, #tpu.memory_space<hbm>> -> memref<1x625x32xf32, #tpu.memory_space<hbm>>
    %dma_start3A_4 = tpu.memref_squeeze %dma_start3A_3 : memref<1x625x32xf32, #tpu.memory_space<hbm>> -> memref<625x32xf32, #tpu.memory_space<hbm>>
    tpu.enqueue_dma source(%dma_start3A_4 : memref<625x32xf32, #tpu.memory_space<hbm>>) target(%dma_start3A_1 : memref<625x32xf32, #tpu.memory_space<vmem_shared>>) target_semaphore(%arg14 : memref<!tpu.dma_semaphore, #tpu.memory_space<semaphore_mem>>)
    %dma_start3A_5 = arith.constant 0 : i32
    %dma_start3A_6 = tpu.memref_slice %arg10[%mul3A_0, %dma_start3A_5] : memref<10240x32xf32, #tpu.memory_space<vmem_shared>> -> memref<625x32xf32, #tpu.memory_space<vmem_shared>>
    %dma_start3A_7 = arith.constant 0 : i32
    %dma_start3A_8 = tpu.memref_slice %arg2[%arg0, %mul3A_0, %dma_start3A_7] : memref<2x10000x32xf32, #tpu.memory_space<hbm>> -> memref<1x625x32xf32, #tpu.memory_space<hbm>>
    %dma_start3A_9 = tpu.memref_squeeze %dma_start3A_8 : memref<1x625x32xf32, #tpu.memory_space<hbm>> -> memref<625x32xf32, #tpu.memory_space<hbm>>
    tpu.enqueue_dma source(%dma_start3A_9 : memref<625x32xf32, #tpu.memory_space<hbm>>) target(%dma_start3A_6 : memref<625x32xf32, #tpu.memory_space<vmem_shared>>) target_semaphore(%arg14 : memref<!tpu.dma_semaphore, #tpu.memory_space<semaphore_mem>>)
    %mul3A_10 = arith.constant 160 : i32
    %mul3A_11 = arith.muli %arg1, %mul3A_10 : i32
    %add3A = arith.constant 0 : i32
    %add3A_12 = arith.addi %mul3A_11, %add3A : i32
    %dma_start3A_13 = arith.constant 0 : i32
    %dma_start3A_14 = arith.constant 0 : i32
    %dma_start3A_15 = arith.constant 0 : i32
    %dma_start3A_16 = tpu.memref_slice %arg6[%dma_start3A_13, %dma_start3A_14, %dma_start3A_15] : memref<2x16x128xi32, #tpu.memory_space<vmem>> -> memref<1x16x128xi32, #tpu.memory_space<vmem>>
    %dma_start3A_17 = tpu.memref_squeeze %dma_start3A_16 : memref<1x16x128xi32, #tpu.memory_space<vmem>> -> memref<16x128xi32, #tpu.memory_space<vmem>>
    %dma_start3A_18 = arith.constant 0 : i32
    %dma_start3A_19 = tpu.memref_slice %arg3[%add3A_12, %dma_start3A_18] : memref<2560x128xi32, #tpu.memory_space<hbm>> -> memref<16x128xi32, #tpu.memory_space<hbm>>
    %dma_start3A_20 = arith.constant 0 : i32
    %dma_start3A_21 = arith.constant 0 : i32
    %dma_start3A_22 = tpu.memref_slice %arg6[%dma_start3A_13, %dma_start3A_20, %dma_start3A_21] : memref<2x16x128xi32, #tpu.memory_space<vmem>> -> memref<1x16x128xi32, #tpu.memory_space<vmem>>
    %dma_start3A_23 = tpu.memref_squeeze %dma_start3A_22 : memref<1x16x128xi32, #tpu.memory_space<vmem>> -> memref<16x128xi32, #tpu.memory_space<vmem>>
    %dma_start3A_24 = arith.constant 0 : i32
    %dma_start3A_25 = tpu.memref_slice %arg3[%add3A_12, %dma_start3A_24] : memref<2560x128xi32, #tpu.memory_space<hbm>> -> memref<16x128xi32, #tpu.memory_space<hbm>>
    tpu.enqueue_dma source(%dma_start3A_25 : memref<16x128xi32, #tpu.memory_space<hbm>>) target(%dma_start3A_23 : memref<16x128xi32, #tpu.memory_space<vmem>>) target_semaphore(%arg11 : memref<!tpu.dma_semaphore, #tpu.memory_space<semaphore_mem>>)
    %dma_start3A_26 = arith.constant 0 : i32
    %dma_start3A_27 = arith.constant 0 : i32
    %dma_start3A_28 = arith.constant 0 : i32
    %dma_start3A_29 = tpu.memref_slice %arg7[%dma_start3A_26, %dma_start3A_27, %dma_start3A_28] : memref<2x16x128xi32, #tpu.memory_space<vmem>> -> memref<1x16x128xi32, #tpu.memory_space<vmem>>
    %dma_start3A_30 = tpu.memref_squeeze %dma_start3A_29 : memref<1x16x128xi32, #tpu.memory_space<vmem>> -> memref<16x128xi32, #tpu.memory_space<vmem>>
    %dma_start3A_31 = arith.constant 0 : i32
    %dma_start3A_32 = tpu.memref_slice %arg4[%add3A_12, %dma_start3A_31] : memref<2560x128xi32, #tpu.memory_space<hbm>> -> memref<16x128xi32, #tpu.memory_space<hbm>>
    %dma_start3A_33 = arith.constant 0 : i32
    %dma_start3A_34 = arith.constant 0 : i32
    %dma_start3A_35 = tpu.memref_slice %arg7[%dma_start3A_26, %dma_start3A_33, %dma_start3A_34] : memref<2x16x128xi32, #tpu.memory_space<vmem>> -> memref<1x16x128xi32, #tpu.memory_space<vmem>>
    %dma_start3A_36 = tpu.memref_squeeze %dma_start3A_35 : memref<1x16x128xi32, #tpu.memory_space<vmem>> -> memref<16x128xi32, #tpu.memory_space<vmem>>
    %dma_start3A_37 = arith.constant 0 : i32
    %dma_start3A_38 = tpu.memref_slice %arg4[%add3A_12, %dma_start3A_37] : memref<2560x128xi32, #tpu.memory_space<hbm>> -> memref<16x128xi32, #tpu.memory_space<hbm>>
    tpu.enqueue_dma source(%dma_start3A_38 : memref<16x128xi32, #tpu.memory_space<hbm>>) target(%dma_start3A_36 : memref<16x128xi32, #tpu.memory_space<vmem>>) target_semaphore(%arg11 : memref<!tpu.dma_semaphore, #tpu.memory_space<semaphore_mem>>)
    %dma_wait3A = arith.constant 0 : i32
    %dma_wait3A_39 = tpu.memref_slice %arg9[%mul3A_0, %dma_wait3A] : memref<10240x32xf32, #tpu.memory_space<vmem_shared>> -> memref<625x32xf32, #tpu.memory_space<vmem_shared>>
    %dma_wait3A_40 = arith.constant 0 : i32
    %dma_wait3A_41 = tpu.memref_slice %arg2[%arg0, %mul3A_0, %dma_wait3A_40] : memref<2x10000x32xf32, #tpu.memory_space<hbm>> -> memref<1x625x32xf32, #tpu.memory_space<hbm>>
    %dma_wait3A_42 = tpu.memref_squeeze %dma_wait3A_41 : memref<1x625x32xf32, #tpu.memory_space<hbm>> -> memref<625x32xf32, #tpu.memory_space<hbm>>
    tpu.wait_dma2 semaphore(%arg14 : memref<!tpu.dma_semaphore, #tpu.memory_space<semaphore_mem>>) src(%dma_wait3A_42 : memref<625x32xf32, #tpu.memory_space<hbm>>) dst(%dma_wait3A_39 : memref<625x32xf32, #tpu.memory_space<vmem_shared>>)
    %dma_wait3A_43 = arith.constant 0 : i32
    %dma_wait3A_44 = tpu.memref_slice %arg10[%mul3A_0, %dma_wait3A_43] : memref<10240x32xf32, #tpu.memory_space<vmem_shared>> -> memref<625x32xf32, #tpu.memory_space<vmem_shared>>
    %dma_wait3A_45 = arith.constant 0 : i32
    %dma_wait3A_46 = tpu.memref_slice %arg2[%arg0, %mul3A_0, %dma_wait3A_45] : memref<2x10000x32xf32, #tpu.memory_space<hbm>> -> memref<1x625x32xf32, #tpu.memory_space<hbm>>
    %dma_wait3A_47 = tpu.memref_squeeze %dma_wait3A_46 : memref<1x625x32xf32, #tpu.memory_space<hbm>> -> memref<625x32xf32, #tpu.memory_space<hbm>>
    tpu.wait_dma2 semaphore(%arg14 : memref<!tpu.dma_semaphore, #tpu.memory_space<semaphore_mem>>) src(%dma_wait3A_47 : memref<625x32xf32, #tpu.memory_space<hbm>>) dst(%dma_wait3A_44 : memref<625x32xf32, #tpu.memory_space<vmem_shared>>)
    %barrier3A = arith.constant 0 : index
    tpu.barrier barrier_id(%barrier3A)
    %scan3A = arith.constant 0 : i32
    %scan3A_48 = arith.constant 0 : i32
    %scan3A_49 = arith.constant 10 : i32
    %scan3A_50 = arith.addi %scan3A_48, %scan3A_49 : i32
    %scan3A_51 = arith.constant 1 : i32
    %scan3A_52 = scf.for %scan3A_72 = %scan3A_48 to %scan3A_50 step %scan3A_51 iter_args(%scan3A_73 = %scan3A) -> (i32)  : i32 {
      %and3A = arith.constant 1 : i32
      %and3A_74 = arith.andi %scan3A_72, %and3A : i32
      %dma_wait3A_75 = arith.constant 0 : i32
      %dma_wait3A_76 = arith.constant 0 : i32
      %dma_wait3A_77 = tpu.memref_slice %arg6[%and3A_74, %dma_wait3A_75, %dma_wait3A_76] : memref<2x16x128xi32, #tpu.memory_space<vmem>> -> memref<1x16x128xi32, #tpu.memory_space<vmem>>
      %dma_wait3A_78 = tpu.memref_squeeze %dma_wait3A_77 : memref<1x16x128xi32, #tpu.memory_space<vmem>> -> memref<16x128xi32, #tpu.memory_space<vmem>>
      %dma_wait3A_79 = arith.constant 0 : i32
      %dma_wait3A_80 = arith.constant 0 : i32
      %dma_wait3A_81 = tpu.memref_slice %arg3[%dma_wait3A_79, %dma_wait3A_80] : memref<2560x128xi32, #tpu.memory_space<hbm>> -> memref<16x128xi32, #tpu.memory_space<hbm>>
      %dma_wait3A_82 = arith.constant 0 : i32
      %dma_wait3A_83 = arith.constant 0 : i32
      %dma_wait3A_84 = tpu.memref_slice %arg6[%and3A_74, %dma_wait3A_82, %dma_wait3A_83] : memref<2x16x128xi32, #tpu.memory_space<vmem>> -> memref<1x16x128xi32, #tpu.memory_space<vmem>>
      %dma_wait3A_85 = tpu.memref_squeeze %dma_wait3A_84 : memref<1x16x128xi32, #tpu.memory_space<vmem>> -> memref<16x128xi32, #tpu.memory_space<vmem>>
      %dma_wait3A_86 = arith.constant 0 : i32
      %dma_wait3A_87 = arith.constant 0 : i32
      %dma_wait3A_88 = tpu.memref_slice %arg3[%dma_wait3A_86, %dma_wait3A_87] : memref<2560x128xi32, #tpu.memory_space<hbm>> -> memref<16x128xi32, #tpu.memory_space<hbm>>
      tpu.wait_dma2 semaphore(%arg11 : memref<!tpu.dma_semaphore, #tpu.memory_space<semaphore_mem>>) src(%dma_wait3A_88 : memref<16x128xi32, #tpu.memory_space<hbm>>) dst(%dma_wait3A_85 : memref<16x128xi32, #tpu.memory_space<vmem>>)
      %dma_wait3A_89 = arith.constant 0 : i32
      %dma_wait3A_90 = arith.constant 0 : i32
      %dma_wait3A_91 = tpu.memref_slice %arg7[%and3A_74, %dma_wait3A_89, %dma_wait3A_90] : memref<2x16x128xi32, #tpu.memory_space<vmem>> -> memref<1x16x128xi32, #tpu.memory_space<vmem>>
      %dma_wait3A_92 = tpu.memref_squeeze %dma_wait3A_91 : memref<1x16x128xi32, #tpu.memory_space<vmem>> -> memref<16x128xi32, #tpu.memory_space<vmem>>
      %dma_wait3A_93 = arith.constant 0 : i32
      %dma_wait3A_94 = arith.constant 0 : i32
      %dma_wait3A_95 = tpu.memref_slice %arg4[%dma_wait3A_93, %dma_wait3A_94] : memref<2560x128xi32, #tpu.memory_space<hbm>> -> memref<16x128xi32, #tpu.memory_space<hbm>>
      %dma_wait3A_96 = arith.constant 0 : i32
      %dma_wait3A_97 = arith.constant 0 : i32
      %dma_wait3A_98 = tpu.memref_slice %arg7[%and3A_74, %dma_wait3A_96, %dma_wait3A_97] : memref<2x16x128xi32, #tpu.memory_space<vmem>> -> memref<1x16x128xi32, #tpu.memory_space<vmem>>
      %dma_wait3A_99 = tpu.memref_squeeze %dma_wait3A_98 : memref<1x16x128xi32, #tpu.memory_space<vmem>> -> memref<16x128xi32, #tpu.memory_space<vmem>>
      %dma_wait3A_100 = arith.constant 0 : i32
      %dma_wait3A_101 = arith.constant 0 : i32
      %dma_wait3A_102 = tpu.memref_slice %arg4[%dma_wait3A_100, %dma_wait3A_101] : memref<2560x128xi32, #tpu.memory_space<hbm>> -> memref<16x128xi32, #tpu.memory_space<hbm>>
      tpu.wait_dma2 semaphore(%arg11 : memref<!tpu.dma_semaphore, #tpu.memory_space<semaphore_mem>>) src(%dma_wait3A_102 : memref<16x128xi32, #tpu.memory_space<hbm>>) dst(%dma_wait3A_99 : memref<16x128xi32, #tpu.memory_space<vmem>>)
      %add3A_103 = arith.constant 1 : i32
      %add3A_104 = arith.addi %scan3A_72, %add3A_103 : i32
      %lt3A = arith.constant 10 : i32
      %lt3A_105 = arith.cmpi slt, %add3A_104, %lt3A : i32
      %convert_element_type3A = arith.extui %lt3A_105 : i1 to i32
      %cond3A = arith.constant 0 : i32
      %cond3A_106 = arith.cmpi ne, %convert_element_type3A, %cond3A : i32
      scf.if %cond3A_106 {
        %add3A_899 = arith.constant 1 : i32
        %add3A_900 = arith.addi %scan3A_72, %add3A_899 : i32
        %sub3A = arith.constant 1 : i32
        %sub3A_901 = arith.subi %sub3A, %and3A_74 : i32
        %mul3A_902 = arith.constant 160 : i32
        %mul3A_903 = arith.muli %arg1, %mul3A_902 : i32
        %mul3A_904 = arith.constant 16 : i32
        %mul3A_905 = arith.muli %add3A_900, %mul3A_904 : i32
        %add3A_906 = arith.addi %mul3A_903, %mul3A_905 : i32
        %dma_start3A_907 = arith.constant 0 : i32
        %dma_start3A_908 = arith.constant 0 : i32
        %dma_start3A_909 = tpu.memref_slice %arg6[%sub3A_901, %dma_start3A_907, %dma_start3A_908] : memref<2x16x128xi32, #tpu.memory_space<vmem>> -> memref<1x16x128xi32, #tpu.memory_space<vmem>>
        %dma_start3A_910 = tpu.memref_squeeze %dma_start3A_909 : memref<1x16x128xi32, #tpu.memory_space<vmem>> -> memref<16x128xi32, #tpu.memory_space<vmem>>
        %dma_start3A_911 = arith.constant 0 : i32
        %dma_start3A_912 = tpu.memref_slice %arg3[%add3A_906, %dma_start3A_911] : memref<2560x128xi32, #tpu.memory_space<hbm>> -> memref<16x128xi32, #tpu.memory_space<hbm>>
        %dma_start3A_913 = arith.constant 0 : i32
        %dma_start3A_914 = arith.constant 0 : i32
        %dma_start3A_915 = tpu.memref_slice %arg6[%sub3A_901, %dma_start3A_913, %dma_start3A_914] : memref<2x16x128xi32, #tpu.memory_space<vmem>> -> memref<1x16x128xi32, #tpu.memory_space<vmem>>
        %dma_start3A_916 = tpu.memref_squeeze %dma_start3A_915 : memref<1x16x128xi32, #tpu.memory_space<vmem>> -> memref<16x128xi32, #tpu.memory_space<vmem>>
        %dma_start3A_917 = arith.constant 0 : i32
        %dma_start3A_918 = tpu.memref_slice %arg3[%add3A_906, %dma_start3A_917] : memref<2560x128xi32, #tpu.memory_space<hbm>> -> memref<16x128xi32, #tpu.memory_space<hbm>>
        tpu.enqueue_dma source(%dma_start3A_918 : memref<16x128xi32, #tpu.memory_space<hbm>>) target(%dma_start3A_916 : memref<16x128xi32, #tpu.memory_space<vmem>>) target_semaphore(%arg11 : memref<!tpu.dma_semaphore, #tpu.memory_space<semaphore_mem>>)
        %dma_start3A_919 = arith.constant 0 : i32
        %dma_start3A_920 = arith.constant 0 : i32
        %dma_start3A_921 = tpu.memref_slice %arg7[%sub3A_901, %dma_start3A_919, %dma_start3A_920] : memref<2x16x128xi32, #tpu.memory_space<vmem>> -> memref<1x16x128xi32, #tpu.memory_space<vmem>>
        %dma_start3A_922 = tpu.memref_squeeze %dma_start3A_921 : memref<1x16x128xi32, #tpu.memory_space<vmem>> -> memref<16x128xi32, #tpu.memory_space<vmem>>
        %dma_start3A_923 = arith.constant 0 : i32
        %dma_start3A_924 = tpu.memref_slice %arg4[%add3A_906, %dma_start3A_923] : memref<2560x128xi32, #tpu.memory_space<hbm>> -> memref<16x128xi32, #tpu.memory_space<hbm>>
        %dma_start3A_925 = arith.constant 0 : i32
        %dma_start3A_926 = arith.constant 0 : i32
        %dma_start3A_927 = tpu.memref_slice %arg7[%sub3A_901, %dma_start3A_925, %dma_start3A_926] : memref<2x16x128xi32, #tpu.memory_space<vmem>> -> memref<1x16x128xi32, #tpu.memory_space<vmem>>
        %dma_start3A_928 = tpu.memref_squeeze %dma_start3A_927 : memref<1x16x128xi32, #tpu.memory_space<vmem>> -> memref<16x128xi32, #tpu.memory_space<vmem>>
        %dma_start3A_929 = arith.constant 0 : i32
        %dma_start3A_930 = tpu.memref_slice %arg4[%add3A_906, %dma_start3A_929] : memref<2560x128xi32, #tpu.memory_space<hbm>> -> memref<16x128xi32, #tpu.memory_space<hbm>>
        tpu.enqueue_dma source(%dma_start3A_930 : memref<16x128xi32, #tpu.memory_space<hbm>>) target(%dma_start3A_928 : memref<16x128xi32, #tpu.memory_space<vmem>>) target_semaphore(%arg11 : memref<!tpu.dma_semaphore, #tpu.memory_space<semaphore_mem>>)
      } else {
      }
      %dma_start3A_107 = arith.constant 0 : i32
      %dma_start3A_108 = arith.constant 0 : i32
      %dma_start3A_109 = arith.constant 0 : i32
      %dma_start3A_110 = arith.constant 0 : i32
      %dma_start3A_111 = tpu.memref_slice %arg8[%dma_start3A_108, %dma_start3A_109, %dma_start3A_110] : memref<4x128x32xf32, #tpu.memory_space<vmem>> -> memref<1x128x32xf32, #tpu.memory_space<vmem>>
      %dma_start3A_112 = tpu.memref_squeeze %dma_start3A_111 : memref<1x128x32xf32, #tpu.memory_space<vmem>> -> memref<128x32xf32, #tpu.memory_space<vmem>>
      %dma_start3A_113 = arith.constant 0 : i32
      %dma_start3A_114 = tpu.memref_slice %arg6[%and3A_74, %dma_start3A_107, %dma_start3A_113] : memref<2x16x128xi32, #tpu.memory_space<vmem>> -> memref<1x1x128xi32, #tpu.memory_space<vmem>>
      %dma_start3A_115 = tpu.memref_squeeze %dma_start3A_114 : memref<1x1x128xi32, #tpu.memory_space<vmem>> -> memref<128xi32, #tpu.memory_space<vmem>>
      %dma_start3A_116 = arith.constant 0 : i32
      %dma_start3A_117 = arith.constant 0 : i32
      %dma_start3A_118 = tpu.memref_slice %arg9[%dma_start3A_116, %dma_start3A_117] : memref<10240x32xf32, #tpu.memory_space<vmem_shared>> -> memref<10240x32xf32, #tpu.memory_space<vmem_shared>>
      tpu.enqueue_indirect_dma source(%dma_start3A_118 : memref<10240x32xf32, #tpu.memory_space<vmem_shared>>) target(%dma_start3A_112 : memref<128x32xf32, #tpu.memory_space<vmem>>) offsets(%dma_start3A_115 : memref<128xi32, #tpu.memory_space<vmem>>) semaphore(%arg12 : memref<!tpu.dma_semaphore, #tpu.memory_space<semaphore_mem>>)
      %dma_start3A_119 = arith.constant 1 : i32
      %dma_start3A_120 = arith.constant 1 : i32
      %dma_start3A_121 = arith.constant 0 : i32
      %dma_start3A_122 = arith.constant 0 : i32
      %dma_start3A_123 = tpu.memref_slice %arg8[%dma_start3A_120, %dma_start3A_121, %dma_start3A_122] : memref<4x128x32xf32, #tpu.memory_space<vmem>> -> memref<1x128x32xf32, #tpu.memory_space<vmem>>
      %dma_start3A_124 = tpu.memref_squeeze %dma_start3A_123 : memref<1x128x32xf32, #tpu.memory_space<vmem>> -> memref<128x32xf32, #tpu.memory_space<vmem>>
      %dma_start3A_125 = arith.constant 0 : i32
      %dma_start3A_126 = tpu.memref_slice %arg6[%and3A_74, %dma_start3A_119, %dma_start3A_125] : memref<2x16x128xi32, #tpu.memory_space<vmem>> -> memref<1x1x128xi32, #tpu.memory_space<vmem>>
      %dma_start3A_127 = tpu.memref_squeeze %dma_start3A_126 : memref<1x1x128xi32, #tpu.memory_space<vmem>> -> memref<128xi32, #tpu.memory_space<vmem>>
      %dma_start3A_128 = arith.constant 0 : i32
      %dma_start3A_129 = arith.constant 0 : i32
      %dma_start3A_130 = tpu.memref_slice %arg9[%dma_start3A_128, %dma_start3A_129] : memref<10240x32xf32, #tpu.memory_space<vmem_shared>> -> memref<10240x32xf32, #tpu.memory_space<vmem_shared>>
      tpu.enqueue_indirect_dma source(%dma_start3A_130 : memref<10240x32xf32, #tpu.memory_space<vmem_shared>>) target(%dma_start3A_124 : memref<128x32xf32, #tpu.memory_space<vmem>>) offsets(%dma_start3A_127 : memref<128xi32, #tpu.memory_space<vmem>>) semaphore(%arg12 : memref<!tpu.dma_semaphore, #tpu.memory_space<semaphore_mem>>)
      %dma_start3A_131 = arith.constant 2 : i32
      %dma_start3A_132 = arith.constant 2 : i32
      %dma_start3A_133 = arith.constant 0 : i32
      %dma_start3A_134 = arith.constant 0 : i32
      %dma_start3A_135 = tpu.memref_slice %arg8[%dma_start3A_132, %dma_start3A_133, %dma_start3A_134] : memref<4x128x32xf32, #tpu.memory_space<vmem>> -> memref<1x128x32xf32, #tpu.memory_space<vmem>>
      %dma_start3A_136 = tpu.memref_squeeze %dma_start3A_135 : memref<1x128x32xf32, #tpu.memory_space<vmem>> -> memref<128x32xf32, #tpu.memory_space<vmem>>
      %dma_start3A_137 = arith.constant 0 : i32
      %dma_start3A_138 = tpu.memref_slice %arg6[%and3A_74, %dma_start3A_131, %dma_start3A_137] : memref<2x16x128xi32, #tpu.memory_space<vmem>> -> memref<1x1x128xi32, #tpu.memory_space<vmem>>
      %dma_start3A_139 = tpu.memref_squeeze %dma_start3A_138 : memref<1x1x128xi32, #tpu.memory_space<vmem>> -> memref<128xi32, #tpu.memory_space<vmem>>
      %dma_start3A_140 = arith.constant 0 : i32
      %dma_start3A_141 = arith.constant 0 : i32
      %dma_start3A_142 = tpu.memref_slice %arg9[%dma_start3A_140, %dma_start3A_141] : memref<10240x32xf32, #tpu.memory_space<vmem_shared>> -> memref<10240x32xf32, #tpu.memory_space<vmem_shared>>
      tpu.enqueue_indirect_dma source(%dma_start3A_142 : memref<10240x32xf32, #tpu.memory_space<vmem_shared>>) target(%dma_start3A_136 : memref<128x32xf32, #tpu.memory_space<vmem>>) offsets(%dma_start3A_139 : memref<128xi32, #tpu.memory_space<vmem>>) semaphore(%arg12 : memref<!tpu.dma_semaphore, #tpu.memory_space<semaphore_mem>>)
      %ge3A = arith.constant 1 : i32
      %ge3A_143 = arith.cmpi sge, %scan3A_72, %ge3A : i32
      %convert_element_type3A_144 = arith.extui %ge3A_143 : i1 to i32
      %cond3A_145 = arith.constant 0 : i32
      %cond3A_146 = arith.cmpi ne, %convert_element_type3A_144, %cond3A_145 : i32
      scf.if %cond3A_146 {
        %dma_wait3A_899 = arith.constant 0 : i32
        %dma_wait3A_900 = arith.constant 0 : i32
        %dma_wait3A_901 = arith.constant 0 : i32
        %dma_wait3A_902 = arith.constant 0 : i32
        %dma_wait3A_903 = arith.constant 0 : i32
        %dma_wait3A_904 = tpu.memref_slice %arg8[%dma_wait3A_899, %dma_wait3A_902, %dma_wait3A_903] : memref<4x128x32xf32, #tpu.memory_space<vmem>> -> memref<1x128x32xf32, #tpu.memory_space<vmem>>
        %dma_wait3A_905 = tpu.memref_squeeze %dma_wait3A_904 : memref<1x128x32xf32, #tpu.memory_space<vmem>> -> memref<128x32xf32, #tpu.memory_space<vmem>>
        %dma_wait3A_906 = arith.constant 0 : i32
        %dma_wait3A_907 = tpu.memref_slice %arg7[%dma_wait3A_900, %dma_wait3A_901, %dma_wait3A_906] : memref<2x16x128xi32, #tpu.memory_space<vmem>> -> memref<1x1x128xi32, #tpu.memory_space<vmem>>
        %dma_wait3A_908 = tpu.memref_squeeze %dma_wait3A_907 : memref<1x1x128xi32, #tpu.memory_space<vmem>> -> memref<128xi32, #tpu.memory_space<vmem>>
        %dma_wait3A_909 = arith.constant 0 : i32
        %dma_wait3A_910 = arith.constant 0 : i32
        %dma_wait3A_911 = tpu.memref_slice %arg10[%dma_wait3A_909, %dma_wait3A_910] : memref<10240x32xf32, #tpu.memory_space<vmem_shared>> -> memref<10240x32xf32, #tpu.memory_space<vmem_shared>>
        tpu.wait_indirect_dma semaphore(%arg13 : memref<!tpu.dma_semaphore, #tpu.memory_space<semaphore_mem>>) src(%dma_wait3A_905 : memref<128x32xf32, #tpu.memory_space<vmem>>) dst(%dma_wait3A_911 : memref<10240x32xf32, #tpu.memory_space<vmem_shared>>)
      } else {
      }
      %dma_start3A_147 = arith.constant 3 : i32
      %dma_start3A_148 = arith.constant 3 : i32
      %dma_start3A_149 = arith.constant 0 : i32
      %dma_start3A_150 = arith.constant 0 : i32
      %dma_start3A_151 = tpu.memref_slice %arg8[%dma_start3A_148, %dma_start3A_149, %dma_start3A_150] : memref<4x128x32xf32, #tpu.memory_space<vmem>> -> memref<1x128x32xf32, #tpu.memory_space<vmem>>
      %dma_start3A_152 = tpu.memref_squeeze %dma_start3A_151 : memref<1x128x32xf32, #tpu.memory_space<vmem>> -> memref<128x32xf32, #tpu.memory_space<vmem>>
      %dma_start3A_153 = arith.constant 0 : i32
      %dma_start3A_154 = tpu.memref_slice %arg6[%and3A_74, %dma_start3A_147, %dma_start3A_153] : memref<2x16x128xi32, #tpu.memory_space<vmem>> -> memref<1x1x128xi32, #tpu.memory_space<vmem>>
      %dma_start3A_155 = tpu.memref_squeeze %dma_start3A_154 : memref<1x1x128xi32, #tpu.memory_space<vmem>> -> memref<128xi32, #tpu.memory_space<vmem>>
      %dma_start3A_156 = arith.constant 0 : i32
      %dma_start3A_157 = arith.constant 0 : i32
      %dma_start3A_158 = tpu.memref_slice %arg9[%dma_start3A_156, %dma_start3A_157] : memref<10240x32xf32, #tpu.memory_space<vmem_shared>> -> memref<10240x32xf32, #tpu.memory_space<vmem_shared>>
      tpu.enqueue_indirect_dma source(%dma_start3A_158 : memref<10240x32xf32, #tpu.memory_space<vmem_shared>>) target(%dma_start3A_152 : memref<128x32xf32, #tpu.memory_space<vmem>>) offsets(%dma_start3A_155 : memref<128xi32, #tpu.memory_space<vmem>>) semaphore(%arg12 : memref<!tpu.dma_semaphore, #tpu.memory_space<semaphore_mem>>)
      %dma_wait3A_159 = arith.constant 0 : i32
      %dma_wait3A_160 = arith.constant 0 : i32
      %dma_wait3A_161 = arith.constant 0 : i32
      %dma_wait3A_162 = arith.constant 0 : i32
      %dma_wait3A_163 = arith.constant 0 : i32
      %dma_wait3A_164 = tpu.memref_slice %arg8[%dma_wait3A_161, %dma_wait3A_162, %dma_wait3A_163] : memref<4x128x32xf32, #tpu.memory_space<vmem>> -> memref<1x128x32xf32, #tpu.memory_space<vmem>>
      %dma_wait3A_165 = tpu.memref_squeeze %dma_wait3A_164 : memref<1x128x32xf32, #tpu.memory_space<vmem>> -> memref<128x32xf32, #tpu.memory_space<vmem>>
      %dma_wait3A_166 = arith.constant 0 : i32
      %dma_wait3A_167 = tpu.memref_slice %arg6[%dma_wait3A_159, %dma_wait3A_160, %dma_wait3A_166] : memref<2x16x128xi32, #tpu.memory_space<vmem>> -> memref<1x1x128xi32, #tpu.memory_space<vmem>>
      %dma_wait3A_168 = tpu.memref_squeeze %dma_wait3A_167 : memref<1x1x128xi32, #tpu.memory_space<vmem>> -> memref<128xi32, #tpu.memory_space<vmem>>
      %dma_wait3A_169 = arith.constant 0 : i32
      %dma_wait3A_170 = arith.constant 0 : i32
      %dma_wait3A_171 = tpu.memref_slice %arg9[%dma_wait3A_169, %dma_wait3A_170] : memref<10240x32xf32, #tpu.memory_space<vmem_shared>> -> memref<10240x32xf32, #tpu.memory_space<vmem_shared>>
      tpu.wait_indirect_dma semaphore(%arg12 : memref<!tpu.dma_semaphore, #tpu.memory_space<semaphore_mem>>) src(%dma_wait3A_171 : memref<10240x32xf32, #tpu.memory_space<vmem_shared>>) dst(%dma_wait3A_165 : memref<128x32xf32, #tpu.memory_space<vmem>>)
      %dma_start3A_172 = arith.constant 0 : i32
      %dma_start3A_173 = arith.constant 0 : i32
      %dma_start3A_174 = arith.constant 0 : i32
      %dma_start3A_175 = arith.constant 0 : i32
      %dma_start3A_176 = tpu.memref_slice %arg8[%dma_start3A_172, %dma_start3A_174, %dma_start3A_175] : memref<4x128x32xf32, #tpu.memory_space<vmem>> -> memref<1x128x32xf32, #tpu.memory_space<vmem>>
      %dma_start3A_177 = tpu.memref_squeeze %dma_start3A_176 : memref<1x128x32xf32, #tpu.memory_space<vmem>> -> memref<128x32xf32, #tpu.memory_space<vmem>>
      %dma_start3A_178 = arith.constant 0 : i32
      %dma_start3A_179 = tpu.memref_slice %arg7[%and3A_74, %dma_start3A_173, %dma_start3A_178] : memref<2x16x128xi32, #tpu.memory_space<vmem>> -> memref<1x1x128xi32, #tpu.memory_space<vmem>>
      %dma_start3A_180 = tpu.memref_squeeze %dma_start3A_179 : memref<1x1x128xi32, #tpu.memory_space<vmem>> -> memref<128xi32, #tpu.memory_space<vmem>>
      %dma_start3A_181 = arith.constant 0 : i32
      %dma_start3A_182 = arith.constant 0 : i32
      %dma_start3A_183 = tpu.memref_slice %arg10[%dma_start3A_181, %dma_start3A_182] : memref<10240x32xf32, #tpu.memory_space<vmem_shared>> -> memref<10240x32xf32, #tpu.memory_space<vmem_shared>>
      tpu.enqueue_indirect_dma source(%dma_start3A_177 : memref<128x32xf32, #tpu.memory_space<vmem>>) target(%dma_start3A_183 : memref<10240x32xf32, #tpu.memory_space<vmem_shared>>) offsets(%dma_start3A_180 : memref<128xi32, #tpu.memory_space<vmem>>) semaphore(%arg13 : memref<!tpu.dma_semaphore, #tpu.memory_space<semaphore_mem>>) {add = true}
      %dma_wait3A_184 = arith.constant 0 : i32
      %dma_wait3A_185 = arith.constant 0 : i32
      %dma_wait3A_186 = arith.constant 0 : i32
      %dma_wait3A_187 = arith.constant 0 : i32
      %dma_wait3A_188 = arith.constant 0 : i32
      %dma_wait3A_189 = tpu.memref_slice %arg8[%dma_wait3A_184, %dma_wait3A_187, %dma_wait3A_188] : memref<4x128x32xf32, #tpu.memory_space<vmem>> -> memref<1x128x32xf32, #tpu.memory_space<vmem>>
      %dma_wait3A_190 = tpu.memref_squeeze %dma_wait3A_189 : memref<1x128x32xf32, #tpu.memory_space<vmem>> -> memref<128x32xf32, #tpu.memory_space<vmem>>
      %dma_wait3A_191 = arith.constant 0 : i32
      %dma_wait3A_192 = tpu.memref_slice %arg7[%dma_wait3A_185, %dma_wait3A_186, %dma_wait3A_191] : memref<2x16x128xi32, #tpu.memory_space<vmem>> -> memref<1x1x128xi32, #tpu.memory_space<vmem>>
      %dma_wait3A_193 = tpu.memref_squeeze %dma_wait3A_192 : memref<1x1x128xi32, #tpu.memory_space<vmem>> -> memref<128xi32, #tpu.memory_space<vmem>>
      %dma_wait3A_194 = arith.constant 0 : i32
      %dma_wait3A_195 = arith.constant 0 : i32
      %dma_wait3A_196 = tpu.memref_slice %arg10[%dma_wait3A_194, %dma_wait3A_195] : memref<10240x32xf32, #tpu.memory_space<vmem_shared>> -> memref<10240x32xf32, #tpu.memory_space<vmem_shared>>
      tpu.wait_indirect_dma semaphore(%arg13 : memref<!tpu.dma_semaphore, #tpu.memory_space<semaphore_mem>>) src(%dma_wait3A_190 : memref<128x32xf32, #tpu.memory_space<vmem>>) dst(%dma_wait3A_196 : memref<10240x32xf32, #tpu.memory_space<vmem_shared>>)
      %dma_start3A_197 = arith.constant 4 : i32
      %dma_start3A_198 = arith.constant 0 : i32
      %dma_start3A_199 = arith.constant 0 : i32
      %dma_start3A_200 = arith.constant 0 : i32
      %dma_start3A_201 = tpu.memref_slice %arg8[%dma_start3A_198, %dma_start3A_199, %dma_start3A_200] : memref<4x128x32xf32, #tpu.memory_space<vmem>> -> memref<1x128x32xf32, #tpu.memory_space<vmem>>
      %dma_start3A_202 = tpu.memref_squeeze %dma_start3A_201 : memref<1x128x32xf32, #tpu.memory_space<vmem>> -> memref<128x32xf32, #tpu.memory_space<vmem>>
      %dma_start3A_203 = arith.constant 0 : i32
      %dma_start3A_204 = tpu.memref_slice %arg6[%and3A_74, %dma_start3A_197, %dma_start3A_203] : memref<2x16x128xi32, #tpu.memory_space<vmem>> -> memref<1x1x128xi32, #tpu.memory_space<vmem>>
      %dma_start3A_205 = tpu.memref_squeeze %dma_start3A_204 : memref<1x1x128xi32, #tpu.memory_space<vmem>> -> memref<128xi32, #tpu.memory_space<vmem>>
      %dma_start3A_206 = arith.constant 0 : i32
      %dma_start3A_207 = arith.constant 0 : i32
      %dma_start3A_208 = tpu.memref_slice %arg9[%dma_start3A_206, %dma_start3A_207] : memref<10240x32xf32, #tpu.memory_space<vmem_shared>> -> memref<10240x32xf32, #tpu.memory_space<vmem_shared>>
      tpu.enqueue_indirect_dma source(%dma_start3A_208 : memref<10240x32xf32, #tpu.memory_space<vmem_shared>>) target(%dma_start3A_202 : memref<128x32xf32, #tpu.memory_space<vmem>>) offsets(%dma_start3A_205 : memref<128xi32, #tpu.memory_space<vmem>>) semaphore(%arg12 : memref<!tpu.dma_semaphore, #tpu.memory_space<semaphore_mem>>)
      %dma_wait3A_209 = arith.constant 0 : i32
      %dma_wait3A_210 = arith.constant 0 : i32
      %dma_wait3A_211 = arith.constant 1 : i32
      %dma_wait3A_212 = arith.constant 0 : i32
      %dma_wait3A_213 = arith.constant 0 : i32
      %dma_wait3A_214 = tpu.memref_slice %arg8[%dma_wait3A_211, %dma_wait3A_212, %dma_wait3A_213] : memref<4x128x32xf32, #tpu.memory_space<vmem>> -> memref<1x128x32xf32, #tpu.memory_space<vmem>>
      %dma_wait3A_215 = tpu.memref_squeeze %dma_wait3A_214 : memref<1x128x32xf32, #tpu.memory_space<vmem>> -> memref<128x32xf32, #tpu.memory_space<vmem>>
      %dma_wait3A_216 = arith.constant 0 : i32
      %dma_wait3A_217 = tpu.memref_slice %arg6[%dma_wait3A_209, %dma_wait3A_210, %dma_wait3A_216] : memref<2x16x128xi32, #tpu.memory_space<vmem>> -> memref<1x1x128xi32, #tpu.memory_space<vmem>>
      %dma_wait3A_218 = tpu.memref_squeeze %dma_wait3A_217 : memref<1x1x128xi32, #tpu.memory_space<vmem>> -> memref<128xi32, #tpu.memory_space<vmem>>
      %dma_wait3A_219 = arith.constant 0 : i32
      %dma_wait3A_220 = arith.constant 0 : i32
      %dma_wait3A_221 = tpu.memref_slice %arg9[%dma_wait3A_219, %dma_wait3A_220] : memref<10240x32xf32, #tpu.memory_space<vmem_shared>> -> memref<10240x32xf32, #tpu.memory_space<vmem_shared>>
      tpu.wait_indirect_dma semaphore(%arg12 : memref<!tpu.dma_semaphore, #tpu.memory_space<semaphore_mem>>) src(%dma_wait3A_221 : memref<10240x32xf32, #tpu.memory_space<vmem_shared>>) dst(%dma_wait3A_215 : memref<128x32xf32, #tpu.memory_space<vmem>>)
      %dma_start3A_222 = arith.constant 1 : i32
      %dma_start3A_223 = arith.constant 1 : i32
      %dma_start3A_224 = arith.constant 0 : i32
      %dma_start3A_225 = arith.constant 0 : i32
      %dma_start3A_226 = tpu.memref_slice %arg8[%dma_start3A_222, %dma_start3A_224, %dma_start3A_225] : memref<4x128x32xf32, #tpu.memory_space<vmem>> -> memref<1x128x32xf32, #tpu.memory_space<vmem>>
      %dma_start3A_227 = tpu.memref_squeeze %dma_start3A_226 : memref<1x128x32xf32, #tpu.memory_space<vmem>> -> memref<128x32xf32, #tpu.memory_space<vmem>>
      %dma_start3A_228 = arith.constant 0 : i32
      %dma_start3A_229 = tpu.memref_slice %arg7[%and3A_74, %dma_start3A_223, %dma_start3A_228] : memref<2x16x128xi32, #tpu.memory_space<vmem>> -> memref<1x1x128xi32, #tpu.memory_space<vmem>>
      %dma_start3A_230 = tpu.memref_squeeze %dma_start3A_229 : memref<1x1x128xi32, #tpu.memory_space<vmem>> -> memref<128xi32, #tpu.memory_space<vmem>>
      %dma_start3A_231 = arith.constant 0 : i32
      %dma_start3A_232 = arith.constant 0 : i32
      %dma_start3A_233 = tpu.memref_slice %arg10[%dma_start3A_231, %dma_start3A_232] : memref<10240x32xf32, #tpu.memory_space<vmem_shared>> -> memref<10240x32xf32, #tpu.memory_space<vmem_shared>>
      tpu.enqueue_indirect_dma source(%dma_start3A_227 : memref<128x32xf32, #tpu.memory_space<vmem>>) target(%dma_start3A_233 : memref<10240x32xf32, #tpu.memory_space<vmem_shared>>) offsets(%dma_start3A_230 : memref<128xi32, #tpu.memory_space<vmem>>) semaphore(%arg13 : memref<!tpu.dma_semaphore, #tpu.memory_space<semaphore_mem>>) {add = true}
      %dma_wait3A_234 = arith.constant 0 : i32
      %dma_wait3A_235 = arith.constant 0 : i32
      %dma_wait3A_236 = arith.constant 0 : i32
      %dma_wait3A_237 = arith.constant 0 : i32
      %dma_wait3A_238 = arith.constant 0 : i32
      %dma_wait3A_239 = tpu.memref_slice %arg8[%dma_wait3A_234, %dma_wait3A_237, %dma_wait3A_238] : memref<4x128x32xf32, #tpu.memory_space<vmem>> -> memref<1x128x32xf32, #tpu.memory_space<vmem>>
      %dma_wait3A_240 = tpu.memref_squeeze %dma_wait3A_239 : memref<1x128x32xf32, #tpu.memory_space<vmem>> -> memref<128x32xf32, #tpu.memory_space<vmem>>
      %dma_wait3A_241 = arith.constant 0 : i32
      %dma_wait3A_242 = tpu.memref_slice %arg7[%dma_wait3A_235, %dma_wait3A_236, %dma_wait3A_241] : memref<2x16x128xi32, #tpu.memory_space<vmem>> -> memref<1x1x128xi32, #tpu.memory_space<vmem>>
      %dma_wait3A_243 = tpu.memref_squeeze %dma_wait3A_242 : memref<1x1x128xi32, #tpu.memory_space<vmem>> -> memref<128xi32, #tpu.memory_space<vmem>>
      %dma_wait3A_244 = arith.constant 0 : i32
      %dma_wait3A_245 = arith.constant 0 : i32
      %dma_wait3A_246 = tpu.memref_slice %arg10[%dma_wait3A_244, %dma_wait3A_245] : memref<10240x32xf32, #tpu.memory_space<vmem_shared>> -> memref<10240x32xf32, #tpu.memory_space<vmem_shared>>
      tpu.wait_indirect_dma semaphore(%arg13 : memref<!tpu.dma_semaphore, #tpu.memory_space<semaphore_mem>>) src(%dma_wait3A_240 : memref<128x32xf32, #tpu.memory_space<vmem>>) dst(%dma_wait3A_246 : memref<10240x32xf32, #tpu.memory_space<vmem_shared>>)
      %dma_start3A_247 = arith.constant 5 : i32
      %dma_start3A_248 = arith.constant 1 : i32
      %dma_start3A_249 = arith.constant 0 : i32
      %dma_start3A_250 = arith.constant 0 : i32
      %dma_start3A_251 = tpu.memref_slice %arg8[%dma_start3A_248, %dma_start3A_249, %dma_start3A_250] : memref<4x128x32xf32, #tpu.memory_space<vmem>> -> memref<1x128x32xf32, #tpu.memory_space<vmem>>
      %dma_start3A_252 = tpu.memref_squeeze %dma_start3A_251 : memref<1x128x32xf32, #tpu.memory_space<vmem>> -> memref<128x32xf32, #tpu.memory_space<vmem>>
      %dma_start3A_253 = arith.constant 0 : i32
      %dma_start3A_254 = tpu.memref_slice %arg6[%and3A_74, %dma_start3A_247, %dma_start3A_253] : memref<2x16x128xi32, #tpu.memory_space<vmem>> -> memref<1x1x128xi32, #tpu.memory_space<vmem>>
      %dma_start3A_255 = tpu.memref_squeeze %dma_start3A_254 : memref<1x1x128xi32, #tpu.memory_space<vmem>> -> memref<128xi32, #tpu.memory_space<vmem>>
      %dma_start3A_256 = arith.constant 0 : i32
      %dma_start3A_257 = arith.constant 0 : i32
      %dma_start3A_258 = tpu.memref_slice %arg9[%dma_start3A_256, %dma_start3A_257] : memref<10240x32xf32, #tpu.memory_space<vmem_shared>> -> memref<10240x32xf32, #tpu.memory_space<vmem_shared>>
      tpu.enqueue_indirect_dma source(%dma_start3A_258 : memref<10240x32xf32, #tpu.memory_space<vmem_shared>>) target(%dma_start3A_252 : memref<128x32xf32, #tpu.memory_space<vmem>>) offsets(%dma_start3A_255 : memref<128xi32, #tpu.memory_space<vmem>>) semaphore(%arg12 : memref<!tpu.dma_semaphore, #tpu.memory_space<semaphore_mem>>)
      %dma_wait3A_259 = arith.constant 0 : i32
      %dma_wait3A_260 = arith.constant 0 : i32
      %dma_wait3A_261 = arith.constant 2 : i32
      %dma_wait3A_262 = arith.constant 0 : i32
      %dma_wait3A_263 = arith.constant 0 : i32
      %dma_wait3A_264 = tpu.memref_slice %arg8[%dma_wait3A_261, %dma_wait3A_262, %dma_wait3A_263] : memref<4x128x32xf32, #tpu.memory_space<vmem>> -> memref<1x128x32xf32, #tpu.memory_space<vmem>>
      %dma_wait3A_265 = tpu.memref_squeeze %dma_wait3A_264 : memref<1x128x32xf32, #tpu.memory_space<vmem>> -> memref<128x32xf32, #tpu.memory_space<vmem>>
      %dma_wait3A_266 = arith.constant 0 : i32
      %dma_wait3A_267 = tpu.memref_slice %arg6[%dma_wait3A_259, %dma_wait3A_260, %dma_wait3A_266] : memref<2x16x128xi32, #tpu.memory_space<vmem>> -> memref<1x1x128xi32, #tpu.memory_space<vmem>>
      %dma_wait3A_268 = tpu.memref_squeeze %dma_wait3A_267 : memref<1x1x128xi32, #tpu.memory_space<vmem>> -> memref<128xi32, #tpu.memory_space<vmem>>
      %dma_wait3A_269 = arith.constant 0 : i32
      %dma_wait3A_270 = arith.constant 0 : i32
      %dma_wait3A_271 = tpu.memref_slice %arg9[%dma_wait3A_269, %dma_wait3A_270] : memref<10240x32xf32, #tpu.memory_space<vmem_shared>> -> memref<10240x32xf32, #tpu.memory_space<vmem_shared>>
      tpu.wait_indirect_dma semaphore(%arg12 : memref<!tpu.dma_semaphore, #tpu.memory_space<semaphore_mem>>) src(%dma_wait3A_271 : memref<10240x32xf32, #tpu.memory_space<vmem_shared>>) dst(%dma_wait3A_265 : memref<128x32xf32, #tpu.memory_space<vmem>>)
      %dma_start3A_272 = arith.constant 2 : i32
      %dma_start3A_273 = arith.constant 2 : i32
      %dma_start3A_274 = arith.constant 0 : i32
      %dma_start3A_275 = arith.constant 0 : i32
      %dma_start3A_276 = tpu.memref_slice %arg8[%dma_start3A_272, %dma_start3A_274, %dma_start3A_275] : memref<4x128x32xf32, #tpu.memory_space<vmem>> -> memref<1x128x32xf32, #tpu.memory_space<vmem>>
      %dma_start3A_277 = tpu.memref_squeeze %dma_start3A_276 : memref<1x128x32xf32, #tpu.memory_space<vmem>> -> memref<128x32xf32, #tpu.memory_space<vmem>>
      %dma_start3A_278 = arith.constant 0 : i32
      %dma_start3A_279 = tpu.memref_slice %arg7[%and3A_74, %dma_start3A_273, %dma_start3A_278] : memref<2x16x128xi32, #tpu.memory_space<vmem>> -> memref<1x1x128xi32, #tpu.memory_space<vmem>>
      %dma_start3A_280 = tpu.memref_squeeze %dma_start3A_279 : memref<1x1x128xi32, #tpu.memory_space<vmem>> -> memref<128xi32, #tpu.memory_space<vmem>>
      %dma_start3A_281 = arith.constant 0 : i32
      %dma_start3A_282 = arith.constant 0 : i32
      %dma_start3A_283 = tpu.memref_slice %arg10[%dma_start3A_281, %dma_start3A_282] : memref<10240x32xf32, #tpu.memory_space<vmem_shared>> -> memref<10240x32xf32, #tpu.memory_space<vmem_shared>>
      tpu.enqueue_indirect_dma source(%dma_start3A_277 : memref<128x32xf32, #tpu.memory_space<vmem>>) target(%dma_start3A_283 : memref<10240x32xf32, #tpu.memory_space<vmem_shared>>) offsets(%dma_start3A_280 : memref<128xi32, #tpu.memory_space<vmem>>) semaphore(%arg13 : memref<!tpu.dma_semaphore, #tpu.memory_space<semaphore_mem>>) {add = true}
      %dma_wait3A_284 = arith.constant 0 : i32
      %dma_wait3A_285 = arith.constant 0 : i32
      %dma_wait3A_286 = arith.constant 0 : i32
      %dma_wait3A_287 = arith.constant 0 : i32
      %dma_wait3A_288 = arith.constant 0 : i32
      %dma_wait3A_289 = tpu.memref_slice %arg8[%dma_wait3A_284, %dma_wait3A_287, %dma_wait3A_288] : memref<4x128x32xf32, #tpu.memory_space<vmem>> -> memref<1x128x32xf32, #tpu.memory_space<vmem>>
      %dma_wait3A_290 = tpu.memref_squeeze %dma_wait3A_289 : memref<1x128x32xf32, #tpu.memory_space<vmem>> -> memref<128x32xf32, #tpu.memory_space<vmem>>
      %dma_wait3A_291 = arith.constant 0 : i32
      %dma_wait3A_292 = tpu.memref_slice %arg7[%dma_wait3A_285, %dma_wait3A_286, %dma_wait3A_291] : memref<2x16x128xi32, #tpu.memory_space<vmem>> -> memref<1x1x128xi32, #tpu.memory_space<vmem>>
      %dma_wait3A_293 = tpu.memref_squeeze %dma_wait3A_292 : memref<1x1x128xi32, #tpu.memory_space<vmem>> -> memref<128xi32, #tpu.memory_space<vmem>>
      %dma_wait3A_294 = arith.constant 0 : i32
      %dma_wait3A_295 = arith.constant 0 : i32
      %dma_wait3A_296 = tpu.memref_slice %arg10[%dma_wait3A_294, %dma_wait3A_295] : memref<10240x32xf32, #tpu.memory_space<vmem_shared>> -> memref<10240x32xf32, #tpu.memory_space<vmem_shared>>
      tpu.wait_indirect_dma semaphore(%arg13 : memref<!tpu.dma_semaphore, #tpu.memory_space<semaphore_mem>>) src(%dma_wait3A_290 : memref<128x32xf32, #tpu.memory_space<vmem>>) dst(%dma_wait3A_296 : memref<10240x32xf32, #tpu.memory_space<vmem_shared>>)
      %dma_start3A_297 = arith.constant 6 : i32
      %dma_start3A_298 = arith.constant 2 : i32
      %dma_start3A_299 = arith.constant 0 : i32
      %dma_start3A_300 = arith.constant 0 : i32
      %dma_start3A_301 = tpu.memref_slice %arg8[%dma_start3A_298, %dma_start3A_299, %dma_start3A_300] : memref<4x128x32xf32, #tpu.memory_space<vmem>> -> memref<1x128x32xf32, #tpu.memory_space<vmem>>
      %dma_start3A_302 = tpu.memref_squeeze %dma_start3A_301 : memref<1x128x32xf32, #tpu.memory_space<vmem>> -> memref<128x32xf32, #tpu.memory_space<vmem>>
      %dma_start3A_303 = arith.constant 0 : i32
      %dma_start3A_304 = tpu.memref_slice %arg6[%and3A_74, %dma_start3A_297, %dma_start3A_303] : memref<2x16x128xi32, #tpu.memory_space<vmem>> -> memref<1x1x128xi32, #tpu.memory_space<vmem>>
      %dma_start3A_305 = tpu.memref_squeeze %dma_start3A_304 : memref<1x1x128xi32, #tpu.memory_space<vmem>> -> memref<128xi32, #tpu.memory_space<vmem>>
      %dma_start3A_306 = arith.constant 0 : i32
      %dma_start3A_307 = arith.constant 0 : i32
      %dma_start3A_308 = tpu.memref_slice %arg9[%dma_start3A_306, %dma_start3A_307] : memref<10240x32xf32, #tpu.memory_space<vmem_shared>> -> memref<10240x32xf32, #tpu.memory_space<vmem_shared>>
      tpu.enqueue_indirect_dma source(%dma_start3A_308 : memref<10240x32xf32, #tpu.memory_space<vmem_shared>>) target(%dma_start3A_302 : memref<128x32xf32, #tpu.memory_space<vmem>>) offsets(%dma_start3A_305 : memref<128xi32, #tpu.memory_space<vmem>>) semaphore(%arg12 : memref<!tpu.dma_semaphore, #tpu.memory_space<semaphore_mem>>)
      %dma_wait3A_309 = arith.constant 0 : i32
      %dma_wait3A_310 = arith.constant 0 : i32
      %dma_wait3A_311 = arith.constant 3 : i32
      %dma_wait3A_312 = arith.constant 0 : i32
      %dma_wait3A_313 = arith.constant 0 : i32
      %dma_wait3A_314 = tpu.memref_slice %arg8[%dma_wait3A_311, %dma_wait3A_312, %dma_wait3A_313] : memref<4x128x32xf32, #tpu.memory_space<vmem>> -> memref<1x128x32xf32, #tpu.memory_space<vmem>>
      %dma_wait3A_315 = tpu.memref_squeeze %dma_wait3A_314 : memref<1x128x32xf32, #tpu.memory_space<vmem>> -> memref<128x32xf32, #tpu.memory_space<vmem>>
      %dma_wait3A_316 = arith.constant 0 : i32
      %dma_wait3A_317 = tpu.memref_slice %arg6[%dma_wait3A_309, %dma_wait3A_310, %dma_wait3A_316] : memref<2x16x128xi32, #tpu.memory_space<vmem>> -> memref<1x1x128xi32, #tpu.memory_space<vmem>>
      %dma_wait3A_318 = tpu.memref_squeeze %dma_wait3A_317 : memref<1x1x128xi32, #tpu.memory_space<vmem>> -> memref<128xi32, #tpu.memory_space<vmem>>
      %dma_wait3A_319 = arith.constant 0 : i32
      %dma_wait3A_320 = arith.constant 0 : i32
      %dma_wait3A_321 = tpu.memref_slice %arg9[%dma_wait3A_319, %dma_wait3A_320] : memref<10240x32xf32, #tpu.memory_space<vmem_shared>> -> memref<10240x32xf32, #tpu.memory_space<vmem_shared>>
      tpu.wait_indirect_dma semaphore(%arg12 : memref<!tpu.dma_semaphore, #tpu.memory_space<semaphore_mem>>) src(%dma_wait3A_321 : memref<10240x32xf32, #tpu.memory_space<vmem_shared>>) dst(%dma_wait3A_315 : memref<128x32xf32, #tpu.memory_space<vmem>>)
      %dma_start3A_322 = arith.constant 3 : i32
      %dma_start3A_323 = arith.constant 3 : i32
      %dma_start3A_324 = arith.constant 0 : i32
      %dma_start3A_325 = arith.constant 0 : i32
      %dma_start3A_326 = tpu.memref_slice %arg8[%dma_start3A_322, %dma_start3A_324, %dma_start3A_325] : memref<4x128x32xf32, #tpu.memory_space<vmem>> -> memref<1x128x32xf32, #tpu.memory_space<vmem>>
      %dma_start3A_327 = tpu.memref_squeeze %dma_start3A_326 : memref<1x128x32xf32, #tpu.memory_space<vmem>> -> memref<128x32xf32, #tpu.memory_space<vmem>>
      %dma_start3A_328 = arith.constant 0 : i32
      %dma_start3A_329 = tpu.memref_slice %arg7[%and3A_74, %dma_start3A_323, %dma_start3A_328] : memref<2x16x128xi32, #tpu.memory_space<vmem>> -> memref<1x1x128xi32, #tpu.memory_space<vmem>>
      %dma_start3A_330 = tpu.memref_squeeze %dma_start3A_329 : memref<1x1x128xi32, #tpu.memory_space<vmem>> -> memref<128xi32, #tpu.memory_space<vmem>>
      %dma_start3A_331 = arith.constant 0 : i32
      %dma_start3A_332 = arith.constant 0 : i32
      %dma_start3A_333 = tpu.memref_slice %arg10[%dma_start3A_331, %dma_start3A_332] : memref<10240x32xf32, #tpu.memory_space<vmem_shared>> -> memref<10240x32xf32, #tpu.memory_space<vmem_shared>>
      tpu.enqueue_indirect_dma source(%dma_start3A_327 : memref<128x32xf32, #tpu.memory_space<vmem>>) target(%dma_start3A_333 : memref<10240x32xf32, #tpu.memory_space<vmem_shared>>) offsets(%dma_start3A_330 : memref<128xi32, #tpu.memory_space<vmem>>) semaphore(%arg13 : memref<!tpu.dma_semaphore, #tpu.memory_space<semaphore_mem>>) {add = true}
      %dma_wait3A_334 = arith.constant 0 : i32
      %dma_wait3A_335 = arith.constant 0 : i32
      %dma_wait3A_336 = arith.constant 0 : i32
      %dma_wait3A_337 = arith.constant 0 : i32
      %dma_wait3A_338 = arith.constant 0 : i32
      %dma_wait3A_339 = tpu.memref_slice %arg8[%dma_wait3A_334, %dma_wait3A_337, %dma_wait3A_338] : memref<4x128x32xf32, #tpu.memory_space<vmem>> -> memref<1x128x32xf32, #tpu.memory_space<vmem>>
      %dma_wait3A_340 = tpu.memref_squeeze %dma_wait3A_339 : memref<1x128x32xf32, #tpu.memory_space<vmem>> -> memref<128x32xf32, #tpu.memory_space<vmem>>
      %dma_wait3A_341 = arith.constant 0 : i32
      %dma_wait3A_342 = tpu.memref_slice %arg7[%dma_wait3A_335, %dma_wait3A_336, %dma_wait3A_341] : memref<2x16x128xi32, #tpu.memory_space<vmem>> -> memref<1x1x128xi32, #tpu.memory_space<vmem>>
      %dma_wait3A_343 = tpu.memref_squeeze %dma_wait3A_342 : memref<1x1x128xi32, #tpu.memory_space<vmem>> -> memref<128xi32, #tpu.memory_space<vmem>>
      %dma_wait3A_344 = arith.constant 0 : i32
      %dma_wait3A_345 = arith.constant 0 : i32
      %dma_wait3A_346 = tpu.memref_slice %arg10[%dma_wait3A_344, %dma_wait3A_345] : memref<10240x32xf32, #tpu.memory_space<vmem_shared>> -> memref<10240x32xf32, #tpu.memory_space<vmem_shared>>
      tpu.wait_indirect_dma semaphore(%arg13 : memref<!tpu.dma_semaphore, #tpu.memory_space<semaphore_mem>>) src(%dma_wait3A_340 : memref<128x32xf32, #tpu.memory_space<vmem>>) dst(%dma_wait3A_346 : memref<10240x32xf32, #tpu.memory_space<vmem_shared>>)
      %dma_start3A_347 = arith.constant 7 : i32
      %dma_start3A_348 = arith.constant 3 : i32
      %dma_start3A_349 = arith.constant 0 : i32
      %dma_start3A_350 = arith.constant 0 : i32
      %dma_start3A_351 = tpu.memref_slice %arg8[%dma_start3A_348, %dma_start3A_349, %dma_start3A_350] : memref<4x128x32xf32, #tpu.memory_space<vmem>> -> memref<1x128x32xf32, #tpu.memory_space<vmem>>
      %dma_start3A_352 = tpu.memref_squeeze %dma_start3A_351 : memref<1x128x32xf32, #tpu.memory_space<vmem>> -> memref<128x32xf32, #tpu.memory_space<vmem>>
      %dma_start3A_353 = arith.constant 0 : i32
      %dma_start3A_354 = tpu.memref_slice %arg6[%and3A_74, %dma_start3A_347, %dma_start3A_353] : memref<2x16x128xi32, #tpu.memory_space<vmem>> -> memref<1x1x128xi32, #tpu.memory_space<vmem>>
      %dma_start3A_355 = tpu.memref_squeeze %dma_start3A_354 : memref<1x1x128xi32, #tpu.memory_space<vmem>> -> memref<128xi32, #tpu.memory_space<vmem>>
      %dma_start3A_356 = arith.constant 0 : i32
      %dma_start3A_357 = arith.constant 0 : i32
      %dma_start3A_358 = tpu.memref_slice %arg9[%dma_start3A_356, %dma_start3A_357] : memref<10240x32xf32, #tpu.memory_space<vmem_shared>> -> memref<10240x32xf32, #tpu.memory_space<vmem_shared>>
      tpu.enqueue_indirect_dma source(%dma_start3A_358 : memref<10240x32xf32, #tpu.memory_space<vmem_shared>>) target(%dma_start3A_352 : memref<128x32xf32, #tpu.memory_space<vmem>>) offsets(%dma_start3A_355 : memref<128xi32, #tpu.memory_space<vmem>>) semaphore(%arg12 : memref<!tpu.dma_semaphore, #tpu.memory_space<semaphore_mem>>)
      %dma_wait3A_359 = arith.constant 0 : i32
      %dma_wait3A_360 = arith.constant 0 : i32
      %dma_wait3A_361 = arith.constant 0 : i32
      %dma_wait3A_362 = arith.constant 0 : i32
      %dma_wait3A_363 = arith.constant 0 : i32
      %dma_wait3A_364 = tpu.memref_slice %arg8[%dma_wait3A_361, %dma_wait3A_362, %dma_wait3A_363] : memref<4x128x32xf32, #tpu.memory_space<vmem>> -> memref<1x128x32xf32, #tpu.memory_space<vmem>>
      %dma_wait3A_365 = tpu.memref_squeeze %dma_wait3A_364 : memref<1x128x32xf32, #tpu.memory_space<vmem>> -> memref<128x32xf32, #tpu.memory_space<vmem>>
      %dma_wait3A_366 = arith.constant 0 : i32
      %dma_wait3A_367 = tpu.memref_slice %arg6[%dma_wait3A_359, %dma_wait3A_360, %dma_wait3A_366] : memref<2x16x128xi32, #tpu.memory_space<vmem>> -> memref<1x1x128xi32, #tpu.memory_space<vmem>>
      %dma_wait3A_368 = tpu.memref_squeeze %dma_wait3A_367 : memref<1x1x128xi32, #tpu.memory_space<vmem>> -> memref<128xi32, #tpu.memory_space<vmem>>
      %dma_wait3A_369 = arith.constant 0 : i32
      %dma_wait3A_370 = arith.constant 0 : i32
      %dma_wait3A_371 = tpu.memref_slice %arg9[%dma_wait3A_369, %dma_wait3A_370] : memref<10240x32xf32, #tpu.memory_space<vmem_shared>> -> memref<10240x32xf32, #tpu.memory_space<vmem_shared>>
      tpu.wait_indirect_dma semaphore(%arg12 : memref<!tpu.dma_semaphore, #tpu.memory_space<semaphore_mem>>) src(%dma_wait3A_371 : memref<10240x32xf32, #tpu.memory_space<vmem_shared>>) dst(%dma_wait3A_365 : memref<128x32xf32, #tpu.memory_space<vmem>>)
      %dma_start3A_372 = arith.constant 0 : i32
      %dma_start3A_373 = arith.constant 4 : i32
      %dma_start3A_374 = arith.constant 0 : i32
      %dma_start3A_375 = arith.constant 0 : i32
      %dma_start3A_376 = tpu.memref_slice %arg8[%dma_start3A_372, %dma_start3A_374, %dma_start3A_375] : memref<4x128x32xf32, #tpu.memory_space<vmem>> -> memref<1x128x32xf32, #tpu.memory_space<vmem>>
      %dma_start3A_377 = tpu.memref_squeeze %dma_start3A_376 : memref<1x128x32xf32, #tpu.memory_space<vmem>> -> memref<128x32xf32, #tpu.memory_space<vmem>>
      %dma_start3A_378 = arith.constant 0 : i32
      %dma_start3A_379 = tpu.memref_slice %arg7[%and3A_74, %dma_start3A_373, %dma_start3A_378] : memref<2x16x128xi32, #tpu.memory_space<vmem>> -> memref<1x1x128xi32, #tpu.memory_space<vmem>>
      %dma_start3A_380 = tpu.memref_squeeze %dma_start3A_379 : memref<1x1x128xi32, #tpu.memory_space<vmem>> -> memref<128xi32, #tpu.memory_space<vmem>>
      %dma_start3A_381 = arith.constant 0 : i32
      %dma_start3A_382 = arith.constant 0 : i32
      %dma_start3A_383 = tpu.memref_slice %arg10[%dma_start3A_381, %dma_start3A_382] : memref<10240x32xf32, #tpu.memory_space<vmem_shared>> -> memref<10240x32xf32, #tpu.memory_space<vmem_shared>>
      tpu.enqueue_indirect_dma source(%dma_start3A_377 : memref<128x32xf32, #tpu.memory_space<vmem>>) target(%dma_start3A_383 : memref<10240x32xf32, #tpu.memory_space<vmem_shared>>) offsets(%dma_start3A_380 : memref<128xi32, #tpu.memory_space<vmem>>) semaphore(%arg13 : memref<!tpu.dma_semaphore, #tpu.memory_space<semaphore_mem>>) {add = true}
      %dma_wait3A_384 = arith.constant 0 : i32
      %dma_wait3A_385 = arith.constant 0 : i32
      %dma_wait3A_386 = arith.constant 0 : i32
      %dma_wait3A_387 = arith.constant 0 : i32
      %dma_wait3A_388 = arith.constant 0 : i32
      %dma_wait3A_389 = tpu.memref_slice %arg8[%dma_wait3A_384, %dma_wait3A_387, %dma_wait3A_388] : memref<4x128x32xf32, #tpu.memory_space<vmem>> -> memref<1x128x32xf32, #tpu.memory_space<vmem>>
      %dma_wait3A_390 = tpu.memref_squeeze %dma_wait3A_389 : memref<1x128x32xf32, #tpu.memory_space<vmem>> -> memref<128x32xf32, #tpu.memory_space<vmem>>
      %dma_wait3A_391 = arith.constant 0 : i32
      %dma_wait3A_392 = tpu.memref_slice %arg7[%dma_wait3A_385, %dma_wait3A_386, %dma_wait3A_391] : memref<2x16x128xi32, #tpu.memory_space<vmem>> -> memref<1x1x128xi32, #tpu.memory_space<vmem>>
      %dma_wait3A_393 = tpu.memref_squeeze %dma_wait3A_392 : memref<1x1x128xi32, #tpu.memory_space<vmem>> -> memref<128xi32, #tpu.memory_space<vmem>>
      %dma_wait3A_394 = arith.constant 0 : i32
      %dma_wait3A_395 = arith.constant 0 : i32
      %dma_wait3A_396 = tpu.memref_slice %arg10[%dma_wait3A_394, %dma_wait3A_395] : memref<10240x32xf32, #tpu.memory_space<vmem_shared>> -> memref<10240x32xf32, #tpu.memory_space<vmem_shared>>
      tpu.wait_indirect_dma semaphore(%arg13 : memref<!tpu.dma_semaphore, #tpu.memory_space<semaphore_mem>>) src(%dma_wait3A_390 : memref<128x32xf32, #tpu.memory_space<vmem>>) dst(%dma_wait3A_396 : memref<10240x32xf32, #tpu.memory_space<vmem_shared>>)
      %dma_start3A_397 = arith.constant 8 : i32
      %dma_start3A_398 = arith.constant 0 : i32
      %dma_start3A_399 = arith.constant 0 : i32
      %dma_start3A_400 = arith.constant 0 : i32
      %dma_start3A_401 = tpu.memref_slice %arg8[%dma_start3A_398, %dma_start3A_399, %dma_start3A_400] : memref<4x128x32xf32, #tpu.memory_space<vmem>> -> memref<1x128x32xf32, #tpu.memory_space<vmem>>
      %dma_start3A_402 = tpu.memref_squeeze %dma_start3A_401 : memref<1x128x32xf32, #tpu.memory_space<vmem>> -> memref<128x32xf32, #tpu.memory_space<vmem>>
      %dma_start3A_403 = arith.constant 0 : i32
      %dma_start3A_404 = tpu.memref_slice %arg6[%and3A_74, %dma_start3A_397, %dma_start3A_403] : memref<2x16x128xi32, #tpu.memory_space<vmem>> -> memref<1x1x128xi32, #tpu.memory_space<vmem>>
      %dma_start3A_405 = tpu.memref_squeeze %dma_start3A_404 : memref<1x1x128xi32, #tpu.memory_space<vmem>> -> memref<128xi32, #tpu.memory_space<vmem>>
      %dma_start3A_406 = arith.constant 0 : i32
      %dma_start3A_407 = arith.constant 0 : i32
      %dma_start3A_408 = tpu.memref_slice %arg9[%dma_start3A_406, %dma_start3A_407] : memref<10240x32xf32, #tpu.memory_space<vmem_shared>> -> memref<10240x32xf32, #tpu.memory_space<vmem_shared>>
      tpu.enqueue_indirect_dma source(%dma_start3A_408 : memref<10240x32xf32, #tpu.memory_space<vmem_shared>>) target(%dma_start3A_402 : memref<128x32xf32, #tpu.memory_space<vmem>>) offsets(%dma_start3A_405 : memref<128xi32, #tpu.memory_space<vmem>>) semaphore(%arg12 : memref<!tpu.dma_semaphore, #tpu.memory_space<semaphore_mem>>)
      %dma_wait3A_409 = arith.constant 0 : i32
      %dma_wait3A_410 = arith.constant 0 : i32
      %dma_wait3A_411 = arith.constant 1 : i32
      %dma_wait3A_412 = arith.constant 0 : i32
      %dma_wait3A_413 = arith.constant 0 : i32
      %dma_wait3A_414 = tpu.memref_slice %arg8[%dma_wait3A_411, %dma_wait3A_412, %dma_wait3A_413] : memref<4x128x32xf32, #tpu.memory_space<vmem>> -> memref<1x128x32xf32, #tpu.memory_space<vmem>>
      %dma_wait3A_415 = tpu.memref_squeeze %dma_wait3A_414 : memref<1x128x32xf32, #tpu.memory_space<vmem>> -> memref<128x32xf32, #tpu.memory_space<vmem>>
      %dma_wait3A_416 = arith.constant 0 : i32
      %dma_wait3A_417 = tpu.memref_slice %arg6[%dma_wait3A_409, %dma_wait3A_410, %dma_wait3A_416] : memref<2x16x128xi32, #tpu.memory_space<vmem>> -> memref<1x1x128xi32, #tpu.memory_space<vmem>>
      %dma_wait3A_418 = tpu.memref_squeeze %dma_wait3A_417 : memref<1x1x128xi32, #tpu.memory_space<vmem>> -> memref<128xi32, #tpu.memory_space<vmem>>
      %dma_wait3A_419 = arith.constant 0 : i32
      %dma_wait3A_420 = arith.constant 0 : i32
      %dma_wait3A_421 = tpu.memref_slice %arg9[%dma_wait3A_419, %dma_wait3A_420] : memref<10240x32xf32, #tpu.memory_space<vmem_shared>> -> memref<10240x32xf32, #tpu.memory_space<vmem_shared>>
      tpu.wait_indirect_dma semaphore(%arg12 : memref<!tpu.dma_semaphore, #tpu.memory_space<semaphore_mem>>) src(%dma_wait3A_421 : memref<10240x32xf32, #tpu.memory_space<vmem_shared>>) dst(%dma_wait3A_415 : memref<128x32xf32, #tpu.memory_space<vmem>>)
      %dma_start3A_422 = arith.constant 1 : i32
      %dma_start3A_423 = arith.constant 5 : i32
      %dma_start3A_424 = arith.constant 0 : i32
      %dma_start3A_425 = arith.constant 0 : i32
      %dma_start3A_426 = tpu.memref_slice %arg8[%dma_start3A_422, %dma_start3A_424, %dma_start3A_425] : memref<4x128x32xf32, #tpu.memory_space<vmem>> -> memref<1x128x32xf32, #tpu.memory_space<vmem>>
      %dma_start3A_427 = tpu.memref_squeeze %dma_start3A_426 : memref<1x128x32xf32, #tpu.memory_space<vmem>> -> memref<128x32xf32, #tpu.memory_space<vmem>>
      %dma_start3A_428 = arith.constant 0 : i32
      %dma_start3A_429 = tpu.memref_slice %arg7[%and3A_74, %dma_start3A_423, %dma_start3A_428] : memref<2x16x128xi32, #tpu.memory_space<vmem>> -> memref<1x1x128xi32, #tpu.memory_space<vmem>>
      %dma_start3A_430 = tpu.memref_squeeze %dma_start3A_429 : memref<1x1x128xi32, #tpu.memory_space<vmem>> -> memref<128xi32, #tpu.memory_space<vmem>>
      %dma_start3A_431 = arith.constant 0 : i32
      %dma_start3A_432 = arith.constant 0 : i32
      %dma_start3A_433 = tpu.memref_slice %arg10[%dma_start3A_431, %dma_start3A_432] : memref<10240x32xf32, #tpu.memory_space<vmem_shared>> -> memref<10240x32xf32, #tpu.memory_space<vmem_shared>>
      tpu.enqueue_indirect_dma source(%dma_start3A_427 : memref<128x32xf32, #tpu.memory_space<vmem>>) target(%dma_start3A_433 : memref<10240x32xf32, #tpu.memory_space<vmem_shared>>) offsets(%dma_start3A_430 : memref<128xi32, #tpu.memory_space<vmem>>) semaphore(%arg13 : memref<!tpu.dma_semaphore, #tpu.memory_space<semaphore_mem>>) {add = true}
      %dma_wait3A_434 = arith.constant 0 : i32
      %dma_wait3A_435 = arith.constant 0 : i32
      %dma_wait3A_436 = arith.constant 0 : i32
      %dma_wait3A_437 = arith.constant 0 : i32
      %dma_wait3A_438 = arith.constant 0 : i32
      %dma_wait3A_439 = tpu.memref_slice %arg8[%dma_wait3A_434, %dma_wait3A_437, %dma_wait3A_438] : memref<4x128x32xf32, #tpu.memory_space<vmem>> -> memref<1x128x32xf32, #tpu.memory_space<vmem>>
      %dma_wait3A_440 = tpu.memref_squeeze %dma_wait3A_439 : memref<1x128x32xf32, #tpu.memory_space<vmem>> -> memref<128x32xf32, #tpu.memory_space<vmem>>
      %dma_wait3A_441 = arith.constant 0 : i32
      %dma_wait3A_442 = tpu.memref_slice %arg7[%dma_wait3A_435, %dma_wait3A_436, %dma_wait3A_441] : memref<2x16x128xi32, #tpu.memory_space<vmem>> -> memref<1x1x128xi32, #tpu.memory_space<vmem>>
      %dma_wait3A_443 = tpu.memref_squeeze %dma_wait3A_442 : memref<1x1x128xi32, #tpu.memory_space<vmem>> -> memref<128xi32, #tpu.memory_space<vmem>>
      %dma_wait3A_444 = arith.constant 0 : i32
      %dma_wait3A_445 = arith.constant 0 : i32
      %dma_wait3A_446 = tpu.memref_slice %arg10[%dma_wait3A_444, %dma_wait3A_445] : memref<10240x32xf32, #tpu.memory_space<vmem_shared>> -> memref<10240x32xf32, #tpu.memory_space<vmem_shared>>
      tpu.wait_indirect_dma semaphore(%arg13 : memref<!tpu.dma_semaphore, #tpu.memory_space<semaphore_mem>>) src(%dma_wait3A_440 : memref<128x32xf32, #tpu.memory_space<vmem>>) dst(%dma_wait3A_446 : memref<10240x32xf32, #tpu.memory_space<vmem_shared>>)
      %dma_start3A_447 = arith.constant 9 : i32
      %dma_start3A_448 = arith.constant 1 : i32
      %dma_start3A_449 = arith.constant 0 : i32
      %dma_start3A_450 = arith.constant 0 : i32
      %dma_start3A_451 = tpu.memref_slice %arg8[%dma_start3A_448, %dma_start3A_449, %dma_start3A_450] : memref<4x128x32xf32, #tpu.memory_space<vmem>> -> memref<1x128x32xf32, #tpu.memory_space<vmem>>
      %dma_start3A_452 = tpu.memref_squeeze %dma_start3A_451 : memref<1x128x32xf32, #tpu.memory_space<vmem>> -> memref<128x32xf32, #tpu.memory_space<vmem>>
      %dma_start3A_453 = arith.constant 0 : i32
      %dma_start3A_454 = tpu.memref_slice %arg6[%and3A_74, %dma_start3A_447, %dma_start3A_453] : memref<2x16x128xi32, #tpu.memory_space<vmem>> -> memref<1x1x128xi32, #tpu.memory_space<vmem>>
      %dma_start3A_455 = tpu.memref_squeeze %dma_start3A_454 : memref<1x1x128xi32, #tpu.memory_space<vmem>> -> memref<128xi32, #tpu.memory_space<vmem>>
      %dma_start3A_456 = arith.constant 0 : i32
      %dma_start3A_457 = arith.constant 0 : i32
      %dma_start3A_458 = tpu.memref_slice %arg9[%dma_start3A_456, %dma_start3A_457] : memref<10240x32xf32, #tpu.memory_space<vmem_shared>> -> memref<10240x32xf32, #tpu.memory_space<vmem_shared>>
      tpu.enqueue_indirect_dma source(%dma_start3A_458 : memref<10240x32xf32, #tpu.memory_space<vmem_shared>>) target(%dma_start3A_452 : memref<128x32xf32, #tpu.memory_space<vmem>>) offsets(%dma_start3A_455 : memref<128xi32, #tpu.memory_space<vmem>>) semaphore(%arg12 : memref<!tpu.dma_semaphore, #tpu.memory_space<semaphore_mem>>)
      %dma_wait3A_459 = arith.constant 0 : i32
      %dma_wait3A_460 = arith.constant 0 : i32
      %dma_wait3A_461 = arith.constant 2 : i32
      %dma_wait3A_462 = arith.constant 0 : i32
      %dma_wait3A_463 = arith.constant 0 : i32
      %dma_wait3A_464 = tpu.memref_slice %arg8[%dma_wait3A_461, %dma_wait3A_462, %dma_wait3A_463] : memref<4x128x32xf32, #tpu.memory_space<vmem>> -> memref<1x128x32xf32, #tpu.memory_space<vmem>>
      %dma_wait3A_465 = tpu.memref_squeeze %dma_wait3A_464 : memref<1x128x32xf32, #tpu.memory_space<vmem>> -> memref<128x32xf32, #tpu.memory_space<vmem>>
      %dma_wait3A_466 = arith.constant 0 : i32
      %dma_wait3A_467 = tpu.memref_slice %arg6[%dma_wait3A_459, %dma_wait3A_460, %dma_wait3A_466] : memref<2x16x128xi32, #tpu.memory_space<vmem>> -> memref<1x1x128xi32, #tpu.memory_space<vmem>>
      %dma_wait3A_468 = tpu.memref_squeeze %dma_wait3A_467 : memref<1x1x128xi32, #tpu.memory_space<vmem>> -> memref<128xi32, #tpu.memory_space<vmem>>
      %dma_wait3A_469 = arith.constant 0 : i32
      %dma_wait3A_470 = arith.constant 0 : i32
      %dma_wait3A_471 = tpu.memref_slice %arg9[%dma_wait3A_469, %dma_wait3A_470] : memref<10240x32xf32, #tpu.memory_space<vmem_shared>> -> memref<10240x32xf32, #tpu.memory_space<vmem_shared>>
      tpu.wait_indirect_dma semaphore(%arg12 : memref<!tpu.dma_semaphore, #tpu.memory_space<semaphore_mem>>) src(%dma_wait3A_471 : memref<10240x32xf32, #tpu.memory_space<vmem_shared>>) dst(%dma_wait3A_465 : memref<128x32xf32, #tpu.memory_space<vmem>>)
      %dma_start3A_472 = arith.constant 2 : i32
      %dma_start3A_473 = arith.constant 6 : i32
      %dma_start3A_474 = arith.constant 0 : i32
      %dma_start3A_475 = arith.constant 0 : i32
      %dma_start3A_476 = tpu.memref_slice %arg8[%dma_start3A_472, %dma_start3A_474, %dma_start3A_475] : memref<4x128x32xf32, #tpu.memory_space<vmem>> -> memref<1x128x32xf32, #tpu.memory_space<vmem>>
      %dma_start3A_477 = tpu.memref_squeeze %dma_start3A_476 : memref<1x128x32xf32, #tpu.memory_space<vmem>> -> memref<128x32xf32, #tpu.memory_space<vmem>>
      %dma_start3A_478 = arith.constant 0 : i32
      %dma_start3A_479 = tpu.memref_slice %arg7[%and3A_74, %dma_start3A_473, %dma_start3A_478] : memref<2x16x128xi32, #tpu.memory_space<vmem>> -> memref<1x1x128xi32, #tpu.memory_space<vmem>>
      %dma_start3A_480 = tpu.memref_squeeze %dma_start3A_479 : memref<1x1x128xi32, #tpu.memory_space<vmem>> -> memref<128xi32, #tpu.memory_space<vmem>>
      %dma_start3A_481 = arith.constant 0 : i32
      %dma_start3A_482 = arith.constant 0 : i32
      %dma_start3A_483 = tpu.memref_slice %arg10[%dma_start3A_481, %dma_start3A_482] : memref<10240x32xf32, #tpu.memory_space<vmem_shared>> -> memref<10240x32xf32, #tpu.memory_space<vmem_shared>>
      tpu.enqueue_indirect_dma source(%dma_start3A_477 : memref<128x32xf32, #tpu.memory_space<vmem>>) target(%dma_start3A_483 : memref<10240x32xf32, #tpu.memory_space<vmem_shared>>) offsets(%dma_start3A_480 : memref<128xi32, #tpu.memory_space<vmem>>) semaphore(%arg13 : memref<!tpu.dma_semaphore, #tpu.memory_space<semaphore_mem>>) {add = true}
      %dma_wait3A_484 = arith.constant 0 : i32
      %dma_wait3A_485 = arith.constant 0 : i32
      %dma_wait3A_486 = arith.constant 0 : i32
      %dma_wait3A_487 = arith.constant 0 : i32
      %dma_wait3A_488 = arith.constant 0 : i32
      %dma_wait3A_489 = tpu.memref_slice %arg8[%dma_wait3A_484, %dma_wait3A_487, %dma_wait3A_488] : memref<4x128x32xf32, #tpu.memory_space<vmem>> -> memref<1x128x32xf32, #tpu.memory_space<vmem>>
      %dma_wait3A_490 = tpu.memref_squeeze %dma_wait3A_489 : memref<1x128x32xf32, #tpu.memory_space<vmem>> -> memref<128x32xf32, #tpu.memory_space<vmem>>
      %dma_wait3A_491 = arith.constant 0 : i32
      %dma_wait3A_492 = tpu.memref_slice %arg7[%dma_wait3A_485, %dma_wait3A_486, %dma_wait3A_491] : memref<2x16x128xi32, #tpu.memory_space<vmem>> -> memref<1x1x128xi32, #tpu.memory_space<vmem>>
      %dma_wait3A_493 = tpu.memref_squeeze %dma_wait3A_492 : memref<1x1x128xi32, #tpu.memory_space<vmem>> -> memref<128xi32, #tpu.memory_space<vmem>>
      %dma_wait3A_494 = arith.constant 0 : i32
      %dma_wait3A_495 = arith.constant 0 : i32
      %dma_wait3A_496 = tpu.memref_slice %arg10[%dma_wait3A_494, %dma_wait3A_495] : memref<10240x32xf32, #tpu.memory_space<vmem_shared>> -> memref<10240x32xf32, #tpu.memory_space<vmem_shared>>
      tpu.wait_indirect_dma semaphore(%arg13 : memref<!tpu.dma_semaphore, #tpu.memory_space<semaphore_mem>>) src(%dma_wait3A_490 : memref<128x32xf32, #tpu.memory_space<vmem>>) dst(%dma_wait3A_496 : memref<10240x32xf32, #tpu.memory_space<vmem_shared>>)
      %dma_start3A_497 = arith.constant 10 : i32
      %dma_start3A_498 = arith.constant 2 : i32
      %dma_start3A_499 = arith.constant 0 : i32
      %dma_start3A_500 = arith.constant 0 : i32
      %dma_start3A_501 = tpu.memref_slice %arg8[%dma_start3A_498, %dma_start3A_499, %dma_start3A_500] : memref<4x128x32xf32, #tpu.memory_space<vmem>> -> memref<1x128x32xf32, #tpu.memory_space<vmem>>
      %dma_start3A_502 = tpu.memref_squeeze %dma_start3A_501 : memref<1x128x32xf32, #tpu.memory_space<vmem>> -> memref<128x32xf32, #tpu.memory_space<vmem>>
      %dma_start3A_503 = arith.constant 0 : i32
      %dma_start3A_504 = tpu.memref_slice %arg6[%and3A_74, %dma_start3A_497, %dma_start3A_503] : memref<2x16x128xi32, #tpu.memory_space<vmem>> -> memref<1x1x128xi32, #tpu.memory_space<vmem>>
      %dma_start3A_505 = tpu.memref_squeeze %dma_start3A_504 : memref<1x1x128xi32, #tpu.memory_space<vmem>> -> memref<128xi32, #tpu.memory_space<vmem>>
      %dma_start3A_506 = arith.constant 0 : i32
      %dma_start3A_507 = arith.constant 0 : i32
      %dma_start3A_508 = tpu.memref_slice %arg9[%dma_start3A_506, %dma_start3A_507] : memref<10240x32xf32, #tpu.memory_space<vmem_shared>> -> memref<10240x32xf32, #tpu.memory_space<vmem_shared>>
      tpu.enqueue_indirect_dma source(%dma_start3A_508 : memref<10240x32xf32, #tpu.memory_space<vmem_shared>>) target(%dma_start3A_502 : memref<128x32xf32, #tpu.memory_space<vmem>>) offsets(%dma_start3A_505 : memref<128xi32, #tpu.memory_space<vmem>>) semaphore(%arg12 : memref<!tpu.dma_semaphore, #tpu.memory_space<semaphore_mem>>)
      %dma_wait3A_509 = arith.constant 0 : i32
      %dma_wait3A_510 = arith.constant 0 : i32
      %dma_wait3A_511 = arith.constant 3 : i32
      %dma_wait3A_512 = arith.constant 0 : i32
      %dma_wait3A_513 = arith.constant 0 : i32
      %dma_wait3A_514 = tpu.memref_slice %arg8[%dma_wait3A_511, %dma_wait3A_512, %dma_wait3A_513] : memref<4x128x32xf32, #tpu.memory_space<vmem>> -> memref<1x128x32xf32, #tpu.memory_space<vmem>>
      %dma_wait3A_515 = tpu.memref_squeeze %dma_wait3A_514 : memref<1x128x32xf32, #tpu.memory_space<vmem>> -> memref<128x32xf32, #tpu.memory_space<vmem>>
      %dma_wait3A_516 = arith.constant 0 : i32
      %dma_wait3A_517 = tpu.memref_slice %arg6[%dma_wait3A_509, %dma_wait3A_510, %dma_wait3A_516] : memref<2x16x128xi32, #tpu.memory_space<vmem>> -> memref<1x1x128xi32, #tpu.memory_space<vmem>>
      %dma_wait3A_518 = tpu.memref_squeeze %dma_wait3A_517 : memref<1x1x128xi32, #tpu.memory_space<vmem>> -> memref<128xi32, #tpu.memory_space<vmem>>
      %dma_wait3A_519 = arith.constant 0 : i32
      %dma_wait3A_520 = arith.constant 0 : i32
      %dma_wait3A_521 = tpu.memref_slice %arg9[%dma_wait3A_519, %dma_wait3A_520] : memref<10240x32xf32, #tpu.memory_space<vmem_shared>> -> memref<10240x32xf32, #tpu.memory_space<vmem_shared>>
      tpu.wait_indirect_dma semaphore(%arg12 : memref<!tpu.dma_semaphore, #tpu.memory_space<semaphore_mem>>) src(%dma_wait3A_521 : memref<10240x32xf32, #tpu.memory_space<vmem_shared>>) dst(%dma_wait3A_515 : memref<128x32xf32, #tpu.memory_space<vmem>>)
      %dma_start3A_522 = arith.constant 3 : i32
      %dma_start3A_523 = arith.constant 7 : i32
      %dma_start3A_524 = arith.constant 0 : i32
      %dma_start3A_525 = arith.constant 0 : i32
      %dma_start3A_526 = tpu.memref_slice %arg8[%dma_start3A_522, %dma_start3A_524, %dma_start3A_525] : memref<4x128x32xf32, #tpu.memory_space<vmem>> -> memref<1x128x32xf32, #tpu.memory_space<vmem>>
      %dma_start3A_527 = tpu.memref_squeeze %dma_start3A_526 : memref<1x128x32xf32, #tpu.memory_space<vmem>> -> memref<128x32xf32, #tpu.memory_space<vmem>>
      %dma_start3A_528 = arith.constant 0 : i32
      %dma_start3A_529 = tpu.memref_slice %arg7[%and3A_74, %dma_start3A_523, %dma_start3A_528] : memref<2x16x128xi32, #tpu.memory_space<vmem>> -> memref<1x1x128xi32, #tpu.memory_space<vmem>>
      %dma_start3A_530 = tpu.memref_squeeze %dma_start3A_529 : memref<1x1x128xi32, #tpu.memory_space<vmem>> -> memref<128xi32, #tpu.memory_space<vmem>>
      %dma_start3A_531 = arith.constant 0 : i32
      %dma_start3A_532 = arith.constant 0 : i32
      %dma_start3A_533 = tpu.memref_slice %arg10[%dma_start3A_531, %dma_start3A_532] : memref<10240x32xf32, #tpu.memory_space<vmem_shared>> -> memref<10240x32xf32, #tpu.memory_space<vmem_shared>>
      tpu.enqueue_indirect_dma source(%dma_start3A_527 : memref<128x32xf32, #tpu.memory_space<vmem>>) target(%dma_start3A_533 : memref<10240x32xf32, #tpu.memory_space<vmem_shared>>) offsets(%dma_start3A_530 : memref<128xi32, #tpu.memory_space<vmem>>) semaphore(%arg13 : memref<!tpu.dma_semaphore, #tpu.memory_space<semaphore_mem>>) {add = true}
      %dma_wait3A_534 = arith.constant 0 : i32
      %dma_wait3A_535 = arith.constant 0 : i32
      %dma_wait3A_536 = arith.constant 0 : i32
      %dma_wait3A_537 = arith.constant 0 : i32
      %dma_wait3A_538 = arith.constant 0 : i32
      %dma_wait3A_539 = tpu.memref_slice %arg8[%dma_wait3A_534, %dma_wait3A_537, %dma_wait3A_538] : memref<4x128x32xf32, #tpu.memory_space<vmem>> -> memref<1x128x32xf32, #tpu.memory_space<vmem>>
      %dma_wait3A_540 = tpu.memref_squeeze %dma_wait3A_539 : memref<1x128x32xf32, #tpu.memory_space<vmem>> -> memref<128x32xf32, #tpu.memory_space<vmem>>
      %dma_wait3A_541 = arith.constant 0 : i32
      %dma_wait3A_542 = tpu.memref_slice %arg7[%dma_wait3A_535, %dma_wait3A_536, %dma_wait3A_541] : memref<2x16x128xi32, #tpu.memory_space<vmem>> -> memref<1x1x128xi32, #tpu.memory_space<vmem>>
      %dma_wait3A_543 = tpu.memref_squeeze %dma_wait3A_542 : memref<1x1x128xi32, #tpu.memory_space<vmem>> -> memref<128xi32, #tpu.memory_space<vmem>>
      %dma_wait3A_544 = arith.constant 0 : i32
      %dma_wait3A_545 = arith.constant 0 : i32
      %dma_wait3A_546 = tpu.memref_slice %arg10[%dma_wait3A_544, %dma_wait3A_545] : memref<10240x32xf32, #tpu.memory_space<vmem_shared>> -> memref<10240x32xf32, #tpu.memory_space<vmem_shared>>
      tpu.wait_indirect_dma semaphore(%arg13 : memref<!tpu.dma_semaphore, #tpu.memory_space<semaphore_mem>>) src(%dma_wait3A_540 : memref<128x32xf32, #tpu.memory_space<vmem>>) dst(%dma_wait3A_546 : memref<10240x32xf32, #tpu.memory_space<vmem_shared>>)
      %dma_start3A_547 = arith.constant 11 : i32
      %dma_start3A_548 = arith.constant 3 : i32
      %dma_start3A_549 = arith.constant 0 : i32
      %dma_start3A_550 = arith.constant 0 : i32
      %dma_start3A_551 = tpu.memref_slice %arg8[%dma_start3A_548, %dma_start3A_549, %dma_start3A_550] : memref<4x128x32xf32, #tpu.memory_space<vmem>> -> memref<1x128x32xf32, #tpu.memory_space<vmem>>
      %dma_start3A_552 = tpu.memref_squeeze %dma_start3A_551 : memref<1x128x32xf32, #tpu.memory_space<vmem>> -> memref<128x32xf32, #tpu.memory_space<vmem>>
      %dma_start3A_553 = arith.constant 0 : i32
      %dma_start3A_554 = tpu.memref_slice %arg6[%and3A_74, %dma_start3A_547, %dma_start3A_553] : memref<2x16x128xi32, #tpu.memory_space<vmem>> -> memref<1x1x128xi32, #tpu.memory_space<vmem>>
      %dma_start3A_555 = tpu.memref_squeeze %dma_start3A_554 : memref<1x1x128xi32, #tpu.memory_space<vmem>> -> memref<128xi32, #tpu.memory_space<vmem>>
      %dma_start3A_556 = arith.constant 0 : i32
      %dma_start3A_557 = arith.constant 0 : i32
      %dma_start3A_558 = tpu.memref_slice %arg9[%dma_start3A_556, %dma_start3A_557] : memref<10240x32xf32, #tpu.memory_space<vmem_shared>> -> memref<10240x32xf32, #tpu.memory_space<vmem_shared>>
      tpu.enqueue_indirect_dma source(%dma_start3A_558 : memref<10240x32xf32, #tpu.memory_space<vmem_shared>>) target(%dma_start3A_552 : memref<128x32xf32, #tpu.memory_space<vmem>>) offsets(%dma_start3A_555 : memref<128xi32, #tpu.memory_space<vmem>>) semaphore(%arg12 : memref<!tpu.dma_semaphore, #tpu.memory_space<semaphore_mem>>)
      %dma_wait3A_559 = arith.constant 0 : i32
      %dma_wait3A_560 = arith.constant 0 : i32
      %dma_wait3A_561 = arith.constant 0 : i32
      %dma_wait3A_562 = arith.constant 0 : i32
      %dma_wait3A_563 = arith.constant 0 : i32
      %dma_wait3A_564 = tpu.memref_slice %arg8[%dma_wait3A_561, %dma_wait3A_562, %dma_wait3A_563] : memref<4x128x32xf32, #tpu.memory_space<vmem>> -> memref<1x128x32xf32, #tpu.memory_space<vmem>>
      %dma_wait3A_565 = tpu.memref_squeeze %dma_wait3A_564 : memref<1x128x32xf32, #tpu.memory_space<vmem>> -> memref<128x32xf32, #tpu.memory_space<vmem>>
      %dma_wait3A_566 = arith.constant 0 : i32
      %dma_wait3A_567 = tpu.memref_slice %arg6[%dma_wait3A_559, %dma_wait3A_560, %dma_wait3A_566] : memref<2x16x128xi32, #tpu.memory_space<vmem>> -> memref<1x1x128xi32, #tpu.memory_space<vmem>>
      %dma_wait3A_568 = tpu.memref_squeeze %dma_wait3A_567 : memref<1x1x128xi32, #tpu.memory_space<vmem>> -> memref<128xi32, #tpu.memory_space<vmem>>
      %dma_wait3A_569 = arith.constant 0 : i32
      %dma_wait3A_570 = arith.constant 0 : i32
      %dma_wait3A_571 = tpu.memref_slice %arg9[%dma_wait3A_569, %dma_wait3A_570] : memref<10240x32xf32, #tpu.memory_space<vmem_shared>> -> memref<10240x32xf32, #tpu.memory_space<vmem_shared>>
      tpu.wait_indirect_dma semaphore(%arg12 : memref<!tpu.dma_semaphore, #tpu.memory_space<semaphore_mem>>) src(%dma_wait3A_571 : memref<10240x32xf32, #tpu.memory_space<vmem_shared>>) dst(%dma_wait3A_565 : memref<128x32xf32, #tpu.memory_space<vmem>>)
      %dma_start3A_572 = arith.constant 0 : i32
      %dma_start3A_573 = arith.constant 8 : i32
      %dma_start3A_574 = arith.constant 0 : i32
      %dma_start3A_575 = arith.constant 0 : i32
      %dma_start3A_576 = tpu.memref_slice %arg8[%dma_start3A_572, %dma_start3A_574, %dma_start3A_575] : memref<4x128x32xf32, #tpu.memory_space<vmem>> -> memref<1x128x32xf32, #tpu.memory_space<vmem>>
      %dma_start3A_577 = tpu.memref_squeeze %dma_start3A_576 : memref<1x128x32xf32, #tpu.memory_space<vmem>> -> memref<128x32xf32, #tpu.memory_space<vmem>>
      %dma_start3A_578 = arith.constant 0 : i32
      %dma_start3A_579 = tpu.memref_slice %arg7[%and3A_74, %dma_start3A_573, %dma_start3A_578] : memref<2x16x128xi32, #tpu.memory_space<vmem>> -> memref<1x1x128xi32, #tpu.memory_space<vmem>>
      %dma_start3A_580 = tpu.memref_squeeze %dma_start3A_579 : memref<1x1x128xi32, #tpu.memory_space<vmem>> -> memref<128xi32, #tpu.memory_space<vmem>>
      %dma_start3A_581 = arith.constant 0 : i32
      %dma_start3A_582 = arith.constant 0 : i32
      %dma_start3A_583 = tpu.memref_slice %arg10[%dma_start3A_581, %dma_start3A_582] : memref<10240x32xf32, #tpu.memory_space<vmem_shared>> -> memref<10240x32xf32, #tpu.memory_space<vmem_shared>>
      tpu.enqueue_indirect_dma source(%dma_start3A_577 : memref<128x32xf32, #tpu.memory_space<vmem>>) target(%dma_start3A_583 : memref<10240x32xf32, #tpu.memory_space<vmem_shared>>) offsets(%dma_start3A_580 : memref<128xi32, #tpu.memory_space<vmem>>) semaphore(%arg13 : memref<!tpu.dma_semaphore, #tpu.memory_space<semaphore_mem>>) {add = true}
      %dma_wait3A_584 = arith.constant 0 : i32
      %dma_wait3A_585 = arith.constant 0 : i32
      %dma_wait3A_586 = arith.constant 0 : i32
      %dma_wait3A_587 = arith.constant 0 : i32
      %dma_wait3A_588 = arith.constant 0 : i32
      %dma_wait3A_589 = tpu.memref_slice %arg8[%dma_wait3A_584, %dma_wait3A_587, %dma_wait3A_588] : memref<4x128x32xf32, #tpu.memory_space<vmem>> -> memref<1x128x32xf32, #tpu.memory_space<vmem>>
      %dma_wait3A_590 = tpu.memref_squeeze %dma_wait3A_589 : memref<1x128x32xf32, #tpu.memory_space<vmem>> -> memref<128x32xf32, #tpu.memory_space<vmem>>
      %dma_wait3A_591 = arith.constant 0 : i32
      %dma_wait3A_592 = tpu.memref_slice %arg7[%dma_wait3A_585, %dma_wait3A_586, %dma_wait3A_591] : memref<2x16x128xi32, #tpu.memory_space<vmem>> -> memref<1x1x128xi32, #tpu.memory_space<vmem>>
      %dma_wait3A_593 = tpu.memref_squeeze %dma_wait3A_592 : memref<1x1x128xi32, #tpu.memory_space<vmem>> -> memref<128xi32, #tpu.memory_space<vmem>>
      %dma_wait3A_594 = arith.constant 0 : i32
      %dma_wait3A_595 = arith.constant 0 : i32
      %dma_wait3A_596 = tpu.memref_slice %arg10[%dma_wait3A_594, %dma_wait3A_595] : memref<10240x32xf32, #tpu.memory_space<vmem_shared>> -> memref<10240x32xf32, #tpu.memory_space<vmem_shared>>
      tpu.wait_indirect_dma semaphore(%arg13 : memref<!tpu.dma_semaphore, #tpu.memory_space<semaphore_mem>>) src(%dma_wait3A_590 : memref<128x32xf32, #tpu.memory_space<vmem>>) dst(%dma_wait3A_596 : memref<10240x32xf32, #tpu.memory_space<vmem_shared>>)
      %dma_start3A_597 = arith.constant 12 : i32
      %dma_start3A_598 = arith.constant 0 : i32
      %dma_start3A_599 = arith.constant 0 : i32
      %dma_start3A_600 = arith.constant 0 : i32
      %dma_start3A_601 = tpu.memref_slice %arg8[%dma_start3A_598, %dma_start3A_599, %dma_start3A_600] : memref<4x128x32xf32, #tpu.memory_space<vmem>> -> memref<1x128x32xf32, #tpu.memory_space<vmem>>
      %dma_start3A_602 = tpu.memref_squeeze %dma_start3A_601 : memref<1x128x32xf32, #tpu.memory_space<vmem>> -> memref<128x32xf32, #tpu.memory_space<vmem>>
      %dma_start3A_603 = arith.constant 0 : i32
      %dma_start3A_604 = tpu.memref_slice %arg6[%and3A_74, %dma_start3A_597, %dma_start3A_603] : memref<2x16x128xi32, #tpu.memory_space<vmem>> -> memref<1x1x128xi32, #tpu.memory_space<vmem>>
      %dma_start3A_605 = tpu.memref_squeeze %dma_start3A_604 : memref<1x1x128xi32, #tpu.memory_space<vmem>> -> memref<128xi32, #tpu.memory_space<vmem>>
      %dma_start3A_606 = arith.constant 0 : i32
      %dma_start3A_607 = arith.constant 0 : i32
      %dma_start3A_608 = tpu.memref_slice %arg9[%dma_start3A_606, %dma_start3A_607] : memref<10240x32xf32, #tpu.memory_space<vmem_shared>> -> memref<10240x32xf32, #tpu.memory_space<vmem_shared>>
      tpu.enqueue_indirect_dma source(%dma_start3A_608 : memref<10240x32xf32, #tpu.memory_space<vmem_shared>>) target(%dma_start3A_602 : memref<128x32xf32, #tpu.memory_space<vmem>>) offsets(%dma_start3A_605 : memref<128xi32, #tpu.memory_space<vmem>>) semaphore(%arg12 : memref<!tpu.dma_semaphore, #tpu.memory_space<semaphore_mem>>)
      %dma_wait3A_609 = arith.constant 0 : i32
      %dma_wait3A_610 = arith.constant 0 : i32
      %dma_wait3A_611 = arith.constant 1 : i32
      %dma_wait3A_612 = arith.constant 0 : i32
      %dma_wait3A_613 = arith.constant 0 : i32
      %dma_wait3A_614 = tpu.memref_slice %arg8[%dma_wait3A_611, %dma_wait3A_612, %dma_wait3A_613] : memref<4x128x32xf32, #tpu.memory_space<vmem>> -> memref<1x128x32xf32, #tpu.memory_space<vmem>>
      %dma_wait3A_615 = tpu.memref_squeeze %dma_wait3A_614 : memref<1x128x32xf32, #tpu.memory_space<vmem>> -> memref<128x32xf32, #tpu.memory_space<vmem>>
      %dma_wait3A_616 = arith.constant 0 : i32
      %dma_wait3A_617 = tpu.memref_slice %arg6[%dma_wait3A_609, %dma_wait3A_610, %dma_wait3A_616] : memref<2x16x128xi32, #tpu.memory_space<vmem>> -> memref<1x1x128xi32, #tpu.memory_space<vmem>>
      %dma_wait3A_618 = tpu.memref_squeeze %dma_wait3A_617 : memref<1x1x128xi32, #tpu.memory_space<vmem>> -> memref<128xi32, #tpu.memory_space<vmem>>
      %dma_wait3A_619 = arith.constant 0 : i32
      %dma_wait3A_620 = arith.constant 0 : i32
      %dma_wait3A_621 = tpu.memref_slice %arg9[%dma_wait3A_619, %dma_wait3A_620] : memref<10240x32xf32, #tpu.memory_space<vmem_shared>> -> memref<10240x32xf32, #tpu.memory_space<vmem_shared>>
      tpu.wait_indirect_dma semaphore(%arg12 : memref<!tpu.dma_semaphore, #tpu.memory_space<semaphore_mem>>) src(%dma_wait3A_621 : memref<10240x32xf32, #tpu.memory_space<vmem_shared>>) dst(%dma_wait3A_615 : memref<128x32xf32, #tpu.memory_space<vmem>>)
      %dma_start3A_622 = arith.constant 1 : i32
      %dma_start3A_623 = arith.constant 9 : i32
      %dma_start3A_624 = arith.constant 0 : i32
      %dma_start3A_625 = arith.constant 0 : i32
      %dma_start3A_626 = tpu.memref_slice %arg8[%dma_start3A_622, %dma_start3A_624, %dma_start3A_625] : memref<4x128x32xf32, #tpu.memory_space<vmem>> -> memref<1x128x32xf32, #tpu.memory_space<vmem>>
      %dma_start3A_627 = tpu.memref_squeeze %dma_start3A_626 : memref<1x128x32xf32, #tpu.memory_space<vmem>> -> memref<128x32xf32, #tpu.memory_space<vmem>>
      %dma_start3A_628 = arith.constant 0 : i32
      %dma_start3A_629 = tpu.memref_slice %arg7[%and3A_74, %dma_start3A_623, %dma_start3A_628] : memref<2x16x128xi32, #tpu.memory_space<vmem>> -> memref<1x1x128xi32, #tpu.memory_space<vmem>>
      %dma_start3A_630 = tpu.memref_squeeze %dma_start3A_629 : memref<1x1x128xi32, #tpu.memory_space<vmem>> -> memref<128xi32, #tpu.memory_space<vmem>>
      %dma_start3A_631 = arith.constant 0 : i32
      %dma_start3A_632 = arith.constant 0 : i32
      %dma_start3A_633 = tpu.memref_slice %arg10[%dma_start3A_631, %dma_start3A_632] : memref<10240x32xf32, #tpu.memory_space<vmem_shared>> -> memref<10240x32xf32, #tpu.memory_space<vmem_shared>>
      tpu.enqueue_indirect_dma source(%dma_start3A_627 : memref<128x32xf32, #tpu.memory_space<vmem>>) target(%dma_start3A_633 : memref<10240x32xf32, #tpu.memory_space<vmem_shared>>) offsets(%dma_start3A_630 : memref<128xi32, #tpu.memory_space<vmem>>) semaphore(%arg13 : memref<!tpu.dma_semaphore, #tpu.memory_space<semaphore_mem>>) {add = true}
      %dma_wait3A_634 = arith.constant 0 : i32
      %dma_wait3A_635 = arith.constant 0 : i32
      %dma_wait3A_636 = arith.constant 0 : i32
      %dma_wait3A_637 = arith.constant 0 : i32
      %dma_wait3A_638 = arith.constant 0 : i32
      %dma_wait3A_639 = tpu.memref_slice %arg8[%dma_wait3A_634, %dma_wait3A_637, %dma_wait3A_638] : memref<4x128x32xf32, #tpu.memory_space<vmem>> -> memref<1x128x32xf32, #tpu.memory_space<vmem>>
      %dma_wait3A_640 = tpu.memref_squeeze %dma_wait3A_639 : memref<1x128x32xf32, #tpu.memory_space<vmem>> -> memref<128x32xf32, #tpu.memory_space<vmem>>
      %dma_wait3A_641 = arith.constant 0 : i32
      %dma_wait3A_642 = tpu.memref_slice %arg7[%dma_wait3A_635, %dma_wait3A_636, %dma_wait3A_641] : memref<2x16x128xi32, #tpu.memory_space<vmem>> -> memref<1x1x128xi32, #tpu.memory_space<vmem>>
      %dma_wait3A_643 = tpu.memref_squeeze %dma_wait3A_642 : memref<1x1x128xi32, #tpu.memory_space<vmem>> -> memref<128xi32, #tpu.memory_space<vmem>>
      %dma_wait3A_644 = arith.constant 0 : i32
      %dma_wait3A_645 = arith.constant 0 : i32
      %dma_wait3A_646 = tpu.memref_slice %arg10[%dma_wait3A_644, %dma_wait3A_645] : memref<10240x32xf32, #tpu.memory_space<vmem_shared>> -> memref<10240x32xf32, #tpu.memory_space<vmem_shared>>
      tpu.wait_indirect_dma semaphore(%arg13 : memref<!tpu.dma_semaphore, #tpu.memory_space<semaphore_mem>>) src(%dma_wait3A_640 : memref<128x32xf32, #tpu.memory_space<vmem>>) dst(%dma_wait3A_646 : memref<10240x32xf32, #tpu.memory_space<vmem_shared>>)
      %dma_start3A_647 = arith.constant 13 : i32
      %dma_start3A_648 = arith.constant 1 : i32
      %dma_start3A_649 = arith.constant 0 : i32
      %dma_start3A_650 = arith.constant 0 : i32
      %dma_start3A_651 = tpu.memref_slice %arg8[%dma_start3A_648, %dma_start3A_649, %dma_start3A_650] : memref<4x128x32xf32, #tpu.memory_space<vmem>> -> memref<1x128x32xf32, #tpu.memory_space<vmem>>
      %dma_start3A_652 = tpu.memref_squeeze %dma_start3A_651 : memref<1x128x32xf32, #tpu.memory_space<vmem>> -> memref<128x32xf32, #tpu.memory_space<vmem>>
      %dma_start3A_653 = arith.constant 0 : i32
      %dma_start3A_654 = tpu.memref_slice %arg6[%and3A_74, %dma_start3A_647, %dma_start3A_653] : memref<2x16x128xi32, #tpu.memory_space<vmem>> -> memref<1x1x128xi32, #tpu.memory_space<vmem>>
      %dma_start3A_655 = tpu.memref_squeeze %dma_start3A_654 : memref<1x1x128xi32, #tpu.memory_space<vmem>> -> memref<128xi32, #tpu.memory_space<vmem>>
      %dma_start3A_656 = arith.constant 0 : i32
      %dma_start3A_657 = arith.constant 0 : i32
      %dma_start3A_658 = tpu.memref_slice %arg9[%dma_start3A_656, %dma_start3A_657] : memref<10240x32xf32, #tpu.memory_space<vmem_shared>> -> memref<10240x32xf32, #tpu.memory_space<vmem_shared>>
      tpu.enqueue_indirect_dma source(%dma_start3A_658 : memref<10240x32xf32, #tpu.memory_space<vmem_shared>>) target(%dma_start3A_652 : memref<128x32xf32, #tpu.memory_space<vmem>>) offsets(%dma_start3A_655 : memref<128xi32, #tpu.memory_space<vmem>>) semaphore(%arg12 : memref<!tpu.dma_semaphore, #tpu.memory_space<semaphore_mem>>)
      %dma_wait3A_659 = arith.constant 0 : i32
      %dma_wait3A_660 = arith.constant 0 : i32
      %dma_wait3A_661 = arith.constant 2 : i32
      %dma_wait3A_662 = arith.constant 0 : i32
      %dma_wait3A_663 = arith.constant 0 : i32
      %dma_wait3A_664 = tpu.memref_slice %arg8[%dma_wait3A_661, %dma_wait3A_662, %dma_wait3A_663] : memref<4x128x32xf32, #tpu.memory_space<vmem>> -> memref<1x128x32xf32, #tpu.memory_space<vmem>>
      %dma_wait3A_665 = tpu.memref_squeeze %dma_wait3A_664 : memref<1x128x32xf32, #tpu.memory_space<vmem>> -> memref<128x32xf32, #tpu.memory_space<vmem>>
      %dma_wait3A_666 = arith.constant 0 : i32
      %dma_wait3A_667 = tpu.memref_slice %arg6[%dma_wait3A_659, %dma_wait3A_660, %dma_wait3A_666] : memref<2x16x128xi32, #tpu.memory_space<vmem>> -> memref<1x1x128xi32, #tpu.memory_space<vmem>>
      %dma_wait3A_668 = tpu.memref_squeeze %dma_wait3A_667 : memref<1x1x128xi32, #tpu.memory_space<vmem>> -> memref<128xi32, #tpu.memory_space<vmem>>
      %dma_wait3A_669 = arith.constant 0 : i32
      %dma_wait3A_670 = arith.constant 0 : i32
      %dma_wait3A_671 = tpu.memref_slice %arg9[%dma_wait3A_669, %dma_wait3A_670] : memref<10240x32xf32, #tpu.memory_space<vmem_shared>> -> memref<10240x32xf32, #tpu.memory_space<vmem_shared>>
      tpu.wait_indirect_dma semaphore(%arg12 : memref<!tpu.dma_semaphore, #tpu.memory_space<semaphore_mem>>) src(%dma_wait3A_671 : memref<10240x32xf32, #tpu.memory_space<vmem_shared>>) dst(%dma_wait3A_665 : memref<128x32xf32, #tpu.memory_space<vmem>>)
      %dma_start3A_672 = arith.constant 2 : i32
      %dma_start3A_673 = arith.constant 10 : i32
      %dma_start3A_674 = arith.constant 0 : i32
      %dma_start3A_675 = arith.constant 0 : i32
      %dma_start3A_676 = tpu.memref_slice %arg8[%dma_start3A_672, %dma_start3A_674, %dma_start3A_675] : memref<4x128x32xf32, #tpu.memory_space<vmem>> -> memref<1x128x32xf32, #tpu.memory_space<vmem>>
      %dma_start3A_677 = tpu.memref_squeeze %dma_start3A_676 : memref<1x128x32xf32, #tpu.memory_space<vmem>> -> memref<128x32xf32, #tpu.memory_space<vmem>>
      %dma_start3A_678 = arith.constant 0 : i32
      %dma_start3A_679 = tpu.memref_slice %arg7[%and3A_74, %dma_start3A_673, %dma_start3A_678] : memref<2x16x128xi32, #tpu.memory_space<vmem>> -> memref<1x1x128xi32, #tpu.memory_space<vmem>>
      %dma_start3A_680 = tpu.memref_squeeze %dma_start3A_679 : memref<1x1x128xi32, #tpu.memory_space<vmem>> -> memref<128xi32, #tpu.memory_space<vmem>>
      %dma_start3A_681 = arith.constant 0 : i32
      %dma_start3A_682 = arith.constant 0 : i32
      %dma_start3A_683 = tpu.memref_slice %arg10[%dma_start3A_681, %dma_start3A_682] : memref<10240x32xf32, #tpu.memory_space<vmem_shared>> -> memref<10240x32xf32, #tpu.memory_space<vmem_shared>>
      tpu.enqueue_indirect_dma source(%dma_start3A_677 : memref<128x32xf32, #tpu.memory_space<vmem>>) target(%dma_start3A_683 : memref<10240x32xf32, #tpu.memory_space<vmem_shared>>) offsets(%dma_start3A_680 : memref<128xi32, #tpu.memory_space<vmem>>) semaphore(%arg13 : memref<!tpu.dma_semaphore, #tpu.memory_space<semaphore_mem>>) {add = true}
      %dma_wait3A_684 = arith.constant 0 : i32
      %dma_wait3A_685 = arith.constant 0 : i32
      %dma_wait3A_686 = arith.constant 0 : i32
      %dma_wait3A_687 = arith.constant 0 : i32
      %dma_wait3A_688 = arith.constant 0 : i32
      %dma_wait3A_689 = tpu.memref_slice %arg8[%dma_wait3A_684, %dma_wait3A_687, %dma_wait3A_688] : memref<4x128x32xf32, #tpu.memory_space<vmem>> -> memref<1x128x32xf32, #tpu.memory_space<vmem>>
      %dma_wait3A_690 = tpu.memref_squeeze %dma_wait3A_689 : memref<1x128x32xf32, #tpu.memory_space<vmem>> -> memref<128x32xf32, #tpu.memory_space<vmem>>
      %dma_wait3A_691 = arith.constant 0 : i32
      %dma_wait3A_692 = tpu.memref_slice %arg7[%dma_wait3A_685, %dma_wait3A_686, %dma_wait3A_691] : memref<2x16x128xi32, #tpu.memory_space<vmem>> -> memref<1x1x128xi32, #tpu.memory_space<vmem>>
      %dma_wait3A_693 = tpu.memref_squeeze %dma_wait3A_692 : memref<1x1x128xi32, #tpu.memory_space<vmem>> -> memref<128xi32, #tpu.memory_space<vmem>>
      %dma_wait3A_694 = arith.constant 0 : i32
      %dma_wait3A_695 = arith.constant 0 : i32
      %dma_wait3A_696 = tpu.memref_slice %arg10[%dma_wait3A_694, %dma_wait3A_695] : memref<10240x32xf32, #tpu.memory_space<vmem_shared>> -> memref<10240x32xf32, #tpu.memory_space<vmem_shared>>
      tpu.wait_indirect_dma semaphore(%arg13 : memref<!tpu.dma_semaphore, #tpu.memory_space<semaphore_mem>>) src(%dma_wait3A_690 : memref<128x32xf32, #tpu.memory_space<vmem>>) dst(%dma_wait3A_696 : memref<10240x32xf32, #tpu.memory_space<vmem_shared>>)
      %dma_start3A_697 = arith.constant 14 : i32
      %dma_start3A_698 = arith.constant 2 : i32
      %dma_start3A_699 = arith.constant 0 : i32
      %dma_start3A_700 = arith.constant 0 : i32
      %dma_start3A_701 = tpu.memref_slice %arg8[%dma_start3A_698, %dma_start3A_699, %dma_start3A_700] : memref<4x128x32xf32, #tpu.memory_space<vmem>> -> memref<1x128x32xf32, #tpu.memory_space<vmem>>
      %dma_start3A_702 = tpu.memref_squeeze %dma_start3A_701 : memref<1x128x32xf32, #tpu.memory_space<vmem>> -> memref<128x32xf32, #tpu.memory_space<vmem>>
      %dma_start3A_703 = arith.constant 0 : i32
      %dma_start3A_704 = tpu.memref_slice %arg6[%and3A_74, %dma_start3A_697, %dma_start3A_703] : memref<2x16x128xi32, #tpu.memory_space<vmem>> -> memref<1x1x128xi32, #tpu.memory_space<vmem>>
      %dma_start3A_705 = tpu.memref_squeeze %dma_start3A_704 : memref<1x1x128xi32, #tpu.memory_space<vmem>> -> memref<128xi32, #tpu.memory_space<vmem>>
      %dma_start3A_706 = arith.constant 0 : i32
      %dma_start3A_707 = arith.constant 0 : i32
      %dma_start3A_708 = tpu.memref_slice %arg9[%dma_start3A_706, %dma_start3A_707] : memref<10240x32xf32, #tpu.memory_space<vmem_shared>> -> memref<10240x32xf32, #tpu.memory_space<vmem_shared>>
      tpu.enqueue_indirect_dma source(%dma_start3A_708 : memref<10240x32xf32, #tpu.memory_space<vmem_shared>>) target(%dma_start3A_702 : memref<128x32xf32, #tpu.memory_space<vmem>>) offsets(%dma_start3A_705 : memref<128xi32, #tpu.memory_space<vmem>>) semaphore(%arg12 : memref<!tpu.dma_semaphore, #tpu.memory_space<semaphore_mem>>)
      %dma_wait3A_709 = arith.constant 0 : i32
      %dma_wait3A_710 = arith.constant 0 : i32
      %dma_wait3A_711 = arith.constant 3 : i32
      %dma_wait3A_712 = arith.constant 0 : i32
      %dma_wait3A_713 = arith.constant 0 : i32
      %dma_wait3A_714 = tpu.memref_slice %arg8[%dma_wait3A_711, %dma_wait3A_712, %dma_wait3A_713] : memref<4x128x32xf32, #tpu.memory_space<vmem>> -> memref<1x128x32xf32, #tpu.memory_space<vmem>>
      %dma_wait3A_715 = tpu.memref_squeeze %dma_wait3A_714 : memref<1x128x32xf32, #tpu.memory_space<vmem>> -> memref<128x32xf32, #tpu.memory_space<vmem>>
      %dma_wait3A_716 = arith.constant 0 : i32
      %dma_wait3A_717 = tpu.memref_slice %arg6[%dma_wait3A_709, %dma_wait3A_710, %dma_wait3A_716] : memref<2x16x128xi32, #tpu.memory_space<vmem>> -> memref<1x1x128xi32, #tpu.memory_space<vmem>>
      %dma_wait3A_718 = tpu.memref_squeeze %dma_wait3A_717 : memref<1x1x128xi32, #tpu.memory_space<vmem>> -> memref<128xi32, #tpu.memory_space<vmem>>
      %dma_wait3A_719 = arith.constant 0 : i32
      %dma_wait3A_720 = arith.constant 0 : i32
      %dma_wait3A_721 = tpu.memref_slice %arg9[%dma_wait3A_719, %dma_wait3A_720] : memref<10240x32xf32, #tpu.memory_space<vmem_shared>> -> memref<10240x32xf32, #tpu.memory_space<vmem_shared>>
      tpu.wait_indirect_dma semaphore(%arg12 : memref<!tpu.dma_semaphore, #tpu.memory_space<semaphore_mem>>) src(%dma_wait3A_721 : memref<10240x32xf32, #tpu.memory_space<vmem_shared>>) dst(%dma_wait3A_715 : memref<128x32xf32, #tpu.memory_space<vmem>>)
      %dma_start3A_722 = arith.constant 3 : i32
      %dma_start3A_723 = arith.constant 11 : i32
      %dma_start3A_724 = arith.constant 0 : i32
      %dma_start3A_725 = arith.constant 0 : i32
      %dma_start3A_726 = tpu.memref_slice %arg8[%dma_start3A_722, %dma_start3A_724, %dma_start3A_725] : memref<4x128x32xf32, #tpu.memory_space<vmem>> -> memref<1x128x32xf32, #tpu.memory_space<vmem>>
      %dma_start3A_727 = tpu.memref_squeeze %dma_start3A_726 : memref<1x128x32xf32, #tpu.memory_space<vmem>> -> memref<128x32xf32, #tpu.memory_space<vmem>>
      %dma_start3A_728 = arith.constant 0 : i32
      %dma_start3A_729 = tpu.memref_slice %arg7[%and3A_74, %dma_start3A_723, %dma_start3A_728] : memref<2x16x128xi32, #tpu.memory_space<vmem>> -> memref<1x1x128xi32, #tpu.memory_space<vmem>>
      %dma_start3A_730 = tpu.memref_squeeze %dma_start3A_729 : memref<1x1x128xi32, #tpu.memory_space<vmem>> -> memref<128xi32, #tpu.memory_space<vmem>>
      %dma_start3A_731 = arith.constant 0 : i32
      %dma_start3A_732 = arith.constant 0 : i32
      %dma_start3A_733 = tpu.memref_slice %arg10[%dma_start3A_731, %dma_start3A_732] : memref<10240x32xf32, #tpu.memory_space<vmem_shared>> -> memref<10240x32xf32, #tpu.memory_space<vmem_shared>>
      tpu.enqueue_indirect_dma source(%dma_start3A_727 : memref<128x32xf32, #tpu.memory_space<vmem>>) target(%dma_start3A_733 : memref<10240x32xf32, #tpu.memory_space<vmem_shared>>) offsets(%dma_start3A_730 : memref<128xi32, #tpu.memory_space<vmem>>) semaphore(%arg13 : memref<!tpu.dma_semaphore, #tpu.memory_space<semaphore_mem>>) {add = true}
      %dma_wait3A_734 = arith.constant 0 : i32
      %dma_wait3A_735 = arith.constant 0 : i32
      %dma_wait3A_736 = arith.constant 0 : i32
      %dma_wait3A_737 = arith.constant 0 : i32
      %dma_wait3A_738 = arith.constant 0 : i32
      %dma_wait3A_739 = tpu.memref_slice %arg8[%dma_wait3A_734, %dma_wait3A_737, %dma_wait3A_738] : memref<4x128x32xf32, #tpu.memory_space<vmem>> -> memref<1x128x32xf32, #tpu.memory_space<vmem>>
      %dma_wait3A_740 = tpu.memref_squeeze %dma_wait3A_739 : memref<1x128x32xf32, #tpu.memory_space<vmem>> -> memref<128x32xf32, #tpu.memory_space<vmem>>
      %dma_wait3A_741 = arith.constant 0 : i32
      %dma_wait3A_742 = tpu.memref_slice %arg7[%dma_wait3A_735, %dma_wait3A_736, %dma_wait3A_741] : memref<2x16x128xi32, #tpu.memory_space<vmem>> -> memref<1x1x128xi32, #tpu.memory_space<vmem>>
      %dma_wait3A_743 = tpu.memref_squeeze %dma_wait3A_742 : memref<1x1x128xi32, #tpu.memory_space<vmem>> -> memref<128xi32, #tpu.memory_space<vmem>>
      %dma_wait3A_744 = arith.constant 0 : i32
      %dma_wait3A_745 = arith.constant 0 : i32
      %dma_wait3A_746 = tpu.memref_slice %arg10[%dma_wait3A_744, %dma_wait3A_745] : memref<10240x32xf32, #tpu.memory_space<vmem_shared>> -> memref<10240x32xf32, #tpu.memory_space<vmem_shared>>
      tpu.wait_indirect_dma semaphore(%arg13 : memref<!tpu.dma_semaphore, #tpu.memory_space<semaphore_mem>>) src(%dma_wait3A_740 : memref<128x32xf32, #tpu.memory_space<vmem>>) dst(%dma_wait3A_746 : memref<10240x32xf32, #tpu.memory_space<vmem_shared>>)
      %dma_start3A_747 = arith.constant 15 : i32
      %dma_start3A_748 = arith.constant 3 : i32
      %dma_start3A_749 = arith.constant 0 : i32
      %dma_start3A_750 = arith.constant 0 : i32
      %dma_start3A_751 = tpu.memref_slice %arg8[%dma_start3A_748, %dma_start3A_749, %dma_start3A_750] : memref<4x128x32xf32, #tpu.memory_space<vmem>> -> memref<1x128x32xf32, #tpu.memory_space<vmem>>
      %dma_start3A_752 = tpu.memref_squeeze %dma_start3A_751 : memref<1x128x32xf32, #tpu.memory_space<vmem>> -> memref<128x32xf32, #tpu.memory_space<vmem>>
      %dma_start3A_753 = arith.constant 0 : i32
      %dma_start3A_754 = tpu.memref_slice %arg6[%and3A_74, %dma_start3A_747, %dma_start3A_753] : memref<2x16x128xi32, #tpu.memory_space<vmem>> -> memref<1x1x128xi32, #tpu.memory_space<vmem>>
      %dma_start3A_755 = tpu.memref_squeeze %dma_start3A_754 : memref<1x1x128xi32, #tpu.memory_space<vmem>> -> memref<128xi32, #tpu.memory_space<vmem>>
      %dma_start3A_756 = arith.constant 0 : i32
      %dma_start3A_757 = arith.constant 0 : i32
      %dma_start3A_758 = tpu.memref_slice %arg9[%dma_start3A_756, %dma_start3A_757] : memref<10240x32xf32, #tpu.memory_space<vmem_shared>> -> memref<10240x32xf32, #tpu.memory_space<vmem_shared>>
      tpu.enqueue_indirect_dma source(%dma_start3A_758 : memref<10240x32xf32, #tpu.memory_space<vmem_shared>>) target(%dma_start3A_752 : memref<128x32xf32, #tpu.memory_space<vmem>>) offsets(%dma_start3A_755 : memref<128xi32, #tpu.memory_space<vmem>>) semaphore(%arg12 : memref<!tpu.dma_semaphore, #tpu.memory_space<semaphore_mem>>)
      %dma_wait3A_759 = arith.constant 0 : i32
      %dma_wait3A_760 = arith.constant 0 : i32
      %dma_wait3A_761 = arith.constant 0 : i32
      %dma_wait3A_762 = arith.constant 0 : i32
      %dma_wait3A_763 = arith.constant 0 : i32
      %dma_wait3A_764 = tpu.memref_slice %arg8[%dma_wait3A_761, %dma_wait3A_762, %dma_wait3A_763] : memref<4x128x32xf32, #tpu.memory_space<vmem>> -> memref<1x128x32xf32, #tpu.memory_space<vmem>>
      %dma_wait3A_765 = tpu.memref_squeeze %dma_wait3A_764 : memref<1x128x32xf32, #tpu.memory_space<vmem>> -> memref<128x32xf32, #tpu.memory_space<vmem>>
      %dma_wait3A_766 = arith.constant 0 : i32
      %dma_wait3A_767 = tpu.memref_slice %arg6[%dma_wait3A_759, %dma_wait3A_760, %dma_wait3A_766] : memref<2x16x128xi32, #tpu.memory_space<vmem>> -> memref<1x1x128xi32, #tpu.memory_space<vmem>>
      %dma_wait3A_768 = tpu.memref_squeeze %dma_wait3A_767 : memref<1x1x128xi32, #tpu.memory_space<vmem>> -> memref<128xi32, #tpu.memory_space<vmem>>
      %dma_wait3A_769 = arith.constant 0 : i32
      %dma_wait3A_770 = arith.constant 0 : i32
      %dma_wait3A_771 = tpu.memref_slice %arg9[%dma_wait3A_769, %dma_wait3A_770] : memref<10240x32xf32, #tpu.memory_space<vmem_shared>> -> memref<10240x32xf32, #tpu.memory_space<vmem_shared>>
      tpu.wait_indirect_dma semaphore(%arg12 : memref<!tpu.dma_semaphore, #tpu.memory_space<semaphore_mem>>) src(%dma_wait3A_771 : memref<10240x32xf32, #tpu.memory_space<vmem_shared>>) dst(%dma_wait3A_765 : memref<128x32xf32, #tpu.memory_space<vmem>>)
      %dma_start3A_772 = arith.constant 0 : i32
      %dma_start3A_773 = arith.constant 12 : i32
      %dma_start3A_774 = arith.constant 0 : i32
      %dma_start3A_775 = arith.constant 0 : i32
      %dma_start3A_776 = tpu.memref_slice %arg8[%dma_start3A_772, %dma_start3A_774, %dma_start3A_775] : memref<4x128x32xf32, #tpu.memory_space<vmem>> -> memref<1x128x32xf32, #tpu.memory_space<vmem>>
      %dma_start3A_777 = tpu.memref_squeeze %dma_start3A_776 : memref<1x128x32xf32, #tpu.memory_space<vmem>> -> memref<128x32xf32, #tpu.memory_space<vmem>>
      %dma_start3A_778 = arith.constant 0 : i32
      %dma_start3A_779 = tpu.memref_slice %arg7[%and3A_74, %dma_start3A_773, %dma_start3A_778] : memref<2x16x128xi32, #tpu.memory_space<vmem>> -> memref<1x1x128xi32, #tpu.memory_space<vmem>>
      %dma_start3A_780 = tpu.memref_squeeze %dma_start3A_779 : memref<1x1x128xi32, #tpu.memory_space<vmem>> -> memref<128xi32, #tpu.memory_space<vmem>>
      %dma_start3A_781 = arith.constant 0 : i32
      %dma_start3A_782 = arith.constant 0 : i32
      %dma_start3A_783 = tpu.memref_slice %arg10[%dma_start3A_781, %dma_start3A_782] : memref<10240x32xf32, #tpu.memory_space<vmem_shared>> -> memref<10240x32xf32, #tpu.memory_space<vmem_shared>>
      tpu.enqueue_indirect_dma source(%dma_start3A_777 : memref<128x32xf32, #tpu.memory_space<vmem>>) target(%dma_start3A_783 : memref<10240x32xf32, #tpu.memory_space<vmem_shared>>) offsets(%dma_start3A_780 : memref<128xi32, #tpu.memory_space<vmem>>) semaphore(%arg13 : memref<!tpu.dma_semaphore, #tpu.memory_space<semaphore_mem>>) {add = true}
      %dma_wait3A_784 = arith.constant 0 : i32
      %dma_wait3A_785 = arith.constant 0 : i32
      %dma_wait3A_786 = arith.constant 0 : i32
      %dma_wait3A_787 = arith.constant 0 : i32
      %dma_wait3A_788 = arith.constant 0 : i32
      %dma_wait3A_789 = tpu.memref_slice %arg8[%dma_wait3A_784, %dma_wait3A_787, %dma_wait3A_788] : memref<4x128x32xf32, #tpu.memory_space<vmem>> -> memref<1x128x32xf32, #tpu.memory_space<vmem>>
      %dma_wait3A_790 = tpu.memref_squeeze %dma_wait3A_789 : memref<1x128x32xf32, #tpu.memory_space<vmem>> -> memref<128x32xf32, #tpu.memory_space<vmem>>
      %dma_wait3A_791 = arith.constant 0 : i32
      %dma_wait3A_792 = tpu.memref_slice %arg7[%dma_wait3A_785, %dma_wait3A_786, %dma_wait3A_791] : memref<2x16x128xi32, #tpu.memory_space<vmem>> -> memref<1x1x128xi32, #tpu.memory_space<vmem>>
      %dma_wait3A_793 = tpu.memref_squeeze %dma_wait3A_792 : memref<1x1x128xi32, #tpu.memory_space<vmem>> -> memref<128xi32, #tpu.memory_space<vmem>>
      %dma_wait3A_794 = arith.constant 0 : i32
      %dma_wait3A_795 = arith.constant 0 : i32
      %dma_wait3A_796 = tpu.memref_slice %arg10[%dma_wait3A_794, %dma_wait3A_795] : memref<10240x32xf32, #tpu.memory_space<vmem_shared>> -> memref<10240x32xf32, #tpu.memory_space<vmem_shared>>
      tpu.wait_indirect_dma semaphore(%arg13 : memref<!tpu.dma_semaphore, #tpu.memory_space<semaphore_mem>>) src(%dma_wait3A_790 : memref<128x32xf32, #tpu.memory_space<vmem>>) dst(%dma_wait3A_796 : memref<10240x32xf32, #tpu.memory_space<vmem_shared>>)
      %dma_wait3A_797 = arith.constant 0 : i32
      %dma_wait3A_798 = arith.constant 0 : i32
      %dma_wait3A_799 = arith.constant 1 : i32
      %dma_wait3A_800 = arith.constant 0 : i32
      %dma_wait3A_801 = arith.constant 0 : i32
      %dma_wait3A_802 = tpu.memref_slice %arg8[%dma_wait3A_799, %dma_wait3A_800, %dma_wait3A_801] : memref<4x128x32xf32, #tpu.memory_space<vmem>> -> memref<1x128x32xf32, #tpu.memory_space<vmem>>
      %dma_wait3A_803 = tpu.memref_squeeze %dma_wait3A_802 : memref<1x128x32xf32, #tpu.memory_space<vmem>> -> memref<128x32xf32, #tpu.memory_space<vmem>>
      %dma_wait3A_804 = arith.constant 0 : i32
      %dma_wait3A_805 = tpu.memref_slice %arg6[%dma_wait3A_797, %dma_wait3A_798, %dma_wait3A_804] : memref<2x16x128xi32, #tpu.memory_space<vmem>> -> memref<1x1x128xi32, #tpu.memory_space<vmem>>
      %dma_wait3A_806 = tpu.memref_squeeze %dma_wait3A_805 : memref<1x1x128xi32, #tpu.memory_space<vmem>> -> memref<128xi32, #tpu.memory_space<vmem>>
      %dma_wait3A_807 = arith.constant 0 : i32
      %dma_wait3A_808 = arith.constant 0 : i32
      %dma_wait3A_809 = tpu.memref_slice %arg9[%dma_wait3A_807, %dma_wait3A_808] : memref<10240x32xf32, #tpu.memory_space<vmem_shared>> -> memref<10240x32xf32, #tpu.memory_space<vmem_shared>>
      tpu.wait_indirect_dma semaphore(%arg12 : memref<!tpu.dma_semaphore, #tpu.memory_space<semaphore_mem>>) src(%dma_wait3A_809 : memref<10240x32xf32, #tpu.memory_space<vmem_shared>>) dst(%dma_wait3A_803 : memref<128x32xf32, #tpu.memory_space<vmem>>)
      %dma_start3A_810 = arith.constant 1 : i32
      %dma_start3A_811 = arith.constant 13 : i32
      %dma_start3A_812 = arith.constant 0 : i32
      %dma_start3A_813 = arith.constant 0 : i32
      %dma_start3A_814 = tpu.memref_slice %arg8[%dma_start3A_810, %dma_start3A_812, %dma_start3A_813] : memref<4x128x32xf32, #tpu.memory_space<vmem>> -> memref<1x128x32xf32, #tpu.memory_space<vmem>>
      %dma_start3A_815 = tpu.memref_squeeze %dma_start3A_814 : memref<1x128x32xf32, #tpu.memory_space<vmem>> -> memref<128x32xf32, #tpu.memory_space<vmem>>
      %dma_start3A_816 = arith.constant 0 : i32
      %dma_start3A_817 = tpu.memref_slice %arg7[%and3A_74, %dma_start3A_811, %dma_start3A_816] : memref<2x16x128xi32, #tpu.memory_space<vmem>> -> memref<1x1x128xi32, #tpu.memory_space<vmem>>
      %dma_start3A_818 = tpu.memref_squeeze %dma_start3A_817 : memref<1x1x128xi32, #tpu.memory_space<vmem>> -> memref<128xi32, #tpu.memory_space<vmem>>
      %dma_start3A_819 = arith.constant 0 : i32
      %dma_start3A_820 = arith.constant 0 : i32
      %dma_start3A_821 = tpu.memref_slice %arg10[%dma_start3A_819, %dma_start3A_820] : memref<10240x32xf32, #tpu.memory_space<vmem_shared>> -> memref<10240x32xf32, #tpu.memory_space<vmem_shared>>
      tpu.enqueue_indirect_dma source(%dma_start3A_815 : memref<128x32xf32, #tpu.memory_space<vmem>>) target(%dma_start3A_821 : memref<10240x32xf32, #tpu.memory_space<vmem_shared>>) offsets(%dma_start3A_818 : memref<128xi32, #tpu.memory_space<vmem>>) semaphore(%arg13 : memref<!tpu.dma_semaphore, #tpu.memory_space<semaphore_mem>>) {add = true}
      %dma_wait3A_822 = arith.constant 0 : i32
      %dma_wait3A_823 = arith.constant 0 : i32
      %dma_wait3A_824 = arith.constant 0 : i32
      %dma_wait3A_825 = arith.constant 0 : i32
      %dma_wait3A_826 = arith.constant 0 : i32
      %dma_wait3A_827 = tpu.memref_slice %arg8[%dma_wait3A_822, %dma_wait3A_825, %dma_wait3A_826] : memref<4x128x32xf32, #tpu.memory_space<vmem>> -> memref<1x128x32xf32, #tpu.memory_space<vmem>>
      %dma_wait3A_828 = tpu.memref_squeeze %dma_wait3A_827 : memref<1x128x32xf32, #tpu.memory_space<vmem>> -> memref<128x32xf32, #tpu.memory_space<vmem>>
      %dma_wait3A_829 = arith.constant 0 : i32
      %dma_wait3A_830 = tpu.memref_slice %arg7[%dma_wait3A_823, %dma_wait3A_824, %dma_wait3A_829] : memref<2x16x128xi32, #tpu.memory_space<vmem>> -> memref<1x1x128xi32, #tpu.memory_space<vmem>>
      %dma_wait3A_831 = tpu.memref_squeeze %dma_wait3A_830 : memref<1x1x128xi32, #tpu.memory_space<vmem>> -> memref<128xi32, #tpu.memory_space<vmem>>
      %dma_wait3A_832 = arith.constant 0 : i32
      %dma_wait3A_833 = arith.constant 0 : i32
      %dma_wait3A_834 = tpu.memref_slice %arg10[%dma_wait3A_832, %dma_wait3A_833] : memref<10240x32xf32, #tpu.memory_space<vmem_shared>> -> memref<10240x32xf32, #tpu.memory_space<vmem_shared>>
      tpu.wait_indirect_dma semaphore(%arg13 : memref<!tpu.dma_semaphore, #tpu.memory_space<semaphore_mem>>) src(%dma_wait3A_828 : memref<128x32xf32, #tpu.memory_space<vmem>>) dst(%dma_wait3A_834 : memref<10240x32xf32, #tpu.memory_space<vmem_shared>>)
      %dma_wait3A_835 = arith.constant 0 : i32
      %dma_wait3A_836 = arith.constant 0 : i32
      %dma_wait3A_837 = arith.constant 2 : i32
      %dma_wait3A_838 = arith.constant 0 : i32
      %dma_wait3A_839 = arith.constant 0 : i32
      %dma_wait3A_840 = tpu.memref_slice %arg8[%dma_wait3A_837, %dma_wait3A_838, %dma_wait3A_839] : memref<4x128x32xf32, #tpu.memory_space<vmem>> -> memref<1x128x32xf32, #tpu.memory_space<vmem>>
      %dma_wait3A_841 = tpu.memref_squeeze %dma_wait3A_840 : memref<1x128x32xf32, #tpu.memory_space<vmem>> -> memref<128x32xf32, #tpu.memory_space<vmem>>
      %dma_wait3A_842 = arith.constant 0 : i32
      %dma_wait3A_843 = tpu.memref_slice %arg6[%dma_wait3A_835, %dma_wait3A_836, %dma_wait3A_842] : memref<2x16x128xi32, #tpu.memory_space<vmem>> -> memref<1x1x128xi32, #tpu.memory_space<vmem>>
      %dma_wait3A_844 = tpu.memref_squeeze %dma_wait3A_843 : memref<1x1x128xi32, #tpu.memory_space<vmem>> -> memref<128xi32, #tpu.memory_space<vmem>>
      %dma_wait3A_845 = arith.constant 0 : i32
      %dma_wait3A_846 = arith.constant 0 : i32
      %dma_wait3A_847 = tpu.memref_slice %arg9[%dma_wait3A_845, %dma_wait3A_846] : memref<10240x32xf32, #tpu.memory_space<vmem_shared>> -> memref<10240x32xf32, #tpu.memory_space<vmem_shared>>
      tpu.wait_indirect_dma semaphore(%arg12 : memref<!tpu.dma_semaphore, #tpu.memory_space<semaphore_mem>>) src(%dma_wait3A_847 : memref<10240x32xf32, #tpu.memory_space<vmem_shared>>) dst(%dma_wait3A_841 : memref<128x32xf32, #tpu.memory_space<vmem>>)
      %dma_start3A_848 = arith.constant 2 : i32
      %dma_start3A_849 = arith.constant 14 : i32
      %dma_start3A_850 = arith.constant 0 : i32
      %dma_start3A_851 = arith.constant 0 : i32
      %dma_start3A_852 = tpu.memref_slice %arg8[%dma_start3A_848, %dma_start3A_850, %dma_start3A_851] : memref<4x128x32xf32, #tpu.memory_space<vmem>> -> memref<1x128x32xf32, #tpu.memory_space<vmem>>
      %dma_start3A_853 = tpu.memref_squeeze %dma_start3A_852 : memref<1x128x32xf32, #tpu.memory_space<vmem>> -> memref<128x32xf32, #tpu.memory_space<vmem>>
      %dma_start3A_854 = arith.constant 0 : i32
      %dma_start3A_855 = tpu.memref_slice %arg7[%and3A_74, %dma_start3A_849, %dma_start3A_854] : memref<2x16x128xi32, #tpu.memory_space<vmem>> -> memref<1x1x128xi32, #tpu.memory_space<vmem>>
      %dma_start3A_856 = tpu.memref_squeeze %dma_start3A_855 : memref<1x1x128xi32, #tpu.memory_space<vmem>> -> memref<128xi32, #tpu.memory_space<vmem>>
      %dma_start3A_857 = arith.constant 0 : i32
      %dma_start3A_858 = arith.constant 0 : i32
      %dma_start3A_859 = tpu.memref_slice %arg10[%dma_start3A_857, %dma_start3A_858] : memref<10240x32xf32, #tpu.memory_space<vmem_shared>> -> memref<10240x32xf32, #tpu.memory_space<vmem_shared>>
      tpu.enqueue_indirect_dma source(%dma_start3A_853 : memref<128x32xf32, #tpu.memory_space<vmem>>) target(%dma_start3A_859 : memref<10240x32xf32, #tpu.memory_space<vmem_shared>>) offsets(%dma_start3A_856 : memref<128xi32, #tpu.memory_space<vmem>>) semaphore(%arg13 : memref<!tpu.dma_semaphore, #tpu.memory_space<semaphore_mem>>) {add = true}
      %dma_wait3A_860 = arith.constant 0 : i32
      %dma_wait3A_861 = arith.constant 0 : i32
      %dma_wait3A_862 = arith.constant 0 : i32
      %dma_wait3A_863 = arith.constant 0 : i32
      %dma_wait3A_864 = arith.constant 0 : i32
      %dma_wait3A_865 = tpu.memref_slice %arg8[%dma_wait3A_860, %dma_wait3A_863, %dma_wait3A_864] : memref<4x128x32xf32, #tpu.memory_space<vmem>> -> memref<1x128x32xf32, #tpu.memory_space<vmem>>
      %dma_wait3A_866 = tpu.memref_squeeze %dma_wait3A_865 : memref<1x128x32xf32, #tpu.memory_space<vmem>> -> memref<128x32xf32, #tpu.memory_space<vmem>>
      %dma_wait3A_867 = arith.constant 0 : i32
      %dma_wait3A_868 = tpu.memref_slice %arg7[%dma_wait3A_861, %dma_wait3A_862, %dma_wait3A_867] : memref<2x16x128xi32, #tpu.memory_space<vmem>> -> memref<1x1x128xi32, #tpu.memory_space<vmem>>
      %dma_wait3A_869 = tpu.memref_squeeze %dma_wait3A_868 : memref<1x1x128xi32, #tpu.memory_space<vmem>> -> memref<128xi32, #tpu.memory_space<vmem>>
      %dma_wait3A_870 = arith.constant 0 : i32
      %dma_wait3A_871 = arith.constant 0 : i32
      %dma_wait3A_872 = tpu.memref_slice %arg10[%dma_wait3A_870, %dma_wait3A_871] : memref<10240x32xf32, #tpu.memory_space<vmem_shared>> -> memref<10240x32xf32, #tpu.memory_space<vmem_shared>>
      tpu.wait_indirect_dma semaphore(%arg13 : memref<!tpu.dma_semaphore, #tpu.memory_space<semaphore_mem>>) src(%dma_wait3A_866 : memref<128x32xf32, #tpu.memory_space<vmem>>) dst(%dma_wait3A_872 : memref<10240x32xf32, #tpu.memory_space<vmem_shared>>)
      %dma_wait3A_873 = arith.constant 0 : i32
      %dma_wait3A_874 = arith.constant 0 : i32
      %dma_wait3A_875 = arith.constant 3 : i32
      %dma_wait3A_876 = arith.constant 0 : i32
      %dma_wait3A_877 = arith.constant 0 : i32
      %dma_wait3A_878 = tpu.memref_slice %arg8[%dma_wait3A_875, %dma_wait3A_876, %dma_wait3A_877] : memref<4x128x32xf32, #tpu.memory_space<vmem>> -> memref<1x128x32xf32, #tpu.memory_space<vmem>>
      %dma_wait3A_879 = tpu.memref_squeeze %dma_wait3A_878 : memref<1x128x32xf32, #tpu.memory_space<vmem>> -> memref<128x32xf32, #tpu.memory_space<vmem>>
      %dma_wait3A_880 = arith.constant 0 : i32
      %dma_wait3A_881 = tpu.memref_slice %arg6[%dma_wait3A_873, %dma_wait3A_874, %dma_wait3A_880] : memref<2x16x128xi32, #tpu.memory_space<vmem>> -> memref<1x1x128xi32, #tpu.memory_space<vmem>>
      %dma_wait3A_882 = tpu.memref_squeeze %dma_wait3A_881 : memref<1x1x128xi32, #tpu.memory_space<vmem>> -> memref<128xi32, #tpu.memory_space<vmem>>
      %dma_wait3A_883 = arith.constant 0 : i32
      %dma_wait3A_884 = arith.constant 0 : i32
      %dma_wait3A_885 = tpu.memref_slice %arg9[%dma_wait3A_883, %dma_wait3A_884] : memref<10240x32xf32, #tpu.memory_space<vmem_shared>> -> memref<10240x32xf32, #tpu.memory_space<vmem_shared>>
      tpu.wait_indirect_dma semaphore(%arg12 : memref<!tpu.dma_semaphore, #tpu.memory_space<semaphore_mem>>) src(%dma_wait3A_885 : memref<10240x32xf32, #tpu.memory_space<vmem_shared>>) dst(%dma_wait3A_879 : memref<128x32xf32, #tpu.memory_space<vmem>>)
      %dma_start3A_886 = arith.constant 3 : i32
      %dma_start3A_887 = arith.constant 15 : i32
      %dma_start3A_888 = arith.constant 0 : i32
      %dma_start3A_889 = arith.constant 0 : i32
      %dma_start3A_890 = tpu.memref_slice %arg8[%dma_start3A_886, %dma_start3A_888, %dma_start3A_889] : memref<4x128x32xf32, #tpu.memory_space<vmem>> -> memref<1x128x32xf32, #tpu.memory_space<vmem>>
      %dma_start3A_891 = tpu.memref_squeeze %dma_start3A_890 : memref<1x128x32xf32, #tpu.memory_space<vmem>> -> memref<128x32xf32, #tpu.memory_space<vmem>>
      %dma_start3A_892 = arith.constant 0 : i32
      %dma_start3A_893 = tpu.memref_slice %arg7[%and3A_74, %dma_start3A_887, %dma_start3A_892] : memref<2x16x128xi32, #tpu.memory_space<vmem>> -> memref<1x1x128xi32, #tpu.memory_space<vmem>>
      %dma_start3A_894 = tpu.memref_squeeze %dma_start3A_893 : memref<1x1x128xi32, #tpu.memory_space<vmem>> -> memref<128xi32, #tpu.memory_space<vmem>>
      %dma_start3A_895 = arith.constant 0 : i32
      %dma_start3A_896 = arith.constant 0 : i32
      %dma_start3A_897 = tpu.memref_slice %arg10[%dma_start3A_895, %dma_start3A_896] : memref<10240x32xf32, #tpu.memory_space<vmem_shared>> -> memref<10240x32xf32, #tpu.memory_space<vmem_shared>>
      tpu.enqueue_indirect_dma source(%dma_start3A_891 : memref<128x32xf32, #tpu.memory_space<vmem>>) target(%dma_start3A_897 : memref<10240x32xf32, #tpu.memory_space<vmem_shared>>) offsets(%dma_start3A_894 : memref<128xi32, #tpu.memory_space<vmem>>) semaphore(%arg13 : memref<!tpu.dma_semaphore, #tpu.memory_space<semaphore_mem>>) {add = true}
      %scan3A_898 = arith.constant 0 : i32
      scf.yield %scan3A_898 : i32
    }
    %scan3A_53 = arith.constant 10 : i32
    %dma_wait3A_54 = arith.constant 0 : i32
    %dma_wait3A_55 = arith.constant 0 : i32
    %dma_wait3A_56 = arith.constant 0 : i32
    %dma_wait3A_57 = arith.constant 0 : i32
    %dma_wait3A_58 = arith.constant 0 : i32
    %dma_wait3A_59 = tpu.memref_slice %arg8[%dma_wait3A_54, %dma_wait3A_57, %dma_wait3A_58] : memref<4x128x32xf32, #tpu.memory_space<vmem>> -> memref<1x128x32xf32, #tpu.memory_space<vmem>>
    %dma_wait3A_60 = tpu.memref_squeeze %dma_wait3A_59 : memref<1x128x32xf32, #tpu.memory_space<vmem>> -> memref<128x32xf32, #tpu.memory_space<vmem>>
    %dma_wait3A_61 = arith.constant 0 : i32
    %dma_wait3A_62 = tpu.memref_slice %arg7[%dma_wait3A_55, %dma_wait3A_56, %dma_wait3A_61] : memref<2x16x128xi32, #tpu.memory_space<vmem>> -> memref<1x1x128xi32, #tpu.memory_space<vmem>>
    %dma_wait3A_63 = tpu.memref_squeeze %dma_wait3A_62 : memref<1x1x128xi32, #tpu.memory_space<vmem>> -> memref<128xi32, #tpu.memory_space<vmem>>
    %dma_wait3A_64 = arith.constant 0 : i32
    %dma_wait3A_65 = arith.constant 0 : i32
    %dma_wait3A_66 = tpu.memref_slice %arg10[%dma_wait3A_64, %dma_wait3A_65] : memref<10240x32xf32, #tpu.memory_space<vmem_shared>> -> memref<10240x32xf32, #tpu.memory_space<vmem_shared>>
    tpu.wait_indirect_dma semaphore(%arg13 : memref<!tpu.dma_semaphore, #tpu.memory_space<semaphore_mem>>) src(%dma_wait3A_60 : memref<128x32xf32, #tpu.memory_space<vmem>>) dst(%dma_wait3A_66 : memref<10240x32xf32, #tpu.memory_space<vmem_shared>>)
    %barrier3A_67 = arith.constant 0 : index
    tpu.barrier barrier_id(%barrier3A_67)
    %mul3A_68 = arith.constant 640 : i32
    %mul3A_69 = arith.muli %arg1, %mul3A_68 : i32
    %mul3A_70 = arith.constant 640 : i32
    %mul3A_71 = arith.muli %arg1, %mul3A_70 : i32
    "tpu.region"() ({
      %run_scoped3A = tpu.sem_alloc : memref<!tpu.dma_semaphore, #tpu.memory_space<semaphore_mem>>
      %dma_start3A_72 = arith.constant 0 : i32
      %dma_start3A_73 = tpu.memref_slice %arg5[%arg0, %mul3A_71, %dma_start3A_72] : memref<2x10240x32xf32, #tpu.memory_space<hbm>> -> memref<1x640x32xf32, #tpu.memory_space<hbm>>
      %dma_start3A_74 = tpu.memref_squeeze %dma_start3A_73 : memref<1x640x32xf32, #tpu.memory_space<hbm>> -> memref<640x32xf32, #tpu.memory_space<hbm>>
      %dma_start3A_75 = arith.constant 0 : i32
      %dma_start3A_76 = tpu.memref_slice %arg10[%mul3A_69, %dma_start3A_75] : memref<10240x32xf32, #tpu.memory_space<vmem_shared>> -> memref<640x32xf32, #tpu.memory_space<vmem_shared>>
      tpu.enqueue_dma source(%dma_start3A_76 : memref<640x32xf32, #tpu.memory_space<vmem_shared>>) target(%dma_start3A_74 : memref<640x32xf32, #tpu.memory_space<hbm>>) target_semaphore(%run_scoped3A : memref<!tpu.dma_semaphore, #tpu.memory_space<semaphore_mem>>)
      %dma_wait3A_77 = arith.constant 0 : i32
      %dma_wait3A_78 = tpu.memref_slice %arg5[%arg0, %mul3A_71, %dma_wait3A_77] : memref<2x10240x32xf32, #tpu.memory_space<hbm>> -> memref<1x640x32xf32, #tpu.memory_space<hbm>>
      %dma_wait3A_79 = tpu.memref_squeeze %dma_wait3A_78 : memref<1x640x32xf32, #tpu.memory_space<hbm>> -> memref<640x32xf32, #tpu.memory_space<hbm>>
      %dma_wait3A_80 = arith.constant 0 : i32
      %dma_wait3A_81 = tpu.memref_slice %arg10[%mul3A_69, %dma_wait3A_80] : memref<10240x32xf32, #tpu.memory_space<vmem_shared>> -> memref<640x32xf32, #tpu.memory_space<vmem_shared>>
      tpu.wait_dma2 semaphore(%run_scoped3A : memref<!tpu.dma_semaphore, #tpu.memory_space<semaphore_mem>>) src(%dma_wait3A_81 : memref<640x32xf32, #tpu.memory_space<vmem_shared>>) dst(%dma_wait3A_79 : memref<640x32xf32, #tpu.memory_space<hbm>>)
      tpu.yield
    }) : () -> ()
    return
  }
}

#map = affine_map<(d0, d1) -> (0, 0, 0)>
#map1 = affine_map<(d0, d1) -> (0, 0)>
module attributes {stable_mosaic.version = 14 : i64} {
  func.func @_prop_body(%arg0: i32, %arg1: i32, %arg2: memref<2x10000x64xf32, #tpu.memory_space<hbm>>, %arg3: memref<2560x128xi32, #tpu.memory_space<hbm>>, %arg4: memref<2560x128xi32, #tpu.memory_space<hbm>>, %arg5: memref<2x10240x64xf32, #tpu.memory_space<hbm>>, %arg6: memref<2x16x128xi32, #tpu.memory_space<vmem>>, %arg7: memref<2x16x128xi32, #tpu.memory_space<vmem>>, %arg8: memref<4x128x64xf32, #tpu.memory_space<vmem>>, %arg9: memref<10240x64xf32, #tpu.memory_space<vmem_shared>>, %arg10: memref<10240x64xf32, #tpu.memory_space<vmem_shared>>, %arg11: memref<!tpu.dma_semaphore, #tpu.memory_space<semaphore_mem>>, %arg12: memref<!tpu.dma_semaphore, #tpu.memory_space<semaphore_mem>>, %arg13: memref<!tpu.dma_semaphore, #tpu.memory_space<semaphore_mem>>, %arg14: memref<!tpu.dma_semaphore, #tpu.memory_space<semaphore_mem>>) attributes {dimension_semantics = [#tpu.dimension_semantics<core_parallel>, #tpu.dimension_semantics<subcore_parallel>], iteration_bounds = array<i64: 2, 16>, scalar_prefetch = 0 : i64, scratch_operands = 9 : i64, tpu.core_type = #tpu.core_type<sc_vector_subcore>, window_params = [{transform_indices = #map}, {transform_indices = #map1}, {transform_indices = #map1}, {transform_indices = #map}]} {
    %mul3A = arith.constant 625 : i32
    %mul3A_0 = arith.muli %arg1, %mul3A : i32
    %dma_start3A = arith.constant 0 : i32
    %dma_start3A_1 = tpu.memref_slice %arg9[%mul3A_0, %dma_start3A] : memref<10240x64xf32, #tpu.memory_space<vmem_shared>> -> memref<625x64xf32, #tpu.memory_space<vmem_shared>>
    %dma_start3A_2 = arith.constant 0 : i32
    %dma_start3A_3 = tpu.memref_slice %arg2[%arg0, %mul3A_0, %dma_start3A_2] : memref<2x10000x64xf32, #tpu.memory_space<hbm>> -> memref<1x625x64xf32, #tpu.memory_space<hbm>>
    %dma_start3A_4 = tpu.memref_squeeze %dma_start3A_3 : memref<1x625x64xf32, #tpu.memory_space<hbm>> -> memref<625x64xf32, #tpu.memory_space<hbm>>
    tpu.enqueue_dma source(%dma_start3A_4 : memref<625x64xf32, #tpu.memory_space<hbm>>) target(%dma_start3A_1 : memref<625x64xf32, #tpu.memory_space<vmem_shared>>) target_semaphore(%arg14 : memref<!tpu.dma_semaphore, #tpu.memory_space<semaphore_mem>>)
    %dma_start3A_5 = arith.constant 0 : i32
    %dma_start3A_6 = tpu.memref_slice %arg10[%mul3A_0, %dma_start3A_5] : memref<10240x64xf32, #tpu.memory_space<vmem_shared>> -> memref<625x64xf32, #tpu.memory_space<vmem_shared>>
    %dma_start3A_7 = arith.constant 0 : i32
    %dma_start3A_8 = tpu.memref_slice %arg2[%arg0, %mul3A_0, %dma_start3A_7] : memref<2x10000x64xf32, #tpu.memory_space<hbm>> -> memref<1x625x64xf32, #tpu.memory_space<hbm>>
    %dma_start3A_9 = tpu.memref_squeeze %dma_start3A_8 : memref<1x625x64xf32, #tpu.memory_space<hbm>> -> memref<625x64xf32, #tpu.memory_space<hbm>>
    tpu.enqueue_dma source(%dma_start3A_9 : memref<625x64xf32, #tpu.memory_space<hbm>>) target(%dma_start3A_6 : memref<625x64xf32, #tpu.memory_space<vmem_shared>>) target_semaphore(%arg14 : memref<!tpu.dma_semaphore, #tpu.memory_space<semaphore_mem>>)
    %mul3A_10 = arith.constant 160 : i32
    %mul3A_11 = arith.muli %arg1, %mul3A_10 : i32
    %add3A = arith.constant 0 : i32
    %add3A_12 = arith.addi %mul3A_11, %add3A : i32
    %dma_start3A_13 = arith.constant 0 : i32
    %dma_start3A_14 = arith.constant 0 : i32
    %dma_start3A_15 = arith.constant 0 : i32
    %dma_start3A_16 = tpu.memref_slice %arg6[%dma_start3A_13, %dma_start3A_14, %dma_start3A_15] : memref<2x16x128xi32, #tpu.memory_space<vmem>> -> memref<1x16x128xi32, #tpu.memory_space<vmem>>
    %dma_start3A_17 = tpu.memref_squeeze %dma_start3A_16 : memref<1x16x128xi32, #tpu.memory_space<vmem>> -> memref<16x128xi32, #tpu.memory_space<vmem>>
    %dma_start3A_18 = arith.constant 0 : i32
    %dma_start3A_19 = tpu.memref_slice %arg3[%add3A_12, %dma_start3A_18] : memref<2560x128xi32, #tpu.memory_space<hbm>> -> memref<16x128xi32, #tpu.memory_space<hbm>>
    %dma_start3A_20 = arith.constant 0 : i32
    %dma_start3A_21 = arith.constant 0 : i32
    %dma_start3A_22 = tpu.memref_slice %arg6[%dma_start3A_13, %dma_start3A_20, %dma_start3A_21] : memref<2x16x128xi32, #tpu.memory_space<vmem>> -> memref<1x16x128xi32, #tpu.memory_space<vmem>>
    %dma_start3A_23 = tpu.memref_squeeze %dma_start3A_22 : memref<1x16x128xi32, #tpu.memory_space<vmem>> -> memref<16x128xi32, #tpu.memory_space<vmem>>
    %dma_start3A_24 = arith.constant 0 : i32
    %dma_start3A_25 = tpu.memref_slice %arg3[%add3A_12, %dma_start3A_24] : memref<2560x128xi32, #tpu.memory_space<hbm>> -> memref<16x128xi32, #tpu.memory_space<hbm>>
    tpu.enqueue_dma source(%dma_start3A_25 : memref<16x128xi32, #tpu.memory_space<hbm>>) target(%dma_start3A_23 : memref<16x128xi32, #tpu.memory_space<vmem>>) target_semaphore(%arg11 : memref<!tpu.dma_semaphore, #tpu.memory_space<semaphore_mem>>)
    %dma_start3A_26 = arith.constant 0 : i32
    %dma_start3A_27 = arith.constant 0 : i32
    %dma_start3A_28 = arith.constant 0 : i32
    %dma_start3A_29 = tpu.memref_slice %arg7[%dma_start3A_26, %dma_start3A_27, %dma_start3A_28] : memref<2x16x128xi32, #tpu.memory_space<vmem>> -> memref<1x16x128xi32, #tpu.memory_space<vmem>>
    %dma_start3A_30 = tpu.memref_squeeze %dma_start3A_29 : memref<1x16x128xi32, #tpu.memory_space<vmem>> -> memref<16x128xi32, #tpu.memory_space<vmem>>
    %dma_start3A_31 = arith.constant 0 : i32
    %dma_start3A_32 = tpu.memref_slice %arg4[%add3A_12, %dma_start3A_31] : memref<2560x128xi32, #tpu.memory_space<hbm>> -> memref<16x128xi32, #tpu.memory_space<hbm>>
    %dma_start3A_33 = arith.constant 0 : i32
    %dma_start3A_34 = arith.constant 0 : i32
    %dma_start3A_35 = tpu.memref_slice %arg7[%dma_start3A_26, %dma_start3A_33, %dma_start3A_34] : memref<2x16x128xi32, #tpu.memory_space<vmem>> -> memref<1x16x128xi32, #tpu.memory_space<vmem>>
    %dma_start3A_36 = tpu.memref_squeeze %dma_start3A_35 : memref<1x16x128xi32, #tpu.memory_space<vmem>> -> memref<16x128xi32, #tpu.memory_space<vmem>>
    %dma_start3A_37 = arith.constant 0 : i32
    %dma_start3A_38 = tpu.memref_slice %arg4[%add3A_12, %dma_start3A_37] : memref<2560x128xi32, #tpu.memory_space<hbm>> -> memref<16x128xi32, #tpu.memory_space<hbm>>
    tpu.enqueue_dma source(%dma_start3A_38 : memref<16x128xi32, #tpu.memory_space<hbm>>) target(%dma_start3A_36 : memref<16x128xi32, #tpu.memory_space<vmem>>) target_semaphore(%arg11 : memref<!tpu.dma_semaphore, #tpu.memory_space<semaphore_mem>>)
    %dma_wait3A = arith.constant 0 : i32
    %dma_wait3A_39 = tpu.memref_slice %arg9[%mul3A_0, %dma_wait3A] : memref<10240x64xf32, #tpu.memory_space<vmem_shared>> -> memref<625x64xf32, #tpu.memory_space<vmem_shared>>
    %dma_wait3A_40 = arith.constant 0 : i32
    %dma_wait3A_41 = tpu.memref_slice %arg2[%arg0, %mul3A_0, %dma_wait3A_40] : memref<2x10000x64xf32, #tpu.memory_space<hbm>> -> memref<1x625x64xf32, #tpu.memory_space<hbm>>
    %dma_wait3A_42 = tpu.memref_squeeze %dma_wait3A_41 : memref<1x625x64xf32, #tpu.memory_space<hbm>> -> memref<625x64xf32, #tpu.memory_space<hbm>>
    tpu.wait_dma2 semaphore(%arg14 : memref<!tpu.dma_semaphore, #tpu.memory_space<semaphore_mem>>) src(%dma_wait3A_42 : memref<625x64xf32, #tpu.memory_space<hbm>>) dst(%dma_wait3A_39 : memref<625x64xf32, #tpu.memory_space<vmem_shared>>)
    %dma_wait3A_43 = arith.constant 0 : i32
    %dma_wait3A_44 = tpu.memref_slice %arg10[%mul3A_0, %dma_wait3A_43] : memref<10240x64xf32, #tpu.memory_space<vmem_shared>> -> memref<625x64xf32, #tpu.memory_space<vmem_shared>>
    %dma_wait3A_45 = arith.constant 0 : i32
    %dma_wait3A_46 = tpu.memref_slice %arg2[%arg0, %mul3A_0, %dma_wait3A_45] : memref<2x10000x64xf32, #tpu.memory_space<hbm>> -> memref<1x625x64xf32, #tpu.memory_space<hbm>>
    %dma_wait3A_47 = tpu.memref_squeeze %dma_wait3A_46 : memref<1x625x64xf32, #tpu.memory_space<hbm>> -> memref<625x64xf32, #tpu.memory_space<hbm>>
    tpu.wait_dma2 semaphore(%arg14 : memref<!tpu.dma_semaphore, #tpu.memory_space<semaphore_mem>>) src(%dma_wait3A_47 : memref<625x64xf32, #tpu.memory_space<hbm>>) dst(%dma_wait3A_44 : memref<625x64xf32, #tpu.memory_space<vmem_shared>>)
    %barrier3A = arith.constant 0 : index
    tpu.barrier barrier_id(%barrier3A)
    %scan3A = arith.constant 0 : i32
    %scan3A_48 = arith.constant 0 : i32
    %scan3A_49 = arith.constant 10 : i32
    %scan3A_50 = arith.addi %scan3A_48, %scan3A_49 : i32
    %scan3A_51 = arith.constant 1 : i32
    %scan3A_52 = scf.for %scan3A_72 = %scan3A_48 to %scan3A_50 step %scan3A_51 iter_args(%scan3A_73 = %scan3A) -> (i32)  : i32 {
      %and3A = arith.constant 1 : i32
      %and3A_74 = arith.andi %scan3A_72, %and3A : i32
      %dma_wait3A_75 = arith.constant 0 : i32
      %dma_wait3A_76 = arith.constant 0 : i32
      %dma_wait3A_77 = tpu.memref_slice %arg6[%and3A_74, %dma_wait3A_75, %dma_wait3A_76] : memref<2x16x128xi32, #tpu.memory_space<vmem>> -> memref<1x16x128xi32, #tpu.memory_space<vmem>>
      %dma_wait3A_78 = tpu.memref_squeeze %dma_wait3A_77 : memref<1x16x128xi32, #tpu.memory_space<vmem>> -> memref<16x128xi32, #tpu.memory_space<vmem>>
      %dma_wait3A_79 = arith.constant 0 : i32
      %dma_wait3A_80 = arith.constant 0 : i32
      %dma_wait3A_81 = tpu.memref_slice %arg3[%dma_wait3A_79, %dma_wait3A_80] : memref<2560x128xi32, #tpu.memory_space<hbm>> -> memref<16x128xi32, #tpu.memory_space<hbm>>
      %dma_wait3A_82 = arith.constant 0 : i32
      %dma_wait3A_83 = arith.constant 0 : i32
      %dma_wait3A_84 = tpu.memref_slice %arg6[%and3A_74, %dma_wait3A_82, %dma_wait3A_83] : memref<2x16x128xi32, #tpu.memory_space<vmem>> -> memref<1x16x128xi32, #tpu.memory_space<vmem>>
      %dma_wait3A_85 = tpu.memref_squeeze %dma_wait3A_84 : memref<1x16x128xi32, #tpu.memory_space<vmem>> -> memref<16x128xi32, #tpu.memory_space<vmem>>
      %dma_wait3A_86 = arith.constant 0 : i32
      %dma_wait3A_87 = arith.constant 0 : i32
      %dma_wait3A_88 = tpu.memref_slice %arg3[%dma_wait3A_86, %dma_wait3A_87] : memref<2560x128xi32, #tpu.memory_space<hbm>> -> memref<16x128xi32, #tpu.memory_space<hbm>>
      tpu.wait_dma2 semaphore(%arg11 : memref<!tpu.dma_semaphore, #tpu.memory_space<semaphore_mem>>) src(%dma_wait3A_88 : memref<16x128xi32, #tpu.memory_space<hbm>>) dst(%dma_wait3A_85 : memref<16x128xi32, #tpu.memory_space<vmem>>)
      %dma_wait3A_89 = arith.constant 0 : i32
      %dma_wait3A_90 = arith.constant 0 : i32
      %dma_wait3A_91 = tpu.memref_slice %arg7[%and3A_74, %dma_wait3A_89, %dma_wait3A_90] : memref<2x16x128xi32, #tpu.memory_space<vmem>> -> memref<1x16x128xi32, #tpu.memory_space<vmem>>
      %dma_wait3A_92 = tpu.memref_squeeze %dma_wait3A_91 : memref<1x16x128xi32, #tpu.memory_space<vmem>> -> memref<16x128xi32, #tpu.memory_space<vmem>>
      %dma_wait3A_93 = arith.constant 0 : i32
      %dma_wait3A_94 = arith.constant 0 : i32
      %dma_wait3A_95 = tpu.memref_slice %arg4[%dma_wait3A_93, %dma_wait3A_94] : memref<2560x128xi32, #tpu.memory_space<hbm>> -> memref<16x128xi32, #tpu.memory_space<hbm>>
      %dma_wait3A_96 = arith.constant 0 : i32
      %dma_wait3A_97 = arith.constant 0 : i32
      %dma_wait3A_98 = tpu.memref_slice %arg7[%and3A_74, %dma_wait3A_96, %dma_wait3A_97] : memref<2x16x128xi32, #tpu.memory_space<vmem>> -> memref<1x16x128xi32, #tpu.memory_space<vmem>>
      %dma_wait3A_99 = tpu.memref_squeeze %dma_wait3A_98 : memref<1x16x128xi32, #tpu.memory_space<vmem>> -> memref<16x128xi32, #tpu.memory_space<vmem>>
      %dma_wait3A_100 = arith.constant 0 : i32
      %dma_wait3A_101 = arith.constant 0 : i32
      %dma_wait3A_102 = tpu.memref_slice %arg4[%dma_wait3A_100, %dma_wait3A_101] : memref<2560x128xi32, #tpu.memory_space<hbm>> -> memref<16x128xi32, #tpu.memory_space<hbm>>
      tpu.wait_dma2 semaphore(%arg11 : memref<!tpu.dma_semaphore, #tpu.memory_space<semaphore_mem>>) src(%dma_wait3A_102 : memref<16x128xi32, #tpu.memory_space<hbm>>) dst(%dma_wait3A_99 : memref<16x128xi32, #tpu.memory_space<vmem>>)
      %add3A_103 = arith.constant 1 : i32
      %add3A_104 = arith.addi %scan3A_72, %add3A_103 : i32
      %lt3A = arith.constant 10 : i32
      %lt3A_105 = arith.cmpi slt, %add3A_104, %lt3A : i32
      %convert_element_type3A = arith.extui %lt3A_105 : i1 to i32
      %cond3A = arith.constant 0 : i32
      %cond3A_106 = arith.cmpi ne, %convert_element_type3A, %cond3A : i32
      scf.if %cond3A_106 {
        %add3A_899 = arith.constant 1 : i32
        %add3A_900 = arith.addi %scan3A_72, %add3A_899 : i32
        %sub3A = arith.constant 1 : i32
        %sub3A_901 = arith.subi %sub3A, %and3A_74 : i32
        %mul3A_902 = arith.constant 160 : i32
        %mul3A_903 = arith.muli %arg1, %mul3A_902 : i32
        %mul3A_904 = arith.constant 16 : i32
        %mul3A_905 = arith.muli %add3A_900, %mul3A_904 : i32
        %add3A_906 = arith.addi %mul3A_903, %mul3A_905 : i32
        %dma_start3A_907 = arith.constant 0 : i32
        %dma_start3A_908 = arith.constant 0 : i32
        %dma_start3A_909 = tpu.memref_slice %arg6[%sub3A_901, %dma_start3A_907, %dma_start3A_908] : memref<2x16x128xi32, #tpu.memory_space<vmem>> -> memref<1x16x128xi32, #tpu.memory_space<vmem>>
        %dma_start3A_910 = tpu.memref_squeeze %dma_start3A_909 : memref<1x16x128xi32, #tpu.memory_space<vmem>> -> memref<16x128xi32, #tpu.memory_space<vmem>>
        %dma_start3A_911 = arith.constant 0 : i32
        %dma_start3A_912 = tpu.memref_slice %arg3[%add3A_906, %dma_start3A_911] : memref<2560x128xi32, #tpu.memory_space<hbm>> -> memref<16x128xi32, #tpu.memory_space<hbm>>
        %dma_start3A_913 = arith.constant 0 : i32
        %dma_start3A_914 = arith.constant 0 : i32
        %dma_start3A_915 = tpu.memref_slice %arg6[%sub3A_901, %dma_start3A_913, %dma_start3A_914] : memref<2x16x128xi32, #tpu.memory_space<vmem>> -> memref<1x16x128xi32, #tpu.memory_space<vmem>>
        %dma_start3A_916 = tpu.memref_squeeze %dma_start3A_915 : memref<1x16x128xi32, #tpu.memory_space<vmem>> -> memref<16x128xi32, #tpu.memory_space<vmem>>
        %dma_start3A_917 = arith.constant 0 : i32
        %dma_start3A_918 = tpu.memref_slice %arg3[%add3A_906, %dma_start3A_917] : memref<2560x128xi32, #tpu.memory_space<hbm>> -> memref<16x128xi32, #tpu.memory_space<hbm>>
        tpu.enqueue_dma source(%dma_start3A_918 : memref<16x128xi32, #tpu.memory_space<hbm>>) target(%dma_start3A_916 : memref<16x128xi32, #tpu.memory_space<vmem>>) target_semaphore(%arg11 : memref<!tpu.dma_semaphore, #tpu.memory_space<semaphore_mem>>)
        %dma_start3A_919 = arith.constant 0 : i32
        %dma_start3A_920 = arith.constant 0 : i32
        %dma_start3A_921 = tpu.memref_slice %arg7[%sub3A_901, %dma_start3A_919, %dma_start3A_920] : memref<2x16x128xi32, #tpu.memory_space<vmem>> -> memref<1x16x128xi32, #tpu.memory_space<vmem>>
        %dma_start3A_922 = tpu.memref_squeeze %dma_start3A_921 : memref<1x16x128xi32, #tpu.memory_space<vmem>> -> memref<16x128xi32, #tpu.memory_space<vmem>>
        %dma_start3A_923 = arith.constant 0 : i32
        %dma_start3A_924 = tpu.memref_slice %arg4[%add3A_906, %dma_start3A_923] : memref<2560x128xi32, #tpu.memory_space<hbm>> -> memref<16x128xi32, #tpu.memory_space<hbm>>
        %dma_start3A_925 = arith.constant 0 : i32
        %dma_start3A_926 = arith.constant 0 : i32
        %dma_start3A_927 = tpu.memref_slice %arg7[%sub3A_901, %dma_start3A_925, %dma_start3A_926] : memref<2x16x128xi32, #tpu.memory_space<vmem>> -> memref<1x16x128xi32, #tpu.memory_space<vmem>>
        %dma_start3A_928 = tpu.memref_squeeze %dma_start3A_927 : memref<1x16x128xi32, #tpu.memory_space<vmem>> -> memref<16x128xi32, #tpu.memory_space<vmem>>
        %dma_start3A_929 = arith.constant 0 : i32
        %dma_start3A_930 = tpu.memref_slice %arg4[%add3A_906, %dma_start3A_929] : memref<2560x128xi32, #tpu.memory_space<hbm>> -> memref<16x128xi32, #tpu.memory_space<hbm>>
        tpu.enqueue_dma source(%dma_start3A_930 : memref<16x128xi32, #tpu.memory_space<hbm>>) target(%dma_start3A_928 : memref<16x128xi32, #tpu.memory_space<vmem>>) target_semaphore(%arg11 : memref<!tpu.dma_semaphore, #tpu.memory_space<semaphore_mem>>)
      } else {
      }
      %dma_start3A_107 = arith.constant 0 : i32
      %dma_start3A_108 = arith.constant 0 : i32
      %dma_start3A_109 = arith.constant 0 : i32
      %dma_start3A_110 = arith.constant 0 : i32
      %dma_start3A_111 = tpu.memref_slice %arg8[%dma_start3A_108, %dma_start3A_109, %dma_start3A_110] : memref<4x128x64xf32, #tpu.memory_space<vmem>> -> memref<1x128x64xf32, #tpu.memory_space<vmem>>
      %dma_start3A_112 = tpu.memref_squeeze %dma_start3A_111 : memref<1x128x64xf32, #tpu.memory_space<vmem>> -> memref<128x64xf32, #tpu.memory_space<vmem>>
      %dma_start3A_113 = arith.constant 0 : i32
      %dma_start3A_114 = tpu.memref_slice %arg6[%and3A_74, %dma_start3A_107, %dma_start3A_113] : memref<2x16x128xi32, #tpu.memory_space<vmem>> -> memref<1x1x128xi32, #tpu.memory_space<vmem>>
      %dma_start3A_115 = tpu.memref_squeeze %dma_start3A_114 : memref<1x1x128xi32, #tpu.memory_space<vmem>> -> memref<128xi32, #tpu.memory_space<vmem>>
      %dma_start3A_116 = arith.constant 0 : i32
      %dma_start3A_117 = arith.constant 0 : i32
      %dma_start3A_118 = tpu.memref_slice %arg9[%dma_start3A_116, %dma_start3A_117] : memref<10240x64xf32, #tpu.memory_space<vmem_shared>> -> memref<10240x64xf32, #tpu.memory_space<vmem_shared>>
      tpu.enqueue_indirect_dma source(%dma_start3A_118 : memref<10240x64xf32, #tpu.memory_space<vmem_shared>>) target(%dma_start3A_112 : memref<128x64xf32, #tpu.memory_space<vmem>>) offsets(%dma_start3A_115 : memref<128xi32, #tpu.memory_space<vmem>>) semaphore(%arg12 : memref<!tpu.dma_semaphore, #tpu.memory_space<semaphore_mem>>)
      %dma_start3A_119 = arith.constant 1 : i32
      %dma_start3A_120 = arith.constant 1 : i32
      %dma_start3A_121 = arith.constant 0 : i32
      %dma_start3A_122 = arith.constant 0 : i32
      %dma_start3A_123 = tpu.memref_slice %arg8[%dma_start3A_120, %dma_start3A_121, %dma_start3A_122] : memref<4x128x64xf32, #tpu.memory_space<vmem>> -> memref<1x128x64xf32, #tpu.memory_space<vmem>>
      %dma_start3A_124 = tpu.memref_squeeze %dma_start3A_123 : memref<1x128x64xf32, #tpu.memory_space<vmem>> -> memref<128x64xf32, #tpu.memory_space<vmem>>
      %dma_start3A_125 = arith.constant 0 : i32
      %dma_start3A_126 = tpu.memref_slice %arg6[%and3A_74, %dma_start3A_119, %dma_start3A_125] : memref<2x16x128xi32, #tpu.memory_space<vmem>> -> memref<1x1x128xi32, #tpu.memory_space<vmem>>
      %dma_start3A_127 = tpu.memref_squeeze %dma_start3A_126 : memref<1x1x128xi32, #tpu.memory_space<vmem>> -> memref<128xi32, #tpu.memory_space<vmem>>
      %dma_start3A_128 = arith.constant 0 : i32
      %dma_start3A_129 = arith.constant 0 : i32
      %dma_start3A_130 = tpu.memref_slice %arg9[%dma_start3A_128, %dma_start3A_129] : memref<10240x64xf32, #tpu.memory_space<vmem_shared>> -> memref<10240x64xf32, #tpu.memory_space<vmem_shared>>
      tpu.enqueue_indirect_dma source(%dma_start3A_130 : memref<10240x64xf32, #tpu.memory_space<vmem_shared>>) target(%dma_start3A_124 : memref<128x64xf32, #tpu.memory_space<vmem>>) offsets(%dma_start3A_127 : memref<128xi32, #tpu.memory_space<vmem>>) semaphore(%arg12 : memref<!tpu.dma_semaphore, #tpu.memory_space<semaphore_mem>>)
      %dma_start3A_131 = arith.constant 2 : i32
      %dma_start3A_132 = arith.constant 2 : i32
      %dma_start3A_133 = arith.constant 0 : i32
      %dma_start3A_134 = arith.constant 0 : i32
      %dma_start3A_135 = tpu.memref_slice %arg8[%dma_start3A_132, %dma_start3A_133, %dma_start3A_134] : memref<4x128x64xf32, #tpu.memory_space<vmem>> -> memref<1x128x64xf32, #tpu.memory_space<vmem>>
      %dma_start3A_136 = tpu.memref_squeeze %dma_start3A_135 : memref<1x128x64xf32, #tpu.memory_space<vmem>> -> memref<128x64xf32, #tpu.memory_space<vmem>>
      %dma_start3A_137 = arith.constant 0 : i32
      %dma_start3A_138 = tpu.memref_slice %arg6[%and3A_74, %dma_start3A_131, %dma_start3A_137] : memref<2x16x128xi32, #tpu.memory_space<vmem>> -> memref<1x1x128xi32, #tpu.memory_space<vmem>>
      %dma_start3A_139 = tpu.memref_squeeze %dma_start3A_138 : memref<1x1x128xi32, #tpu.memory_space<vmem>> -> memref<128xi32, #tpu.memory_space<vmem>>
      %dma_start3A_140 = arith.constant 0 : i32
      %dma_start3A_141 = arith.constant 0 : i32
      %dma_start3A_142 = tpu.memref_slice %arg9[%dma_start3A_140, %dma_start3A_141] : memref<10240x64xf32, #tpu.memory_space<vmem_shared>> -> memref<10240x64xf32, #tpu.memory_space<vmem_shared>>
      tpu.enqueue_indirect_dma source(%dma_start3A_142 : memref<10240x64xf32, #tpu.memory_space<vmem_shared>>) target(%dma_start3A_136 : memref<128x64xf32, #tpu.memory_space<vmem>>) offsets(%dma_start3A_139 : memref<128xi32, #tpu.memory_space<vmem>>) semaphore(%arg12 : memref<!tpu.dma_semaphore, #tpu.memory_space<semaphore_mem>>)
      %ge3A = arith.constant 1 : i32
      %ge3A_143 = arith.cmpi sge, %scan3A_72, %ge3A : i32
      %convert_element_type3A_144 = arith.extui %ge3A_143 : i1 to i32
      %cond3A_145 = arith.constant 0 : i32
      %cond3A_146 = arith.cmpi ne, %convert_element_type3A_144, %cond3A_145 : i32
      scf.if %cond3A_146 {
        %dma_wait3A_899 = arith.constant 0 : i32
        %dma_wait3A_900 = arith.constant 0 : i32
        %dma_wait3A_901 = arith.constant 0 : i32
        %dma_wait3A_902 = arith.constant 0 : i32
        %dma_wait3A_903 = arith.constant 0 : i32
        %dma_wait3A_904 = tpu.memref_slice %arg8[%dma_wait3A_899, %dma_wait3A_902, %dma_wait3A_903] : memref<4x128x64xf32, #tpu.memory_space<vmem>> -> memref<1x128x64xf32, #tpu.memory_space<vmem>>
        %dma_wait3A_905 = tpu.memref_squeeze %dma_wait3A_904 : memref<1x128x64xf32, #tpu.memory_space<vmem>> -> memref<128x64xf32, #tpu.memory_space<vmem>>
        %dma_wait3A_906 = arith.constant 0 : i32
        %dma_wait3A_907 = tpu.memref_slice %arg7[%dma_wait3A_900, %dma_wait3A_901, %dma_wait3A_906] : memref<2x16x128xi32, #tpu.memory_space<vmem>> -> memref<1x1x128xi32, #tpu.memory_space<vmem>>
        %dma_wait3A_908 = tpu.memref_squeeze %dma_wait3A_907 : memref<1x1x128xi32, #tpu.memory_space<vmem>> -> memref<128xi32, #tpu.memory_space<vmem>>
        %dma_wait3A_909 = arith.constant 0 : i32
        %dma_wait3A_910 = arith.constant 0 : i32
        %dma_wait3A_911 = tpu.memref_slice %arg10[%dma_wait3A_909, %dma_wait3A_910] : memref<10240x64xf32, #tpu.memory_space<vmem_shared>> -> memref<10240x64xf32, #tpu.memory_space<vmem_shared>>
        tpu.wait_indirect_dma semaphore(%arg13 : memref<!tpu.dma_semaphore, #tpu.memory_space<semaphore_mem>>) src(%dma_wait3A_905 : memref<128x64xf32, #tpu.memory_space<vmem>>) dst(%dma_wait3A_911 : memref<10240x64xf32, #tpu.memory_space<vmem_shared>>)
      } else {
      }
      %dma_start3A_147 = arith.constant 3 : i32
      %dma_start3A_148 = arith.constant 3 : i32
      %dma_start3A_149 = arith.constant 0 : i32
      %dma_start3A_150 = arith.constant 0 : i32
      %dma_start3A_151 = tpu.memref_slice %arg8[%dma_start3A_148, %dma_start3A_149, %dma_start3A_150] : memref<4x128x64xf32, #tpu.memory_space<vmem>> -> memref<1x128x64xf32, #tpu.memory_space<vmem>>
      %dma_start3A_152 = tpu.memref_squeeze %dma_start3A_151 : memref<1x128x64xf32, #tpu.memory_space<vmem>> -> memref<128x64xf32, #tpu.memory_space<vmem>>
      %dma_start3A_153 = arith.constant 0 : i32
      %dma_start3A_154 = tpu.memref_slice %arg6[%and3A_74, %dma_start3A_147, %dma_start3A_153] : memref<2x16x128xi32, #tpu.memory_space<vmem>> -> memref<1x1x128xi32, #tpu.memory_space<vmem>>
      %dma_start3A_155 = tpu.memref_squeeze %dma_start3A_154 : memref<1x1x128xi32, #tpu.memory_space<vmem>> -> memref<128xi32, #tpu.memory_space<vmem>>
      %dma_start3A_156 = arith.constant 0 : i32
      %dma_start3A_157 = arith.constant 0 : i32
      %dma_start3A_158 = tpu.memref_slice %arg9[%dma_start3A_156, %dma_start3A_157] : memref<10240x64xf32, #tpu.memory_space<vmem_shared>> -> memref<10240x64xf32, #tpu.memory_space<vmem_shared>>
      tpu.enqueue_indirect_dma source(%dma_start3A_158 : memref<10240x64xf32, #tpu.memory_space<vmem_shared>>) target(%dma_start3A_152 : memref<128x64xf32, #tpu.memory_space<vmem>>) offsets(%dma_start3A_155 : memref<128xi32, #tpu.memory_space<vmem>>) semaphore(%arg12 : memref<!tpu.dma_semaphore, #tpu.memory_space<semaphore_mem>>)
      %dma_wait3A_159 = arith.constant 0 : i32
      %dma_wait3A_160 = arith.constant 0 : i32
      %dma_wait3A_161 = arith.constant 0 : i32
      %dma_wait3A_162 = arith.constant 0 : i32
      %dma_wait3A_163 = arith.constant 0 : i32
      %dma_wait3A_164 = tpu.memref_slice %arg8[%dma_wait3A_161, %dma_wait3A_162, %dma_wait3A_163] : memref<4x128x64xf32, #tpu.memory_space<vmem>> -> memref<1x128x64xf32, #tpu.memory_space<vmem>>
      %dma_wait3A_165 = tpu.memref_squeeze %dma_wait3A_164 : memref<1x128x64xf32, #tpu.memory_space<vmem>> -> memref<128x64xf32, #tpu.memory_space<vmem>>
      %dma_wait3A_166 = arith.constant 0 : i32
      %dma_wait3A_167 = tpu.memref_slice %arg6[%dma_wait3A_159, %dma_wait3A_160, %dma_wait3A_166] : memref<2x16x128xi32, #tpu.memory_space<vmem>> -> memref<1x1x128xi32, #tpu.memory_space<vmem>>
      %dma_wait3A_168 = tpu.memref_squeeze %dma_wait3A_167 : memref<1x1x128xi32, #tpu.memory_space<vmem>> -> memref<128xi32, #tpu.memory_space<vmem>>
      %dma_wait3A_169 = arith.constant 0 : i32
      %dma_wait3A_170 = arith.constant 0 : i32
      %dma_wait3A_171 = tpu.memref_slice %arg9[%dma_wait3A_169, %dma_wait3A_170] : memref<10240x64xf32, #tpu.memory_space<vmem_shared>> -> memref<10240x64xf32, #tpu.memory_space<vmem_shared>>
      tpu.wait_indirect_dma semaphore(%arg12 : memref<!tpu.dma_semaphore, #tpu.memory_space<semaphore_mem>>) src(%dma_wait3A_171 : memref<10240x64xf32, #tpu.memory_space<vmem_shared>>) dst(%dma_wait3A_165 : memref<128x64xf32, #tpu.memory_space<vmem>>)
      %dma_start3A_172 = arith.constant 0 : i32
      %dma_start3A_173 = arith.constant 0 : i32
      %dma_start3A_174 = arith.constant 0 : i32
      %dma_start3A_175 = arith.constant 0 : i32
      %dma_start3A_176 = tpu.memref_slice %arg8[%dma_start3A_172, %dma_start3A_174, %dma_start3A_175] : memref<4x128x64xf32, #tpu.memory_space<vmem>> -> memref<1x128x64xf32, #tpu.memory_space<vmem>>
      %dma_start3A_177 = tpu.memref_squeeze %dma_start3A_176 : memref<1x128x64xf32, #tpu.memory_space<vmem>> -> memref<128x64xf32, #tpu.memory_space<vmem>>
      %dma_start3A_178 = arith.constant 0 : i32
      %dma_start3A_179 = tpu.memref_slice %arg7[%and3A_74, %dma_start3A_173, %dma_start3A_178] : memref<2x16x128xi32, #tpu.memory_space<vmem>> -> memref<1x1x128xi32, #tpu.memory_space<vmem>>
      %dma_start3A_180 = tpu.memref_squeeze %dma_start3A_179 : memref<1x1x128xi32, #tpu.memory_space<vmem>> -> memref<128xi32, #tpu.memory_space<vmem>>
      %dma_start3A_181 = arith.constant 0 : i32
      %dma_start3A_182 = arith.constant 0 : i32
      %dma_start3A_183 = tpu.memref_slice %arg10[%dma_start3A_181, %dma_start3A_182] : memref<10240x64xf32, #tpu.memory_space<vmem_shared>> -> memref<10240x64xf32, #tpu.memory_space<vmem_shared>>
      tpu.enqueue_indirect_dma source(%dma_start3A_177 : memref<128x64xf32, #tpu.memory_space<vmem>>) target(%dma_start3A_183 : memref<10240x64xf32, #tpu.memory_space<vmem_shared>>) offsets(%dma_start3A_180 : memref<128xi32, #tpu.memory_space<vmem>>) semaphore(%arg13 : memref<!tpu.dma_semaphore, #tpu.memory_space<semaphore_mem>>) {add = true}
      %dma_wait3A_184 = arith.constant 0 : i32
      %dma_wait3A_185 = arith.constant 0 : i32
      %dma_wait3A_186 = arith.constant 0 : i32
      %dma_wait3A_187 = arith.constant 0 : i32
      %dma_wait3A_188 = arith.constant 0 : i32
      %dma_wait3A_189 = tpu.memref_slice %arg8[%dma_wait3A_184, %dma_wait3A_187, %dma_wait3A_188] : memref<4x128x64xf32, #tpu.memory_space<vmem>> -> memref<1x128x64xf32, #tpu.memory_space<vmem>>
      %dma_wait3A_190 = tpu.memref_squeeze %dma_wait3A_189 : memref<1x128x64xf32, #tpu.memory_space<vmem>> -> memref<128x64xf32, #tpu.memory_space<vmem>>
      %dma_wait3A_191 = arith.constant 0 : i32
      %dma_wait3A_192 = tpu.memref_slice %arg7[%dma_wait3A_185, %dma_wait3A_186, %dma_wait3A_191] : memref<2x16x128xi32, #tpu.memory_space<vmem>> -> memref<1x1x128xi32, #tpu.memory_space<vmem>>
      %dma_wait3A_193 = tpu.memref_squeeze %dma_wait3A_192 : memref<1x1x128xi32, #tpu.memory_space<vmem>> -> memref<128xi32, #tpu.memory_space<vmem>>
      %dma_wait3A_194 = arith.constant 0 : i32
      %dma_wait3A_195 = arith.constant 0 : i32
      %dma_wait3A_196 = tpu.memref_slice %arg10[%dma_wait3A_194, %dma_wait3A_195] : memref<10240x64xf32, #tpu.memory_space<vmem_shared>> -> memref<10240x64xf32, #tpu.memory_space<vmem_shared>>
      tpu.wait_indirect_dma semaphore(%arg13 : memref<!tpu.dma_semaphore, #tpu.memory_space<semaphore_mem>>) src(%dma_wait3A_190 : memref<128x64xf32, #tpu.memory_space<vmem>>) dst(%dma_wait3A_196 : memref<10240x64xf32, #tpu.memory_space<vmem_shared>>)
      %dma_start3A_197 = arith.constant 4 : i32
      %dma_start3A_198 = arith.constant 0 : i32
      %dma_start3A_199 = arith.constant 0 : i32
      %dma_start3A_200 = arith.constant 0 : i32
      %dma_start3A_201 = tpu.memref_slice %arg8[%dma_start3A_198, %dma_start3A_199, %dma_start3A_200] : memref<4x128x64xf32, #tpu.memory_space<vmem>> -> memref<1x128x64xf32, #tpu.memory_space<vmem>>
      %dma_start3A_202 = tpu.memref_squeeze %dma_start3A_201 : memref<1x128x64xf32, #tpu.memory_space<vmem>> -> memref<128x64xf32, #tpu.memory_space<vmem>>
      %dma_start3A_203 = arith.constant 0 : i32
      %dma_start3A_204 = tpu.memref_slice %arg6[%and3A_74, %dma_start3A_197, %dma_start3A_203] : memref<2x16x128xi32, #tpu.memory_space<vmem>> -> memref<1x1x128xi32, #tpu.memory_space<vmem>>
      %dma_start3A_205 = tpu.memref_squeeze %dma_start3A_204 : memref<1x1x128xi32, #tpu.memory_space<vmem>> -> memref<128xi32, #tpu.memory_space<vmem>>
      %dma_start3A_206 = arith.constant 0 : i32
      %dma_start3A_207 = arith.constant 0 : i32
      %dma_start3A_208 = tpu.memref_slice %arg9[%dma_start3A_206, %dma_start3A_207] : memref<10240x64xf32, #tpu.memory_space<vmem_shared>> -> memref<10240x64xf32, #tpu.memory_space<vmem_shared>>
      tpu.enqueue_indirect_dma source(%dma_start3A_208 : memref<10240x64xf32, #tpu.memory_space<vmem_shared>>) target(%dma_start3A_202 : memref<128x64xf32, #tpu.memory_space<vmem>>) offsets(%dma_start3A_205 : memref<128xi32, #tpu.memory_space<vmem>>) semaphore(%arg12 : memref<!tpu.dma_semaphore, #tpu.memory_space<semaphore_mem>>)
      %dma_wait3A_209 = arith.constant 0 : i32
      %dma_wait3A_210 = arith.constant 0 : i32
      %dma_wait3A_211 = arith.constant 1 : i32
      %dma_wait3A_212 = arith.constant 0 : i32
      %dma_wait3A_213 = arith.constant 0 : i32
      %dma_wait3A_214 = tpu.memref_slice %arg8[%dma_wait3A_211, %dma_wait3A_212, %dma_wait3A_213] : memref<4x128x64xf32, #tpu.memory_space<vmem>> -> memref<1x128x64xf32, #tpu.memory_space<vmem>>
      %dma_wait3A_215 = tpu.memref_squeeze %dma_wait3A_214 : memref<1x128x64xf32, #tpu.memory_space<vmem>> -> memref<128x64xf32, #tpu.memory_space<vmem>>
      %dma_wait3A_216 = arith.constant 0 : i32
      %dma_wait3A_217 = tpu.memref_slice %arg6[%dma_wait3A_209, %dma_wait3A_210, %dma_wait3A_216] : memref<2x16x128xi32, #tpu.memory_space<vmem>> -> memref<1x1x128xi32, #tpu.memory_space<vmem>>
      %dma_wait3A_218 = tpu.memref_squeeze %dma_wait3A_217 : memref<1x1x128xi32, #tpu.memory_space<vmem>> -> memref<128xi32, #tpu.memory_space<vmem>>
      %dma_wait3A_219 = arith.constant 0 : i32
      %dma_wait3A_220 = arith.constant 0 : i32
      %dma_wait3A_221 = tpu.memref_slice %arg9[%dma_wait3A_219, %dma_wait3A_220] : memref<10240x64xf32, #tpu.memory_space<vmem_shared>> -> memref<10240x64xf32, #tpu.memory_space<vmem_shared>>
      tpu.wait_indirect_dma semaphore(%arg12 : memref<!tpu.dma_semaphore, #tpu.memory_space<semaphore_mem>>) src(%dma_wait3A_221 : memref<10240x64xf32, #tpu.memory_space<vmem_shared>>) dst(%dma_wait3A_215 : memref<128x64xf32, #tpu.memory_space<vmem>>)
      %dma_start3A_222 = arith.constant 1 : i32
      %dma_start3A_223 = arith.constant 1 : i32
      %dma_start3A_224 = arith.constant 0 : i32
      %dma_start3A_225 = arith.constant 0 : i32
      %dma_start3A_226 = tpu.memref_slice %arg8[%dma_start3A_222, %dma_start3A_224, %dma_start3A_225] : memref<4x128x64xf32, #tpu.memory_space<vmem>> -> memref<1x128x64xf32, #tpu.memory_space<vmem>>
      %dma_start3A_227 = tpu.memref_squeeze %dma_start3A_226 : memref<1x128x64xf32, #tpu.memory_space<vmem>> -> memref<128x64xf32, #tpu.memory_space<vmem>>
      %dma_start3A_228 = arith.constant 0 : i32
      %dma_start3A_229 = tpu.memref_slice %arg7[%and3A_74, %dma_start3A_223, %dma_start3A_228] : memref<2x16x128xi32, #tpu.memory_space<vmem>> -> memref<1x1x128xi32, #tpu.memory_space<vmem>>
      %dma_start3A_230 = tpu.memref_squeeze %dma_start3A_229 : memref<1x1x128xi32, #tpu.memory_space<vmem>> -> memref<128xi32, #tpu.memory_space<vmem>>
      %dma_start3A_231 = arith.constant 0 : i32
      %dma_start3A_232 = arith.constant 0 : i32
      %dma_start3A_233 = tpu.memref_slice %arg10[%dma_start3A_231, %dma_start3A_232] : memref<10240x64xf32, #tpu.memory_space<vmem_shared>> -> memref<10240x64xf32, #tpu.memory_space<vmem_shared>>
      tpu.enqueue_indirect_dma source(%dma_start3A_227 : memref<128x64xf32, #tpu.memory_space<vmem>>) target(%dma_start3A_233 : memref<10240x64xf32, #tpu.memory_space<vmem_shared>>) offsets(%dma_start3A_230 : memref<128xi32, #tpu.memory_space<vmem>>) semaphore(%arg13 : memref<!tpu.dma_semaphore, #tpu.memory_space<semaphore_mem>>) {add = true}
      %dma_wait3A_234 = arith.constant 0 : i32
      %dma_wait3A_235 = arith.constant 0 : i32
      %dma_wait3A_236 = arith.constant 0 : i32
      %dma_wait3A_237 = arith.constant 0 : i32
      %dma_wait3A_238 = arith.constant 0 : i32
      %dma_wait3A_239 = tpu.memref_slice %arg8[%dma_wait3A_234, %dma_wait3A_237, %dma_wait3A_238] : memref<4x128x64xf32, #tpu.memory_space<vmem>> -> memref<1x128x64xf32, #tpu.memory_space<vmem>>
      %dma_wait3A_240 = tpu.memref_squeeze %dma_wait3A_239 : memref<1x128x64xf32, #tpu.memory_space<vmem>> -> memref<128x64xf32, #tpu.memory_space<vmem>>
      %dma_wait3A_241 = arith.constant 0 : i32
      %dma_wait3A_242 = tpu.memref_slice %arg7[%dma_wait3A_235, %dma_wait3A_236, %dma_wait3A_241] : memref<2x16x128xi32, #tpu.memory_space<vmem>> -> memref<1x1x128xi32, #tpu.memory_space<vmem>>
      %dma_wait3A_243 = tpu.memref_squeeze %dma_wait3A_242 : memref<1x1x128xi32, #tpu.memory_space<vmem>> -> memref<128xi32, #tpu.memory_space<vmem>>
      %dma_wait3A_244 = arith.constant 0 : i32
      %dma_wait3A_245 = arith.constant 0 : i32
      %dma_wait3A_246 = tpu.memref_slice %arg10[%dma_wait3A_244, %dma_wait3A_245] : memref<10240x64xf32, #tpu.memory_space<vmem_shared>> -> memref<10240x64xf32, #tpu.memory_space<vmem_shared>>
      tpu.wait_indirect_dma semaphore(%arg13 : memref<!tpu.dma_semaphore, #tpu.memory_space<semaphore_mem>>) src(%dma_wait3A_240 : memref<128x64xf32, #tpu.memory_space<vmem>>) dst(%dma_wait3A_246 : memref<10240x64xf32, #tpu.memory_space<vmem_shared>>)
      %dma_start3A_247 = arith.constant 5 : i32
      %dma_start3A_248 = arith.constant 1 : i32
      %dma_start3A_249 = arith.constant 0 : i32
      %dma_start3A_250 = arith.constant 0 : i32
      %dma_start3A_251 = tpu.memref_slice %arg8[%dma_start3A_248, %dma_start3A_249, %dma_start3A_250] : memref<4x128x64xf32, #tpu.memory_space<vmem>> -> memref<1x128x64xf32, #tpu.memory_space<vmem>>
      %dma_start3A_252 = tpu.memref_squeeze %dma_start3A_251 : memref<1x128x64xf32, #tpu.memory_space<vmem>> -> memref<128x64xf32, #tpu.memory_space<vmem>>
      %dma_start3A_253 = arith.constant 0 : i32
      %dma_start3A_254 = tpu.memref_slice %arg6[%and3A_74, %dma_start3A_247, %dma_start3A_253] : memref<2x16x128xi32, #tpu.memory_space<vmem>> -> memref<1x1x128xi32, #tpu.memory_space<vmem>>
      %dma_start3A_255 = tpu.memref_squeeze %dma_start3A_254 : memref<1x1x128xi32, #tpu.memory_space<vmem>> -> memref<128xi32, #tpu.memory_space<vmem>>
      %dma_start3A_256 = arith.constant 0 : i32
      %dma_start3A_257 = arith.constant 0 : i32
      %dma_start3A_258 = tpu.memref_slice %arg9[%dma_start3A_256, %dma_start3A_257] : memref<10240x64xf32, #tpu.memory_space<vmem_shared>> -> memref<10240x64xf32, #tpu.memory_space<vmem_shared>>
      tpu.enqueue_indirect_dma source(%dma_start3A_258 : memref<10240x64xf32, #tpu.memory_space<vmem_shared>>) target(%dma_start3A_252 : memref<128x64xf32, #tpu.memory_space<vmem>>) offsets(%dma_start3A_255 : memref<128xi32, #tpu.memory_space<vmem>>) semaphore(%arg12 : memref<!tpu.dma_semaphore, #tpu.memory_space<semaphore_mem>>)
      %dma_wait3A_259 = arith.constant 0 : i32
      %dma_wait3A_260 = arith.constant 0 : i32
      %dma_wait3A_261 = arith.constant 2 : i32
      %dma_wait3A_262 = arith.constant 0 : i32
      %dma_wait3A_263 = arith.constant 0 : i32
      %dma_wait3A_264 = tpu.memref_slice %arg8[%dma_wait3A_261, %dma_wait3A_262, %dma_wait3A_263] : memref<4x128x64xf32, #tpu.memory_space<vmem>> -> memref<1x128x64xf32, #tpu.memory_space<vmem>>
      %dma_wait3A_265 = tpu.memref_squeeze %dma_wait3A_264 : memref<1x128x64xf32, #tpu.memory_space<vmem>> -> memref<128x64xf32, #tpu.memory_space<vmem>>
      %dma_wait3A_266 = arith.constant 0 : i32
      %dma_wait3A_267 = tpu.memref_slice %arg6[%dma_wait3A_259, %dma_wait3A_260, %dma_wait3A_266] : memref<2x16x128xi32, #tpu.memory_space<vmem>> -> memref<1x1x128xi32, #tpu.memory_space<vmem>>
      %dma_wait3A_268 = tpu.memref_squeeze %dma_wait3A_267 : memref<1x1x128xi32, #tpu.memory_space<vmem>> -> memref<128xi32, #tpu.memory_space<vmem>>
      %dma_wait3A_269 = arith.constant 0 : i32
      %dma_wait3A_270 = arith.constant 0 : i32
      %dma_wait3A_271 = tpu.memref_slice %arg9[%dma_wait3A_269, %dma_wait3A_270] : memref<10240x64xf32, #tpu.memory_space<vmem_shared>> -> memref<10240x64xf32, #tpu.memory_space<vmem_shared>>
      tpu.wait_indirect_dma semaphore(%arg12 : memref<!tpu.dma_semaphore, #tpu.memory_space<semaphore_mem>>) src(%dma_wait3A_271 : memref<10240x64xf32, #tpu.memory_space<vmem_shared>>) dst(%dma_wait3A_265 : memref<128x64xf32, #tpu.memory_space<vmem>>)
      %dma_start3A_272 = arith.constant 2 : i32
      %dma_start3A_273 = arith.constant 2 : i32
      %dma_start3A_274 = arith.constant 0 : i32
      %dma_start3A_275 = arith.constant 0 : i32
      %dma_start3A_276 = tpu.memref_slice %arg8[%dma_start3A_272, %dma_start3A_274, %dma_start3A_275] : memref<4x128x64xf32, #tpu.memory_space<vmem>> -> memref<1x128x64xf32, #tpu.memory_space<vmem>>
      %dma_start3A_277 = tpu.memref_squeeze %dma_start3A_276 : memref<1x128x64xf32, #tpu.memory_space<vmem>> -> memref<128x64xf32, #tpu.memory_space<vmem>>
      %dma_start3A_278 = arith.constant 0 : i32
      %dma_start3A_279 = tpu.memref_slice %arg7[%and3A_74, %dma_start3A_273, %dma_start3A_278] : memref<2x16x128xi32, #tpu.memory_space<vmem>> -> memref<1x1x128xi32, #tpu.memory_space<vmem>>
      %dma_start3A_280 = tpu.memref_squeeze %dma_start3A_279 : memref<1x1x128xi32, #tpu.memory_space<vmem>> -> memref<128xi32, #tpu.memory_space<vmem>>
      %dma_start3A_281 = arith.constant 0 : i32
      %dma_start3A_282 = arith.constant 0 : i32
      %dma_start3A_283 = tpu.memref_slice %arg10[%dma_start3A_281, %dma_start3A_282] : memref<10240x64xf32, #tpu.memory_space<vmem_shared>> -> memref<10240x64xf32, #tpu.memory_space<vmem_shared>>
      tpu.enqueue_indirect_dma source(%dma_start3A_277 : memref<128x64xf32, #tpu.memory_space<vmem>>) target(%dma_start3A_283 : memref<10240x64xf32, #tpu.memory_space<vmem_shared>>) offsets(%dma_start3A_280 : memref<128xi32, #tpu.memory_space<vmem>>) semaphore(%arg13 : memref<!tpu.dma_semaphore, #tpu.memory_space<semaphore_mem>>) {add = true}
      %dma_wait3A_284 = arith.constant 0 : i32
      %dma_wait3A_285 = arith.constant 0 : i32
      %dma_wait3A_286 = arith.constant 0 : i32
      %dma_wait3A_287 = arith.constant 0 : i32
      %dma_wait3A_288 = arith.constant 0 : i32
      %dma_wait3A_289 = tpu.memref_slice %arg8[%dma_wait3A_284, %dma_wait3A_287, %dma_wait3A_288] : memref<4x128x64xf32, #tpu.memory_space<vmem>> -> memref<1x128x64xf32, #tpu.memory_space<vmem>>
      %dma_wait3A_290 = tpu.memref_squeeze %dma_wait3A_289 : memref<1x128x64xf32, #tpu.memory_space<vmem>> -> memref<128x64xf32, #tpu.memory_space<vmem>>
      %dma_wait3A_291 = arith.constant 0 : i32
      %dma_wait3A_292 = tpu.memref_slice %arg7[%dma_wait3A_285, %dma_wait3A_286, %dma_wait3A_291] : memref<2x16x128xi32, #tpu.memory_space<vmem>> -> memref<1x1x128xi32, #tpu.memory_space<vmem>>
      %dma_wait3A_293 = tpu.memref_squeeze %dma_wait3A_292 : memref<1x1x128xi32, #tpu.memory_space<vmem>> -> memref<128xi32, #tpu.memory_space<vmem>>
      %dma_wait3A_294 = arith.constant 0 : i32
      %dma_wait3A_295 = arith.constant 0 : i32
      %dma_wait3A_296 = tpu.memref_slice %arg10[%dma_wait3A_294, %dma_wait3A_295] : memref<10240x64xf32, #tpu.memory_space<vmem_shared>> -> memref<10240x64xf32, #tpu.memory_space<vmem_shared>>
      tpu.wait_indirect_dma semaphore(%arg13 : memref<!tpu.dma_semaphore, #tpu.memory_space<semaphore_mem>>) src(%dma_wait3A_290 : memref<128x64xf32, #tpu.memory_space<vmem>>) dst(%dma_wait3A_296 : memref<10240x64xf32, #tpu.memory_space<vmem_shared>>)
      %dma_start3A_297 = arith.constant 6 : i32
      %dma_start3A_298 = arith.constant 2 : i32
      %dma_start3A_299 = arith.constant 0 : i32
      %dma_start3A_300 = arith.constant 0 : i32
      %dma_start3A_301 = tpu.memref_slice %arg8[%dma_start3A_298, %dma_start3A_299, %dma_start3A_300] : memref<4x128x64xf32, #tpu.memory_space<vmem>> -> memref<1x128x64xf32, #tpu.memory_space<vmem>>
      %dma_start3A_302 = tpu.memref_squeeze %dma_start3A_301 : memref<1x128x64xf32, #tpu.memory_space<vmem>> -> memref<128x64xf32, #tpu.memory_space<vmem>>
      %dma_start3A_303 = arith.constant 0 : i32
      %dma_start3A_304 = tpu.memref_slice %arg6[%and3A_74, %dma_start3A_297, %dma_start3A_303] : memref<2x16x128xi32, #tpu.memory_space<vmem>> -> memref<1x1x128xi32, #tpu.memory_space<vmem>>
      %dma_start3A_305 = tpu.memref_squeeze %dma_start3A_304 : memref<1x1x128xi32, #tpu.memory_space<vmem>> -> memref<128xi32, #tpu.memory_space<vmem>>
      %dma_start3A_306 = arith.constant 0 : i32
      %dma_start3A_307 = arith.constant 0 : i32
      %dma_start3A_308 = tpu.memref_slice %arg9[%dma_start3A_306, %dma_start3A_307] : memref<10240x64xf32, #tpu.memory_space<vmem_shared>> -> memref<10240x64xf32, #tpu.memory_space<vmem_shared>>
      tpu.enqueue_indirect_dma source(%dma_start3A_308 : memref<10240x64xf32, #tpu.memory_space<vmem_shared>>) target(%dma_start3A_302 : memref<128x64xf32, #tpu.memory_space<vmem>>) offsets(%dma_start3A_305 : memref<128xi32, #tpu.memory_space<vmem>>) semaphore(%arg12 : memref<!tpu.dma_semaphore, #tpu.memory_space<semaphore_mem>>)
      %dma_wait3A_309 = arith.constant 0 : i32
      %dma_wait3A_310 = arith.constant 0 : i32
      %dma_wait3A_311 = arith.constant 3 : i32
      %dma_wait3A_312 = arith.constant 0 : i32
      %dma_wait3A_313 = arith.constant 0 : i32
      %dma_wait3A_314 = tpu.memref_slice %arg8[%dma_wait3A_311, %dma_wait3A_312, %dma_wait3A_313] : memref<4x128x64xf32, #tpu.memory_space<vmem>> -> memref<1x128x64xf32, #tpu.memory_space<vmem>>
      %dma_wait3A_315 = tpu.memref_squeeze %dma_wait3A_314 : memref<1x128x64xf32, #tpu.memory_space<vmem>> -> memref<128x64xf32, #tpu.memory_space<vmem>>
      %dma_wait3A_316 = arith.constant 0 : i32
      %dma_wait3A_317 = tpu.memref_slice %arg6[%dma_wait3A_309, %dma_wait3A_310, %dma_wait3A_316] : memref<2x16x128xi32, #tpu.memory_space<vmem>> -> memref<1x1x128xi32, #tpu.memory_space<vmem>>
      %dma_wait3A_318 = tpu.memref_squeeze %dma_wait3A_317 : memref<1x1x128xi32, #tpu.memory_space<vmem>> -> memref<128xi32, #tpu.memory_space<vmem>>
      %dma_wait3A_319 = arith.constant 0 : i32
      %dma_wait3A_320 = arith.constant 0 : i32
      %dma_wait3A_321 = tpu.memref_slice %arg9[%dma_wait3A_319, %dma_wait3A_320] : memref<10240x64xf32, #tpu.memory_space<vmem_shared>> -> memref<10240x64xf32, #tpu.memory_space<vmem_shared>>
      tpu.wait_indirect_dma semaphore(%arg12 : memref<!tpu.dma_semaphore, #tpu.memory_space<semaphore_mem>>) src(%dma_wait3A_321 : memref<10240x64xf32, #tpu.memory_space<vmem_shared>>) dst(%dma_wait3A_315 : memref<128x64xf32, #tpu.memory_space<vmem>>)
      %dma_start3A_322 = arith.constant 3 : i32
      %dma_start3A_323 = arith.constant 3 : i32
      %dma_start3A_324 = arith.constant 0 : i32
      %dma_start3A_325 = arith.constant 0 : i32
      %dma_start3A_326 = tpu.memref_slice %arg8[%dma_start3A_322, %dma_start3A_324, %dma_start3A_325] : memref<4x128x64xf32, #tpu.memory_space<vmem>> -> memref<1x128x64xf32, #tpu.memory_space<vmem>>
      %dma_start3A_327 = tpu.memref_squeeze %dma_start3A_326 : memref<1x128x64xf32, #tpu.memory_space<vmem>> -> memref<128x64xf32, #tpu.memory_space<vmem>>
      %dma_start3A_328 = arith.constant 0 : i32
      %dma_start3A_329 = tpu.memref_slice %arg7[%and3A_74, %dma_start3A_323, %dma_start3A_328] : memref<2x16x128xi32, #tpu.memory_space<vmem>> -> memref<1x1x128xi32, #tpu.memory_space<vmem>>
      %dma_start3A_330 = tpu.memref_squeeze %dma_start3A_329 : memref<1x1x128xi32, #tpu.memory_space<vmem>> -> memref<128xi32, #tpu.memory_space<vmem>>
      %dma_start3A_331 = arith.constant 0 : i32
      %dma_start3A_332 = arith.constant 0 : i32
      %dma_start3A_333 = tpu.memref_slice %arg10[%dma_start3A_331, %dma_start3A_332] : memref<10240x64xf32, #tpu.memory_space<vmem_shared>> -> memref<10240x64xf32, #tpu.memory_space<vmem_shared>>
      tpu.enqueue_indirect_dma source(%dma_start3A_327 : memref<128x64xf32, #tpu.memory_space<vmem>>) target(%dma_start3A_333 : memref<10240x64xf32, #tpu.memory_space<vmem_shared>>) offsets(%dma_start3A_330 : memref<128xi32, #tpu.memory_space<vmem>>) semaphore(%arg13 : memref<!tpu.dma_semaphore, #tpu.memory_space<semaphore_mem>>) {add = true}
      %dma_wait3A_334 = arith.constant 0 : i32
      %dma_wait3A_335 = arith.constant 0 : i32
      %dma_wait3A_336 = arith.constant 0 : i32
      %dma_wait3A_337 = arith.constant 0 : i32
      %dma_wait3A_338 = arith.constant 0 : i32
      %dma_wait3A_339 = tpu.memref_slice %arg8[%dma_wait3A_334, %dma_wait3A_337, %dma_wait3A_338] : memref<4x128x64xf32, #tpu.memory_space<vmem>> -> memref<1x128x64xf32, #tpu.memory_space<vmem>>
      %dma_wait3A_340 = tpu.memref_squeeze %dma_wait3A_339 : memref<1x128x64xf32, #tpu.memory_space<vmem>> -> memref<128x64xf32, #tpu.memory_space<vmem>>
      %dma_wait3A_341 = arith.constant 0 : i32
      %dma_wait3A_342 = tpu.memref_slice %arg7[%dma_wait3A_335, %dma_wait3A_336, %dma_wait3A_341] : memref<2x16x128xi32, #tpu.memory_space<vmem>> -> memref<1x1x128xi32, #tpu.memory_space<vmem>>
      %dma_wait3A_343 = tpu.memref_squeeze %dma_wait3A_342 : memref<1x1x128xi32, #tpu.memory_space<vmem>> -> memref<128xi32, #tpu.memory_space<vmem>>
      %dma_wait3A_344 = arith.constant 0 : i32
      %dma_wait3A_345 = arith.constant 0 : i32
      %dma_wait3A_346 = tpu.memref_slice %arg10[%dma_wait3A_344, %dma_wait3A_345] : memref<10240x64xf32, #tpu.memory_space<vmem_shared>> -> memref<10240x64xf32, #tpu.memory_space<vmem_shared>>
      tpu.wait_indirect_dma semaphore(%arg13 : memref<!tpu.dma_semaphore, #tpu.memory_space<semaphore_mem>>) src(%dma_wait3A_340 : memref<128x64xf32, #tpu.memory_space<vmem>>) dst(%dma_wait3A_346 : memref<10240x64xf32, #tpu.memory_space<vmem_shared>>)
      %dma_start3A_347 = arith.constant 7 : i32
      %dma_start3A_348 = arith.constant 3 : i32
      %dma_start3A_349 = arith.constant 0 : i32
      %dma_start3A_350 = arith.constant 0 : i32
      %dma_start3A_351 = tpu.memref_slice %arg8[%dma_start3A_348, %dma_start3A_349, %dma_start3A_350] : memref<4x128x64xf32, #tpu.memory_space<vmem>> -> memref<1x128x64xf32, #tpu.memory_space<vmem>>
      %dma_start3A_352 = tpu.memref_squeeze %dma_start3A_351 : memref<1x128x64xf32, #tpu.memory_space<vmem>> -> memref<128x64xf32, #tpu.memory_space<vmem>>
      %dma_start3A_353 = arith.constant 0 : i32
      %dma_start3A_354 = tpu.memref_slice %arg6[%and3A_74, %dma_start3A_347, %dma_start3A_353] : memref<2x16x128xi32, #tpu.memory_space<vmem>> -> memref<1x1x128xi32, #tpu.memory_space<vmem>>
      %dma_start3A_355 = tpu.memref_squeeze %dma_start3A_354 : memref<1x1x128xi32, #tpu.memory_space<vmem>> -> memref<128xi32, #tpu.memory_space<vmem>>
      %dma_start3A_356 = arith.constant 0 : i32
      %dma_start3A_357 = arith.constant 0 : i32
      %dma_start3A_358 = tpu.memref_slice %arg9[%dma_start3A_356, %dma_start3A_357] : memref<10240x64xf32, #tpu.memory_space<vmem_shared>> -> memref<10240x64xf32, #tpu.memory_space<vmem_shared>>
      tpu.enqueue_indirect_dma source(%dma_start3A_358 : memref<10240x64xf32, #tpu.memory_space<vmem_shared>>) target(%dma_start3A_352 : memref<128x64xf32, #tpu.memory_space<vmem>>) offsets(%dma_start3A_355 : memref<128xi32, #tpu.memory_space<vmem>>) semaphore(%arg12 : memref<!tpu.dma_semaphore, #tpu.memory_space<semaphore_mem>>)
      %dma_wait3A_359 = arith.constant 0 : i32
      %dma_wait3A_360 = arith.constant 0 : i32
      %dma_wait3A_361 = arith.constant 0 : i32
      %dma_wait3A_362 = arith.constant 0 : i32
      %dma_wait3A_363 = arith.constant 0 : i32
      %dma_wait3A_364 = tpu.memref_slice %arg8[%dma_wait3A_361, %dma_wait3A_362, %dma_wait3A_363] : memref<4x128x64xf32, #tpu.memory_space<vmem>> -> memref<1x128x64xf32, #tpu.memory_space<vmem>>
      %dma_wait3A_365 = tpu.memref_squeeze %dma_wait3A_364 : memref<1x128x64xf32, #tpu.memory_space<vmem>> -> memref<128x64xf32, #tpu.memory_space<vmem>>
      %dma_wait3A_366 = arith.constant 0 : i32
      %dma_wait3A_367 = tpu.memref_slice %arg6[%dma_wait3A_359, %dma_wait3A_360, %dma_wait3A_366] : memref<2x16x128xi32, #tpu.memory_space<vmem>> -> memref<1x1x128xi32, #tpu.memory_space<vmem>>
      %dma_wait3A_368 = tpu.memref_squeeze %dma_wait3A_367 : memref<1x1x128xi32, #tpu.memory_space<vmem>> -> memref<128xi32, #tpu.memory_space<vmem>>
      %dma_wait3A_369 = arith.constant 0 : i32
      %dma_wait3A_370 = arith.constant 0 : i32
      %dma_wait3A_371 = tpu.memref_slice %arg9[%dma_wait3A_369, %dma_wait3A_370] : memref<10240x64xf32, #tpu.memory_space<vmem_shared>> -> memref<10240x64xf32, #tpu.memory_space<vmem_shared>>
      tpu.wait_indirect_dma semaphore(%arg12 : memref<!tpu.dma_semaphore, #tpu.memory_space<semaphore_mem>>) src(%dma_wait3A_371 : memref<10240x64xf32, #tpu.memory_space<vmem_shared>>) dst(%dma_wait3A_365 : memref<128x64xf32, #tpu.memory_space<vmem>>)
      %dma_start3A_372 = arith.constant 0 : i32
      %dma_start3A_373 = arith.constant 4 : i32
      %dma_start3A_374 = arith.constant 0 : i32
      %dma_start3A_375 = arith.constant 0 : i32
      %dma_start3A_376 = tpu.memref_slice %arg8[%dma_start3A_372, %dma_start3A_374, %dma_start3A_375] : memref<4x128x64xf32, #tpu.memory_space<vmem>> -> memref<1x128x64xf32, #tpu.memory_space<vmem>>
      %dma_start3A_377 = tpu.memref_squeeze %dma_start3A_376 : memref<1x128x64xf32, #tpu.memory_space<vmem>> -> memref<128x64xf32, #tpu.memory_space<vmem>>
      %dma_start3A_378 = arith.constant 0 : i32
      %dma_start3A_379 = tpu.memref_slice %arg7[%and3A_74, %dma_start3A_373, %dma_start3A_378] : memref<2x16x128xi32, #tpu.memory_space<vmem>> -> memref<1x1x128xi32, #tpu.memory_space<vmem>>
      %dma_start3A_380 = tpu.memref_squeeze %dma_start3A_379 : memref<1x1x128xi32, #tpu.memory_space<vmem>> -> memref<128xi32, #tpu.memory_space<vmem>>
      %dma_start3A_381 = arith.constant 0 : i32
      %dma_start3A_382 = arith.constant 0 : i32
      %dma_start3A_383 = tpu.memref_slice %arg10[%dma_start3A_381, %dma_start3A_382] : memref<10240x64xf32, #tpu.memory_space<vmem_shared>> -> memref<10240x64xf32, #tpu.memory_space<vmem_shared>>
      tpu.enqueue_indirect_dma source(%dma_start3A_377 : memref<128x64xf32, #tpu.memory_space<vmem>>) target(%dma_start3A_383 : memref<10240x64xf32, #tpu.memory_space<vmem_shared>>) offsets(%dma_start3A_380 : memref<128xi32, #tpu.memory_space<vmem>>) semaphore(%arg13 : memref<!tpu.dma_semaphore, #tpu.memory_space<semaphore_mem>>) {add = true}
      %dma_wait3A_384 = arith.constant 0 : i32
      %dma_wait3A_385 = arith.constant 0 : i32
      %dma_wait3A_386 = arith.constant 0 : i32
      %dma_wait3A_387 = arith.constant 0 : i32
      %dma_wait3A_388 = arith.constant 0 : i32
      %dma_wait3A_389 = tpu.memref_slice %arg8[%dma_wait3A_384, %dma_wait3A_387, %dma_wait3A_388] : memref<4x128x64xf32, #tpu.memory_space<vmem>> -> memref<1x128x64xf32, #tpu.memory_space<vmem>>
      %dma_wait3A_390 = tpu.memref_squeeze %dma_wait3A_389 : memref<1x128x64xf32, #tpu.memory_space<vmem>> -> memref<128x64xf32, #tpu.memory_space<vmem>>
      %dma_wait3A_391 = arith.constant 0 : i32
      %dma_wait3A_392 = tpu.memref_slice %arg7[%dma_wait3A_385, %dma_wait3A_386, %dma_wait3A_391] : memref<2x16x128xi32, #tpu.memory_space<vmem>> -> memref<1x1x128xi32, #tpu.memory_space<vmem>>
      %dma_wait3A_393 = tpu.memref_squeeze %dma_wait3A_392 : memref<1x1x128xi32, #tpu.memory_space<vmem>> -> memref<128xi32, #tpu.memory_space<vmem>>
      %dma_wait3A_394 = arith.constant 0 : i32
      %dma_wait3A_395 = arith.constant 0 : i32
      %dma_wait3A_396 = tpu.memref_slice %arg10[%dma_wait3A_394, %dma_wait3A_395] : memref<10240x64xf32, #tpu.memory_space<vmem_shared>> -> memref<10240x64xf32, #tpu.memory_space<vmem_shared>>
      tpu.wait_indirect_dma semaphore(%arg13 : memref<!tpu.dma_semaphore, #tpu.memory_space<semaphore_mem>>) src(%dma_wait3A_390 : memref<128x64xf32, #tpu.memory_space<vmem>>) dst(%dma_wait3A_396 : memref<10240x64xf32, #tpu.memory_space<vmem_shared>>)
      %dma_start3A_397 = arith.constant 8 : i32
      %dma_start3A_398 = arith.constant 0 : i32
      %dma_start3A_399 = arith.constant 0 : i32
      %dma_start3A_400 = arith.constant 0 : i32
      %dma_start3A_401 = tpu.memref_slice %arg8[%dma_start3A_398, %dma_start3A_399, %dma_start3A_400] : memref<4x128x64xf32, #tpu.memory_space<vmem>> -> memref<1x128x64xf32, #tpu.memory_space<vmem>>
      %dma_start3A_402 = tpu.memref_squeeze %dma_start3A_401 : memref<1x128x64xf32, #tpu.memory_space<vmem>> -> memref<128x64xf32, #tpu.memory_space<vmem>>
      %dma_start3A_403 = arith.constant 0 : i32
      %dma_start3A_404 = tpu.memref_slice %arg6[%and3A_74, %dma_start3A_397, %dma_start3A_403] : memref<2x16x128xi32, #tpu.memory_space<vmem>> -> memref<1x1x128xi32, #tpu.memory_space<vmem>>
      %dma_start3A_405 = tpu.memref_squeeze %dma_start3A_404 : memref<1x1x128xi32, #tpu.memory_space<vmem>> -> memref<128xi32, #tpu.memory_space<vmem>>
      %dma_start3A_406 = arith.constant 0 : i32
      %dma_start3A_407 = arith.constant 0 : i32
      %dma_start3A_408 = tpu.memref_slice %arg9[%dma_start3A_406, %dma_start3A_407] : memref<10240x64xf32, #tpu.memory_space<vmem_shared>> -> memref<10240x64xf32, #tpu.memory_space<vmem_shared>>
      tpu.enqueue_indirect_dma source(%dma_start3A_408 : memref<10240x64xf32, #tpu.memory_space<vmem_shared>>) target(%dma_start3A_402 : memref<128x64xf32, #tpu.memory_space<vmem>>) offsets(%dma_start3A_405 : memref<128xi32, #tpu.memory_space<vmem>>) semaphore(%arg12 : memref<!tpu.dma_semaphore, #tpu.memory_space<semaphore_mem>>)
      %dma_wait3A_409 = arith.constant 0 : i32
      %dma_wait3A_410 = arith.constant 0 : i32
      %dma_wait3A_411 = arith.constant 1 : i32
      %dma_wait3A_412 = arith.constant 0 : i32
      %dma_wait3A_413 = arith.constant 0 : i32
      %dma_wait3A_414 = tpu.memref_slice %arg8[%dma_wait3A_411, %dma_wait3A_412, %dma_wait3A_413] : memref<4x128x64xf32, #tpu.memory_space<vmem>> -> memref<1x128x64xf32, #tpu.memory_space<vmem>>
      %dma_wait3A_415 = tpu.memref_squeeze %dma_wait3A_414 : memref<1x128x64xf32, #tpu.memory_space<vmem>> -> memref<128x64xf32, #tpu.memory_space<vmem>>
      %dma_wait3A_416 = arith.constant 0 : i32
      %dma_wait3A_417 = tpu.memref_slice %arg6[%dma_wait3A_409, %dma_wait3A_410, %dma_wait3A_416] : memref<2x16x128xi32, #tpu.memory_space<vmem>> -> memref<1x1x128xi32, #tpu.memory_space<vmem>>
      %dma_wait3A_418 = tpu.memref_squeeze %dma_wait3A_417 : memref<1x1x128xi32, #tpu.memory_space<vmem>> -> memref<128xi32, #tpu.memory_space<vmem>>
      %dma_wait3A_419 = arith.constant 0 : i32
      %dma_wait3A_420 = arith.constant 0 : i32
      %dma_wait3A_421 = tpu.memref_slice %arg9[%dma_wait3A_419, %dma_wait3A_420] : memref<10240x64xf32, #tpu.memory_space<vmem_shared>> -> memref<10240x64xf32, #tpu.memory_space<vmem_shared>>
      tpu.wait_indirect_dma semaphore(%arg12 : memref<!tpu.dma_semaphore, #tpu.memory_space<semaphore_mem>>) src(%dma_wait3A_421 : memref<10240x64xf32, #tpu.memory_space<vmem_shared>>) dst(%dma_wait3A_415 : memref<128x64xf32, #tpu.memory_space<vmem>>)
      %dma_start3A_422 = arith.constant 1 : i32
      %dma_start3A_423 = arith.constant 5 : i32
      %dma_start3A_424 = arith.constant 0 : i32
      %dma_start3A_425 = arith.constant 0 : i32
      %dma_start3A_426 = tpu.memref_slice %arg8[%dma_start3A_422, %dma_start3A_424, %dma_start3A_425] : memref<4x128x64xf32, #tpu.memory_space<vmem>> -> memref<1x128x64xf32, #tpu.memory_space<vmem>>
      %dma_start3A_427 = tpu.memref_squeeze %dma_start3A_426 : memref<1x128x64xf32, #tpu.memory_space<vmem>> -> memref<128x64xf32, #tpu.memory_space<vmem>>
      %dma_start3A_428 = arith.constant 0 : i32
      %dma_start3A_429 = tpu.memref_slice %arg7[%and3A_74, %dma_start3A_423, %dma_start3A_428] : memref<2x16x128xi32, #tpu.memory_space<vmem>> -> memref<1x1x128xi32, #tpu.memory_space<vmem>>
      %dma_start3A_430 = tpu.memref_squeeze %dma_start3A_429 : memref<1x1x128xi32, #tpu.memory_space<vmem>> -> memref<128xi32, #tpu.memory_space<vmem>>
      %dma_start3A_431 = arith.constant 0 : i32
      %dma_start3A_432 = arith.constant 0 : i32
      %dma_start3A_433 = tpu.memref_slice %arg10[%dma_start3A_431, %dma_start3A_432] : memref<10240x64xf32, #tpu.memory_space<vmem_shared>> -> memref<10240x64xf32, #tpu.memory_space<vmem_shared>>
      tpu.enqueue_indirect_dma source(%dma_start3A_427 : memref<128x64xf32, #tpu.memory_space<vmem>>) target(%dma_start3A_433 : memref<10240x64xf32, #tpu.memory_space<vmem_shared>>) offsets(%dma_start3A_430 : memref<128xi32, #tpu.memory_space<vmem>>) semaphore(%arg13 : memref<!tpu.dma_semaphore, #tpu.memory_space<semaphore_mem>>) {add = true}
      %dma_wait3A_434 = arith.constant 0 : i32
      %dma_wait3A_435 = arith.constant 0 : i32
      %dma_wait3A_436 = arith.constant 0 : i32
      %dma_wait3A_437 = arith.constant 0 : i32
      %dma_wait3A_438 = arith.constant 0 : i32
      %dma_wait3A_439 = tpu.memref_slice %arg8[%dma_wait3A_434, %dma_wait3A_437, %dma_wait3A_438] : memref<4x128x64xf32, #tpu.memory_space<vmem>> -> memref<1x128x64xf32, #tpu.memory_space<vmem>>
      %dma_wait3A_440 = tpu.memref_squeeze %dma_wait3A_439 : memref<1x128x64xf32, #tpu.memory_space<vmem>> -> memref<128x64xf32, #tpu.memory_space<vmem>>
      %dma_wait3A_441 = arith.constant 0 : i32
      %dma_wait3A_442 = tpu.memref_slice %arg7[%dma_wait3A_435, %dma_wait3A_436, %dma_wait3A_441] : memref<2x16x128xi32, #tpu.memory_space<vmem>> -> memref<1x1x128xi32, #tpu.memory_space<vmem>>
      %dma_wait3A_443 = tpu.memref_squeeze %dma_wait3A_442 : memref<1x1x128xi32, #tpu.memory_space<vmem>> -> memref<128xi32, #tpu.memory_space<vmem>>
      %dma_wait3A_444 = arith.constant 0 : i32
      %dma_wait3A_445 = arith.constant 0 : i32
      %dma_wait3A_446 = tpu.memref_slice %arg10[%dma_wait3A_444, %dma_wait3A_445] : memref<10240x64xf32, #tpu.memory_space<vmem_shared>> -> memref<10240x64xf32, #tpu.memory_space<vmem_shared>>
      tpu.wait_indirect_dma semaphore(%arg13 : memref<!tpu.dma_semaphore, #tpu.memory_space<semaphore_mem>>) src(%dma_wait3A_440 : memref<128x64xf32, #tpu.memory_space<vmem>>) dst(%dma_wait3A_446 : memref<10240x64xf32, #tpu.memory_space<vmem_shared>>)
      %dma_start3A_447 = arith.constant 9 : i32
      %dma_start3A_448 = arith.constant 1 : i32
      %dma_start3A_449 = arith.constant 0 : i32
      %dma_start3A_450 = arith.constant 0 : i32
      %dma_start3A_451 = tpu.memref_slice %arg8[%dma_start3A_448, %dma_start3A_449, %dma_start3A_450] : memref<4x128x64xf32, #tpu.memory_space<vmem>> -> memref<1x128x64xf32, #tpu.memory_space<vmem>>
      %dma_start3A_452 = tpu.memref_squeeze %dma_start3A_451 : memref<1x128x64xf32, #tpu.memory_space<vmem>> -> memref<128x64xf32, #tpu.memory_space<vmem>>
      %dma_start3A_453 = arith.constant 0 : i32
      %dma_start3A_454 = tpu.memref_slice %arg6[%and3A_74, %dma_start3A_447, %dma_start3A_453] : memref<2x16x128xi32, #tpu.memory_space<vmem>> -> memref<1x1x128xi32, #tpu.memory_space<vmem>>
      %dma_start3A_455 = tpu.memref_squeeze %dma_start3A_454 : memref<1x1x128xi32, #tpu.memory_space<vmem>> -> memref<128xi32, #tpu.memory_space<vmem>>
      %dma_start3A_456 = arith.constant 0 : i32
      %dma_start3A_457 = arith.constant 0 : i32
      %dma_start3A_458 = tpu.memref_slice %arg9[%dma_start3A_456, %dma_start3A_457] : memref<10240x64xf32, #tpu.memory_space<vmem_shared>> -> memref<10240x64xf32, #tpu.memory_space<vmem_shared>>
      tpu.enqueue_indirect_dma source(%dma_start3A_458 : memref<10240x64xf32, #tpu.memory_space<vmem_shared>>) target(%dma_start3A_452 : memref<128x64xf32, #tpu.memory_space<vmem>>) offsets(%dma_start3A_455 : memref<128xi32, #tpu.memory_space<vmem>>) semaphore(%arg12 : memref<!tpu.dma_semaphore, #tpu.memory_space<semaphore_mem>>)
      %dma_wait3A_459 = arith.constant 0 : i32
      %dma_wait3A_460 = arith.constant 0 : i32
      %dma_wait3A_461 = arith.constant 2 : i32
      %dma_wait3A_462 = arith.constant 0 : i32
      %dma_wait3A_463 = arith.constant 0 : i32
      %dma_wait3A_464 = tpu.memref_slice %arg8[%dma_wait3A_461, %dma_wait3A_462, %dma_wait3A_463] : memref<4x128x64xf32, #tpu.memory_space<vmem>> -> memref<1x128x64xf32, #tpu.memory_space<vmem>>
      %dma_wait3A_465 = tpu.memref_squeeze %dma_wait3A_464 : memref<1x128x64xf32, #tpu.memory_space<vmem>> -> memref<128x64xf32, #tpu.memory_space<vmem>>
      %dma_wait3A_466 = arith.constant 0 : i32
      %dma_wait3A_467 = tpu.memref_slice %arg6[%dma_wait3A_459, %dma_wait3A_460, %dma_wait3A_466] : memref<2x16x128xi32, #tpu.memory_space<vmem>> -> memref<1x1x128xi32, #tpu.memory_space<vmem>>
      %dma_wait3A_468 = tpu.memref_squeeze %dma_wait3A_467 : memref<1x1x128xi32, #tpu.memory_space<vmem>> -> memref<128xi32, #tpu.memory_space<vmem>>
      %dma_wait3A_469 = arith.constant 0 : i32
      %dma_wait3A_470 = arith.constant 0 : i32
      %dma_wait3A_471 = tpu.memref_slice %arg9[%dma_wait3A_469, %dma_wait3A_470] : memref<10240x64xf32, #tpu.memory_space<vmem_shared>> -> memref<10240x64xf32, #tpu.memory_space<vmem_shared>>
      tpu.wait_indirect_dma semaphore(%arg12 : memref<!tpu.dma_semaphore, #tpu.memory_space<semaphore_mem>>) src(%dma_wait3A_471 : memref<10240x64xf32, #tpu.memory_space<vmem_shared>>) dst(%dma_wait3A_465 : memref<128x64xf32, #tpu.memory_space<vmem>>)
      %dma_start3A_472 = arith.constant 2 : i32
      %dma_start3A_473 = arith.constant 6 : i32
      %dma_start3A_474 = arith.constant 0 : i32
      %dma_start3A_475 = arith.constant 0 : i32
      %dma_start3A_476 = tpu.memref_slice %arg8[%dma_start3A_472, %dma_start3A_474, %dma_start3A_475] : memref<4x128x64xf32, #tpu.memory_space<vmem>> -> memref<1x128x64xf32, #tpu.memory_space<vmem>>
      %dma_start3A_477 = tpu.memref_squeeze %dma_start3A_476 : memref<1x128x64xf32, #tpu.memory_space<vmem>> -> memref<128x64xf32, #tpu.memory_space<vmem>>
      %dma_start3A_478 = arith.constant 0 : i32
      %dma_start3A_479 = tpu.memref_slice %arg7[%and3A_74, %dma_start3A_473, %dma_start3A_478] : memref<2x16x128xi32, #tpu.memory_space<vmem>> -> memref<1x1x128xi32, #tpu.memory_space<vmem>>
      %dma_start3A_480 = tpu.memref_squeeze %dma_start3A_479 : memref<1x1x128xi32, #tpu.memory_space<vmem>> -> memref<128xi32, #tpu.memory_space<vmem>>
      %dma_start3A_481 = arith.constant 0 : i32
      %dma_start3A_482 = arith.constant 0 : i32
      %dma_start3A_483 = tpu.memref_slice %arg10[%dma_start3A_481, %dma_start3A_482] : memref<10240x64xf32, #tpu.memory_space<vmem_shared>> -> memref<10240x64xf32, #tpu.memory_space<vmem_shared>>
      tpu.enqueue_indirect_dma source(%dma_start3A_477 : memref<128x64xf32, #tpu.memory_space<vmem>>) target(%dma_start3A_483 : memref<10240x64xf32, #tpu.memory_space<vmem_shared>>) offsets(%dma_start3A_480 : memref<128xi32, #tpu.memory_space<vmem>>) semaphore(%arg13 : memref<!tpu.dma_semaphore, #tpu.memory_space<semaphore_mem>>) {add = true}
      %dma_wait3A_484 = arith.constant 0 : i32
      %dma_wait3A_485 = arith.constant 0 : i32
      %dma_wait3A_486 = arith.constant 0 : i32
      %dma_wait3A_487 = arith.constant 0 : i32
      %dma_wait3A_488 = arith.constant 0 : i32
      %dma_wait3A_489 = tpu.memref_slice %arg8[%dma_wait3A_484, %dma_wait3A_487, %dma_wait3A_488] : memref<4x128x64xf32, #tpu.memory_space<vmem>> -> memref<1x128x64xf32, #tpu.memory_space<vmem>>
      %dma_wait3A_490 = tpu.memref_squeeze %dma_wait3A_489 : memref<1x128x64xf32, #tpu.memory_space<vmem>> -> memref<128x64xf32, #tpu.memory_space<vmem>>
      %dma_wait3A_491 = arith.constant 0 : i32
      %dma_wait3A_492 = tpu.memref_slice %arg7[%dma_wait3A_485, %dma_wait3A_486, %dma_wait3A_491] : memref<2x16x128xi32, #tpu.memory_space<vmem>> -> memref<1x1x128xi32, #tpu.memory_space<vmem>>
      %dma_wait3A_493 = tpu.memref_squeeze %dma_wait3A_492 : memref<1x1x128xi32, #tpu.memory_space<vmem>> -> memref<128xi32, #tpu.memory_space<vmem>>
      %dma_wait3A_494 = arith.constant 0 : i32
      %dma_wait3A_495 = arith.constant 0 : i32
      %dma_wait3A_496 = tpu.memref_slice %arg10[%dma_wait3A_494, %dma_wait3A_495] : memref<10240x64xf32, #tpu.memory_space<vmem_shared>> -> memref<10240x64xf32, #tpu.memory_space<vmem_shared>>
      tpu.wait_indirect_dma semaphore(%arg13 : memref<!tpu.dma_semaphore, #tpu.memory_space<semaphore_mem>>) src(%dma_wait3A_490 : memref<128x64xf32, #tpu.memory_space<vmem>>) dst(%dma_wait3A_496 : memref<10240x64xf32, #tpu.memory_space<vmem_shared>>)
      %dma_start3A_497 = arith.constant 10 : i32
      %dma_start3A_498 = arith.constant 2 : i32
      %dma_start3A_499 = arith.constant 0 : i32
      %dma_start3A_500 = arith.constant 0 : i32
      %dma_start3A_501 = tpu.memref_slice %arg8[%dma_start3A_498, %dma_start3A_499, %dma_start3A_500] : memref<4x128x64xf32, #tpu.memory_space<vmem>> -> memref<1x128x64xf32, #tpu.memory_space<vmem>>
      %dma_start3A_502 = tpu.memref_squeeze %dma_start3A_501 : memref<1x128x64xf32, #tpu.memory_space<vmem>> -> memref<128x64xf32, #tpu.memory_space<vmem>>
      %dma_start3A_503 = arith.constant 0 : i32
      %dma_start3A_504 = tpu.memref_slice %arg6[%and3A_74, %dma_start3A_497, %dma_start3A_503] : memref<2x16x128xi32, #tpu.memory_space<vmem>> -> memref<1x1x128xi32, #tpu.memory_space<vmem>>
      %dma_start3A_505 = tpu.memref_squeeze %dma_start3A_504 : memref<1x1x128xi32, #tpu.memory_space<vmem>> -> memref<128xi32, #tpu.memory_space<vmem>>
      %dma_start3A_506 = arith.constant 0 : i32
      %dma_start3A_507 = arith.constant 0 : i32
      %dma_start3A_508 = tpu.memref_slice %arg9[%dma_start3A_506, %dma_start3A_507] : memref<10240x64xf32, #tpu.memory_space<vmem_shared>> -> memref<10240x64xf32, #tpu.memory_space<vmem_shared>>
      tpu.enqueue_indirect_dma source(%dma_start3A_508 : memref<10240x64xf32, #tpu.memory_space<vmem_shared>>) target(%dma_start3A_502 : memref<128x64xf32, #tpu.memory_space<vmem>>) offsets(%dma_start3A_505 : memref<128xi32, #tpu.memory_space<vmem>>) semaphore(%arg12 : memref<!tpu.dma_semaphore, #tpu.memory_space<semaphore_mem>>)
      %dma_wait3A_509 = arith.constant 0 : i32
      %dma_wait3A_510 = arith.constant 0 : i32
      %dma_wait3A_511 = arith.constant 3 : i32
      %dma_wait3A_512 = arith.constant 0 : i32
      %dma_wait3A_513 = arith.constant 0 : i32
      %dma_wait3A_514 = tpu.memref_slice %arg8[%dma_wait3A_511, %dma_wait3A_512, %dma_wait3A_513] : memref<4x128x64xf32, #tpu.memory_space<vmem>> -> memref<1x128x64xf32, #tpu.memory_space<vmem>>
      %dma_wait3A_515 = tpu.memref_squeeze %dma_wait3A_514 : memref<1x128x64xf32, #tpu.memory_space<vmem>> -> memref<128x64xf32, #tpu.memory_space<vmem>>
      %dma_wait3A_516 = arith.constant 0 : i32
      %dma_wait3A_517 = tpu.memref_slice %arg6[%dma_wait3A_509, %dma_wait3A_510, %dma_wait3A_516] : memref<2x16x128xi32, #tpu.memory_space<vmem>> -> memref<1x1x128xi32, #tpu.memory_space<vmem>>
      %dma_wait3A_518 = tpu.memref_squeeze %dma_wait3A_517 : memref<1x1x128xi32, #tpu.memory_space<vmem>> -> memref<128xi32, #tpu.memory_space<vmem>>
      %dma_wait3A_519 = arith.constant 0 : i32
      %dma_wait3A_520 = arith.constant 0 : i32
      %dma_wait3A_521 = tpu.memref_slice %arg9[%dma_wait3A_519, %dma_wait3A_520] : memref<10240x64xf32, #tpu.memory_space<vmem_shared>> -> memref<10240x64xf32, #tpu.memory_space<vmem_shared>>
      tpu.wait_indirect_dma semaphore(%arg12 : memref<!tpu.dma_semaphore, #tpu.memory_space<semaphore_mem>>) src(%dma_wait3A_521 : memref<10240x64xf32, #tpu.memory_space<vmem_shared>>) dst(%dma_wait3A_515 : memref<128x64xf32, #tpu.memory_space<vmem>>)
      %dma_start3A_522 = arith.constant 3 : i32
      %dma_start3A_523 = arith.constant 7 : i32
      %dma_start3A_524 = arith.constant 0 : i32
      %dma_start3A_525 = arith.constant 0 : i32
      %dma_start3A_526 = tpu.memref_slice %arg8[%dma_start3A_522, %dma_start3A_524, %dma_start3A_525] : memref<4x128x64xf32, #tpu.memory_space<vmem>> -> memref<1x128x64xf32, #tpu.memory_space<vmem>>
      %dma_start3A_527 = tpu.memref_squeeze %dma_start3A_526 : memref<1x128x64xf32, #tpu.memory_space<vmem>> -> memref<128x64xf32, #tpu.memory_space<vmem>>
      %dma_start3A_528 = arith.constant 0 : i32
      %dma_start3A_529 = tpu.memref_slice %arg7[%and3A_74, %dma_start3A_523, %dma_start3A_528] : memref<2x16x128xi32, #tpu.memory_space<vmem>> -> memref<1x1x128xi32, #tpu.memory_space<vmem>>
      %dma_start3A_530 = tpu.memref_squeeze %dma_start3A_529 : memref<1x1x128xi32, #tpu.memory_space<vmem>> -> memref<128xi32, #tpu.memory_space<vmem>>
      %dma_start3A_531 = arith.constant 0 : i32
      %dma_start3A_532 = arith.constant 0 : i32
      %dma_start3A_533 = tpu.memref_slice %arg10[%dma_start3A_531, %dma_start3A_532] : memref<10240x64xf32, #tpu.memory_space<vmem_shared>> -> memref<10240x64xf32, #tpu.memory_space<vmem_shared>>
      tpu.enqueue_indirect_dma source(%dma_start3A_527 : memref<128x64xf32, #tpu.memory_space<vmem>>) target(%dma_start3A_533 : memref<10240x64xf32, #tpu.memory_space<vmem_shared>>) offsets(%dma_start3A_530 : memref<128xi32, #tpu.memory_space<vmem>>) semaphore(%arg13 : memref<!tpu.dma_semaphore, #tpu.memory_space<semaphore_mem>>) {add = true}
      %dma_wait3A_534 = arith.constant 0 : i32
      %dma_wait3A_535 = arith.constant 0 : i32
      %dma_wait3A_536 = arith.constant 0 : i32
      %dma_wait3A_537 = arith.constant 0 : i32
      %dma_wait3A_538 = arith.constant 0 : i32
      %dma_wait3A_539 = tpu.memref_slice %arg8[%dma_wait3A_534, %dma_wait3A_537, %dma_wait3A_538] : memref<4x128x64xf32, #tpu.memory_space<vmem>> -> memref<1x128x64xf32, #tpu.memory_space<vmem>>
      %dma_wait3A_540 = tpu.memref_squeeze %dma_wait3A_539 : memref<1x128x64xf32, #tpu.memory_space<vmem>> -> memref<128x64xf32, #tpu.memory_space<vmem>>
      %dma_wait3A_541 = arith.constant 0 : i32
      %dma_wait3A_542 = tpu.memref_slice %arg7[%dma_wait3A_535, %dma_wait3A_536, %dma_wait3A_541] : memref<2x16x128xi32, #tpu.memory_space<vmem>> -> memref<1x1x128xi32, #tpu.memory_space<vmem>>
      %dma_wait3A_543 = tpu.memref_squeeze %dma_wait3A_542 : memref<1x1x128xi32, #tpu.memory_space<vmem>> -> memref<128xi32, #tpu.memory_space<vmem>>
      %dma_wait3A_544 = arith.constant 0 : i32
      %dma_wait3A_545 = arith.constant 0 : i32
      %dma_wait3A_546 = tpu.memref_slice %arg10[%dma_wait3A_544, %dma_wait3A_545] : memref<10240x64xf32, #tpu.memory_space<vmem_shared>> -> memref<10240x64xf32, #tpu.memory_space<vmem_shared>>
      tpu.wait_indirect_dma semaphore(%arg13 : memref<!tpu.dma_semaphore, #tpu.memory_space<semaphore_mem>>) src(%dma_wait3A_540 : memref<128x64xf32, #tpu.memory_space<vmem>>) dst(%dma_wait3A_546 : memref<10240x64xf32, #tpu.memory_space<vmem_shared>>)
      %dma_start3A_547 = arith.constant 11 : i32
      %dma_start3A_548 = arith.constant 3 : i32
      %dma_start3A_549 = arith.constant 0 : i32
      %dma_start3A_550 = arith.constant 0 : i32
      %dma_start3A_551 = tpu.memref_slice %arg8[%dma_start3A_548, %dma_start3A_549, %dma_start3A_550] : memref<4x128x64xf32, #tpu.memory_space<vmem>> -> memref<1x128x64xf32, #tpu.memory_space<vmem>>
      %dma_start3A_552 = tpu.memref_squeeze %dma_start3A_551 : memref<1x128x64xf32, #tpu.memory_space<vmem>> -> memref<128x64xf32, #tpu.memory_space<vmem>>
      %dma_start3A_553 = arith.constant 0 : i32
      %dma_start3A_554 = tpu.memref_slice %arg6[%and3A_74, %dma_start3A_547, %dma_start3A_553] : memref<2x16x128xi32, #tpu.memory_space<vmem>> -> memref<1x1x128xi32, #tpu.memory_space<vmem>>
      %dma_start3A_555 = tpu.memref_squeeze %dma_start3A_554 : memref<1x1x128xi32, #tpu.memory_space<vmem>> -> memref<128xi32, #tpu.memory_space<vmem>>
      %dma_start3A_556 = arith.constant 0 : i32
      %dma_start3A_557 = arith.constant 0 : i32
      %dma_start3A_558 = tpu.memref_slice %arg9[%dma_start3A_556, %dma_start3A_557] : memref<10240x64xf32, #tpu.memory_space<vmem_shared>> -> memref<10240x64xf32, #tpu.memory_space<vmem_shared>>
      tpu.enqueue_indirect_dma source(%dma_start3A_558 : memref<10240x64xf32, #tpu.memory_space<vmem_shared>>) target(%dma_start3A_552 : memref<128x64xf32, #tpu.memory_space<vmem>>) offsets(%dma_start3A_555 : memref<128xi32, #tpu.memory_space<vmem>>) semaphore(%arg12 : memref<!tpu.dma_semaphore, #tpu.memory_space<semaphore_mem>>)
      %dma_wait3A_559 = arith.constant 0 : i32
      %dma_wait3A_560 = arith.constant 0 : i32
      %dma_wait3A_561 = arith.constant 0 : i32
      %dma_wait3A_562 = arith.constant 0 : i32
      %dma_wait3A_563 = arith.constant 0 : i32
      %dma_wait3A_564 = tpu.memref_slice %arg8[%dma_wait3A_561, %dma_wait3A_562, %dma_wait3A_563] : memref<4x128x64xf32, #tpu.memory_space<vmem>> -> memref<1x128x64xf32, #tpu.memory_space<vmem>>
      %dma_wait3A_565 = tpu.memref_squeeze %dma_wait3A_564 : memref<1x128x64xf32, #tpu.memory_space<vmem>> -> memref<128x64xf32, #tpu.memory_space<vmem>>
      %dma_wait3A_566 = arith.constant 0 : i32
      %dma_wait3A_567 = tpu.memref_slice %arg6[%dma_wait3A_559, %dma_wait3A_560, %dma_wait3A_566] : memref<2x16x128xi32, #tpu.memory_space<vmem>> -> memref<1x1x128xi32, #tpu.memory_space<vmem>>
      %dma_wait3A_568 = tpu.memref_squeeze %dma_wait3A_567 : memref<1x1x128xi32, #tpu.memory_space<vmem>> -> memref<128xi32, #tpu.memory_space<vmem>>
      %dma_wait3A_569 = arith.constant 0 : i32
      %dma_wait3A_570 = arith.constant 0 : i32
      %dma_wait3A_571 = tpu.memref_slice %arg9[%dma_wait3A_569, %dma_wait3A_570] : memref<10240x64xf32, #tpu.memory_space<vmem_shared>> -> memref<10240x64xf32, #tpu.memory_space<vmem_shared>>
      tpu.wait_indirect_dma semaphore(%arg12 : memref<!tpu.dma_semaphore, #tpu.memory_space<semaphore_mem>>) src(%dma_wait3A_571 : memref<10240x64xf32, #tpu.memory_space<vmem_shared>>) dst(%dma_wait3A_565 : memref<128x64xf32, #tpu.memory_space<vmem>>)
      %dma_start3A_572 = arith.constant 0 : i32
      %dma_start3A_573 = arith.constant 8 : i32
      %dma_start3A_574 = arith.constant 0 : i32
      %dma_start3A_575 = arith.constant 0 : i32
      %dma_start3A_576 = tpu.memref_slice %arg8[%dma_start3A_572, %dma_start3A_574, %dma_start3A_575] : memref<4x128x64xf32, #tpu.memory_space<vmem>> -> memref<1x128x64xf32, #tpu.memory_space<vmem>>
      %dma_start3A_577 = tpu.memref_squeeze %dma_start3A_576 : memref<1x128x64xf32, #tpu.memory_space<vmem>> -> memref<128x64xf32, #tpu.memory_space<vmem>>
      %dma_start3A_578 = arith.constant 0 : i32
      %dma_start3A_579 = tpu.memref_slice %arg7[%and3A_74, %dma_start3A_573, %dma_start3A_578] : memref<2x16x128xi32, #tpu.memory_space<vmem>> -> memref<1x1x128xi32, #tpu.memory_space<vmem>>
      %dma_start3A_580 = tpu.memref_squeeze %dma_start3A_579 : memref<1x1x128xi32, #tpu.memory_space<vmem>> -> memref<128xi32, #tpu.memory_space<vmem>>
      %dma_start3A_581 = arith.constant 0 : i32
      %dma_start3A_582 = arith.constant 0 : i32
      %dma_start3A_583 = tpu.memref_slice %arg10[%dma_start3A_581, %dma_start3A_582] : memref<10240x64xf32, #tpu.memory_space<vmem_shared>> -> memref<10240x64xf32, #tpu.memory_space<vmem_shared>>
      tpu.enqueue_indirect_dma source(%dma_start3A_577 : memref<128x64xf32, #tpu.memory_space<vmem>>) target(%dma_start3A_583 : memref<10240x64xf32, #tpu.memory_space<vmem_shared>>) offsets(%dma_start3A_580 : memref<128xi32, #tpu.memory_space<vmem>>) semaphore(%arg13 : memref<!tpu.dma_semaphore, #tpu.memory_space<semaphore_mem>>) {add = true}
      %dma_wait3A_584 = arith.constant 0 : i32
      %dma_wait3A_585 = arith.constant 0 : i32
      %dma_wait3A_586 = arith.constant 0 : i32
      %dma_wait3A_587 = arith.constant 0 : i32
      %dma_wait3A_588 = arith.constant 0 : i32
      %dma_wait3A_589 = tpu.memref_slice %arg8[%dma_wait3A_584, %dma_wait3A_587, %dma_wait3A_588] : memref<4x128x64xf32, #tpu.memory_space<vmem>> -> memref<1x128x64xf32, #tpu.memory_space<vmem>>
      %dma_wait3A_590 = tpu.memref_squeeze %dma_wait3A_589 : memref<1x128x64xf32, #tpu.memory_space<vmem>> -> memref<128x64xf32, #tpu.memory_space<vmem>>
      %dma_wait3A_591 = arith.constant 0 : i32
      %dma_wait3A_592 = tpu.memref_slice %arg7[%dma_wait3A_585, %dma_wait3A_586, %dma_wait3A_591] : memref<2x16x128xi32, #tpu.memory_space<vmem>> -> memref<1x1x128xi32, #tpu.memory_space<vmem>>
      %dma_wait3A_593 = tpu.memref_squeeze %dma_wait3A_592 : memref<1x1x128xi32, #tpu.memory_space<vmem>> -> memref<128xi32, #tpu.memory_space<vmem>>
      %dma_wait3A_594 = arith.constant 0 : i32
      %dma_wait3A_595 = arith.constant 0 : i32
      %dma_wait3A_596 = tpu.memref_slice %arg10[%dma_wait3A_594, %dma_wait3A_595] : memref<10240x64xf32, #tpu.memory_space<vmem_shared>> -> memref<10240x64xf32, #tpu.memory_space<vmem_shared>>
      tpu.wait_indirect_dma semaphore(%arg13 : memref<!tpu.dma_semaphore, #tpu.memory_space<semaphore_mem>>) src(%dma_wait3A_590 : memref<128x64xf32, #tpu.memory_space<vmem>>) dst(%dma_wait3A_596 : memref<10240x64xf32, #tpu.memory_space<vmem_shared>>)
      %dma_start3A_597 = arith.constant 12 : i32
      %dma_start3A_598 = arith.constant 0 : i32
      %dma_start3A_599 = arith.constant 0 : i32
      %dma_start3A_600 = arith.constant 0 : i32
      %dma_start3A_601 = tpu.memref_slice %arg8[%dma_start3A_598, %dma_start3A_599, %dma_start3A_600] : memref<4x128x64xf32, #tpu.memory_space<vmem>> -> memref<1x128x64xf32, #tpu.memory_space<vmem>>
      %dma_start3A_602 = tpu.memref_squeeze %dma_start3A_601 : memref<1x128x64xf32, #tpu.memory_space<vmem>> -> memref<128x64xf32, #tpu.memory_space<vmem>>
      %dma_start3A_603 = arith.constant 0 : i32
      %dma_start3A_604 = tpu.memref_slice %arg6[%and3A_74, %dma_start3A_597, %dma_start3A_603] : memref<2x16x128xi32, #tpu.memory_space<vmem>> -> memref<1x1x128xi32, #tpu.memory_space<vmem>>
      %dma_start3A_605 = tpu.memref_squeeze %dma_start3A_604 : memref<1x1x128xi32, #tpu.memory_space<vmem>> -> memref<128xi32, #tpu.memory_space<vmem>>
      %dma_start3A_606 = arith.constant 0 : i32
      %dma_start3A_607 = arith.constant 0 : i32
      %dma_start3A_608 = tpu.memref_slice %arg9[%dma_start3A_606, %dma_start3A_607] : memref<10240x64xf32, #tpu.memory_space<vmem_shared>> -> memref<10240x64xf32, #tpu.memory_space<vmem_shared>>
      tpu.enqueue_indirect_dma source(%dma_start3A_608 : memref<10240x64xf32, #tpu.memory_space<vmem_shared>>) target(%dma_start3A_602 : memref<128x64xf32, #tpu.memory_space<vmem>>) offsets(%dma_start3A_605 : memref<128xi32, #tpu.memory_space<vmem>>) semaphore(%arg12 : memref<!tpu.dma_semaphore, #tpu.memory_space<semaphore_mem>>)
      %dma_wait3A_609 = arith.constant 0 : i32
      %dma_wait3A_610 = arith.constant 0 : i32
      %dma_wait3A_611 = arith.constant 1 : i32
      %dma_wait3A_612 = arith.constant 0 : i32
      %dma_wait3A_613 = arith.constant 0 : i32
      %dma_wait3A_614 = tpu.memref_slice %arg8[%dma_wait3A_611, %dma_wait3A_612, %dma_wait3A_613] : memref<4x128x64xf32, #tpu.memory_space<vmem>> -> memref<1x128x64xf32, #tpu.memory_space<vmem>>
      %dma_wait3A_615 = tpu.memref_squeeze %dma_wait3A_614 : memref<1x128x64xf32, #tpu.memory_space<vmem>> -> memref<128x64xf32, #tpu.memory_space<vmem>>
      %dma_wait3A_616 = arith.constant 0 : i32
      %dma_wait3A_617 = tpu.memref_slice %arg6[%dma_wait3A_609, %dma_wait3A_610, %dma_wait3A_616] : memref<2x16x128xi32, #tpu.memory_space<vmem>> -> memref<1x1x128xi32, #tpu.memory_space<vmem>>
      %dma_wait3A_618 = tpu.memref_squeeze %dma_wait3A_617 : memref<1x1x128xi32, #tpu.memory_space<vmem>> -> memref<128xi32, #tpu.memory_space<vmem>>
      %dma_wait3A_619 = arith.constant 0 : i32
      %dma_wait3A_620 = arith.constant 0 : i32
      %dma_wait3A_621 = tpu.memref_slice %arg9[%dma_wait3A_619, %dma_wait3A_620] : memref<10240x64xf32, #tpu.memory_space<vmem_shared>> -> memref<10240x64xf32, #tpu.memory_space<vmem_shared>>
      tpu.wait_indirect_dma semaphore(%arg12 : memref<!tpu.dma_semaphore, #tpu.memory_space<semaphore_mem>>) src(%dma_wait3A_621 : memref<10240x64xf32, #tpu.memory_space<vmem_shared>>) dst(%dma_wait3A_615 : memref<128x64xf32, #tpu.memory_space<vmem>>)
      %dma_start3A_622 = arith.constant 1 : i32
      %dma_start3A_623 = arith.constant 9 : i32
      %dma_start3A_624 = arith.constant 0 : i32
      %dma_start3A_625 = arith.constant 0 : i32
      %dma_start3A_626 = tpu.memref_slice %arg8[%dma_start3A_622, %dma_start3A_624, %dma_start3A_625] : memref<4x128x64xf32, #tpu.memory_space<vmem>> -> memref<1x128x64xf32, #tpu.memory_space<vmem>>
      %dma_start3A_627 = tpu.memref_squeeze %dma_start3A_626 : memref<1x128x64xf32, #tpu.memory_space<vmem>> -> memref<128x64xf32, #tpu.memory_space<vmem>>
      %dma_start3A_628 = arith.constant 0 : i32
      %dma_start3A_629 = tpu.memref_slice %arg7[%and3A_74, %dma_start3A_623, %dma_start3A_628] : memref<2x16x128xi32, #tpu.memory_space<vmem>> -> memref<1x1x128xi32, #tpu.memory_space<vmem>>
      %dma_start3A_630 = tpu.memref_squeeze %dma_start3A_629 : memref<1x1x128xi32, #tpu.memory_space<vmem>> -> memref<128xi32, #tpu.memory_space<vmem>>
      %dma_start3A_631 = arith.constant 0 : i32
      %dma_start3A_632 = arith.constant 0 : i32
      %dma_start3A_633 = tpu.memref_slice %arg10[%dma_start3A_631, %dma_start3A_632] : memref<10240x64xf32, #tpu.memory_space<vmem_shared>> -> memref<10240x64xf32, #tpu.memory_space<vmem_shared>>
      tpu.enqueue_indirect_dma source(%dma_start3A_627 : memref<128x64xf32, #tpu.memory_space<vmem>>) target(%dma_start3A_633 : memref<10240x64xf32, #tpu.memory_space<vmem_shared>>) offsets(%dma_start3A_630 : memref<128xi32, #tpu.memory_space<vmem>>) semaphore(%arg13 : memref<!tpu.dma_semaphore, #tpu.memory_space<semaphore_mem>>) {add = true}
      %dma_wait3A_634 = arith.constant 0 : i32
      %dma_wait3A_635 = arith.constant 0 : i32
      %dma_wait3A_636 = arith.constant 0 : i32
      %dma_wait3A_637 = arith.constant 0 : i32
      %dma_wait3A_638 = arith.constant 0 : i32
      %dma_wait3A_639 = tpu.memref_slice %arg8[%dma_wait3A_634, %dma_wait3A_637, %dma_wait3A_638] : memref<4x128x64xf32, #tpu.memory_space<vmem>> -> memref<1x128x64xf32, #tpu.memory_space<vmem>>
      %dma_wait3A_640 = tpu.memref_squeeze %dma_wait3A_639 : memref<1x128x64xf32, #tpu.memory_space<vmem>> -> memref<128x64xf32, #tpu.memory_space<vmem>>
      %dma_wait3A_641 = arith.constant 0 : i32
      %dma_wait3A_642 = tpu.memref_slice %arg7[%dma_wait3A_635, %dma_wait3A_636, %dma_wait3A_641] : memref<2x16x128xi32, #tpu.memory_space<vmem>> -> memref<1x1x128xi32, #tpu.memory_space<vmem>>
      %dma_wait3A_643 = tpu.memref_squeeze %dma_wait3A_642 : memref<1x1x128xi32, #tpu.memory_space<vmem>> -> memref<128xi32, #tpu.memory_space<vmem>>
      %dma_wait3A_644 = arith.constant 0 : i32
      %dma_wait3A_645 = arith.constant 0 : i32
      %dma_wait3A_646 = tpu.memref_slice %arg10[%dma_wait3A_644, %dma_wait3A_645] : memref<10240x64xf32, #tpu.memory_space<vmem_shared>> -> memref<10240x64xf32, #tpu.memory_space<vmem_shared>>
      tpu.wait_indirect_dma semaphore(%arg13 : memref<!tpu.dma_semaphore, #tpu.memory_space<semaphore_mem>>) src(%dma_wait3A_640 : memref<128x64xf32, #tpu.memory_space<vmem>>) dst(%dma_wait3A_646 : memref<10240x64xf32, #tpu.memory_space<vmem_shared>>)
      %dma_start3A_647 = arith.constant 13 : i32
      %dma_start3A_648 = arith.constant 1 : i32
      %dma_start3A_649 = arith.constant 0 : i32
      %dma_start3A_650 = arith.constant 0 : i32
      %dma_start3A_651 = tpu.memref_slice %arg8[%dma_start3A_648, %dma_start3A_649, %dma_start3A_650] : memref<4x128x64xf32, #tpu.memory_space<vmem>> -> memref<1x128x64xf32, #tpu.memory_space<vmem>>
      %dma_start3A_652 = tpu.memref_squeeze %dma_start3A_651 : memref<1x128x64xf32, #tpu.memory_space<vmem>> -> memref<128x64xf32, #tpu.memory_space<vmem>>
      %dma_start3A_653 = arith.constant 0 : i32
      %dma_start3A_654 = tpu.memref_slice %arg6[%and3A_74, %dma_start3A_647, %dma_start3A_653] : memref<2x16x128xi32, #tpu.memory_space<vmem>> -> memref<1x1x128xi32, #tpu.memory_space<vmem>>
      %dma_start3A_655 = tpu.memref_squeeze %dma_start3A_654 : memref<1x1x128xi32, #tpu.memory_space<vmem>> -> memref<128xi32, #tpu.memory_space<vmem>>
      %dma_start3A_656 = arith.constant 0 : i32
      %dma_start3A_657 = arith.constant 0 : i32
      %dma_start3A_658 = tpu.memref_slice %arg9[%dma_start3A_656, %dma_start3A_657] : memref<10240x64xf32, #tpu.memory_space<vmem_shared>> -> memref<10240x64xf32, #tpu.memory_space<vmem_shared>>
      tpu.enqueue_indirect_dma source(%dma_start3A_658 : memref<10240x64xf32, #tpu.memory_space<vmem_shared>>) target(%dma_start3A_652 : memref<128x64xf32, #tpu.memory_space<vmem>>) offsets(%dma_start3A_655 : memref<128xi32, #tpu.memory_space<vmem>>) semaphore(%arg12 : memref<!tpu.dma_semaphore, #tpu.memory_space<semaphore_mem>>)
      %dma_wait3A_659 = arith.constant 0 : i32
      %dma_wait3A_660 = arith.constant 0 : i32
      %dma_wait3A_661 = arith.constant 2 : i32
      %dma_wait3A_662 = arith.constant 0 : i32
      %dma_wait3A_663 = arith.constant 0 : i32
      %dma_wait3A_664 = tpu.memref_slice %arg8[%dma_wait3A_661, %dma_wait3A_662, %dma_wait3A_663] : memref<4x128x64xf32, #tpu.memory_space<vmem>> -> memref<1x128x64xf32, #tpu.memory_space<vmem>>
      %dma_wait3A_665 = tpu.memref_squeeze %dma_wait3A_664 : memref<1x128x64xf32, #tpu.memory_space<vmem>> -> memref<128x64xf32, #tpu.memory_space<vmem>>
      %dma_wait3A_666 = arith.constant 0 : i32
      %dma_wait3A_667 = tpu.memref_slice %arg6[%dma_wait3A_659, %dma_wait3A_660, %dma_wait3A_666] : memref<2x16x128xi32, #tpu.memory_space<vmem>> -> memref<1x1x128xi32, #tpu.memory_space<vmem>>
      %dma_wait3A_668 = tpu.memref_squeeze %dma_wait3A_667 : memref<1x1x128xi32, #tpu.memory_space<vmem>> -> memref<128xi32, #tpu.memory_space<vmem>>
      %dma_wait3A_669 = arith.constant 0 : i32
      %dma_wait3A_670 = arith.constant 0 : i32
      %dma_wait3A_671 = tpu.memref_slice %arg9[%dma_wait3A_669, %dma_wait3A_670] : memref<10240x64xf32, #tpu.memory_space<vmem_shared>> -> memref<10240x64xf32, #tpu.memory_space<vmem_shared>>
      tpu.wait_indirect_dma semaphore(%arg12 : memref<!tpu.dma_semaphore, #tpu.memory_space<semaphore_mem>>) src(%dma_wait3A_671 : memref<10240x64xf32, #tpu.memory_space<vmem_shared>>) dst(%dma_wait3A_665 : memref<128x64xf32, #tpu.memory_space<vmem>>)
      %dma_start3A_672 = arith.constant 2 : i32
      %dma_start3A_673 = arith.constant 10 : i32
      %dma_start3A_674 = arith.constant 0 : i32
      %dma_start3A_675 = arith.constant 0 : i32
      %dma_start3A_676 = tpu.memref_slice %arg8[%dma_start3A_672, %dma_start3A_674, %dma_start3A_675] : memref<4x128x64xf32, #tpu.memory_space<vmem>> -> memref<1x128x64xf32, #tpu.memory_space<vmem>>
      %dma_start3A_677 = tpu.memref_squeeze %dma_start3A_676 : memref<1x128x64xf32, #tpu.memory_space<vmem>> -> memref<128x64xf32, #tpu.memory_space<vmem>>
      %dma_start3A_678 = arith.constant 0 : i32
      %dma_start3A_679 = tpu.memref_slice %arg7[%and3A_74, %dma_start3A_673, %dma_start3A_678] : memref<2x16x128xi32, #tpu.memory_space<vmem>> -> memref<1x1x128xi32, #tpu.memory_space<vmem>>
      %dma_start3A_680 = tpu.memref_squeeze %dma_start3A_679 : memref<1x1x128xi32, #tpu.memory_space<vmem>> -> memref<128xi32, #tpu.memory_space<vmem>>
      %dma_start3A_681 = arith.constant 0 : i32
      %dma_start3A_682 = arith.constant 0 : i32
      %dma_start3A_683 = tpu.memref_slice %arg10[%dma_start3A_681, %dma_start3A_682] : memref<10240x64xf32, #tpu.memory_space<vmem_shared>> -> memref<10240x64xf32, #tpu.memory_space<vmem_shared>>
      tpu.enqueue_indirect_dma source(%dma_start3A_677 : memref<128x64xf32, #tpu.memory_space<vmem>>) target(%dma_start3A_683 : memref<10240x64xf32, #tpu.memory_space<vmem_shared>>) offsets(%dma_start3A_680 : memref<128xi32, #tpu.memory_space<vmem>>) semaphore(%arg13 : memref<!tpu.dma_semaphore, #tpu.memory_space<semaphore_mem>>) {add = true}
      %dma_wait3A_684 = arith.constant 0 : i32
      %dma_wait3A_685 = arith.constant 0 : i32
      %dma_wait3A_686 = arith.constant 0 : i32
      %dma_wait3A_687 = arith.constant 0 : i32
      %dma_wait3A_688 = arith.constant 0 : i32
      %dma_wait3A_689 = tpu.memref_slice %arg8[%dma_wait3A_684, %dma_wait3A_687, %dma_wait3A_688] : memref<4x128x64xf32, #tpu.memory_space<vmem>> -> memref<1x128x64xf32, #tpu.memory_space<vmem>>
      %dma_wait3A_690 = tpu.memref_squeeze %dma_wait3A_689 : memref<1x128x64xf32, #tpu.memory_space<vmem>> -> memref<128x64xf32, #tpu.memory_space<vmem>>
      %dma_wait3A_691 = arith.constant 0 : i32
      %dma_wait3A_692 = tpu.memref_slice %arg7[%dma_wait3A_685, %dma_wait3A_686, %dma_wait3A_691] : memref<2x16x128xi32, #tpu.memory_space<vmem>> -> memref<1x1x128xi32, #tpu.memory_space<vmem>>
      %dma_wait3A_693 = tpu.memref_squeeze %dma_wait3A_692 : memref<1x1x128xi32, #tpu.memory_space<vmem>> -> memref<128xi32, #tpu.memory_space<vmem>>
      %dma_wait3A_694 = arith.constant 0 : i32
      %dma_wait3A_695 = arith.constant 0 : i32
      %dma_wait3A_696 = tpu.memref_slice %arg10[%dma_wait3A_694, %dma_wait3A_695] : memref<10240x64xf32, #tpu.memory_space<vmem_shared>> -> memref<10240x64xf32, #tpu.memory_space<vmem_shared>>
      tpu.wait_indirect_dma semaphore(%arg13 : memref<!tpu.dma_semaphore, #tpu.memory_space<semaphore_mem>>) src(%dma_wait3A_690 : memref<128x64xf32, #tpu.memory_space<vmem>>) dst(%dma_wait3A_696 : memref<10240x64xf32, #tpu.memory_space<vmem_shared>>)
      %dma_start3A_697 = arith.constant 14 : i32
      %dma_start3A_698 = arith.constant 2 : i32
      %dma_start3A_699 = arith.constant 0 : i32
      %dma_start3A_700 = arith.constant 0 : i32
      %dma_start3A_701 = tpu.memref_slice %arg8[%dma_start3A_698, %dma_start3A_699, %dma_start3A_700] : memref<4x128x64xf32, #tpu.memory_space<vmem>> -> memref<1x128x64xf32, #tpu.memory_space<vmem>>
      %dma_start3A_702 = tpu.memref_squeeze %dma_start3A_701 : memref<1x128x64xf32, #tpu.memory_space<vmem>> -> memref<128x64xf32, #tpu.memory_space<vmem>>
      %dma_start3A_703 = arith.constant 0 : i32
      %dma_start3A_704 = tpu.memref_slice %arg6[%and3A_74, %dma_start3A_697, %dma_start3A_703] : memref<2x16x128xi32, #tpu.memory_space<vmem>> -> memref<1x1x128xi32, #tpu.memory_space<vmem>>
      %dma_start3A_705 = tpu.memref_squeeze %dma_start3A_704 : memref<1x1x128xi32, #tpu.memory_space<vmem>> -> memref<128xi32, #tpu.memory_space<vmem>>
      %dma_start3A_706 = arith.constant 0 : i32
      %dma_start3A_707 = arith.constant 0 : i32
      %dma_start3A_708 = tpu.memref_slice %arg9[%dma_start3A_706, %dma_start3A_707] : memref<10240x64xf32, #tpu.memory_space<vmem_shared>> -> memref<10240x64xf32, #tpu.memory_space<vmem_shared>>
      tpu.enqueue_indirect_dma source(%dma_start3A_708 : memref<10240x64xf32, #tpu.memory_space<vmem_shared>>) target(%dma_start3A_702 : memref<128x64xf32, #tpu.memory_space<vmem>>) offsets(%dma_start3A_705 : memref<128xi32, #tpu.memory_space<vmem>>) semaphore(%arg12 : memref<!tpu.dma_semaphore, #tpu.memory_space<semaphore_mem>>)
      %dma_wait3A_709 = arith.constant 0 : i32
      %dma_wait3A_710 = arith.constant 0 : i32
      %dma_wait3A_711 = arith.constant 3 : i32
      %dma_wait3A_712 = arith.constant 0 : i32
      %dma_wait3A_713 = arith.constant 0 : i32
      %dma_wait3A_714 = tpu.memref_slice %arg8[%dma_wait3A_711, %dma_wait3A_712, %dma_wait3A_713] : memref<4x128x64xf32, #tpu.memory_space<vmem>> -> memref<1x128x64xf32, #tpu.memory_space<vmem>>
      %dma_wait3A_715 = tpu.memref_squeeze %dma_wait3A_714 : memref<1x128x64xf32, #tpu.memory_space<vmem>> -> memref<128x64xf32, #tpu.memory_space<vmem>>
      %dma_wait3A_716 = arith.constant 0 : i32
      %dma_wait3A_717 = tpu.memref_slice %arg6[%dma_wait3A_709, %dma_wait3A_710, %dma_wait3A_716] : memref<2x16x128xi32, #tpu.memory_space<vmem>> -> memref<1x1x128xi32, #tpu.memory_space<vmem>>
      %dma_wait3A_718 = tpu.memref_squeeze %dma_wait3A_717 : memref<1x1x128xi32, #tpu.memory_space<vmem>> -> memref<128xi32, #tpu.memory_space<vmem>>
      %dma_wait3A_719 = arith.constant 0 : i32
      %dma_wait3A_720 = arith.constant 0 : i32
      %dma_wait3A_721 = tpu.memref_slice %arg9[%dma_wait3A_719, %dma_wait3A_720] : memref<10240x64xf32, #tpu.memory_space<vmem_shared>> -> memref<10240x64xf32, #tpu.memory_space<vmem_shared>>
      tpu.wait_indirect_dma semaphore(%arg12 : memref<!tpu.dma_semaphore, #tpu.memory_space<semaphore_mem>>) src(%dma_wait3A_721 : memref<10240x64xf32, #tpu.memory_space<vmem_shared>>) dst(%dma_wait3A_715 : memref<128x64xf32, #tpu.memory_space<vmem>>)
      %dma_start3A_722 = arith.constant 3 : i32
      %dma_start3A_723 = arith.constant 11 : i32
      %dma_start3A_724 = arith.constant 0 : i32
      %dma_start3A_725 = arith.constant 0 : i32
      %dma_start3A_726 = tpu.memref_slice %arg8[%dma_start3A_722, %dma_start3A_724, %dma_start3A_725] : memref<4x128x64xf32, #tpu.memory_space<vmem>> -> memref<1x128x64xf32, #tpu.memory_space<vmem>>
      %dma_start3A_727 = tpu.memref_squeeze %dma_start3A_726 : memref<1x128x64xf32, #tpu.memory_space<vmem>> -> memref<128x64xf32, #tpu.memory_space<vmem>>
      %dma_start3A_728 = arith.constant 0 : i32
      %dma_start3A_729 = tpu.memref_slice %arg7[%and3A_74, %dma_start3A_723, %dma_start3A_728] : memref<2x16x128xi32, #tpu.memory_space<vmem>> -> memref<1x1x128xi32, #tpu.memory_space<vmem>>
      %dma_start3A_730 = tpu.memref_squeeze %dma_start3A_729 : memref<1x1x128xi32, #tpu.memory_space<vmem>> -> memref<128xi32, #tpu.memory_space<vmem>>
      %dma_start3A_731 = arith.constant 0 : i32
      %dma_start3A_732 = arith.constant 0 : i32
      %dma_start3A_733 = tpu.memref_slice %arg10[%dma_start3A_731, %dma_start3A_732] : memref<10240x64xf32, #tpu.memory_space<vmem_shared>> -> memref<10240x64xf32, #tpu.memory_space<vmem_shared>>
      tpu.enqueue_indirect_dma source(%dma_start3A_727 : memref<128x64xf32, #tpu.memory_space<vmem>>) target(%dma_start3A_733 : memref<10240x64xf32, #tpu.memory_space<vmem_shared>>) offsets(%dma_start3A_730 : memref<128xi32, #tpu.memory_space<vmem>>) semaphore(%arg13 : memref<!tpu.dma_semaphore, #tpu.memory_space<semaphore_mem>>) {add = true}
      %dma_wait3A_734 = arith.constant 0 : i32
      %dma_wait3A_735 = arith.constant 0 : i32
      %dma_wait3A_736 = arith.constant 0 : i32
      %dma_wait3A_737 = arith.constant 0 : i32
      %dma_wait3A_738 = arith.constant 0 : i32
      %dma_wait3A_739 = tpu.memref_slice %arg8[%dma_wait3A_734, %dma_wait3A_737, %dma_wait3A_738] : memref<4x128x64xf32, #tpu.memory_space<vmem>> -> memref<1x128x64xf32, #tpu.memory_space<vmem>>
      %dma_wait3A_740 = tpu.memref_squeeze %dma_wait3A_739 : memref<1x128x64xf32, #tpu.memory_space<vmem>> -> memref<128x64xf32, #tpu.memory_space<vmem>>
      %dma_wait3A_741 = arith.constant 0 : i32
      %dma_wait3A_742 = tpu.memref_slice %arg7[%dma_wait3A_735, %dma_wait3A_736, %dma_wait3A_741] : memref<2x16x128xi32, #tpu.memory_space<vmem>> -> memref<1x1x128xi32, #tpu.memory_space<vmem>>
      %dma_wait3A_743 = tpu.memref_squeeze %dma_wait3A_742 : memref<1x1x128xi32, #tpu.memory_space<vmem>> -> memref<128xi32, #tpu.memory_space<vmem>>
      %dma_wait3A_744 = arith.constant 0 : i32
      %dma_wait3A_745 = arith.constant 0 : i32
      %dma_wait3A_746 = tpu.memref_slice %arg10[%dma_wait3A_744, %dma_wait3A_745] : memref<10240x64xf32, #tpu.memory_space<vmem_shared>> -> memref<10240x64xf32, #tpu.memory_space<vmem_shared>>
      tpu.wait_indirect_dma semaphore(%arg13 : memref<!tpu.dma_semaphore, #tpu.memory_space<semaphore_mem>>) src(%dma_wait3A_740 : memref<128x64xf32, #tpu.memory_space<vmem>>) dst(%dma_wait3A_746 : memref<10240x64xf32, #tpu.memory_space<vmem_shared>>)
      %dma_start3A_747 = arith.constant 15 : i32
      %dma_start3A_748 = arith.constant 3 : i32
      %dma_start3A_749 = arith.constant 0 : i32
      %dma_start3A_750 = arith.constant 0 : i32
      %dma_start3A_751 = tpu.memref_slice %arg8[%dma_start3A_748, %dma_start3A_749, %dma_start3A_750] : memref<4x128x64xf32, #tpu.memory_space<vmem>> -> memref<1x128x64xf32, #tpu.memory_space<vmem>>
      %dma_start3A_752 = tpu.memref_squeeze %dma_start3A_751 : memref<1x128x64xf32, #tpu.memory_space<vmem>> -> memref<128x64xf32, #tpu.memory_space<vmem>>
      %dma_start3A_753 = arith.constant 0 : i32
      %dma_start3A_754 = tpu.memref_slice %arg6[%and3A_74, %dma_start3A_747, %dma_start3A_753] : memref<2x16x128xi32, #tpu.memory_space<vmem>> -> memref<1x1x128xi32, #tpu.memory_space<vmem>>
      %dma_start3A_755 = tpu.memref_squeeze %dma_start3A_754 : memref<1x1x128xi32, #tpu.memory_space<vmem>> -> memref<128xi32, #tpu.memory_space<vmem>>
      %dma_start3A_756 = arith.constant 0 : i32
      %dma_start3A_757 = arith.constant 0 : i32
      %dma_start3A_758 = tpu.memref_slice %arg9[%dma_start3A_756, %dma_start3A_757] : memref<10240x64xf32, #tpu.memory_space<vmem_shared>> -> memref<10240x64xf32, #tpu.memory_space<vmem_shared>>
      tpu.enqueue_indirect_dma source(%dma_start3A_758 : memref<10240x64xf32, #tpu.memory_space<vmem_shared>>) target(%dma_start3A_752 : memref<128x64xf32, #tpu.memory_space<vmem>>) offsets(%dma_start3A_755 : memref<128xi32, #tpu.memory_space<vmem>>) semaphore(%arg12 : memref<!tpu.dma_semaphore, #tpu.memory_space<semaphore_mem>>)
      %dma_wait3A_759 = arith.constant 0 : i32
      %dma_wait3A_760 = arith.constant 0 : i32
      %dma_wait3A_761 = arith.constant 0 : i32
      %dma_wait3A_762 = arith.constant 0 : i32
      %dma_wait3A_763 = arith.constant 0 : i32
      %dma_wait3A_764 = tpu.memref_slice %arg8[%dma_wait3A_761, %dma_wait3A_762, %dma_wait3A_763] : memref<4x128x64xf32, #tpu.memory_space<vmem>> -> memref<1x128x64xf32, #tpu.memory_space<vmem>>
      %dma_wait3A_765 = tpu.memref_squeeze %dma_wait3A_764 : memref<1x128x64xf32, #tpu.memory_space<vmem>> -> memref<128x64xf32, #tpu.memory_space<vmem>>
      %dma_wait3A_766 = arith.constant 0 : i32
      %dma_wait3A_767 = tpu.memref_slice %arg6[%dma_wait3A_759, %dma_wait3A_760, %dma_wait3A_766] : memref<2x16x128xi32, #tpu.memory_space<vmem>> -> memref<1x1x128xi32, #tpu.memory_space<vmem>>
      %dma_wait3A_768 = tpu.memref_squeeze %dma_wait3A_767 : memref<1x1x128xi32, #tpu.memory_space<vmem>> -> memref<128xi32, #tpu.memory_space<vmem>>
      %dma_wait3A_769 = arith.constant 0 : i32
      %dma_wait3A_770 = arith.constant 0 : i32
      %dma_wait3A_771 = tpu.memref_slice %arg9[%dma_wait3A_769, %dma_wait3A_770] : memref<10240x64xf32, #tpu.memory_space<vmem_shared>> -> memref<10240x64xf32, #tpu.memory_space<vmem_shared>>
      tpu.wait_indirect_dma semaphore(%arg12 : memref<!tpu.dma_semaphore, #tpu.memory_space<semaphore_mem>>) src(%dma_wait3A_771 : memref<10240x64xf32, #tpu.memory_space<vmem_shared>>) dst(%dma_wait3A_765 : memref<128x64xf32, #tpu.memory_space<vmem>>)
      %dma_start3A_772 = arith.constant 0 : i32
      %dma_start3A_773 = arith.constant 12 : i32
      %dma_start3A_774 = arith.constant 0 : i32
      %dma_start3A_775 = arith.constant 0 : i32
      %dma_start3A_776 = tpu.memref_slice %arg8[%dma_start3A_772, %dma_start3A_774, %dma_start3A_775] : memref<4x128x64xf32, #tpu.memory_space<vmem>> -> memref<1x128x64xf32, #tpu.memory_space<vmem>>
      %dma_start3A_777 = tpu.memref_squeeze %dma_start3A_776 : memref<1x128x64xf32, #tpu.memory_space<vmem>> -> memref<128x64xf32, #tpu.memory_space<vmem>>
      %dma_start3A_778 = arith.constant 0 : i32
      %dma_start3A_779 = tpu.memref_slice %arg7[%and3A_74, %dma_start3A_773, %dma_start3A_778] : memref<2x16x128xi32, #tpu.memory_space<vmem>> -> memref<1x1x128xi32, #tpu.memory_space<vmem>>
      %dma_start3A_780 = tpu.memref_squeeze %dma_start3A_779 : memref<1x1x128xi32, #tpu.memory_space<vmem>> -> memref<128xi32, #tpu.memory_space<vmem>>
      %dma_start3A_781 = arith.constant 0 : i32
      %dma_start3A_782 = arith.constant 0 : i32
      %dma_start3A_783 = tpu.memref_slice %arg10[%dma_start3A_781, %dma_start3A_782] : memref<10240x64xf32, #tpu.memory_space<vmem_shared>> -> memref<10240x64xf32, #tpu.memory_space<vmem_shared>>
      tpu.enqueue_indirect_dma source(%dma_start3A_777 : memref<128x64xf32, #tpu.memory_space<vmem>>) target(%dma_start3A_783 : memref<10240x64xf32, #tpu.memory_space<vmem_shared>>) offsets(%dma_start3A_780 : memref<128xi32, #tpu.memory_space<vmem>>) semaphore(%arg13 : memref<!tpu.dma_semaphore, #tpu.memory_space<semaphore_mem>>) {add = true}
      %dma_wait3A_784 = arith.constant 0 : i32
      %dma_wait3A_785 = arith.constant 0 : i32
      %dma_wait3A_786 = arith.constant 0 : i32
      %dma_wait3A_787 = arith.constant 0 : i32
      %dma_wait3A_788 = arith.constant 0 : i32
      %dma_wait3A_789 = tpu.memref_slice %arg8[%dma_wait3A_784, %dma_wait3A_787, %dma_wait3A_788] : memref<4x128x64xf32, #tpu.memory_space<vmem>> -> memref<1x128x64xf32, #tpu.memory_space<vmem>>
      %dma_wait3A_790 = tpu.memref_squeeze %dma_wait3A_789 : memref<1x128x64xf32, #tpu.memory_space<vmem>> -> memref<128x64xf32, #tpu.memory_space<vmem>>
      %dma_wait3A_791 = arith.constant 0 : i32
      %dma_wait3A_792 = tpu.memref_slice %arg7[%dma_wait3A_785, %dma_wait3A_786, %dma_wait3A_791] : memref<2x16x128xi32, #tpu.memory_space<vmem>> -> memref<1x1x128xi32, #tpu.memory_space<vmem>>
      %dma_wait3A_793 = tpu.memref_squeeze %dma_wait3A_792 : memref<1x1x128xi32, #tpu.memory_space<vmem>> -> memref<128xi32, #tpu.memory_space<vmem>>
      %dma_wait3A_794 = arith.constant 0 : i32
      %dma_wait3A_795 = arith.constant 0 : i32
      %dma_wait3A_796 = tpu.memref_slice %arg10[%dma_wait3A_794, %dma_wait3A_795] : memref<10240x64xf32, #tpu.memory_space<vmem_shared>> -> memref<10240x64xf32, #tpu.memory_space<vmem_shared>>
      tpu.wait_indirect_dma semaphore(%arg13 : memref<!tpu.dma_semaphore, #tpu.memory_space<semaphore_mem>>) src(%dma_wait3A_790 : memref<128x64xf32, #tpu.memory_space<vmem>>) dst(%dma_wait3A_796 : memref<10240x64xf32, #tpu.memory_space<vmem_shared>>)
      %dma_wait3A_797 = arith.constant 0 : i32
      %dma_wait3A_798 = arith.constant 0 : i32
      %dma_wait3A_799 = arith.constant 1 : i32
      %dma_wait3A_800 = arith.constant 0 : i32
      %dma_wait3A_801 = arith.constant 0 : i32
      %dma_wait3A_802 = tpu.memref_slice %arg8[%dma_wait3A_799, %dma_wait3A_800, %dma_wait3A_801] : memref<4x128x64xf32, #tpu.memory_space<vmem>> -> memref<1x128x64xf32, #tpu.memory_space<vmem>>
      %dma_wait3A_803 = tpu.memref_squeeze %dma_wait3A_802 : memref<1x128x64xf32, #tpu.memory_space<vmem>> -> memref<128x64xf32, #tpu.memory_space<vmem>>
      %dma_wait3A_804 = arith.constant 0 : i32
      %dma_wait3A_805 = tpu.memref_slice %arg6[%dma_wait3A_797, %dma_wait3A_798, %dma_wait3A_804] : memref<2x16x128xi32, #tpu.memory_space<vmem>> -> memref<1x1x128xi32, #tpu.memory_space<vmem>>
      %dma_wait3A_806 = tpu.memref_squeeze %dma_wait3A_805 : memref<1x1x128xi32, #tpu.memory_space<vmem>> -> memref<128xi32, #tpu.memory_space<vmem>>
      %dma_wait3A_807 = arith.constant 0 : i32
      %dma_wait3A_808 = arith.constant 0 : i32
      %dma_wait3A_809 = tpu.memref_slice %arg9[%dma_wait3A_807, %dma_wait3A_808] : memref<10240x64xf32, #tpu.memory_space<vmem_shared>> -> memref<10240x64xf32, #tpu.memory_space<vmem_shared>>
      tpu.wait_indirect_dma semaphore(%arg12 : memref<!tpu.dma_semaphore, #tpu.memory_space<semaphore_mem>>) src(%dma_wait3A_809 : memref<10240x64xf32, #tpu.memory_space<vmem_shared>>) dst(%dma_wait3A_803 : memref<128x64xf32, #tpu.memory_space<vmem>>)
      %dma_start3A_810 = arith.constant 1 : i32
      %dma_start3A_811 = arith.constant 13 : i32
      %dma_start3A_812 = arith.constant 0 : i32
      %dma_start3A_813 = arith.constant 0 : i32
      %dma_start3A_814 = tpu.memref_slice %arg8[%dma_start3A_810, %dma_start3A_812, %dma_start3A_813] : memref<4x128x64xf32, #tpu.memory_space<vmem>> -> memref<1x128x64xf32, #tpu.memory_space<vmem>>
      %dma_start3A_815 = tpu.memref_squeeze %dma_start3A_814 : memref<1x128x64xf32, #tpu.memory_space<vmem>> -> memref<128x64xf32, #tpu.memory_space<vmem>>
      %dma_start3A_816 = arith.constant 0 : i32
      %dma_start3A_817 = tpu.memref_slice %arg7[%and3A_74, %dma_start3A_811, %dma_start3A_816] : memref<2x16x128xi32, #tpu.memory_space<vmem>> -> memref<1x1x128xi32, #tpu.memory_space<vmem>>
      %dma_start3A_818 = tpu.memref_squeeze %dma_start3A_817 : memref<1x1x128xi32, #tpu.memory_space<vmem>> -> memref<128xi32, #tpu.memory_space<vmem>>
      %dma_start3A_819 = arith.constant 0 : i32
      %dma_start3A_820 = arith.constant 0 : i32
      %dma_start3A_821 = tpu.memref_slice %arg10[%dma_start3A_819, %dma_start3A_820] : memref<10240x64xf32, #tpu.memory_space<vmem_shared>> -> memref<10240x64xf32, #tpu.memory_space<vmem_shared>>
      tpu.enqueue_indirect_dma source(%dma_start3A_815 : memref<128x64xf32, #tpu.memory_space<vmem>>) target(%dma_start3A_821 : memref<10240x64xf32, #tpu.memory_space<vmem_shared>>) offsets(%dma_start3A_818 : memref<128xi32, #tpu.memory_space<vmem>>) semaphore(%arg13 : memref<!tpu.dma_semaphore, #tpu.memory_space<semaphore_mem>>) {add = true}
      %dma_wait3A_822 = arith.constant 0 : i32
      %dma_wait3A_823 = arith.constant 0 : i32
      %dma_wait3A_824 = arith.constant 0 : i32
      %dma_wait3A_825 = arith.constant 0 : i32
      %dma_wait3A_826 = arith.constant 0 : i32
      %dma_wait3A_827 = tpu.memref_slice %arg8[%dma_wait3A_822, %dma_wait3A_825, %dma_wait3A_826] : memref<4x128x64xf32, #tpu.memory_space<vmem>> -> memref<1x128x64xf32, #tpu.memory_space<vmem>>
      %dma_wait3A_828 = tpu.memref_squeeze %dma_wait3A_827 : memref<1x128x64xf32, #tpu.memory_space<vmem>> -> memref<128x64xf32, #tpu.memory_space<vmem>>
      %dma_wait3A_829 = arith.constant 0 : i32
      %dma_wait3A_830 = tpu.memref_slice %arg7[%dma_wait3A_823, %dma_wait3A_824, %dma_wait3A_829] : memref<2x16x128xi32, #tpu.memory_space<vmem>> -> memref<1x1x128xi32, #tpu.memory_space<vmem>>
      %dma_wait3A_831 = tpu.memref_squeeze %dma_wait3A_830 : memref<1x1x128xi32, #tpu.memory_space<vmem>> -> memref<128xi32, #tpu.memory_space<vmem>>
      %dma_wait3A_832 = arith.constant 0 : i32
      %dma_wait3A_833 = arith.constant 0 : i32
      %dma_wait3A_834 = tpu.memref_slice %arg10[%dma_wait3A_832, %dma_wait3A_833] : memref<10240x64xf32, #tpu.memory_space<vmem_shared>> -> memref<10240x64xf32, #tpu.memory_space<vmem_shared>>
      tpu.wait_indirect_dma semaphore(%arg13 : memref<!tpu.dma_semaphore, #tpu.memory_space<semaphore_mem>>) src(%dma_wait3A_828 : memref<128x64xf32, #tpu.memory_space<vmem>>) dst(%dma_wait3A_834 : memref<10240x64xf32, #tpu.memory_space<vmem_shared>>)
      %dma_wait3A_835 = arith.constant 0 : i32
      %dma_wait3A_836 = arith.constant 0 : i32
      %dma_wait3A_837 = arith.constant 2 : i32
      %dma_wait3A_838 = arith.constant 0 : i32
      %dma_wait3A_839 = arith.constant 0 : i32
      %dma_wait3A_840 = tpu.memref_slice %arg8[%dma_wait3A_837, %dma_wait3A_838, %dma_wait3A_839] : memref<4x128x64xf32, #tpu.memory_space<vmem>> -> memref<1x128x64xf32, #tpu.memory_space<vmem>>
      %dma_wait3A_841 = tpu.memref_squeeze %dma_wait3A_840 : memref<1x128x64xf32, #tpu.memory_space<vmem>> -> memref<128x64xf32, #tpu.memory_space<vmem>>
      %dma_wait3A_842 = arith.constant 0 : i32
      %dma_wait3A_843 = tpu.memref_slice %arg6[%dma_wait3A_835, %dma_wait3A_836, %dma_wait3A_842] : memref<2x16x128xi32, #tpu.memory_space<vmem>> -> memref<1x1x128xi32, #tpu.memory_space<vmem>>
      %dma_wait3A_844 = tpu.memref_squeeze %dma_wait3A_843 : memref<1x1x128xi32, #tpu.memory_space<vmem>> -> memref<128xi32, #tpu.memory_space<vmem>>
      %dma_wait3A_845 = arith.constant 0 : i32
      %dma_wait3A_846 = arith.constant 0 : i32
      %dma_wait3A_847 = tpu.memref_slice %arg9[%dma_wait3A_845, %dma_wait3A_846] : memref<10240x64xf32, #tpu.memory_space<vmem_shared>> -> memref<10240x64xf32, #tpu.memory_space<vmem_shared>>
      tpu.wait_indirect_dma semaphore(%arg12 : memref<!tpu.dma_semaphore, #tpu.memory_space<semaphore_mem>>) src(%dma_wait3A_847 : memref<10240x64xf32, #tpu.memory_space<vmem_shared>>) dst(%dma_wait3A_841 : memref<128x64xf32, #tpu.memory_space<vmem>>)
      %dma_start3A_848 = arith.constant 2 : i32
      %dma_start3A_849 = arith.constant 14 : i32
      %dma_start3A_850 = arith.constant 0 : i32
      %dma_start3A_851 = arith.constant 0 : i32
      %dma_start3A_852 = tpu.memref_slice %arg8[%dma_start3A_848, %dma_start3A_850, %dma_start3A_851] : memref<4x128x64xf32, #tpu.memory_space<vmem>> -> memref<1x128x64xf32, #tpu.memory_space<vmem>>
      %dma_start3A_853 = tpu.memref_squeeze %dma_start3A_852 : memref<1x128x64xf32, #tpu.memory_space<vmem>> -> memref<128x64xf32, #tpu.memory_space<vmem>>
      %dma_start3A_854 = arith.constant 0 : i32
      %dma_start3A_855 = tpu.memref_slice %arg7[%and3A_74, %dma_start3A_849, %dma_start3A_854] : memref<2x16x128xi32, #tpu.memory_space<vmem>> -> memref<1x1x128xi32, #tpu.memory_space<vmem>>
      %dma_start3A_856 = tpu.memref_squeeze %dma_start3A_855 : memref<1x1x128xi32, #tpu.memory_space<vmem>> -> memref<128xi32, #tpu.memory_space<vmem>>
      %dma_start3A_857 = arith.constant 0 : i32
      %dma_start3A_858 = arith.constant 0 : i32
      %dma_start3A_859 = tpu.memref_slice %arg10[%dma_start3A_857, %dma_start3A_858] : memref<10240x64xf32, #tpu.memory_space<vmem_shared>> -> memref<10240x64xf32, #tpu.memory_space<vmem_shared>>
      tpu.enqueue_indirect_dma source(%dma_start3A_853 : memref<128x64xf32, #tpu.memory_space<vmem>>) target(%dma_start3A_859 : memref<10240x64xf32, #tpu.memory_space<vmem_shared>>) offsets(%dma_start3A_856 : memref<128xi32, #tpu.memory_space<vmem>>) semaphore(%arg13 : memref<!tpu.dma_semaphore, #tpu.memory_space<semaphore_mem>>) {add = true}
      %dma_wait3A_860 = arith.constant 0 : i32
      %dma_wait3A_861 = arith.constant 0 : i32
      %dma_wait3A_862 = arith.constant 0 : i32
      %dma_wait3A_863 = arith.constant 0 : i32
      %dma_wait3A_864 = arith.constant 0 : i32
      %dma_wait3A_865 = tpu.memref_slice %arg8[%dma_wait3A_860, %dma_wait3A_863, %dma_wait3A_864] : memref<4x128x64xf32, #tpu.memory_space<vmem>> -> memref<1x128x64xf32, #tpu.memory_space<vmem>>
      %dma_wait3A_866 = tpu.memref_squeeze %dma_wait3A_865 : memref<1x128x64xf32, #tpu.memory_space<vmem>> -> memref<128x64xf32, #tpu.memory_space<vmem>>
      %dma_wait3A_867 = arith.constant 0 : i32
      %dma_wait3A_868 = tpu.memref_slice %arg7[%dma_wait3A_861, %dma_wait3A_862, %dma_wait3A_867] : memref<2x16x128xi32, #tpu.memory_space<vmem>> -> memref<1x1x128xi32, #tpu.memory_space<vmem>>
      %dma_wait3A_869 = tpu.memref_squeeze %dma_wait3A_868 : memref<1x1x128xi32, #tpu.memory_space<vmem>> -> memref<128xi32, #tpu.memory_space<vmem>>
      %dma_wait3A_870 = arith.constant 0 : i32
      %dma_wait3A_871 = arith.constant 0 : i32
      %dma_wait3A_872 = tpu.memref_slice %arg10[%dma_wait3A_870, %dma_wait3A_871] : memref<10240x64xf32, #tpu.memory_space<vmem_shared>> -> memref<10240x64xf32, #tpu.memory_space<vmem_shared>>
      tpu.wait_indirect_dma semaphore(%arg13 : memref<!tpu.dma_semaphore, #tpu.memory_space<semaphore_mem>>) src(%dma_wait3A_866 : memref<128x64xf32, #tpu.memory_space<vmem>>) dst(%dma_wait3A_872 : memref<10240x64xf32, #tpu.memory_space<vmem_shared>>)
      %dma_wait3A_873 = arith.constant 0 : i32
      %dma_wait3A_874 = arith.constant 0 : i32
      %dma_wait3A_875 = arith.constant 3 : i32
      %dma_wait3A_876 = arith.constant 0 : i32
      %dma_wait3A_877 = arith.constant 0 : i32
      %dma_wait3A_878 = tpu.memref_slice %arg8[%dma_wait3A_875, %dma_wait3A_876, %dma_wait3A_877] : memref<4x128x64xf32, #tpu.memory_space<vmem>> -> memref<1x128x64xf32, #tpu.memory_space<vmem>>
      %dma_wait3A_879 = tpu.memref_squeeze %dma_wait3A_878 : memref<1x128x64xf32, #tpu.memory_space<vmem>> -> memref<128x64xf32, #tpu.memory_space<vmem>>
      %dma_wait3A_880 = arith.constant 0 : i32
      %dma_wait3A_881 = tpu.memref_slice %arg6[%dma_wait3A_873, %dma_wait3A_874, %dma_wait3A_880] : memref<2x16x128xi32, #tpu.memory_space<vmem>> -> memref<1x1x128xi32, #tpu.memory_space<vmem>>
      %dma_wait3A_882 = tpu.memref_squeeze %dma_wait3A_881 : memref<1x1x128xi32, #tpu.memory_space<vmem>> -> memref<128xi32, #tpu.memory_space<vmem>>
      %dma_wait3A_883 = arith.constant 0 : i32
      %dma_wait3A_884 = arith.constant 0 : i32
      %dma_wait3A_885 = tpu.memref_slice %arg9[%dma_wait3A_883, %dma_wait3A_884] : memref<10240x64xf32, #tpu.memory_space<vmem_shared>> -> memref<10240x64xf32, #tpu.memory_space<vmem_shared>>
      tpu.wait_indirect_dma semaphore(%arg12 : memref<!tpu.dma_semaphore, #tpu.memory_space<semaphore_mem>>) src(%dma_wait3A_885 : memref<10240x64xf32, #tpu.memory_space<vmem_shared>>) dst(%dma_wait3A_879 : memref<128x64xf32, #tpu.memory_space<vmem>>)
      %dma_start3A_886 = arith.constant 3 : i32
      %dma_start3A_887 = arith.constant 15 : i32
      %dma_start3A_888 = arith.constant 0 : i32
      %dma_start3A_889 = arith.constant 0 : i32
      %dma_start3A_890 = tpu.memref_slice %arg8[%dma_start3A_886, %dma_start3A_888, %dma_start3A_889] : memref<4x128x64xf32, #tpu.memory_space<vmem>> -> memref<1x128x64xf32, #tpu.memory_space<vmem>>
      %dma_start3A_891 = tpu.memref_squeeze %dma_start3A_890 : memref<1x128x64xf32, #tpu.memory_space<vmem>> -> memref<128x64xf32, #tpu.memory_space<vmem>>
      %dma_start3A_892 = arith.constant 0 : i32
      %dma_start3A_893 = tpu.memref_slice %arg7[%and3A_74, %dma_start3A_887, %dma_start3A_892] : memref<2x16x128xi32, #tpu.memory_space<vmem>> -> memref<1x1x128xi32, #tpu.memory_space<vmem>>
      %dma_start3A_894 = tpu.memref_squeeze %dma_start3A_893 : memref<1x1x128xi32, #tpu.memory_space<vmem>> -> memref<128xi32, #tpu.memory_space<vmem>>
      %dma_start3A_895 = arith.constant 0 : i32
      %dma_start3A_896 = arith.constant 0 : i32
      %dma_start3A_897 = tpu.memref_slice %arg10[%dma_start3A_895, %dma_start3A_896] : memref<10240x64xf32, #tpu.memory_space<vmem_shared>> -> memref<10240x64xf32, #tpu.memory_space<vmem_shared>>
      tpu.enqueue_indirect_dma source(%dma_start3A_891 : memref<128x64xf32, #tpu.memory_space<vmem>>) target(%dma_start3A_897 : memref<10240x64xf32, #tpu.memory_space<vmem_shared>>) offsets(%dma_start3A_894 : memref<128xi32, #tpu.memory_space<vmem>>) semaphore(%arg13 : memref<!tpu.dma_semaphore, #tpu.memory_space<semaphore_mem>>) {add = true}
      %scan3A_898 = arith.constant 0 : i32
      scf.yield %scan3A_898 : i32
    }
    %scan3A_53 = arith.constant 10 : i32
    %dma_wait3A_54 = arith.constant 0 : i32
    %dma_wait3A_55 = arith.constant 0 : i32
    %dma_wait3A_56 = arith.constant 0 : i32
    %dma_wait3A_57 = arith.constant 0 : i32
    %dma_wait3A_58 = arith.constant 0 : i32
    %dma_wait3A_59 = tpu.memref_slice %arg8[%dma_wait3A_54, %dma_wait3A_57, %dma_wait3A_58] : memref<4x128x64xf32, #tpu.memory_space<vmem>> -> memref<1x128x64xf32, #tpu.memory_space<vmem>>
    %dma_wait3A_60 = tpu.memref_squeeze %dma_wait3A_59 : memref<1x128x64xf32, #tpu.memory_space<vmem>> -> memref<128x64xf32, #tpu.memory_space<vmem>>
    %dma_wait3A_61 = arith.constant 0 : i32
    %dma_wait3A_62 = tpu.memref_slice %arg7[%dma_wait3A_55, %dma_wait3A_56, %dma_wait3A_61] : memref<2x16x128xi32, #tpu.memory_space<vmem>> -> memref<1x1x128xi32, #tpu.memory_space<vmem>>
    %dma_wait3A_63 = tpu.memref_squeeze %dma_wait3A_62 : memref<1x1x128xi32, #tpu.memory_space<vmem>> -> memref<128xi32, #tpu.memory_space<vmem>>
    %dma_wait3A_64 = arith.constant 0 : i32
    %dma_wait3A_65 = arith.constant 0 : i32
    %dma_wait3A_66 = tpu.memref_slice %arg10[%dma_wait3A_64, %dma_wait3A_65] : memref<10240x64xf32, #tpu.memory_space<vmem_shared>> -> memref<10240x64xf32, #tpu.memory_space<vmem_shared>>
    tpu.wait_indirect_dma semaphore(%arg13 : memref<!tpu.dma_semaphore, #tpu.memory_space<semaphore_mem>>) src(%dma_wait3A_60 : memref<128x64xf32, #tpu.memory_space<vmem>>) dst(%dma_wait3A_66 : memref<10240x64xf32, #tpu.memory_space<vmem_shared>>)
    %barrier3A_67 = arith.constant 0 : index
    tpu.barrier barrier_id(%barrier3A_67)
    %mul3A_68 = arith.constant 640 : i32
    %mul3A_69 = arith.muli %arg1, %mul3A_68 : i32
    %mul3A_70 = arith.constant 640 : i32
    %mul3A_71 = arith.muli %arg1, %mul3A_70 : i32
    "tpu.region"() ({
      %run_scoped3A = tpu.sem_alloc : memref<!tpu.dma_semaphore, #tpu.memory_space<semaphore_mem>>
      %dma_start3A_72 = arith.constant 0 : i32
      %dma_start3A_73 = tpu.memref_slice %arg5[%arg0, %mul3A_71, %dma_start3A_72] : memref<2x10240x64xf32, #tpu.memory_space<hbm>> -> memref<1x640x64xf32, #tpu.memory_space<hbm>>
      %dma_start3A_74 = tpu.memref_squeeze %dma_start3A_73 : memref<1x640x64xf32, #tpu.memory_space<hbm>> -> memref<640x64xf32, #tpu.memory_space<hbm>>
      %dma_start3A_75 = arith.constant 0 : i32
      %dma_start3A_76 = tpu.memref_slice %arg10[%mul3A_69, %dma_start3A_75] : memref<10240x64xf32, #tpu.memory_space<vmem_shared>> -> memref<640x64xf32, #tpu.memory_space<vmem_shared>>
      tpu.enqueue_dma source(%dma_start3A_76 : memref<640x64xf32, #tpu.memory_space<vmem_shared>>) target(%dma_start3A_74 : memref<640x64xf32, #tpu.memory_space<hbm>>) target_semaphore(%run_scoped3A : memref<!tpu.dma_semaphore, #tpu.memory_space<semaphore_mem>>)
      %dma_wait3A_77 = arith.constant 0 : i32
      %dma_wait3A_78 = tpu.memref_slice %arg5[%arg0, %mul3A_71, %dma_wait3A_77] : memref<2x10240x64xf32, #tpu.memory_space<hbm>> -> memref<1x640x64xf32, #tpu.memory_space<hbm>>
      %dma_wait3A_79 = tpu.memref_squeeze %dma_wait3A_78 : memref<1x640x64xf32, #tpu.memory_space<hbm>> -> memref<640x64xf32, #tpu.memory_space<hbm>>
      %dma_wait3A_80 = arith.constant 0 : i32
      %dma_wait3A_81 = tpu.memref_slice %arg10[%mul3A_69, %dma_wait3A_80] : memref<10240x64xf32, #tpu.memory_space<vmem_shared>> -> memref<640x64xf32, #tpu.memory_space<vmem_shared>>
      tpu.wait_dma2 semaphore(%run_scoped3A : memref<!tpu.dma_semaphore, #tpu.memory_space<semaphore_mem>>) src(%dma_wait3A_81 : memref<640x64xf32, #tpu.memory_space<vmem_shared>>) dst(%dma_wait3A_79 : memref<640x64xf32, #tpu.memory_space<hbm>>)
      tpu.yield
    }) : () -> ()
    return
  }
}

#map = affine_map<(d0, d1) -> (0, 0)>
module attributes {stable_mosaic.version = 14 : i64} {
  func.func @_deg_body(%arg0: i32, %arg1: i32, %arg2: memref<2560x128xi32, #tpu.memory_space<hbm>>, %arg3: memref<2x10240xf32, #tpu.memory_space<hbm>>, %arg4: memref<80x128xi32, #tpu.memory_space<vmem>>, %arg5: memref<128xf32, #tpu.memory_space<vmem>>, %arg6: memref<640xf32, #tpu.memory_space<vmem>>, %arg7: memref<10240xf32, #tpu.memory_space<vmem_shared>>, %arg8: memref<!tpu.dma_semaphore, #tpu.memory_space<semaphore_mem>>) attributes {dimension_semantics = [#tpu.dimension_semantics<core_parallel>, #tpu.dimension_semantics<subcore_parallel>], iteration_bounds = array<i64: 2, 16>, scalar_prefetch = 0 : i64, scratch_operands = 5 : i64, tpu.core_type = #tpu.core_type<sc_vector_subcore>, window_params = [{transform_indices = #map}, {transform_indices = #map}]} {
    %mul3A = arith.constant 16 : i32
    %mul3A_0 = arith.muli %arg0, %mul3A : i32
    %add3A = arith.addi %mul3A_0, %arg1 : i32
    %mul3A_1 = arith.constant 80 : i32
    %mul3A_2 = arith.muli %add3A, %mul3A_1 : i32
    %dma_start3A = arith.constant 0 : i32
    %dma_start3A_3 = tpu.memref_slice %arg2[%mul3A_2, %dma_start3A] : memref<2560x128xi32, #tpu.memory_space<hbm>> -> memref<80x128xi32, #tpu.memory_space<hbm>>
    %dma_start3A_4 = arith.constant 0 : i32
    %dma_start3A_5 = tpu.memref_slice %arg2[%mul3A_2, %dma_start3A_4] : memref<2560x128xi32, #tpu.memory_space<hbm>> -> memref<80x128xi32, #tpu.memory_space<hbm>>
    tpu.enqueue_dma source(%dma_start3A_5 : memref<80x128xi32, #tpu.memory_space<hbm>>) target(%arg4 : memref<80x128xi32, #tpu.memory_space<vmem>>) target_semaphore(%arg8 : memref<!tpu.dma_semaphore, #tpu.memory_space<semaphore_mem>>)
    %broadcast_in_dim3A = arith.constant 0.000000e+00 : f32
    %broadcast_in_dim3A_6 = vector.broadcast %broadcast_in_dim3A : f32 to vector<16xf32>
    %broadcast_in_dim3A_7 = arith.constant 1.000000e+00 : f32
    %broadcast_in_dim3A_8 = vector.broadcast %broadcast_in_dim3A_7 : f32 to vector<16xf32>
    %scan3A = arith.constant 0 : i32
    %scan3A_9 = arith.constant 0 : i32
    %scan3A_10 = arith.constant 8 : i32
    %scan3A_11 = arith.addi %scan3A_9, %scan3A_10 : i32
    %scan3A_12 = arith.constant 1 : i32
    %scan3A_13 = scf.for %scan3A_37 = %scan3A_9 to %scan3A_11 step %scan3A_12 iter_args(%scan3A_38 = %scan3A) -> (i32)  : i32 {
      %mul3A_39 = arith.constant 16 : i32
      %mul3A_40 = arith.muli %scan3A_37, %mul3A_39 : i32
      %swap3A = arith.index_cast %mul3A_40 : i32 to index
      %swap3A_41 = tpu.vector_load %arg5[%swap3A] {strides = array<i32>} : memref<128xf32, #tpu.memory_space<vmem>>, vector<16xf32>,
      %swap3A_42 = vector.shape_cast %swap3A_41 : vector<16xf32> to vector<16xf32>
      %swap3A_43 = vector.shape_cast %broadcast_in_dim3A_8 : vector<16xf32> to vector<16xf32>
      tpu.vector_store %arg5[%swap3A], %swap3A_43 {strides = array<i32>} : memref<128xf32, #tpu.memory_space<vmem>>, vector<16xf32>,
      %scan3A_44 = arith.constant 0 : i32
      scf.yield %scan3A_44 : i32
    }
    %scan3A_14 = arith.constant 8 : i32
    %scan3A_15 = arith.constant 0 : i32
    %scan3A_16 = arith.constant 0 : i32
    %scan3A_17 = arith.constant 40 : i32
    %scan3A_18 = arith.addi %scan3A_16, %scan3A_17 : i32
    %scan3A_19 = arith.constant 1 : i32
    %scan3A_20 = scf.for %scan3A_37 = %scan3A_16 to %scan3A_18 step %scan3A_19 iter_args(%scan3A_38 = %scan3A_15) -> (i32)  : i32 {
      %mul3A_39 = arith.constant 16 : i32
      %mul3A_40 = arith.muli %scan3A_37, %mul3A_39 : i32
      %swap3A = arith.index_cast %mul3A_40 : i32 to index
      %swap3A_41 = tpu.vector_load %arg6[%swap3A] {strides = array<i32>} : memref<640xf32, #tpu.memory_space<vmem>>, vector<16xf32>,
      %swap3A_42 = vector.shape_cast %swap3A_41 : vector<16xf32> to vector<16xf32>
      %swap3A_43 = vector.shape_cast %broadcast_in_dim3A_6 : vector<16xf32> to vector<16xf32>
      tpu.vector_store %arg6[%swap3A], %swap3A_43 {strides = array<i32>} : memref<640xf32, #tpu.memory_space<vmem>>, vector<16xf32>,
      %scan3A_44 = arith.constant 0 : i32
      scf.yield %scan3A_44 : i32
    }
    %scan3A_21 = arith.constant 40 : i32
    %mul3A_22 = arith.constant 640 : i32
    %mul3A_23 = arith.muli %arg1, %mul3A_22 : i32
    "tpu.region"() ({
      %run_scoped3A = tpu.sem_alloc : memref<!tpu.dma_semaphore, #tpu.memory_space<semaphore_mem>>
      %dma_start3A_37 = tpu.memref_slice %arg7[%mul3A_23] : memref<10240xf32, #tpu.memory_space<vmem_shared>> -> memref<640xf32, #tpu.memory_space<vmem_shared>>
      %dma_start3A_38 = tpu.memref_slice %arg7[%mul3A_23] : memref<10240xf32, #tpu.memory_space<vmem_shared>> -> memref<640xf32, #tpu.memory_space<vmem_shared>>
      tpu.enqueue_dma source(%arg6 : memref<640xf32, #tpu.memory_space<vmem>>) target(%dma_start3A_38 : memref<640xf32, #tpu.memory_space<vmem_shared>>) target_semaphore(%run_scoped3A : memref<!tpu.dma_semaphore, #tpu.memory_space<semaphore_mem>>)
      %dma_wait3A_39 = tpu.memref_slice %arg7[%mul3A_23] : memref<10240xf32, #tpu.memory_space<vmem_shared>> -> memref<640xf32, #tpu.memory_space<vmem_shared>>
      %dma_wait3A_40 = tpu.memref_slice %arg7[%mul3A_23] : memref<10240xf32, #tpu.memory_space<vmem_shared>> -> memref<640xf32, #tpu.memory_space<vmem_shared>>
      tpu.wait_dma2 semaphore(%run_scoped3A : memref<!tpu.dma_semaphore, #tpu.memory_space<semaphore_mem>>) src(%arg6 : memref<640xf32, #tpu.memory_space<vmem>>) dst(%dma_wait3A_40 : memref<640xf32, #tpu.memory_space<vmem_shared>>)
      tpu.yield
    }) : () -> ()
    %dma_wait3A = arith.constant 0 : i32
    %dma_wait3A_24 = tpu.memref_slice %arg2[%mul3A_2, %dma_wait3A] : memref<2560x128xi32, #tpu.memory_space<hbm>> -> memref<80x128xi32, #tpu.memory_space<hbm>>
    %dma_wait3A_25 = arith.constant 0 : i32
    %dma_wait3A_26 = tpu.memref_slice %arg2[%mul3A_2, %dma_wait3A_25] : memref<2560x128xi32, #tpu.memory_space<hbm>> -> memref<80x128xi32, #tpu.memory_space<hbm>>
    tpu.wait_dma2 semaphore(%arg8 : memref<!tpu.dma_semaphore, #tpu.memory_space<semaphore_mem>>) src(%dma_wait3A_26 : memref<80x128xi32, #tpu.memory_space<hbm>>) dst(%arg4 : memref<80x128xi32, #tpu.memory_space<vmem>>)
    %barrier3A = arith.constant 0 : index
    tpu.barrier barrier_id(%barrier3A)
    %scan3A_27 = arith.constant 0 : i32
    %scan3A_28 = arith.constant 0 : i32
    %scan3A_29 = arith.constant 80 : i32
    %scan3A_30 = arith.addi %scan3A_28, %scan3A_29 : i32
    %scan3A_31 = arith.constant 1 : i32
    %scan3A_32 = scf.for %scan3A_37 = %scan3A_28 to %scan3A_30 step %scan3A_31 iter_args(%scan3A_38 = %scan3A_27) -> (i32)  : i32 {
      "tpu.region"() ({
        %run_scoped3A = tpu.sem_alloc : memref<!tpu.dma_semaphore, #tpu.memory_space<semaphore_mem>>
        %dma_start3A_40 = arith.constant 0 : i32
        %dma_start3A_41 = tpu.memref_slice %arg4[%scan3A_37, %dma_start3A_40] : memref<80x128xi32, #tpu.memory_space<vmem>> -> memref<1x128xi32, #tpu.memory_space<vmem>>
        %dma_start3A_42 = tpu.memref_squeeze %dma_start3A_41 : memref<1x128xi32, #tpu.memory_space<vmem>> -> memref<128xi32, #tpu.memory_space<vmem>>
        %dma_start3A_43 = arith.constant 0 : i32
        %dma_start3A_44 = tpu.memref_slice %arg7[%dma_start3A_43] : memref<10240xf32, #tpu.memory_space<vmem_shared>> -> memref<10240xf32, #tpu.memory_space<vmem_shared>>
        tpu.enqueue_indirect_dma source(%arg5 : memref<128xf32, #tpu.memory_space<vmem>>) target(%dma_start3A_44 : memref<10240xf32, #tpu.memory_space<vmem_shared>>) offsets(%dma_start3A_42 : memref<128xi32, #tpu.memory_space<vmem>>) semaphore(%run_scoped3A : memref<!tpu.dma_semaphore, #tpu.memory_space<semaphore_mem>>) {add = true}
        %dma_wait3A_45 = arith.constant 0 : i32
        %dma_wait3A_46 = tpu.memref_slice %arg4[%scan3A_37, %dma_wait3A_45] : memref<80x128xi32, #tpu.memory_space<vmem>> -> memref<1x128xi32, #tpu.memory_space<vmem>>
        %dma_wait3A_47 = tpu.memref_squeeze %dma_wait3A_46 : memref<1x128xi32, #tpu.memory_space<vmem>> -> memref<128xi32, #tpu.memory_space<vmem>>
        %dma_wait3A_48 = arith.constant 0 : i32
        %dma_wait3A_49 = tpu.memref_slice %arg7[%dma_wait3A_48] : memref<10240xf32, #tpu.memory_space<vmem_shared>> -> memref<10240xf32, #tpu.memory_space<vmem_shared>>
        tpu.wait_indirect_dma semaphore(%run_scoped3A : memref<!tpu.dma_semaphore, #tpu.memory_space<semaphore_mem>>) src(%arg5 : memref<128xf32, #tpu.memory_space<vmem>>) dst(%dma_wait3A_49 : memref<10240xf32, #tpu.memory_space<vmem_shared>>)
        tpu.yield
      }) : () -> ()
      %scan3A_39 = arith.constant 0 : i32
      scf.yield %scan3A_39 : i32
    }
    %scan3A_33 = arith.constant 80 : i32
    %barrier3A_34 = arith.constant 0 : index
    tpu.barrier barrier_id(%barrier3A_34)
    %eq3A = arith.constant 0 : i32
    %eq3A_35 = arith.cmpi eq, %arg1, %eq3A : i32
    %convert_element_type3A = arith.extui %eq3A_35 : i1 to i32
    %cond3A = arith.constant 0 : i32
    %cond3A_36 = arith.cmpi ne, %convert_element_type3A, %cond3A : i32
    scf.if %cond3A_36 {
      "tpu.region"() ({
        %run_scoped3A = tpu.sem_alloc : memref<!tpu.dma_semaphore, #tpu.memory_space<semaphore_mem>>
        %dma_start3A_37 = arith.constant 0 : i32
        %dma_start3A_38 = tpu.memref_slice %arg3[%arg0, %dma_start3A_37] : memref<2x10240xf32, #tpu.memory_space<hbm>> -> memref<1x10240xf32, #tpu.memory_space<hbm>>
        %dma_start3A_39 = tpu.memref_squeeze %dma_start3A_38 : memref<1x10240xf32, #tpu.memory_space<hbm>> -> memref<10240xf32, #tpu.memory_space<hbm>>
        tpu.enqueue_dma source(%arg7 : memref<10240xf32, #tpu.memory_space<vmem_shared>>) target(%dma_start3A_39 : memref<10240xf32, #tpu.memory_space<hbm>>) target_semaphore(%run_scoped3A : memref<!tpu.dma_semaphore, #tpu.memory_space<semaphore_mem>>)
        %dma_wait3A_40 = arith.constant 0 : i32
        %dma_wait3A_41 = tpu.memref_slice %arg3[%arg0, %dma_wait3A_40] : memref<2x10240xf32, #tpu.memory_space<hbm>> -> memref<1x10240xf32, #tpu.memory_space<hbm>>
        %dma_wait3A_42 = tpu.memref_squeeze %dma_wait3A_41 : memref<1x10240xf32, #tpu.memory_space<hbm>> -> memref<10240xf32, #tpu.memory_space<hbm>>
        tpu.wait_dma2 semaphore(%run_scoped3A : memref<!tpu.dma_semaphore, #tpu.memory_space<semaphore_mem>>) src(%arg7 : memref<10240xf32, #tpu.memory_space<vmem_shared>>) dst(%dma_wait3A_42 : memref<10240xf32, #tpu.memory_space<hbm>>)
        tpu.yield
      }) : () -> ()
    } else {
    }
    return
  }
}

#map = affine_map<(d0, d1) -> (0, 0, 0)>
#map1 = affine_map<(d0, d1) -> (0, 0)>
module attributes {stable_mosaic.version = 14 : i64} {
  func.func @_prop_body(%arg0: i32, %arg1: i32, %arg2: memref<2x10000x64xf32, #tpu.memory_space<hbm>>, %arg3: memref<2560x128xi32, #tpu.memory_space<hbm>>, %arg4: memref<2560x128xi32, #tpu.memory_space<hbm>>, %arg5: memref<2x10240x64xf32, #tpu.memory_space<hbm>>, %arg6: memref<2x16x128xi32, #tpu.memory_space<vmem>>, %arg7: memref<2x16x128xi32, #tpu.memory_space<vmem>>, %arg8: memref<4x128x64xf32, #tpu.memory_space<vmem>>, %arg9: memref<10240x64xf32, #tpu.memory_space<vmem_shared>>, %arg10: memref<10240x64xf32, #tpu.memory_space<vmem_shared>>, %arg11: memref<!tpu.dma_semaphore, #tpu.memory_space<semaphore_mem>>, %arg12: memref<!tpu.dma_semaphore, #tpu.memory_space<semaphore_mem>>, %arg13: memref<!tpu.dma_semaphore, #tpu.memory_space<semaphore_mem>>, %arg14: memref<!tpu.dma_semaphore, #tpu.memory_space<semaphore_mem>>) attributes {dimension_semantics = [#tpu.dimension_semantics<core_parallel>, #tpu.dimension_semantics<subcore_parallel>], iteration_bounds = array<i64: 2, 16>, scalar_prefetch = 0 : i64, scratch_operands = 9 : i64, tpu.core_type = #tpu.core_type<sc_vector_subcore>, window_params = [{transform_indices = #map}, {transform_indices = #map1}, {transform_indices = #map1}, {transform_indices = #map}]} {
    %mul3A = arith.constant 625 : i32
    %mul3A_0 = arith.muli %arg1, %mul3A : i32
    %dma_start3A = arith.constant 0 : i32
    %dma_start3A_1 = tpu.memref_slice %arg9[%mul3A_0, %dma_start3A] : memref<10240x64xf32, #tpu.memory_space<vmem_shared>> -> memref<625x64xf32, #tpu.memory_space<vmem_shared>>
    %dma_start3A_2 = arith.constant 0 : i32
    %dma_start3A_3 = tpu.memref_slice %arg2[%arg0, %mul3A_0, %dma_start3A_2] : memref<2x10000x64xf32, #tpu.memory_space<hbm>> -> memref<1x625x64xf32, #tpu.memory_space<hbm>>
    %dma_start3A_4 = tpu.memref_squeeze %dma_start3A_3 : memref<1x625x64xf32, #tpu.memory_space<hbm>> -> memref<625x64xf32, #tpu.memory_space<hbm>>
    tpu.enqueue_dma source(%dma_start3A_4 : memref<625x64xf32, #tpu.memory_space<hbm>>) target(%dma_start3A_1 : memref<625x64xf32, #tpu.memory_space<vmem_shared>>) target_semaphore(%arg14 : memref<!tpu.dma_semaphore, #tpu.memory_space<semaphore_mem>>)
    %dma_start3A_5 = arith.constant 0 : i32
    %dma_start3A_6 = tpu.memref_slice %arg10[%mul3A_0, %dma_start3A_5] : memref<10240x64xf32, #tpu.memory_space<vmem_shared>> -> memref<625x64xf32, #tpu.memory_space<vmem_shared>>
    %dma_start3A_7 = arith.constant 0 : i32
    %dma_start3A_8 = tpu.memref_slice %arg2[%arg0, %mul3A_0, %dma_start3A_7] : memref<2x10000x64xf32, #tpu.memory_space<hbm>> -> memref<1x625x64xf32, #tpu.memory_space<hbm>>
    %dma_start3A_9 = tpu.memref_squeeze %dma_start3A_8 : memref<1x625x64xf32, #tpu.memory_space<hbm>> -> memref<625x64xf32, #tpu.memory_space<hbm>>
    tpu.enqueue_dma source(%dma_start3A_9 : memref<625x64xf32, #tpu.memory_space<hbm>>) target(%dma_start3A_6 : memref<625x64xf32, #tpu.memory_space<vmem_shared>>) target_semaphore(%arg14 : memref<!tpu.dma_semaphore, #tpu.memory_space<semaphore_mem>>)
    %mul3A_10 = arith.constant 160 : i32
    %mul3A_11 = arith.muli %arg1, %mul3A_10 : i32
    %add3A = arith.constant 0 : i32
    %add3A_12 = arith.addi %mul3A_11, %add3A : i32
    %dma_start3A_13 = arith.constant 0 : i32
    %dma_start3A_14 = arith.constant 0 : i32
    %dma_start3A_15 = arith.constant 0 : i32
    %dma_start3A_16 = tpu.memref_slice %arg6[%dma_start3A_13, %dma_start3A_14, %dma_start3A_15] : memref<2x16x128xi32, #tpu.memory_space<vmem>> -> memref<1x16x128xi32, #tpu.memory_space<vmem>>
    %dma_start3A_17 = tpu.memref_squeeze %dma_start3A_16 : memref<1x16x128xi32, #tpu.memory_space<vmem>> -> memref<16x128xi32, #tpu.memory_space<vmem>>
    %dma_start3A_18 = arith.constant 0 : i32
    %dma_start3A_19 = tpu.memref_slice %arg3[%add3A_12, %dma_start3A_18] : memref<2560x128xi32, #tpu.memory_space<hbm>> -> memref<16x128xi32, #tpu.memory_space<hbm>>
    %dma_start3A_20 = arith.constant 0 : i32
    %dma_start3A_21 = arith.constant 0 : i32
    %dma_start3A_22 = tpu.memref_slice %arg6[%dma_start3A_13, %dma_start3A_20, %dma_start3A_21] : memref<2x16x128xi32, #tpu.memory_space<vmem>> -> memref<1x16x128xi32, #tpu.memory_space<vmem>>
    %dma_start3A_23 = tpu.memref_squeeze %dma_start3A_22 : memref<1x16x128xi32, #tpu.memory_space<vmem>> -> memref<16x128xi32, #tpu.memory_space<vmem>>
    %dma_start3A_24 = arith.constant 0 : i32
    %dma_start3A_25 = tpu.memref_slice %arg3[%add3A_12, %dma_start3A_24] : memref<2560x128xi32, #tpu.memory_space<hbm>> -> memref<16x128xi32, #tpu.memory_space<hbm>>
    tpu.enqueue_dma source(%dma_start3A_25 : memref<16x128xi32, #tpu.memory_space<hbm>>) target(%dma_start3A_23 : memref<16x128xi32, #tpu.memory_space<vmem>>) target_semaphore(%arg11 : memref<!tpu.dma_semaphore, #tpu.memory_space<semaphore_mem>>)
    %dma_start3A_26 = arith.constant 0 : i32
    %dma_start3A_27 = arith.constant 0 : i32
    %dma_start3A_28 = arith.constant 0 : i32
    %dma_start3A_29 = tpu.memref_slice %arg7[%dma_start3A_26, %dma_start3A_27, %dma_start3A_28] : memref<2x16x128xi32, #tpu.memory_space<vmem>> -> memref<1x16x128xi32, #tpu.memory_space<vmem>>
    %dma_start3A_30 = tpu.memref_squeeze %dma_start3A_29 : memref<1x16x128xi32, #tpu.memory_space<vmem>> -> memref<16x128xi32, #tpu.memory_space<vmem>>
    %dma_start3A_31 = arith.constant 0 : i32
    %dma_start3A_32 = tpu.memref_slice %arg4[%add3A_12, %dma_start3A_31] : memref<2560x128xi32, #tpu.memory_space<hbm>> -> memref<16x128xi32, #tpu.memory_space<hbm>>
    %dma_start3A_33 = arith.constant 0 : i32
    %dma_start3A_34 = arith.constant 0 : i32
    %dma_start3A_35 = tpu.memref_slice %arg7[%dma_start3A_26, %dma_start3A_33, %dma_start3A_34] : memref<2x16x128xi32, #tpu.memory_space<vmem>> -> memref<1x16x128xi32, #tpu.memory_space<vmem>>
    %dma_start3A_36 = tpu.memref_squeeze %dma_start3A_35 : memref<1x16x128xi32, #tpu.memory_space<vmem>> -> memref<16x128xi32, #tpu.memory_space<vmem>>
    %dma_start3A_37 = arith.constant 0 : i32
    %dma_start3A_38 = tpu.memref_slice %arg4[%add3A_12, %dma_start3A_37] : memref<2560x128xi32, #tpu.memory_space<hbm>> -> memref<16x128xi32, #tpu.memory_space<hbm>>
    tpu.enqueue_dma source(%dma_start3A_38 : memref<16x128xi32, #tpu.memory_space<hbm>>) target(%dma_start3A_36 : memref<16x128xi32, #tpu.memory_space<vmem>>) target_semaphore(%arg11 : memref<!tpu.dma_semaphore, #tpu.memory_space<semaphore_mem>>)
    %dma_wait3A = arith.constant 0 : i32
    %dma_wait3A_39 = tpu.memref_slice %arg9[%mul3A_0, %dma_wait3A] : memref<10240x64xf32, #tpu.memory_space<vmem_shared>> -> memref<625x64xf32, #tpu.memory_space<vmem_shared>>
    %dma_wait3A_40 = arith.constant 0 : i32
    %dma_wait3A_41 = tpu.memref_slice %arg2[%arg0, %mul3A_0, %dma_wait3A_40] : memref<2x10000x64xf32, #tpu.memory_space<hbm>> -> memref<1x625x64xf32, #tpu.memory_space<hbm>>
    %dma_wait3A_42 = tpu.memref_squeeze %dma_wait3A_41 : memref<1x625x64xf32, #tpu.memory_space<hbm>> -> memref<625x64xf32, #tpu.memory_space<hbm>>
    tpu.wait_dma2 semaphore(%arg14 : memref<!tpu.dma_semaphore, #tpu.memory_space<semaphore_mem>>) src(%dma_wait3A_42 : memref<625x64xf32, #tpu.memory_space<hbm>>) dst(%dma_wait3A_39 : memref<625x64xf32, #tpu.memory_space<vmem_shared>>)
    %dma_wait3A_43 = arith.constant 0 : i32
    %dma_wait3A_44 = tpu.memref_slice %arg10[%mul3A_0, %dma_wait3A_43] : memref<10240x64xf32, #tpu.memory_space<vmem_shared>> -> memref<625x64xf32, #tpu.memory_space<vmem_shared>>
    %dma_wait3A_45 = arith.constant 0 : i32
    %dma_wait3A_46 = tpu.memref_slice %arg2[%arg0, %mul3A_0, %dma_wait3A_45] : memref<2x10000x64xf32, #tpu.memory_space<hbm>> -> memref<1x625x64xf32, #tpu.memory_space<hbm>>
    %dma_wait3A_47 = tpu.memref_squeeze %dma_wait3A_46 : memref<1x625x64xf32, #tpu.memory_space<hbm>> -> memref<625x64xf32, #tpu.memory_space<hbm>>
    tpu.wait_dma2 semaphore(%arg14 : memref<!tpu.dma_semaphore, #tpu.memory_space<semaphore_mem>>) src(%dma_wait3A_47 : memref<625x64xf32, #tpu.memory_space<hbm>>) dst(%dma_wait3A_44 : memref<625x64xf32, #tpu.memory_space<vmem_shared>>)
    %barrier3A = arith.constant 0 : index
    tpu.barrier barrier_id(%barrier3A)
    %scan3A = arith.constant 0 : i32
    %scan3A_48 = arith.constant 0 : i32
    %scan3A_49 = arith.constant 10 : i32
    %scan3A_50 = arith.addi %scan3A_48, %scan3A_49 : i32
    %scan3A_51 = arith.constant 1 : i32
    %scan3A_52 = scf.for %scan3A_72 = %scan3A_48 to %scan3A_50 step %scan3A_51 iter_args(%scan3A_73 = %scan3A) -> (i32)  : i32 {
      %and3A = arith.constant 1 : i32
      %and3A_74 = arith.andi %scan3A_72, %and3A : i32
      %dma_wait3A_75 = arith.constant 0 : i32
      %dma_wait3A_76 = arith.constant 0 : i32
      %dma_wait3A_77 = tpu.memref_slice %arg6[%and3A_74, %dma_wait3A_75, %dma_wait3A_76] : memref<2x16x128xi32, #tpu.memory_space<vmem>> -> memref<1x16x128xi32, #tpu.memory_space<vmem>>
      %dma_wait3A_78 = tpu.memref_squeeze %dma_wait3A_77 : memref<1x16x128xi32, #tpu.memory_space<vmem>> -> memref<16x128xi32, #tpu.memory_space<vmem>>
      %dma_wait3A_79 = arith.constant 0 : i32
      %dma_wait3A_80 = arith.constant 0 : i32
      %dma_wait3A_81 = tpu.memref_slice %arg3[%dma_wait3A_79, %dma_wait3A_80] : memref<2560x128xi32, #tpu.memory_space<hbm>> -> memref<16x128xi32, #tpu.memory_space<hbm>>
      %dma_wait3A_82 = arith.constant 0 : i32
      %dma_wait3A_83 = arith.constant 0 : i32
      %dma_wait3A_84 = tpu.memref_slice %arg6[%and3A_74, %dma_wait3A_82, %dma_wait3A_83] : memref<2x16x128xi32, #tpu.memory_space<vmem>> -> memref<1x16x128xi32, #tpu.memory_space<vmem>>
      %dma_wait3A_85 = tpu.memref_squeeze %dma_wait3A_84 : memref<1x16x128xi32, #tpu.memory_space<vmem>> -> memref<16x128xi32, #tpu.memory_space<vmem>>
      %dma_wait3A_86 = arith.constant 0 : i32
      %dma_wait3A_87 = arith.constant 0 : i32
      %dma_wait3A_88 = tpu.memref_slice %arg3[%dma_wait3A_86, %dma_wait3A_87] : memref<2560x128xi32, #tpu.memory_space<hbm>> -> memref<16x128xi32, #tpu.memory_space<hbm>>
      tpu.wait_dma2 semaphore(%arg11 : memref<!tpu.dma_semaphore, #tpu.memory_space<semaphore_mem>>) src(%dma_wait3A_88 : memref<16x128xi32, #tpu.memory_space<hbm>>) dst(%dma_wait3A_85 : memref<16x128xi32, #tpu.memory_space<vmem>>)
      %dma_wait3A_89 = arith.constant 0 : i32
      %dma_wait3A_90 = arith.constant 0 : i32
      %dma_wait3A_91 = tpu.memref_slice %arg7[%and3A_74, %dma_wait3A_89, %dma_wait3A_90] : memref<2x16x128xi32, #tpu.memory_space<vmem>> -> memref<1x16x128xi32, #tpu.memory_space<vmem>>
      %dma_wait3A_92 = tpu.memref_squeeze %dma_wait3A_91 : memref<1x16x128xi32, #tpu.memory_space<vmem>> -> memref<16x128xi32, #tpu.memory_space<vmem>>
      %dma_wait3A_93 = arith.constant 0 : i32
      %dma_wait3A_94 = arith.constant 0 : i32
      %dma_wait3A_95 = tpu.memref_slice %arg4[%dma_wait3A_93, %dma_wait3A_94] : memref<2560x128xi32, #tpu.memory_space<hbm>> -> memref<16x128xi32, #tpu.memory_space<hbm>>
      %dma_wait3A_96 = arith.constant 0 : i32
      %dma_wait3A_97 = arith.constant 0 : i32
      %dma_wait3A_98 = tpu.memref_slice %arg7[%and3A_74, %dma_wait3A_96, %dma_wait3A_97] : memref<2x16x128xi32, #tpu.memory_space<vmem>> -> memref<1x16x128xi32, #tpu.memory_space<vmem>>
      %dma_wait3A_99 = tpu.memref_squeeze %dma_wait3A_98 : memref<1x16x128xi32, #tpu.memory_space<vmem>> -> memref<16x128xi32, #tpu.memory_space<vmem>>
      %dma_wait3A_100 = arith.constant 0 : i32
      %dma_wait3A_101 = arith.constant 0 : i32
      %dma_wait3A_102 = tpu.memref_slice %arg4[%dma_wait3A_100, %dma_wait3A_101] : memref<2560x128xi32, #tpu.memory_space<hbm>> -> memref<16x128xi32, #tpu.memory_space<hbm>>
      tpu.wait_dma2 semaphore(%arg11 : memref<!tpu.dma_semaphore, #tpu.memory_space<semaphore_mem>>) src(%dma_wait3A_102 : memref<16x128xi32, #tpu.memory_space<hbm>>) dst(%dma_wait3A_99 : memref<16x128xi32, #tpu.memory_space<vmem>>)
      %add3A_103 = arith.constant 1 : i32
      %add3A_104 = arith.addi %scan3A_72, %add3A_103 : i32
      %lt3A = arith.constant 10 : i32
      %lt3A_105 = arith.cmpi slt, %add3A_104, %lt3A : i32
      %convert_element_type3A = arith.extui %lt3A_105 : i1 to i32
      %cond3A = arith.constant 0 : i32
      %cond3A_106 = arith.cmpi ne, %convert_element_type3A, %cond3A : i32
      scf.if %cond3A_106 {
        %add3A_899 = arith.constant 1 : i32
        %add3A_900 = arith.addi %scan3A_72, %add3A_899 : i32
        %sub3A = arith.constant 1 : i32
        %sub3A_901 = arith.subi %sub3A, %and3A_74 : i32
        %mul3A_902 = arith.constant 160 : i32
        %mul3A_903 = arith.muli %arg1, %mul3A_902 : i32
        %mul3A_904 = arith.constant 16 : i32
        %mul3A_905 = arith.muli %add3A_900, %mul3A_904 : i32
        %add3A_906 = arith.addi %mul3A_903, %mul3A_905 : i32
        %dma_start3A_907 = arith.constant 0 : i32
        %dma_start3A_908 = arith.constant 0 : i32
        %dma_start3A_909 = tpu.memref_slice %arg6[%sub3A_901, %dma_start3A_907, %dma_start3A_908] : memref<2x16x128xi32, #tpu.memory_space<vmem>> -> memref<1x16x128xi32, #tpu.memory_space<vmem>>
        %dma_start3A_910 = tpu.memref_squeeze %dma_start3A_909 : memref<1x16x128xi32, #tpu.memory_space<vmem>> -> memref<16x128xi32, #tpu.memory_space<vmem>>
        %dma_start3A_911 = arith.constant 0 : i32
        %dma_start3A_912 = tpu.memref_slice %arg3[%add3A_906, %dma_start3A_911] : memref<2560x128xi32, #tpu.memory_space<hbm>> -> memref<16x128xi32, #tpu.memory_space<hbm>>
        %dma_start3A_913 = arith.constant 0 : i32
        %dma_start3A_914 = arith.constant 0 : i32
        %dma_start3A_915 = tpu.memref_slice %arg6[%sub3A_901, %dma_start3A_913, %dma_start3A_914] : memref<2x16x128xi32, #tpu.memory_space<vmem>> -> memref<1x16x128xi32, #tpu.memory_space<vmem>>
        %dma_start3A_916 = tpu.memref_squeeze %dma_start3A_915 : memref<1x16x128xi32, #tpu.memory_space<vmem>> -> memref<16x128xi32, #tpu.memory_space<vmem>>
        %dma_start3A_917 = arith.constant 0 : i32
        %dma_start3A_918 = tpu.memref_slice %arg3[%add3A_906, %dma_start3A_917] : memref<2560x128xi32, #tpu.memory_space<hbm>> -> memref<16x128xi32, #tpu.memory_space<hbm>>
        tpu.enqueue_dma source(%dma_start3A_918 : memref<16x128xi32, #tpu.memory_space<hbm>>) target(%dma_start3A_916 : memref<16x128xi32, #tpu.memory_space<vmem>>) target_semaphore(%arg11 : memref<!tpu.dma_semaphore, #tpu.memory_space<semaphore_mem>>)
        %dma_start3A_919 = arith.constant 0 : i32
        %dma_start3A_920 = arith.constant 0 : i32
        %dma_start3A_921 = tpu.memref_slice %arg7[%sub3A_901, %dma_start3A_919, %dma_start3A_920] : memref<2x16x128xi32, #tpu.memory_space<vmem>> -> memref<1x16x128xi32, #tpu.memory_space<vmem>>
        %dma_start3A_922 = tpu.memref_squeeze %dma_start3A_921 : memref<1x16x128xi32, #tpu.memory_space<vmem>> -> memref<16x128xi32, #tpu.memory_space<vmem>>
        %dma_start3A_923 = arith.constant 0 : i32
        %dma_start3A_924 = tpu.memref_slice %arg4[%add3A_906, %dma_start3A_923] : memref<2560x128xi32, #tpu.memory_space<hbm>> -> memref<16x128xi32, #tpu.memory_space<hbm>>
        %dma_start3A_925 = arith.constant 0 : i32
        %dma_start3A_926 = arith.constant 0 : i32
        %dma_start3A_927 = tpu.memref_slice %arg7[%sub3A_901, %dma_start3A_925, %dma_start3A_926] : memref<2x16x128xi32, #tpu.memory_space<vmem>> -> memref<1x16x128xi32, #tpu.memory_space<vmem>>
        %dma_start3A_928 = tpu.memref_squeeze %dma_start3A_927 : memref<1x16x128xi32, #tpu.memory_space<vmem>> -> memref<16x128xi32, #tpu.memory_space<vmem>>
        %dma_start3A_929 = arith.constant 0 : i32
        %dma_start3A_930 = tpu.memref_slice %arg4[%add3A_906, %dma_start3A_929] : memref<2560x128xi32, #tpu.memory_space<hbm>> -> memref<16x128xi32, #tpu.memory_space<hbm>>
        tpu.enqueue_dma source(%dma_start3A_930 : memref<16x128xi32, #tpu.memory_space<hbm>>) target(%dma_start3A_928 : memref<16x128xi32, #tpu.memory_space<vmem>>) target_semaphore(%arg11 : memref<!tpu.dma_semaphore, #tpu.memory_space<semaphore_mem>>)
      } else {
      }
      %dma_start3A_107 = arith.constant 0 : i32
      %dma_start3A_108 = arith.constant 0 : i32
      %dma_start3A_109 = arith.constant 0 : i32
      %dma_start3A_110 = arith.constant 0 : i32
      %dma_start3A_111 = tpu.memref_slice %arg8[%dma_start3A_108, %dma_start3A_109, %dma_start3A_110] : memref<4x128x64xf32, #tpu.memory_space<vmem>> -> memref<1x128x64xf32, #tpu.memory_space<vmem>>
      %dma_start3A_112 = tpu.memref_squeeze %dma_start3A_111 : memref<1x128x64xf32, #tpu.memory_space<vmem>> -> memref<128x64xf32, #tpu.memory_space<vmem>>
      %dma_start3A_113 = arith.constant 0 : i32
      %dma_start3A_114 = tpu.memref_slice %arg6[%and3A_74, %dma_start3A_107, %dma_start3A_113] : memref<2x16x128xi32, #tpu.memory_space<vmem>> -> memref<1x1x128xi32, #tpu.memory_space<vmem>>
      %dma_start3A_115 = tpu.memref_squeeze %dma_start3A_114 : memref<1x1x128xi32, #tpu.memory_space<vmem>> -> memref<128xi32, #tpu.memory_space<vmem>>
      %dma_start3A_116 = arith.constant 0 : i32
      %dma_start3A_117 = arith.constant 0 : i32
      %dma_start3A_118 = tpu.memref_slice %arg9[%dma_start3A_116, %dma_start3A_117] : memref<10240x64xf32, #tpu.memory_space<vmem_shared>> -> memref<10240x64xf32, #tpu.memory_space<vmem_shared>>
      tpu.enqueue_indirect_dma source(%dma_start3A_118 : memref<10240x64xf32, #tpu.memory_space<vmem_shared>>) target(%dma_start3A_112 : memref<128x64xf32, #tpu.memory_space<vmem>>) offsets(%dma_start3A_115 : memref<128xi32, #tpu.memory_space<vmem>>) semaphore(%arg12 : memref<!tpu.dma_semaphore, #tpu.memory_space<semaphore_mem>>)
      %dma_start3A_119 = arith.constant 1 : i32
      %dma_start3A_120 = arith.constant 1 : i32
      %dma_start3A_121 = arith.constant 0 : i32
      %dma_start3A_122 = arith.constant 0 : i32
      %dma_start3A_123 = tpu.memref_slice %arg8[%dma_start3A_120, %dma_start3A_121, %dma_start3A_122] : memref<4x128x64xf32, #tpu.memory_space<vmem>> -> memref<1x128x64xf32, #tpu.memory_space<vmem>>
      %dma_start3A_124 = tpu.memref_squeeze %dma_start3A_123 : memref<1x128x64xf32, #tpu.memory_space<vmem>> -> memref<128x64xf32, #tpu.memory_space<vmem>>
      %dma_start3A_125 = arith.constant 0 : i32
      %dma_start3A_126 = tpu.memref_slice %arg6[%and3A_74, %dma_start3A_119, %dma_start3A_125] : memref<2x16x128xi32, #tpu.memory_space<vmem>> -> memref<1x1x128xi32, #tpu.memory_space<vmem>>
      %dma_start3A_127 = tpu.memref_squeeze %dma_start3A_126 : memref<1x1x128xi32, #tpu.memory_space<vmem>> -> memref<128xi32, #tpu.memory_space<vmem>>
      %dma_start3A_128 = arith.constant 0 : i32
      %dma_start3A_129 = arith.constant 0 : i32
      %dma_start3A_130 = tpu.memref_slice %arg9[%dma_start3A_128, %dma_start3A_129] : memref<10240x64xf32, #tpu.memory_space<vmem_shared>> -> memref<10240x64xf32, #tpu.memory_space<vmem_shared>>
      tpu.enqueue_indirect_dma source(%dma_start3A_130 : memref<10240x64xf32, #tpu.memory_space<vmem_shared>>) target(%dma_start3A_124 : memref<128x64xf32, #tpu.memory_space<vmem>>) offsets(%dma_start3A_127 : memref<128xi32, #tpu.memory_space<vmem>>) semaphore(%arg12 : memref<!tpu.dma_semaphore, #tpu.memory_space<semaphore_mem>>)
      %dma_start3A_131 = arith.constant 2 : i32
      %dma_start3A_132 = arith.constant 2 : i32
      %dma_start3A_133 = arith.constant 0 : i32
      %dma_start3A_134 = arith.constant 0 : i32
      %dma_start3A_135 = tpu.memref_slice %arg8[%dma_start3A_132, %dma_start3A_133, %dma_start3A_134] : memref<4x128x64xf32, #tpu.memory_space<vmem>> -> memref<1x128x64xf32, #tpu.memory_space<vmem>>
      %dma_start3A_136 = tpu.memref_squeeze %dma_start3A_135 : memref<1x128x64xf32, #tpu.memory_space<vmem>> -> memref<128x64xf32, #tpu.memory_space<vmem>>
      %dma_start3A_137 = arith.constant 0 : i32
      %dma_start3A_138 = tpu.memref_slice %arg6[%and3A_74, %dma_start3A_131, %dma_start3A_137] : memref<2x16x128xi32, #tpu.memory_space<vmem>> -> memref<1x1x128xi32, #tpu.memory_space<vmem>>
      %dma_start3A_139 = tpu.memref_squeeze %dma_start3A_138 : memref<1x1x128xi32, #tpu.memory_space<vmem>> -> memref<128xi32, #tpu.memory_space<vmem>>
      %dma_start3A_140 = arith.constant 0 : i32
      %dma_start3A_141 = arith.constant 0 : i32
      %dma_start3A_142 = tpu.memref_slice %arg9[%dma_start3A_140, %dma_start3A_141] : memref<10240x64xf32, #tpu.memory_space<vmem_shared>> -> memref<10240x64xf32, #tpu.memory_space<vmem_shared>>
      tpu.enqueue_indirect_dma source(%dma_start3A_142 : memref<10240x64xf32, #tpu.memory_space<vmem_shared>>) target(%dma_start3A_136 : memref<128x64xf32, #tpu.memory_space<vmem>>) offsets(%dma_start3A_139 : memref<128xi32, #tpu.memory_space<vmem>>) semaphore(%arg12 : memref<!tpu.dma_semaphore, #tpu.memory_space<semaphore_mem>>)
      %ge3A = arith.constant 1 : i32
      %ge3A_143 = arith.cmpi sge, %scan3A_72, %ge3A : i32
      %convert_element_type3A_144 = arith.extui %ge3A_143 : i1 to i32
      %cond3A_145 = arith.constant 0 : i32
      %cond3A_146 = arith.cmpi ne, %convert_element_type3A_144, %cond3A_145 : i32
      scf.if %cond3A_146 {
        %dma_wait3A_899 = arith.constant 0 : i32
        %dma_wait3A_900 = arith.constant 0 : i32
        %dma_wait3A_901 = arith.constant 0 : i32
        %dma_wait3A_902 = arith.constant 0 : i32
        %dma_wait3A_903 = arith.constant 0 : i32
        %dma_wait3A_904 = tpu.memref_slice %arg8[%dma_wait3A_899, %dma_wait3A_902, %dma_wait3A_903] : memref<4x128x64xf32, #tpu.memory_space<vmem>> -> memref<1x128x64xf32, #tpu.memory_space<vmem>>
        %dma_wait3A_905 = tpu.memref_squeeze %dma_wait3A_904 : memref<1x128x64xf32, #tpu.memory_space<vmem>> -> memref<128x64xf32, #tpu.memory_space<vmem>>
        %dma_wait3A_906 = arith.constant 0 : i32
        %dma_wait3A_907 = tpu.memref_slice %arg7[%dma_wait3A_900, %dma_wait3A_901, %dma_wait3A_906] : memref<2x16x128xi32, #tpu.memory_space<vmem>> -> memref<1x1x128xi32, #tpu.memory_space<vmem>>
        %dma_wait3A_908 = tpu.memref_squeeze %dma_wait3A_907 : memref<1x1x128xi32, #tpu.memory_space<vmem>> -> memref<128xi32, #tpu.memory_space<vmem>>
        %dma_wait3A_909 = arith.constant 0 : i32
        %dma_wait3A_910 = arith.constant 0 : i32
        %dma_wait3A_911 = tpu.memref_slice %arg10[%dma_wait3A_909, %dma_wait3A_910] : memref<10240x64xf32, #tpu.memory_space<vmem_shared>> -> memref<10240x64xf32, #tpu.memory_space<vmem_shared>>
        tpu.wait_indirect_dma semaphore(%arg13 : memref<!tpu.dma_semaphore, #tpu.memory_space<semaphore_mem>>) src(%dma_wait3A_905 : memref<128x64xf32, #tpu.memory_space<vmem>>) dst(%dma_wait3A_911 : memref<10240x64xf32, #tpu.memory_space<vmem_shared>>)
      } else {
      }
      %dma_start3A_147 = arith.constant 3 : i32
      %dma_start3A_148 = arith.constant 3 : i32
      %dma_start3A_149 = arith.constant 0 : i32
      %dma_start3A_150 = arith.constant 0 : i32
      %dma_start3A_151 = tpu.memref_slice %arg8[%dma_start3A_148, %dma_start3A_149, %dma_start3A_150] : memref<4x128x64xf32, #tpu.memory_space<vmem>> -> memref<1x128x64xf32, #tpu.memory_space<vmem>>
      %dma_start3A_152 = tpu.memref_squeeze %dma_start3A_151 : memref<1x128x64xf32, #tpu.memory_space<vmem>> -> memref<128x64xf32, #tpu.memory_space<vmem>>
      %dma_start3A_153 = arith.constant 0 : i32
      %dma_start3A_154 = tpu.memref_slice %arg6[%and3A_74, %dma_start3A_147, %dma_start3A_153] : memref<2x16x128xi32, #tpu.memory_space<vmem>> -> memref<1x1x128xi32, #tpu.memory_space<vmem>>
      %dma_start3A_155 = tpu.memref_squeeze %dma_start3A_154 : memref<1x1x128xi32, #tpu.memory_space<vmem>> -> memref<128xi32, #tpu.memory_space<vmem>>
      %dma_start3A_156 = arith.constant 0 : i32
      %dma_start3A_157 = arith.constant 0 : i32
      %dma_start3A_158 = tpu.memref_slice %arg9[%dma_start3A_156, %dma_start3A_157] : memref<10240x64xf32, #tpu.memory_space<vmem_shared>> -> memref<10240x64xf32, #tpu.memory_space<vmem_shared>>
      tpu.enqueue_indirect_dma source(%dma_start3A_158 : memref<10240x64xf32, #tpu.memory_space<vmem_shared>>) target(%dma_start3A_152 : memref<128x64xf32, #tpu.memory_space<vmem>>) offsets(%dma_start3A_155 : memref<128xi32, #tpu.memory_space<vmem>>) semaphore(%arg12 : memref<!tpu.dma_semaphore, #tpu.memory_space<semaphore_mem>>)
      %dma_wait3A_159 = arith.constant 0 : i32
      %dma_wait3A_160 = arith.constant 0 : i32
      %dma_wait3A_161 = arith.constant 0 : i32
      %dma_wait3A_162 = arith.constant 0 : i32
      %dma_wait3A_163 = arith.constant 0 : i32
      %dma_wait3A_164 = tpu.memref_slice %arg8[%dma_wait3A_161, %dma_wait3A_162, %dma_wait3A_163] : memref<4x128x64xf32, #tpu.memory_space<vmem>> -> memref<1x128x64xf32, #tpu.memory_space<vmem>>
      %dma_wait3A_165 = tpu.memref_squeeze %dma_wait3A_164 : memref<1x128x64xf32, #tpu.memory_space<vmem>> -> memref<128x64xf32, #tpu.memory_space<vmem>>
      %dma_wait3A_166 = arith.constant 0 : i32
      %dma_wait3A_167 = tpu.memref_slice %arg6[%dma_wait3A_159, %dma_wait3A_160, %dma_wait3A_166] : memref<2x16x128xi32, #tpu.memory_space<vmem>> -> memref<1x1x128xi32, #tpu.memory_space<vmem>>
      %dma_wait3A_168 = tpu.memref_squeeze %dma_wait3A_167 : memref<1x1x128xi32, #tpu.memory_space<vmem>> -> memref<128xi32, #tpu.memory_space<vmem>>
      %dma_wait3A_169 = arith.constant 0 : i32
      %dma_wait3A_170 = arith.constant 0 : i32
      %dma_wait3A_171 = tpu.memref_slice %arg9[%dma_wait3A_169, %dma_wait3A_170] : memref<10240x64xf32, #tpu.memory_space<vmem_shared>> -> memref<10240x64xf32, #tpu.memory_space<vmem_shared>>
      tpu.wait_indirect_dma semaphore(%arg12 : memref<!tpu.dma_semaphore, #tpu.memory_space<semaphore_mem>>) src(%dma_wait3A_171 : memref<10240x64xf32, #tpu.memory_space<vmem_shared>>) dst(%dma_wait3A_165 : memref<128x64xf32, #tpu.memory_space<vmem>>)
      %dma_start3A_172 = arith.constant 0 : i32
      %dma_start3A_173 = arith.constant 0 : i32
      %dma_start3A_174 = arith.constant 0 : i32
      %dma_start3A_175 = arith.constant 0 : i32
      %dma_start3A_176 = tpu.memref_slice %arg8[%dma_start3A_172, %dma_start3A_174, %dma_start3A_175] : memref<4x128x64xf32, #tpu.memory_space<vmem>> -> memref<1x128x64xf32, #tpu.memory_space<vmem>>
      %dma_start3A_177 = tpu.memref_squeeze %dma_start3A_176 : memref<1x128x64xf32, #tpu.memory_space<vmem>> -> memref<128x64xf32, #tpu.memory_space<vmem>>
      %dma_start3A_178 = arith.constant 0 : i32
      %dma_start3A_179 = tpu.memref_slice %arg7[%and3A_74, %dma_start3A_173, %dma_start3A_178] : memref<2x16x128xi32, #tpu.memory_space<vmem>> -> memref<1x1x128xi32, #tpu.memory_space<vmem>>
      %dma_start3A_180 = tpu.memref_squeeze %dma_start3A_179 : memref<1x1x128xi32, #tpu.memory_space<vmem>> -> memref<128xi32, #tpu.memory_space<vmem>>
      %dma_start3A_181 = arith.constant 0 : i32
      %dma_start3A_182 = arith.constant 0 : i32
      %dma_start3A_183 = tpu.memref_slice %arg10[%dma_start3A_181, %dma_start3A_182] : memref<10240x64xf32, #tpu.memory_space<vmem_shared>> -> memref<10240x64xf32, #tpu.memory_space<vmem_shared>>
      tpu.enqueue_indirect_dma source(%dma_start3A_177 : memref<128x64xf32, #tpu.memory_space<vmem>>) target(%dma_start3A_183 : memref<10240x64xf32, #tpu.memory_space<vmem_shared>>) offsets(%dma_start3A_180 : memref<128xi32, #tpu.memory_space<vmem>>) semaphore(%arg13 : memref<!tpu.dma_semaphore, #tpu.memory_space<semaphore_mem>>) {add = true}
      %dma_wait3A_184 = arith.constant 0 : i32
      %dma_wait3A_185 = arith.constant 0 : i32
      %dma_wait3A_186 = arith.constant 0 : i32
      %dma_wait3A_187 = arith.constant 0 : i32
      %dma_wait3A_188 = arith.constant 0 : i32
      %dma_wait3A_189 = tpu.memref_slice %arg8[%dma_wait3A_184, %dma_wait3A_187, %dma_wait3A_188] : memref<4x128x64xf32, #tpu.memory_space<vmem>> -> memref<1x128x64xf32, #tpu.memory_space<vmem>>
      %dma_wait3A_190 = tpu.memref_squeeze %dma_wait3A_189 : memref<1x128x64xf32, #tpu.memory_space<vmem>> -> memref<128x64xf32, #tpu.memory_space<vmem>>
      %dma_wait3A_191 = arith.constant 0 : i32
      %dma_wait3A_192 = tpu.memref_slice %arg7[%dma_wait3A_185, %dma_wait3A_186, %dma_wait3A_191] : memref<2x16x128xi32, #tpu.memory_space<vmem>> -> memref<1x1x128xi32, #tpu.memory_space<vmem>>
      %dma_wait3A_193 = tpu.memref_squeeze %dma_wait3A_192 : memref<1x1x128xi32, #tpu.memory_space<vmem>> -> memref<128xi32, #tpu.memory_space<vmem>>
      %dma_wait3A_194 = arith.constant 0 : i32
      %dma_wait3A_195 = arith.constant 0 : i32
      %dma_wait3A_196 = tpu.memref_slice %arg10[%dma_wait3A_194, %dma_wait3A_195] : memref<10240x64xf32, #tpu.memory_space<vmem_shared>> -> memref<10240x64xf32, #tpu.memory_space<vmem_shared>>
      tpu.wait_indirect_dma semaphore(%arg13 : memref<!tpu.dma_semaphore, #tpu.memory_space<semaphore_mem>>) src(%dma_wait3A_190 : memref<128x64xf32, #tpu.memory_space<vmem>>) dst(%dma_wait3A_196 : memref<10240x64xf32, #tpu.memory_space<vmem_shared>>)
      %dma_start3A_197 = arith.constant 4 : i32
      %dma_start3A_198 = arith.constant 0 : i32
      %dma_start3A_199 = arith.constant 0 : i32
      %dma_start3A_200 = arith.constant 0 : i32
      %dma_start3A_201 = tpu.memref_slice %arg8[%dma_start3A_198, %dma_start3A_199, %dma_start3A_200] : memref<4x128x64xf32, #tpu.memory_space<vmem>> -> memref<1x128x64xf32, #tpu.memory_space<vmem>>
      %dma_start3A_202 = tpu.memref_squeeze %dma_start3A_201 : memref<1x128x64xf32, #tpu.memory_space<vmem>> -> memref<128x64xf32, #tpu.memory_space<vmem>>
      %dma_start3A_203 = arith.constant 0 : i32
      %dma_start3A_204 = tpu.memref_slice %arg6[%and3A_74, %dma_start3A_197, %dma_start3A_203] : memref<2x16x128xi32, #tpu.memory_space<vmem>> -> memref<1x1x128xi32, #tpu.memory_space<vmem>>
      %dma_start3A_205 = tpu.memref_squeeze %dma_start3A_204 : memref<1x1x128xi32, #tpu.memory_space<vmem>> -> memref<128xi32, #tpu.memory_space<vmem>>
      %dma_start3A_206 = arith.constant 0 : i32
      %dma_start3A_207 = arith.constant 0 : i32
      %dma_start3A_208 = tpu.memref_slice %arg9[%dma_start3A_206, %dma_start3A_207] : memref<10240x64xf32, #tpu.memory_space<vmem_shared>> -> memref<10240x64xf32, #tpu.memory_space<vmem_shared>>
      tpu.enqueue_indirect_dma source(%dma_start3A_208 : memref<10240x64xf32, #tpu.memory_space<vmem_shared>>) target(%dma_start3A_202 : memref<128x64xf32, #tpu.memory_space<vmem>>) offsets(%dma_start3A_205 : memref<128xi32, #tpu.memory_space<vmem>>) semaphore(%arg12 : memref<!tpu.dma_semaphore, #tpu.memory_space<semaphore_mem>>)
      %dma_wait3A_209 = arith.constant 0 : i32
      %dma_wait3A_210 = arith.constant 0 : i32
      %dma_wait3A_211 = arith.constant 1 : i32
      %dma_wait3A_212 = arith.constant 0 : i32
      %dma_wait3A_213 = arith.constant 0 : i32
      %dma_wait3A_214 = tpu.memref_slice %arg8[%dma_wait3A_211, %dma_wait3A_212, %dma_wait3A_213] : memref<4x128x64xf32, #tpu.memory_space<vmem>> -> memref<1x128x64xf32, #tpu.memory_space<vmem>>
      %dma_wait3A_215 = tpu.memref_squeeze %dma_wait3A_214 : memref<1x128x64xf32, #tpu.memory_space<vmem>> -> memref<128x64xf32, #tpu.memory_space<vmem>>
      %dma_wait3A_216 = arith.constant 0 : i32
      %dma_wait3A_217 = tpu.memref_slice %arg6[%dma_wait3A_209, %dma_wait3A_210, %dma_wait3A_216] : memref<2x16x128xi32, #tpu.memory_space<vmem>> -> memref<1x1x128xi32, #tpu.memory_space<vmem>>
      %dma_wait3A_218 = tpu.memref_squeeze %dma_wait3A_217 : memref<1x1x128xi32, #tpu.memory_space<vmem>> -> memref<128xi32, #tpu.memory_space<vmem>>
      %dma_wait3A_219 = arith.constant 0 : i32
      %dma_wait3A_220 = arith.constant 0 : i32
      %dma_wait3A_221 = tpu.memref_slice %arg9[%dma_wait3A_219, %dma_wait3A_220] : memref<10240x64xf32, #tpu.memory_space<vmem_shared>> -> memref<10240x64xf32, #tpu.memory_space<vmem_shared>>
      tpu.wait_indirect_dma semaphore(%arg12 : memref<!tpu.dma_semaphore, #tpu.memory_space<semaphore_mem>>) src(%dma_wait3A_221 : memref<10240x64xf32, #tpu.memory_space<vmem_shared>>) dst(%dma_wait3A_215 : memref<128x64xf32, #tpu.memory_space<vmem>>)
      %dma_start3A_222 = arith.constant 1 : i32
      %dma_start3A_223 = arith.constant 1 : i32
      %dma_start3A_224 = arith.constant 0 : i32
      %dma_start3A_225 = arith.constant 0 : i32
      %dma_start3A_226 = tpu.memref_slice %arg8[%dma_start3A_222, %dma_start3A_224, %dma_start3A_225] : memref<4x128x64xf32, #tpu.memory_space<vmem>> -> memref<1x128x64xf32, #tpu.memory_space<vmem>>
      %dma_start3A_227 = tpu.memref_squeeze %dma_start3A_226 : memref<1x128x64xf32, #tpu.memory_space<vmem>> -> memref<128x64xf32, #tpu.memory_space<vmem>>
      %dma_start3A_228 = arith.constant 0 : i32
      %dma_start3A_229 = tpu.memref_slice %arg7[%and3A_74, %dma_start3A_223, %dma_start3A_228] : memref<2x16x128xi32, #tpu.memory_space<vmem>> -> memref<1x1x128xi32, #tpu.memory_space<vmem>>
      %dma_start3A_230 = tpu.memref_squeeze %dma_start3A_229 : memref<1x1x128xi32, #tpu.memory_space<vmem>> -> memref<128xi32, #tpu.memory_space<vmem>>
      %dma_start3A_231 = arith.constant 0 : i32
      %dma_start3A_232 = arith.constant 0 : i32
      %dma_start3A_233 = tpu.memref_slice %arg10[%dma_start3A_231, %dma_start3A_232] : memref<10240x64xf32, #tpu.memory_space<vmem_shared>> -> memref<10240x64xf32, #tpu.memory_space<vmem_shared>>
      tpu.enqueue_indirect_dma source(%dma_start3A_227 : memref<128x64xf32, #tpu.memory_space<vmem>>) target(%dma_start3A_233 : memref<10240x64xf32, #tpu.memory_space<vmem_shared>>) offsets(%dma_start3A_230 : memref<128xi32, #tpu.memory_space<vmem>>) semaphore(%arg13 : memref<!tpu.dma_semaphore, #tpu.memory_space<semaphore_mem>>) {add = true}
      %dma_wait3A_234 = arith.constant 0 : i32
      %dma_wait3A_235 = arith.constant 0 : i32
      %dma_wait3A_236 = arith.constant 0 : i32
      %dma_wait3A_237 = arith.constant 0 : i32
      %dma_wait3A_238 = arith.constant 0 : i32
      %dma_wait3A_239 = tpu.memref_slice %arg8[%dma_wait3A_234, %dma_wait3A_237, %dma_wait3A_238] : memref<4x128x64xf32, #tpu.memory_space<vmem>> -> memref<1x128x64xf32, #tpu.memory_space<vmem>>
      %dma_wait3A_240 = tpu.memref_squeeze %dma_wait3A_239 : memref<1x128x64xf32, #tpu.memory_space<vmem>> -> memref<128x64xf32, #tpu.memory_space<vmem>>
      %dma_wait3A_241 = arith.constant 0 : i32
      %dma_wait3A_242 = tpu.memref_slice %arg7[%dma_wait3A_235, %dma_wait3A_236, %dma_wait3A_241] : memref<2x16x128xi32, #tpu.memory_space<vmem>> -> memref<1x1x128xi32, #tpu.memory_space<vmem>>
      %dma_wait3A_243 = tpu.memref_squeeze %dma_wait3A_242 : memref<1x1x128xi32, #tpu.memory_space<vmem>> -> memref<128xi32, #tpu.memory_space<vmem>>
      %dma_wait3A_244 = arith.constant 0 : i32
      %dma_wait3A_245 = arith.constant 0 : i32
      %dma_wait3A_246 = tpu.memref_slice %arg10[%dma_wait3A_244, %dma_wait3A_245] : memref<10240x64xf32, #tpu.memory_space<vmem_shared>> -> memref<10240x64xf32, #tpu.memory_space<vmem_shared>>
      tpu.wait_indirect_dma semaphore(%arg13 : memref<!tpu.dma_semaphore, #tpu.memory_space<semaphore_mem>>) src(%dma_wait3A_240 : memref<128x64xf32, #tpu.memory_space<vmem>>) dst(%dma_wait3A_246 : memref<10240x64xf32, #tpu.memory_space<vmem_shared>>)
      %dma_start3A_247 = arith.constant 5 : i32
      %dma_start3A_248 = arith.constant 1 : i32
      %dma_start3A_249 = arith.constant 0 : i32
      %dma_start3A_250 = arith.constant 0 : i32
      %dma_start3A_251 = tpu.memref_slice %arg8[%dma_start3A_248, %dma_start3A_249, %dma_start3A_250] : memref<4x128x64xf32, #tpu.memory_space<vmem>> -> memref<1x128x64xf32, #tpu.memory_space<vmem>>
      %dma_start3A_252 = tpu.memref_squeeze %dma_start3A_251 : memref<1x128x64xf32, #tpu.memory_space<vmem>> -> memref<128x64xf32, #tpu.memory_space<vmem>>
      %dma_start3A_253 = arith.constant 0 : i32
      %dma_start3A_254 = tpu.memref_slice %arg6[%and3A_74, %dma_start3A_247, %dma_start3A_253] : memref<2x16x128xi32, #tpu.memory_space<vmem>> -> memref<1x1x128xi32, #tpu.memory_space<vmem>>
      %dma_start3A_255 = tpu.memref_squeeze %dma_start3A_254 : memref<1x1x128xi32, #tpu.memory_space<vmem>> -> memref<128xi32, #tpu.memory_space<vmem>>
      %dma_start3A_256 = arith.constant 0 : i32
      %dma_start3A_257 = arith.constant 0 : i32
      %dma_start3A_258 = tpu.memref_slice %arg9[%dma_start3A_256, %dma_start3A_257] : memref<10240x64xf32, #tpu.memory_space<vmem_shared>> -> memref<10240x64xf32, #tpu.memory_space<vmem_shared>>
      tpu.enqueue_indirect_dma source(%dma_start3A_258 : memref<10240x64xf32, #tpu.memory_space<vmem_shared>>) target(%dma_start3A_252 : memref<128x64xf32, #tpu.memory_space<vmem>>) offsets(%dma_start3A_255 : memref<128xi32, #tpu.memory_space<vmem>>) semaphore(%arg12 : memref<!tpu.dma_semaphore, #tpu.memory_space<semaphore_mem>>)
      %dma_wait3A_259 = arith.constant 0 : i32
      %dma_wait3A_260 = arith.constant 0 : i32
      %dma_wait3A_261 = arith.constant 2 : i32
      %dma_wait3A_262 = arith.constant 0 : i32
      %dma_wait3A_263 = arith.constant 0 : i32
      %dma_wait3A_264 = tpu.memref_slice %arg8[%dma_wait3A_261, %dma_wait3A_262, %dma_wait3A_263] : memref<4x128x64xf32, #tpu.memory_space<vmem>> -> memref<1x128x64xf32, #tpu.memory_space<vmem>>
      %dma_wait3A_265 = tpu.memref_squeeze %dma_wait3A_264 : memref<1x128x64xf32, #tpu.memory_space<vmem>> -> memref<128x64xf32, #tpu.memory_space<vmem>>
      %dma_wait3A_266 = arith.constant 0 : i32
      %dma_wait3A_267 = tpu.memref_slice %arg6[%dma_wait3A_259, %dma_wait3A_260, %dma_wait3A_266] : memref<2x16x128xi32, #tpu.memory_space<vmem>> -> memref<1x1x128xi32, #tpu.memory_space<vmem>>
      %dma_wait3A_268 = tpu.memref_squeeze %dma_wait3A_267 : memref<1x1x128xi32, #tpu.memory_space<vmem>> -> memref<128xi32, #tpu.memory_space<vmem>>
      %dma_wait3A_269 = arith.constant 0 : i32
      %dma_wait3A_270 = arith.constant 0 : i32
      %dma_wait3A_271 = tpu.memref_slice %arg9[%dma_wait3A_269, %dma_wait3A_270] : memref<10240x64xf32, #tpu.memory_space<vmem_shared>> -> memref<10240x64xf32, #tpu.memory_space<vmem_shared>>
      tpu.wait_indirect_dma semaphore(%arg12 : memref<!tpu.dma_semaphore, #tpu.memory_space<semaphore_mem>>) src(%dma_wait3A_271 : memref<10240x64xf32, #tpu.memory_space<vmem_shared>>) dst(%dma_wait3A_265 : memref<128x64xf32, #tpu.memory_space<vmem>>)
      %dma_start3A_272 = arith.constant 2 : i32
      %dma_start3A_273 = arith.constant 2 : i32
      %dma_start3A_274 = arith.constant 0 : i32
      %dma_start3A_275 = arith.constant 0 : i32
      %dma_start3A_276 = tpu.memref_slice %arg8[%dma_start3A_272, %dma_start3A_274, %dma_start3A_275] : memref<4x128x64xf32, #tpu.memory_space<vmem>> -> memref<1x128x64xf32, #tpu.memory_space<vmem>>
      %dma_start3A_277 = tpu.memref_squeeze %dma_start3A_276 : memref<1x128x64xf32, #tpu.memory_space<vmem>> -> memref<128x64xf32, #tpu.memory_space<vmem>>
      %dma_start3A_278 = arith.constant 0 : i32
      %dma_start3A_279 = tpu.memref_slice %arg7[%and3A_74, %dma_start3A_273, %dma_start3A_278] : memref<2x16x128xi32, #tpu.memory_space<vmem>> -> memref<1x1x128xi32, #tpu.memory_space<vmem>>
      %dma_start3A_280 = tpu.memref_squeeze %dma_start3A_279 : memref<1x1x128xi32, #tpu.memory_space<vmem>> -> memref<128xi32, #tpu.memory_space<vmem>>
      %dma_start3A_281 = arith.constant 0 : i32
      %dma_start3A_282 = arith.constant 0 : i32
      %dma_start3A_283 = tpu.memref_slice %arg10[%dma_start3A_281, %dma_start3A_282] : memref<10240x64xf32, #tpu.memory_space<vmem_shared>> -> memref<10240x64xf32, #tpu.memory_space<vmem_shared>>
      tpu.enqueue_indirect_dma source(%dma_start3A_277 : memref<128x64xf32, #tpu.memory_space<vmem>>) target(%dma_start3A_283 : memref<10240x64xf32, #tpu.memory_space<vmem_shared>>) offsets(%dma_start3A_280 : memref<128xi32, #tpu.memory_space<vmem>>) semaphore(%arg13 : memref<!tpu.dma_semaphore, #tpu.memory_space<semaphore_mem>>) {add = true}
      %dma_wait3A_284 = arith.constant 0 : i32
      %dma_wait3A_285 = arith.constant 0 : i32
      %dma_wait3A_286 = arith.constant 0 : i32
      %dma_wait3A_287 = arith.constant 0 : i32
      %dma_wait3A_288 = arith.constant 0 : i32
      %dma_wait3A_289 = tpu.memref_slice %arg8[%dma_wait3A_284, %dma_wait3A_287, %dma_wait3A_288] : memref<4x128x64xf32, #tpu.memory_space<vmem>> -> memref<1x128x64xf32, #tpu.memory_space<vmem>>
      %dma_wait3A_290 = tpu.memref_squeeze %dma_wait3A_289 : memref<1x128x64xf32, #tpu.memory_space<vmem>> -> memref<128x64xf32, #tpu.memory_space<vmem>>
      %dma_wait3A_291 = arith.constant 0 : i32
      %dma_wait3A_292 = tpu.memref_slice %arg7[%dma_wait3A_285, %dma_wait3A_286, %dma_wait3A_291] : memref<2x16x128xi32, #tpu.memory_space<vmem>> -> memref<1x1x128xi32, #tpu.memory_space<vmem>>
      %dma_wait3A_293 = tpu.memref_squeeze %dma_wait3A_292 : memref<1x1x128xi32, #tpu.memory_space<vmem>> -> memref<128xi32, #tpu.memory_space<vmem>>
      %dma_wait3A_294 = arith.constant 0 : i32
      %dma_wait3A_295 = arith.constant 0 : i32
      %dma_wait3A_296 = tpu.memref_slice %arg10[%dma_wait3A_294, %dma_wait3A_295] : memref<10240x64xf32, #tpu.memory_space<vmem_shared>> -> memref<10240x64xf32, #tpu.memory_space<vmem_shared>>
      tpu.wait_indirect_dma semaphore(%arg13 : memref<!tpu.dma_semaphore, #tpu.memory_space<semaphore_mem>>) src(%dma_wait3A_290 : memref<128x64xf32, #tpu.memory_space<vmem>>) dst(%dma_wait3A_296 : memref<10240x64xf32, #tpu.memory_space<vmem_shared>>)
      %dma_start3A_297 = arith.constant 6 : i32
      %dma_start3A_298 = arith.constant 2 : i32
      %dma_start3A_299 = arith.constant 0 : i32
      %dma_start3A_300 = arith.constant 0 : i32
      %dma_start3A_301 = tpu.memref_slice %arg8[%dma_start3A_298, %dma_start3A_299, %dma_start3A_300] : memref<4x128x64xf32, #tpu.memory_space<vmem>> -> memref<1x128x64xf32, #tpu.memory_space<vmem>>
      %dma_start3A_302 = tpu.memref_squeeze %dma_start3A_301 : memref<1x128x64xf32, #tpu.memory_space<vmem>> -> memref<128x64xf32, #tpu.memory_space<vmem>>
      %dma_start3A_303 = arith.constant 0 : i32
      %dma_start3A_304 = tpu.memref_slice %arg6[%and3A_74, %dma_start3A_297, %dma_start3A_303] : memref<2x16x128xi32, #tpu.memory_space<vmem>> -> memref<1x1x128xi32, #tpu.memory_space<vmem>>
      %dma_start3A_305 = tpu.memref_squeeze %dma_start3A_304 : memref<1x1x128xi32, #tpu.memory_space<vmem>> -> memref<128xi32, #tpu.memory_space<vmem>>
      %dma_start3A_306 = arith.constant 0 : i32
      %dma_start3A_307 = arith.constant 0 : i32
      %dma_start3A_308 = tpu.memref_slice %arg9[%dma_start3A_306, %dma_start3A_307] : memref<10240x64xf32, #tpu.memory_space<vmem_shared>> -> memref<10240x64xf32, #tpu.memory_space<vmem_shared>>
      tpu.enqueue_indirect_dma source(%dma_start3A_308 : memref<10240x64xf32, #tpu.memory_space<vmem_shared>>) target(%dma_start3A_302 : memref<128x64xf32, #tpu.memory_space<vmem>>) offsets(%dma_start3A_305 : memref<128xi32, #tpu.memory_space<vmem>>) semaphore(%arg12 : memref<!tpu.dma_semaphore, #tpu.memory_space<semaphore_mem>>)
      %dma_wait3A_309 = arith.constant 0 : i32
      %dma_wait3A_310 = arith.constant 0 : i32
      %dma_wait3A_311 = arith.constant 3 : i32
      %dma_wait3A_312 = arith.constant 0 : i32
      %dma_wait3A_313 = arith.constant 0 : i32
      %dma_wait3A_314 = tpu.memref_slice %arg8[%dma_wait3A_311, %dma_wait3A_312, %dma_wait3A_313] : memref<4x128x64xf32, #tpu.memory_space<vmem>> -> memref<1x128x64xf32, #tpu.memory_space<vmem>>
      %dma_wait3A_315 = tpu.memref_squeeze %dma_wait3A_314 : memref<1x128x64xf32, #tpu.memory_space<vmem>> -> memref<128x64xf32, #tpu.memory_space<vmem>>
      %dma_wait3A_316 = arith.constant 0 : i32
      %dma_wait3A_317 = tpu.memref_slice %arg6[%dma_wait3A_309, %dma_wait3A_310, %dma_wait3A_316] : memref<2x16x128xi32, #tpu.memory_space<vmem>> -> memref<1x1x128xi32, #tpu.memory_space<vmem>>
      %dma_wait3A_318 = tpu.memref_squeeze %dma_wait3A_317 : memref<1x1x128xi32, #tpu.memory_space<vmem>> -> memref<128xi32, #tpu.memory_space<vmem>>
      %dma_wait3A_319 = arith.constant 0 : i32
      %dma_wait3A_320 = arith.constant 0 : i32
      %dma_wait3A_321 = tpu.memref_slice %arg9[%dma_wait3A_319, %dma_wait3A_320] : memref<10240x64xf32, #tpu.memory_space<vmem_shared>> -> memref<10240x64xf32, #tpu.memory_space<vmem_shared>>
      tpu.wait_indirect_dma semaphore(%arg12 : memref<!tpu.dma_semaphore, #tpu.memory_space<semaphore_mem>>) src(%dma_wait3A_321 : memref<10240x64xf32, #tpu.memory_space<vmem_shared>>) dst(%dma_wait3A_315 : memref<128x64xf32, #tpu.memory_space<vmem>>)
      %dma_start3A_322 = arith.constant 3 : i32
      %dma_start3A_323 = arith.constant 3 : i32
      %dma_start3A_324 = arith.constant 0 : i32
      %dma_start3A_325 = arith.constant 0 : i32
      %dma_start3A_326 = tpu.memref_slice %arg8[%dma_start3A_322, %dma_start3A_324, %dma_start3A_325] : memref<4x128x64xf32, #tpu.memory_space<vmem>> -> memref<1x128x64xf32, #tpu.memory_space<vmem>>
      %dma_start3A_327 = tpu.memref_squeeze %dma_start3A_326 : memref<1x128x64xf32, #tpu.memory_space<vmem>> -> memref<128x64xf32, #tpu.memory_space<vmem>>
      %dma_start3A_328 = arith.constant 0 : i32
      %dma_start3A_329 = tpu.memref_slice %arg7[%and3A_74, %dma_start3A_323, %dma_start3A_328] : memref<2x16x128xi32, #tpu.memory_space<vmem>> -> memref<1x1x128xi32, #tpu.memory_space<vmem>>
      %dma_start3A_330 = tpu.memref_squeeze %dma_start3A_329 : memref<1x1x128xi32, #tpu.memory_space<vmem>> -> memref<128xi32, #tpu.memory_space<vmem>>
      %dma_start3A_331 = arith.constant 0 : i32
      %dma_start3A_332 = arith.constant 0 : i32
      %dma_start3A_333 = tpu.memref_slice %arg10[%dma_start3A_331, %dma_start3A_332] : memref<10240x64xf32, #tpu.memory_space<vmem_shared>> -> memref<10240x64xf32, #tpu.memory_space<vmem_shared>>
      tpu.enqueue_indirect_dma source(%dma_start3A_327 : memref<128x64xf32, #tpu.memory_space<vmem>>) target(%dma_start3A_333 : memref<10240x64xf32, #tpu.memory_space<vmem_shared>>) offsets(%dma_start3A_330 : memref<128xi32, #tpu.memory_space<vmem>>) semaphore(%arg13 : memref<!tpu.dma_semaphore, #tpu.memory_space<semaphore_mem>>) {add = true}
      %dma_wait3A_334 = arith.constant 0 : i32
      %dma_wait3A_335 = arith.constant 0 : i32
      %dma_wait3A_336 = arith.constant 0 : i32
      %dma_wait3A_337 = arith.constant 0 : i32
      %dma_wait3A_338 = arith.constant 0 : i32
      %dma_wait3A_339 = tpu.memref_slice %arg8[%dma_wait3A_334, %dma_wait3A_337, %dma_wait3A_338] : memref<4x128x64xf32, #tpu.memory_space<vmem>> -> memref<1x128x64xf32, #tpu.memory_space<vmem>>
      %dma_wait3A_340 = tpu.memref_squeeze %dma_wait3A_339 : memref<1x128x64xf32, #tpu.memory_space<vmem>> -> memref<128x64xf32, #tpu.memory_space<vmem>>
      %dma_wait3A_341 = arith.constant 0 : i32
      %dma_wait3A_342 = tpu.memref_slice %arg7[%dma_wait3A_335, %dma_wait3A_336, %dma_wait3A_341] : memref<2x16x128xi32, #tpu.memory_space<vmem>> -> memref<1x1x128xi32, #tpu.memory_space<vmem>>
      %dma_wait3A_343 = tpu.memref_squeeze %dma_wait3A_342 : memref<1x1x128xi32, #tpu.memory_space<vmem>> -> memref<128xi32, #tpu.memory_space<vmem>>
      %dma_wait3A_344 = arith.constant 0 : i32
      %dma_wait3A_345 = arith.constant 0 : i32
      %dma_wait3A_346 = tpu.memref_slice %arg10[%dma_wait3A_344, %dma_wait3A_345] : memref<10240x64xf32, #tpu.memory_space<vmem_shared>> -> memref<10240x64xf32, #tpu.memory_space<vmem_shared>>
      tpu.wait_indirect_dma semaphore(%arg13 : memref<!tpu.dma_semaphore, #tpu.memory_space<semaphore_mem>>) src(%dma_wait3A_340 : memref<128x64xf32, #tpu.memory_space<vmem>>) dst(%dma_wait3A_346 : memref<10240x64xf32, #tpu.memory_space<vmem_shared>>)
      %dma_start3A_347 = arith.constant 7 : i32
      %dma_start3A_348 = arith.constant 3 : i32
      %dma_start3A_349 = arith.constant 0 : i32
      %dma_start3A_350 = arith.constant 0 : i32
      %dma_start3A_351 = tpu.memref_slice %arg8[%dma_start3A_348, %dma_start3A_349, %dma_start3A_350] : memref<4x128x64xf32, #tpu.memory_space<vmem>> -> memref<1x128x64xf32, #tpu.memory_space<vmem>>
      %dma_start3A_352 = tpu.memref_squeeze %dma_start3A_351 : memref<1x128x64xf32, #tpu.memory_space<vmem>> -> memref<128x64xf32, #tpu.memory_space<vmem>>
      %dma_start3A_353 = arith.constant 0 : i32
      %dma_start3A_354 = tpu.memref_slice %arg6[%and3A_74, %dma_start3A_347, %dma_start3A_353] : memref<2x16x128xi32, #tpu.memory_space<vmem>> -> memref<1x1x128xi32, #tpu.memory_space<vmem>>
      %dma_start3A_355 = tpu.memref_squeeze %dma_start3A_354 : memref<1x1x128xi32, #tpu.memory_space<vmem>> -> memref<128xi32, #tpu.memory_space<vmem>>
      %dma_start3A_356 = arith.constant 0 : i32
      %dma_start3A_357 = arith.constant 0 : i32
      %dma_start3A_358 = tpu.memref_slice %arg9[%dma_start3A_356, %dma_start3A_357] : memref<10240x64xf32, #tpu.memory_space<vmem_shared>> -> memref<10240x64xf32, #tpu.memory_space<vmem_shared>>
      tpu.enqueue_indirect_dma source(%dma_start3A_358 : memref<10240x64xf32, #tpu.memory_space<vmem_shared>>) target(%dma_start3A_352 : memref<128x64xf32, #tpu.memory_space<vmem>>) offsets(%dma_start3A_355 : memref<128xi32, #tpu.memory_space<vmem>>) semaphore(%arg12 : memref<!tpu.dma_semaphore, #tpu.memory_space<semaphore_mem>>)
      %dma_wait3A_359 = arith.constant 0 : i32
      %dma_wait3A_360 = arith.constant 0 : i32
      %dma_wait3A_361 = arith.constant 0 : i32
      %dma_wait3A_362 = arith.constant 0 : i32
      %dma_wait3A_363 = arith.constant 0 : i32
      %dma_wait3A_364 = tpu.memref_slice %arg8[%dma_wait3A_361, %dma_wait3A_362, %dma_wait3A_363] : memref<4x128x64xf32, #tpu.memory_space<vmem>> -> memref<1x128x64xf32, #tpu.memory_space<vmem>>
      %dma_wait3A_365 = tpu.memref_squeeze %dma_wait3A_364 : memref<1x128x64xf32, #tpu.memory_space<vmem>> -> memref<128x64xf32, #tpu.memory_space<vmem>>
      %dma_wait3A_366 = arith.constant 0 : i32
      %dma_wait3A_367 = tpu.memref_slice %arg6[%dma_wait3A_359, %dma_wait3A_360, %dma_wait3A_366] : memref<2x16x128xi32, #tpu.memory_space<vmem>> -> memref<1x1x128xi32, #tpu.memory_space<vmem>>
      %dma_wait3A_368 = tpu.memref_squeeze %dma_wait3A_367 : memref<1x1x128xi32, #tpu.memory_space<vmem>> -> memref<128xi32, #tpu.memory_space<vmem>>
      %dma_wait3A_369 = arith.constant 0 : i32
      %dma_wait3A_370 = arith.constant 0 : i32
      %dma_wait3A_371 = tpu.memref_slice %arg9[%dma_wait3A_369, %dma_wait3A_370] : memref<10240x64xf32, #tpu.memory_space<vmem_shared>> -> memref<10240x64xf32, #tpu.memory_space<vmem_shared>>
      tpu.wait_indirect_dma semaphore(%arg12 : memref<!tpu.dma_semaphore, #tpu.memory_space<semaphore_mem>>) src(%dma_wait3A_371 : memref<10240x64xf32, #tpu.memory_space<vmem_shared>>) dst(%dma_wait3A_365 : memref<128x64xf32, #tpu.memory_space<vmem>>)
      %dma_start3A_372 = arith.constant 0 : i32
      %dma_start3A_373 = arith.constant 4 : i32
      %dma_start3A_374 = arith.constant 0 : i32
      %dma_start3A_375 = arith.constant 0 : i32
      %dma_start3A_376 = tpu.memref_slice %arg8[%dma_start3A_372, %dma_start3A_374, %dma_start3A_375] : memref<4x128x64xf32, #tpu.memory_space<vmem>> -> memref<1x128x64xf32, #tpu.memory_space<vmem>>
      %dma_start3A_377 = tpu.memref_squeeze %dma_start3A_376 : memref<1x128x64xf32, #tpu.memory_space<vmem>> -> memref<128x64xf32, #tpu.memory_space<vmem>>
      %dma_start3A_378 = arith.constant 0 : i32
      %dma_start3A_379 = tpu.memref_slice %arg7[%and3A_74, %dma_start3A_373, %dma_start3A_378] : memref<2x16x128xi32, #tpu.memory_space<vmem>> -> memref<1x1x128xi32, #tpu.memory_space<vmem>>
      %dma_start3A_380 = tpu.memref_squeeze %dma_start3A_379 : memref<1x1x128xi32, #tpu.memory_space<vmem>> -> memref<128xi32, #tpu.memory_space<vmem>>
      %dma_start3A_381 = arith.constant 0 : i32
      %dma_start3A_382 = arith.constant 0 : i32
      %dma_start3A_383 = tpu.memref_slice %arg10[%dma_start3A_381, %dma_start3A_382] : memref<10240x64xf32, #tpu.memory_space<vmem_shared>> -> memref<10240x64xf32, #tpu.memory_space<vmem_shared>>
      tpu.enqueue_indirect_dma source(%dma_start3A_377 : memref<128x64xf32, #tpu.memory_space<vmem>>) target(%dma_start3A_383 : memref<10240x64xf32, #tpu.memory_space<vmem_shared>>) offsets(%dma_start3A_380 : memref<128xi32, #tpu.memory_space<vmem>>) semaphore(%arg13 : memref<!tpu.dma_semaphore, #tpu.memory_space<semaphore_mem>>) {add = true}
      %dma_wait3A_384 = arith.constant 0 : i32
      %dma_wait3A_385 = arith.constant 0 : i32
      %dma_wait3A_386 = arith.constant 0 : i32
      %dma_wait3A_387 = arith.constant 0 : i32
      %dma_wait3A_388 = arith.constant 0 : i32
      %dma_wait3A_389 = tpu.memref_slice %arg8[%dma_wait3A_384, %dma_wait3A_387, %dma_wait3A_388] : memref<4x128x64xf32, #tpu.memory_space<vmem>> -> memref<1x128x64xf32, #tpu.memory_space<vmem>>
      %dma_wait3A_390 = tpu.memref_squeeze %dma_wait3A_389 : memref<1x128x64xf32, #tpu.memory_space<vmem>> -> memref<128x64xf32, #tpu.memory_space<vmem>>
      %dma_wait3A_391 = arith.constant 0 : i32
      %dma_wait3A_392 = tpu.memref_slice %arg7[%dma_wait3A_385, %dma_wait3A_386, %dma_wait3A_391] : memref<2x16x128xi32, #tpu.memory_space<vmem>> -> memref<1x1x128xi32, #tpu.memory_space<vmem>>
      %dma_wait3A_393 = tpu.memref_squeeze %dma_wait3A_392 : memref<1x1x128xi32, #tpu.memory_space<vmem>> -> memref<128xi32, #tpu.memory_space<vmem>>
      %dma_wait3A_394 = arith.constant 0 : i32
      %dma_wait3A_395 = arith.constant 0 : i32
      %dma_wait3A_396 = tpu.memref_slice %arg10[%dma_wait3A_394, %dma_wait3A_395] : memref<10240x64xf32, #tpu.memory_space<vmem_shared>> -> memref<10240x64xf32, #tpu.memory_space<vmem_shared>>
      tpu.wait_indirect_dma semaphore(%arg13 : memref<!tpu.dma_semaphore, #tpu.memory_space<semaphore_mem>>) src(%dma_wait3A_390 : memref<128x64xf32, #tpu.memory_space<vmem>>) dst(%dma_wait3A_396 : memref<10240x64xf32, #tpu.memory_space<vmem_shared>>)
      %dma_start3A_397 = arith.constant 8 : i32
      %dma_start3A_398 = arith.constant 0 : i32
      %dma_start3A_399 = arith.constant 0 : i32
      %dma_start3A_400 = arith.constant 0 : i32
      %dma_start3A_401 = tpu.memref_slice %arg8[%dma_start3A_398, %dma_start3A_399, %dma_start3A_400] : memref<4x128x64xf32, #tpu.memory_space<vmem>> -> memref<1x128x64xf32, #tpu.memory_space<vmem>>
      %dma_start3A_402 = tpu.memref_squeeze %dma_start3A_401 : memref<1x128x64xf32, #tpu.memory_space<vmem>> -> memref<128x64xf32, #tpu.memory_space<vmem>>
      %dma_start3A_403 = arith.constant 0 : i32
      %dma_start3A_404 = tpu.memref_slice %arg6[%and3A_74, %dma_start3A_397, %dma_start3A_403] : memref<2x16x128xi32, #tpu.memory_space<vmem>> -> memref<1x1x128xi32, #tpu.memory_space<vmem>>
      %dma_start3A_405 = tpu.memref_squeeze %dma_start3A_404 : memref<1x1x128xi32, #tpu.memory_space<vmem>> -> memref<128xi32, #tpu.memory_space<vmem>>
      %dma_start3A_406 = arith.constant 0 : i32
      %dma_start3A_407 = arith.constant 0 : i32
      %dma_start3A_408 = tpu.memref_slice %arg9[%dma_start3A_406, %dma_start3A_407] : memref<10240x64xf32, #tpu.memory_space<vmem_shared>> -> memref<10240x64xf32, #tpu.memory_space<vmem_shared>>
      tpu.enqueue_indirect_dma source(%dma_start3A_408 : memref<10240x64xf32, #tpu.memory_space<vmem_shared>>) target(%dma_start3A_402 : memref<128x64xf32, #tpu.memory_space<vmem>>) offsets(%dma_start3A_405 : memref<128xi32, #tpu.memory_space<vmem>>) semaphore(%arg12 : memref<!tpu.dma_semaphore, #tpu.memory_space<semaphore_mem>>)
      %dma_wait3A_409 = arith.constant 0 : i32
      %dma_wait3A_410 = arith.constant 0 : i32
      %dma_wait3A_411 = arith.constant 1 : i32
      %dma_wait3A_412 = arith.constant 0 : i32
      %dma_wait3A_413 = arith.constant 0 : i32
      %dma_wait3A_414 = tpu.memref_slice %arg8[%dma_wait3A_411, %dma_wait3A_412, %dma_wait3A_413] : memref<4x128x64xf32, #tpu.memory_space<vmem>> -> memref<1x128x64xf32, #tpu.memory_space<vmem>>
      %dma_wait3A_415 = tpu.memref_squeeze %dma_wait3A_414 : memref<1x128x64xf32, #tpu.memory_space<vmem>> -> memref<128x64xf32, #tpu.memory_space<vmem>>
      %dma_wait3A_416 = arith.constant 0 : i32
      %dma_wait3A_417 = tpu.memref_slice %arg6[%dma_wait3A_409, %dma_wait3A_410, %dma_wait3A_416] : memref<2x16x128xi32, #tpu.memory_space<vmem>> -> memref<1x1x128xi32, #tpu.memory_space<vmem>>
      %dma_wait3A_418 = tpu.memref_squeeze %dma_wait3A_417 : memref<1x1x128xi32, #tpu.memory_space<vmem>> -> memref<128xi32, #tpu.memory_space<vmem>>
      %dma_wait3A_419 = arith.constant 0 : i32
      %dma_wait3A_420 = arith.constant 0 : i32
      %dma_wait3A_421 = tpu.memref_slice %arg9[%dma_wait3A_419, %dma_wait3A_420] : memref<10240x64xf32, #tpu.memory_space<vmem_shared>> -> memref<10240x64xf32, #tpu.memory_space<vmem_shared>>
      tpu.wait_indirect_dma semaphore(%arg12 : memref<!tpu.dma_semaphore, #tpu.memory_space<semaphore_mem>>) src(%dma_wait3A_421 : memref<10240x64xf32, #tpu.memory_space<vmem_shared>>) dst(%dma_wait3A_415 : memref<128x64xf32, #tpu.memory_space<vmem>>)
      %dma_start3A_422 = arith.constant 1 : i32
      %dma_start3A_423 = arith.constant 5 : i32
      %dma_start3A_424 = arith.constant 0 : i32
      %dma_start3A_425 = arith.constant 0 : i32
      %dma_start3A_426 = tpu.memref_slice %arg8[%dma_start3A_422, %dma_start3A_424, %dma_start3A_425] : memref<4x128x64xf32, #tpu.memory_space<vmem>> -> memref<1x128x64xf32, #tpu.memory_space<vmem>>
      %dma_start3A_427 = tpu.memref_squeeze %dma_start3A_426 : memref<1x128x64xf32, #tpu.memory_space<vmem>> -> memref<128x64xf32, #tpu.memory_space<vmem>>
      %dma_start3A_428 = arith.constant 0 : i32
      %dma_start3A_429 = tpu.memref_slice %arg7[%and3A_74, %dma_start3A_423, %dma_start3A_428] : memref<2x16x128xi32, #tpu.memory_space<vmem>> -> memref<1x1x128xi32, #tpu.memory_space<vmem>>
      %dma_start3A_430 = tpu.memref_squeeze %dma_start3A_429 : memref<1x1x128xi32, #tpu.memory_space<vmem>> -> memref<128xi32, #tpu.memory_space<vmem>>
      %dma_start3A_431 = arith.constant 0 : i32
      %dma_start3A_432 = arith.constant 0 : i32
      %dma_start3A_433 = tpu.memref_slice %arg10[%dma_start3A_431, %dma_start3A_432] : memref<10240x64xf32, #tpu.memory_space<vmem_shared>> -> memref<10240x64xf32, #tpu.memory_space<vmem_shared>>
      tpu.enqueue_indirect_dma source(%dma_start3A_427 : memref<128x64xf32, #tpu.memory_space<vmem>>) target(%dma_start3A_433 : memref<10240x64xf32, #tpu.memory_space<vmem_shared>>) offsets(%dma_start3A_430 : memref<128xi32, #tpu.memory_space<vmem>>) semaphore(%arg13 : memref<!tpu.dma_semaphore, #tpu.memory_space<semaphore_mem>>) {add = true}
      %dma_wait3A_434 = arith.constant 0 : i32
      %dma_wait3A_435 = arith.constant 0 : i32
      %dma_wait3A_436 = arith.constant 0 : i32
      %dma_wait3A_437 = arith.constant 0 : i32
      %dma_wait3A_438 = arith.constant 0 : i32
      %dma_wait3A_439 = tpu.memref_slice %arg8[%dma_wait3A_434, %dma_wait3A_437, %dma_wait3A_438] : memref<4x128x64xf32, #tpu.memory_space<vmem>> -> memref<1x128x64xf32, #tpu.memory_space<vmem>>
      %dma_wait3A_440 = tpu.memref_squeeze %dma_wait3A_439 : memref<1x128x64xf32, #tpu.memory_space<vmem>> -> memref<128x64xf32, #tpu.memory_space<vmem>>
      %dma_wait3A_441 = arith.constant 0 : i32
      %dma_wait3A_442 = tpu.memref_slice %arg7[%dma_wait3A_435, %dma_wait3A_436, %dma_wait3A_441] : memref<2x16x128xi32, #tpu.memory_space<vmem>> -> memref<1x1x128xi32, #tpu.memory_space<vmem>>
      %dma_wait3A_443 = tpu.memref_squeeze %dma_wait3A_442 : memref<1x1x128xi32, #tpu.memory_space<vmem>> -> memref<128xi32, #tpu.memory_space<vmem>>
      %dma_wait3A_444 = arith.constant 0 : i32
      %dma_wait3A_445 = arith.constant 0 : i32
      %dma_wait3A_446 = tpu.memref_slice %arg10[%dma_wait3A_444, %dma_wait3A_445] : memref<10240x64xf32, #tpu.memory_space<vmem_shared>> -> memref<10240x64xf32, #tpu.memory_space<vmem_shared>>
      tpu.wait_indirect_dma semaphore(%arg13 : memref<!tpu.dma_semaphore, #tpu.memory_space<semaphore_mem>>) src(%dma_wait3A_440 : memref<128x64xf32, #tpu.memory_space<vmem>>) dst(%dma_wait3A_446 : memref<10240x64xf32, #tpu.memory_space<vmem_shared>>)
      %dma_start3A_447 = arith.constant 9 : i32
      %dma_start3A_448 = arith.constant 1 : i32
      %dma_start3A_449 = arith.constant 0 : i32
      %dma_start3A_450 = arith.constant 0 : i32
      %dma_start3A_451 = tpu.memref_slice %arg8[%dma_start3A_448, %dma_start3A_449, %dma_start3A_450] : memref<4x128x64xf32, #tpu.memory_space<vmem>> -> memref<1x128x64xf32, #tpu.memory_space<vmem>>
      %dma_start3A_452 = tpu.memref_squeeze %dma_start3A_451 : memref<1x128x64xf32, #tpu.memory_space<vmem>> -> memref<128x64xf32, #tpu.memory_space<vmem>>
      %dma_start3A_453 = arith.constant 0 : i32
      %dma_start3A_454 = tpu.memref_slice %arg6[%and3A_74, %dma_start3A_447, %dma_start3A_453] : memref<2x16x128xi32, #tpu.memory_space<vmem>> -> memref<1x1x128xi32, #tpu.memory_space<vmem>>
      %dma_start3A_455 = tpu.memref_squeeze %dma_start3A_454 : memref<1x1x128xi32, #tpu.memory_space<vmem>> -> memref<128xi32, #tpu.memory_space<vmem>>
      %dma_start3A_456 = arith.constant 0 : i32
      %dma_start3A_457 = arith.constant 0 : i32
      %dma_start3A_458 = tpu.memref_slice %arg9[%dma_start3A_456, %dma_start3A_457] : memref<10240x64xf32, #tpu.memory_space<vmem_shared>> -> memref<10240x64xf32, #tpu.memory_space<vmem_shared>>
      tpu.enqueue_indirect_dma source(%dma_start3A_458 : memref<10240x64xf32, #tpu.memory_space<vmem_shared>>) target(%dma_start3A_452 : memref<128x64xf32, #tpu.memory_space<vmem>>) offsets(%dma_start3A_455 : memref<128xi32, #tpu.memory_space<vmem>>) semaphore(%arg12 : memref<!tpu.dma_semaphore, #tpu.memory_space<semaphore_mem>>)
      %dma_wait3A_459 = arith.constant 0 : i32
      %dma_wait3A_460 = arith.constant 0 : i32
      %dma_wait3A_461 = arith.constant 2 : i32
      %dma_wait3A_462 = arith.constant 0 : i32
      %dma_wait3A_463 = arith.constant 0 : i32
      %dma_wait3A_464 = tpu.memref_slice %arg8[%dma_wait3A_461, %dma_wait3A_462, %dma_wait3A_463] : memref<4x128x64xf32, #tpu.memory_space<vmem>> -> memref<1x128x64xf32, #tpu.memory_space<vmem>>
      %dma_wait3A_465 = tpu.memref_squeeze %dma_wait3A_464 : memref<1x128x64xf32, #tpu.memory_space<vmem>> -> memref<128x64xf32, #tpu.memory_space<vmem>>
      %dma_wait3A_466 = arith.constant 0 : i32
      %dma_wait3A_467 = tpu.memref_slice %arg6[%dma_wait3A_459, %dma_wait3A_460, %dma_wait3A_466] : memref<2x16x128xi32, #tpu.memory_space<vmem>> -> memref<1x1x128xi32, #tpu.memory_space<vmem>>
      %dma_wait3A_468 = tpu.memref_squeeze %dma_wait3A_467 : memref<1x1x128xi32, #tpu.memory_space<vmem>> -> memref<128xi32, #tpu.memory_space<vmem>>
      %dma_wait3A_469 = arith.constant 0 : i32
      %dma_wait3A_470 = arith.constant 0 : i32
      %dma_wait3A_471 = tpu.memref_slice %arg9[%dma_wait3A_469, %dma_wait3A_470] : memref<10240x64xf32, #tpu.memory_space<vmem_shared>> -> memref<10240x64xf32, #tpu.memory_space<vmem_shared>>
      tpu.wait_indirect_dma semaphore(%arg12 : memref<!tpu.dma_semaphore, #tpu.memory_space<semaphore_mem>>) src(%dma_wait3A_471 : memref<10240x64xf32, #tpu.memory_space<vmem_shared>>) dst(%dma_wait3A_465 : memref<128x64xf32, #tpu.memory_space<vmem>>)
      %dma_start3A_472 = arith.constant 2 : i32
      %dma_start3A_473 = arith.constant 6 : i32
      %dma_start3A_474 = arith.constant 0 : i32
      %dma_start3A_475 = arith.constant 0 : i32
      %dma_start3A_476 = tpu.memref_slice %arg8[%dma_start3A_472, %dma_start3A_474, %dma_start3A_475] : memref<4x128x64xf32, #tpu.memory_space<vmem>> -> memref<1x128x64xf32, #tpu.memory_space<vmem>>
      %dma_start3A_477 = tpu.memref_squeeze %dma_start3A_476 : memref<1x128x64xf32, #tpu.memory_space<vmem>> -> memref<128x64xf32, #tpu.memory_space<vmem>>
      %dma_start3A_478 = arith.constant 0 : i32
      %dma_start3A_479 = tpu.memref_slice %arg7[%and3A_74, %dma_start3A_473, %dma_start3A_478] : memref<2x16x128xi32, #tpu.memory_space<vmem>> -> memref<1x1x128xi32, #tpu.memory_space<vmem>>
      %dma_start3A_480 = tpu.memref_squeeze %dma_start3A_479 : memref<1x1x128xi32, #tpu.memory_space<vmem>> -> memref<128xi32, #tpu.memory_space<vmem>>
      %dma_start3A_481 = arith.constant 0 : i32
      %dma_start3A_482 = arith.constant 0 : i32
      %dma_start3A_483 = tpu.memref_slice %arg10[%dma_start3A_481, %dma_start3A_482] : memref<10240x64xf32, #tpu.memory_space<vmem_shared>> -> memref<10240x64xf32, #tpu.memory_space<vmem_shared>>
      tpu.enqueue_indirect_dma source(%dma_start3A_477 : memref<128x64xf32, #tpu.memory_space<vmem>>) target(%dma_start3A_483 : memref<10240x64xf32, #tpu.memory_space<vmem_shared>>) offsets(%dma_start3A_480 : memref<128xi32, #tpu.memory_space<vmem>>) semaphore(%arg13 : memref<!tpu.dma_semaphore, #tpu.memory_space<semaphore_mem>>) {add = true}
      %dma_wait3A_484 = arith.constant 0 : i32
      %dma_wait3A_485 = arith.constant 0 : i32
      %dma_wait3A_486 = arith.constant 0 : i32
      %dma_wait3A_487 = arith.constant 0 : i32
      %dma_wait3A_488 = arith.constant 0 : i32
      %dma_wait3A_489 = tpu.memref_slice %arg8[%dma_wait3A_484, %dma_wait3A_487, %dma_wait3A_488] : memref<4x128x64xf32, #tpu.memory_space<vmem>> -> memref<1x128x64xf32, #tpu.memory_space<vmem>>
      %dma_wait3A_490 = tpu.memref_squeeze %dma_wait3A_489 : memref<1x128x64xf32, #tpu.memory_space<vmem>> -> memref<128x64xf32, #tpu.memory_space<vmem>>
      %dma_wait3A_491 = arith.constant 0 : i32
      %dma_wait3A_492 = tpu.memref_slice %arg7[%dma_wait3A_485, %dma_wait3A_486, %dma_wait3A_491] : memref<2x16x128xi32, #tpu.memory_space<vmem>> -> memref<1x1x128xi32, #tpu.memory_space<vmem>>
      %dma_wait3A_493 = tpu.memref_squeeze %dma_wait3A_492 : memref<1x1x128xi32, #tpu.memory_space<vmem>> -> memref<128xi32, #tpu.memory_space<vmem>>
      %dma_wait3A_494 = arith.constant 0 : i32
      %dma_wait3A_495 = arith.constant 0 : i32
      %dma_wait3A_496 = tpu.memref_slice %arg10[%dma_wait3A_494, %dma_wait3A_495] : memref<10240x64xf32, #tpu.memory_space<vmem_shared>> -> memref<10240x64xf32, #tpu.memory_space<vmem_shared>>
      tpu.wait_indirect_dma semaphore(%arg13 : memref<!tpu.dma_semaphore, #tpu.memory_space<semaphore_mem>>) src(%dma_wait3A_490 : memref<128x64xf32, #tpu.memory_space<vmem>>) dst(%dma_wait3A_496 : memref<10240x64xf32, #tpu.memory_space<vmem_shared>>)
      %dma_start3A_497 = arith.constant 10 : i32
      %dma_start3A_498 = arith.constant 2 : i32
      %dma_start3A_499 = arith.constant 0 : i32
      %dma_start3A_500 = arith.constant 0 : i32
      %dma_start3A_501 = tpu.memref_slice %arg8[%dma_start3A_498, %dma_start3A_499, %dma_start3A_500] : memref<4x128x64xf32, #tpu.memory_space<vmem>> -> memref<1x128x64xf32, #tpu.memory_space<vmem>>
      %dma_start3A_502 = tpu.memref_squeeze %dma_start3A_501 : memref<1x128x64xf32, #tpu.memory_space<vmem>> -> memref<128x64xf32, #tpu.memory_space<vmem>>
      %dma_start3A_503 = arith.constant 0 : i32
      %dma_start3A_504 = tpu.memref_slice %arg6[%and3A_74, %dma_start3A_497, %dma_start3A_503] : memref<2x16x128xi32, #tpu.memory_space<vmem>> -> memref<1x1x128xi32, #tpu.memory_space<vmem>>
      %dma_start3A_505 = tpu.memref_squeeze %dma_start3A_504 : memref<1x1x128xi32, #tpu.memory_space<vmem>> -> memref<128xi32, #tpu.memory_space<vmem>>
      %dma_start3A_506 = arith.constant 0 : i32
      %dma_start3A_507 = arith.constant 0 : i32
      %dma_start3A_508 = tpu.memref_slice %arg9[%dma_start3A_506, %dma_start3A_507] : memref<10240x64xf32, #tpu.memory_space<vmem_shared>> -> memref<10240x64xf32, #tpu.memory_space<vmem_shared>>
      tpu.enqueue_indirect_dma source(%dma_start3A_508 : memref<10240x64xf32, #tpu.memory_space<vmem_shared>>) target(%dma_start3A_502 : memref<128x64xf32, #tpu.memory_space<vmem>>) offsets(%dma_start3A_505 : memref<128xi32, #tpu.memory_space<vmem>>) semaphore(%arg12 : memref<!tpu.dma_semaphore, #tpu.memory_space<semaphore_mem>>)
      %dma_wait3A_509 = arith.constant 0 : i32
      %dma_wait3A_510 = arith.constant 0 : i32
      %dma_wait3A_511 = arith.constant 3 : i32
      %dma_wait3A_512 = arith.constant 0 : i32
      %dma_wait3A_513 = arith.constant 0 : i32
      %dma_wait3A_514 = tpu.memref_slice %arg8[%dma_wait3A_511, %dma_wait3A_512, %dma_wait3A_513] : memref<4x128x64xf32, #tpu.memory_space<vmem>> -> memref<1x128x64xf32, #tpu.memory_space<vmem>>
      %dma_wait3A_515 = tpu.memref_squeeze %dma_wait3A_514 : memref<1x128x64xf32, #tpu.memory_space<vmem>> -> memref<128x64xf32, #tpu.memory_space<vmem>>
      %dma_wait3A_516 = arith.constant 0 : i32
      %dma_wait3A_517 = tpu.memref_slice %arg6[%dma_wait3A_509, %dma_wait3A_510, %dma_wait3A_516] : memref<2x16x128xi32, #tpu.memory_space<vmem>> -> memref<1x1x128xi32, #tpu.memory_space<vmem>>
      %dma_wait3A_518 = tpu.memref_squeeze %dma_wait3A_517 : memref<1x1x128xi32, #tpu.memory_space<vmem>> -> memref<128xi32, #tpu.memory_space<vmem>>
      %dma_wait3A_519 = arith.constant 0 : i32
      %dma_wait3A_520 = arith.constant 0 : i32
      %dma_wait3A_521 = tpu.memref_slice %arg9[%dma_wait3A_519, %dma_wait3A_520] : memref<10240x64xf32, #tpu.memory_space<vmem_shared>> -> memref<10240x64xf32, #tpu.memory_space<vmem_shared>>
      tpu.wait_indirect_dma semaphore(%arg12 : memref<!tpu.dma_semaphore, #tpu.memory_space<semaphore_mem>>) src(%dma_wait3A_521 : memref<10240x64xf32, #tpu.memory_space<vmem_shared>>) dst(%dma_wait3A_515 : memref<128x64xf32, #tpu.memory_space<vmem>>)
      %dma_start3A_522 = arith.constant 3 : i32
      %dma_start3A_523 = arith.constant 7 : i32
      %dma_start3A_524 = arith.constant 0 : i32
      %dma_start3A_525 = arith.constant 0 : i32
      %dma_start3A_526 = tpu.memref_slice %arg8[%dma_start3A_522, %dma_start3A_524, %dma_start3A_525] : memref<4x128x64xf32, #tpu.memory_space<vmem>> -> memref<1x128x64xf32, #tpu.memory_space<vmem>>
      %dma_start3A_527 = tpu.memref_squeeze %dma_start3A_526 : memref<1x128x64xf32, #tpu.memory_space<vmem>> -> memref<128x64xf32, #tpu.memory_space<vmem>>
      %dma_start3A_528 = arith.constant 0 : i32
      %dma_start3A_529 = tpu.memref_slice %arg7[%and3A_74, %dma_start3A_523, %dma_start3A_528] : memref<2x16x128xi32, #tpu.memory_space<vmem>> -> memref<1x1x128xi32, #tpu.memory_space<vmem>>
      %dma_start3A_530 = tpu.memref_squeeze %dma_start3A_529 : memref<1x1x128xi32, #tpu.memory_space<vmem>> -> memref<128xi32, #tpu.memory_space<vmem>>
      %dma_start3A_531 = arith.constant 0 : i32
      %dma_start3A_532 = arith.constant 0 : i32
      %dma_start3A_533 = tpu.memref_slice %arg10[%dma_start3A_531, %dma_start3A_532] : memref<10240x64xf32, #tpu.memory_space<vmem_shared>> -> memref<10240x64xf32, #tpu.memory_space<vmem_shared>>
      tpu.enqueue_indirect_dma source(%dma_start3A_527 : memref<128x64xf32, #tpu.memory_space<vmem>>) target(%dma_start3A_533 : memref<10240x64xf32, #tpu.memory_space<vmem_shared>>) offsets(%dma_start3A_530 : memref<128xi32, #tpu.memory_space<vmem>>) semaphore(%arg13 : memref<!tpu.dma_semaphore, #tpu.memory_space<semaphore_mem>>) {add = true}
      %dma_wait3A_534 = arith.constant 0 : i32
      %dma_wait3A_535 = arith.constant 0 : i32
      %dma_wait3A_536 = arith.constant 0 : i32
      %dma_wait3A_537 = arith.constant 0 : i32
      %dma_wait3A_538 = arith.constant 0 : i32
      %dma_wait3A_539 = tpu.memref_slice %arg8[%dma_wait3A_534, %dma_wait3A_537, %dma_wait3A_538] : memref<4x128x64xf32, #tpu.memory_space<vmem>> -> memref<1x128x64xf32, #tpu.memory_space<vmem>>
      %dma_wait3A_540 = tpu.memref_squeeze %dma_wait3A_539 : memref<1x128x64xf32, #tpu.memory_space<vmem>> -> memref<128x64xf32, #tpu.memory_space<vmem>>
      %dma_wait3A_541 = arith.constant 0 : i32
      %dma_wait3A_542 = tpu.memref_slice %arg7[%dma_wait3A_535, %dma_wait3A_536, %dma_wait3A_541] : memref<2x16x128xi32, #tpu.memory_space<vmem>> -> memref<1x1x128xi32, #tpu.memory_space<vmem>>
      %dma_wait3A_543 = tpu.memref_squeeze %dma_wait3A_542 : memref<1x1x128xi32, #tpu.memory_space<vmem>> -> memref<128xi32, #tpu.memory_space<vmem>>
      %dma_wait3A_544 = arith.constant 0 : i32
      %dma_wait3A_545 = arith.constant 0 : i32
      %dma_wait3A_546 = tpu.memref_slice %arg10[%dma_wait3A_544, %dma_wait3A_545] : memref<10240x64xf32, #tpu.memory_space<vmem_shared>> -> memref<10240x64xf32, #tpu.memory_space<vmem_shared>>
      tpu.wait_indirect_dma semaphore(%arg13 : memref<!tpu.dma_semaphore, #tpu.memory_space<semaphore_mem>>) src(%dma_wait3A_540 : memref<128x64xf32, #tpu.memory_space<vmem>>) dst(%dma_wait3A_546 : memref<10240x64xf32, #tpu.memory_space<vmem_shared>>)
      %dma_start3A_547 = arith.constant 11 : i32
      %dma_start3A_548 = arith.constant 3 : i32
      %dma_start3A_549 = arith.constant 0 : i32
      %dma_start3A_550 = arith.constant 0 : i32
      %dma_start3A_551 = tpu.memref_slice %arg8[%dma_start3A_548, %dma_start3A_549, %dma_start3A_550] : memref<4x128x64xf32, #tpu.memory_space<vmem>> -> memref<1x128x64xf32, #tpu.memory_space<vmem>>
      %dma_start3A_552 = tpu.memref_squeeze %dma_start3A_551 : memref<1x128x64xf32, #tpu.memory_space<vmem>> -> memref<128x64xf32, #tpu.memory_space<vmem>>
      %dma_start3A_553 = arith.constant 0 : i32
      %dma_start3A_554 = tpu.memref_slice %arg6[%and3A_74, %dma_start3A_547, %dma_start3A_553] : memref<2x16x128xi32, #tpu.memory_space<vmem>> -> memref<1x1x128xi32, #tpu.memory_space<vmem>>
      %dma_start3A_555 = tpu.memref_squeeze %dma_start3A_554 : memref<1x1x128xi32, #tpu.memory_space<vmem>> -> memref<128xi32, #tpu.memory_space<vmem>>
      %dma_start3A_556 = arith.constant 0 : i32
      %dma_start3A_557 = arith.constant 0 : i32
      %dma_start3A_558 = tpu.memref_slice %arg9[%dma_start3A_556, %dma_start3A_557] : memref<10240x64xf32, #tpu.memory_space<vmem_shared>> -> memref<10240x64xf32, #tpu.memory_space<vmem_shared>>
      tpu.enqueue_indirect_dma source(%dma_start3A_558 : memref<10240x64xf32, #tpu.memory_space<vmem_shared>>) target(%dma_start3A_552 : memref<128x64xf32, #tpu.memory_space<vmem>>) offsets(%dma_start3A_555 : memref<128xi32, #tpu.memory_space<vmem>>) semaphore(%arg12 : memref<!tpu.dma_semaphore, #tpu.memory_space<semaphore_mem>>)
      %dma_wait3A_559 = arith.constant 0 : i32
      %dma_wait3A_560 = arith.constant 0 : i32
      %dma_wait3A_561 = arith.constant 0 : i32
      %dma_wait3A_562 = arith.constant 0 : i32
      %dma_wait3A_563 = arith.constant 0 : i32
      %dma_wait3A_564 = tpu.memref_slice %arg8[%dma_wait3A_561, %dma_wait3A_562, %dma_wait3A_563] : memref<4x128x64xf32, #tpu.memory_space<vmem>> -> memref<1x128x64xf32, #tpu.memory_space<vmem>>
      %dma_wait3A_565 = tpu.memref_squeeze %dma_wait3A_564 : memref<1x128x64xf32, #tpu.memory_space<vmem>> -> memref<128x64xf32, #tpu.memory_space<vmem>>
      %dma_wait3A_566 = arith.constant 0 : i32
      %dma_wait3A_567 = tpu.memref_slice %arg6[%dma_wait3A_559, %dma_wait3A_560, %dma_wait3A_566] : memref<2x16x128xi32, #tpu.memory_space<vmem>> -> memref<1x1x128xi32, #tpu.memory_space<vmem>>
      %dma_wait3A_568 = tpu.memref_squeeze %dma_wait3A_567 : memref<1x1x128xi32, #tpu.memory_space<vmem>> -> memref<128xi32, #tpu.memory_space<vmem>>
      %dma_wait3A_569 = arith.constant 0 : i32
      %dma_wait3A_570 = arith.constant 0 : i32
      %dma_wait3A_571 = tpu.memref_slice %arg9[%dma_wait3A_569, %dma_wait3A_570] : memref<10240x64xf32, #tpu.memory_space<vmem_shared>> -> memref<10240x64xf32, #tpu.memory_space<vmem_shared>>
      tpu.wait_indirect_dma semaphore(%arg12 : memref<!tpu.dma_semaphore, #tpu.memory_space<semaphore_mem>>) src(%dma_wait3A_571 : memref<10240x64xf32, #tpu.memory_space<vmem_shared>>) dst(%dma_wait3A_565 : memref<128x64xf32, #tpu.memory_space<vmem>>)
      %dma_start3A_572 = arith.constant 0 : i32
      %dma_start3A_573 = arith.constant 8 : i32
      %dma_start3A_574 = arith.constant 0 : i32
      %dma_start3A_575 = arith.constant 0 : i32
      %dma_start3A_576 = tpu.memref_slice %arg8[%dma_start3A_572, %dma_start3A_574, %dma_start3A_575] : memref<4x128x64xf32, #tpu.memory_space<vmem>> -> memref<1x128x64xf32, #tpu.memory_space<vmem>>
      %dma_start3A_577 = tpu.memref_squeeze %dma_start3A_576 : memref<1x128x64xf32, #tpu.memory_space<vmem>> -> memref<128x64xf32, #tpu.memory_space<vmem>>
      %dma_start3A_578 = arith.constant 0 : i32
      %dma_start3A_579 = tpu.memref_slice %arg7[%and3A_74, %dma_start3A_573, %dma_start3A_578] : memref<2x16x128xi32, #tpu.memory_space<vmem>> -> memref<1x1x128xi32, #tpu.memory_space<vmem>>
      %dma_start3A_580 = tpu.memref_squeeze %dma_start3A_579 : memref<1x1x128xi32, #tpu.memory_space<vmem>> -> memref<128xi32, #tpu.memory_space<vmem>>
      %dma_start3A_581 = arith.constant 0 : i32
      %dma_start3A_582 = arith.constant 0 : i32
      %dma_start3A_583 = tpu.memref_slice %arg10[%dma_start3A_581, %dma_start3A_582] : memref<10240x64xf32, #tpu.memory_space<vmem_shared>> -> memref<10240x64xf32, #tpu.memory_space<vmem_shared>>
      tpu.enqueue_indirect_dma source(%dma_start3A_577 : memref<128x64xf32, #tpu.memory_space<vmem>>) target(%dma_start3A_583 : memref<10240x64xf32, #tpu.memory_space<vmem_shared>>) offsets(%dma_start3A_580 : memref<128xi32, #tpu.memory_space<vmem>>) semaphore(%arg13 : memref<!tpu.dma_semaphore, #tpu.memory_space<semaphore_mem>>) {add = true}
      %dma_wait3A_584 = arith.constant 0 : i32
      %dma_wait3A_585 = arith.constant 0 : i32
      %dma_wait3A_586 = arith.constant 0 : i32
      %dma_wait3A_587 = arith.constant 0 : i32
      %dma_wait3A_588 = arith.constant 0 : i32
      %dma_wait3A_589 = tpu.memref_slice %arg8[%dma_wait3A_584, %dma_wait3A_587, %dma_wait3A_588] : memref<4x128x64xf32, #tpu.memory_space<vmem>> -> memref<1x128x64xf32, #tpu.memory_space<vmem>>
      %dma_wait3A_590 = tpu.memref_squeeze %dma_wait3A_589 : memref<1x128x64xf32, #tpu.memory_space<vmem>> -> memref<128x64xf32, #tpu.memory_space<vmem>>
      %dma_wait3A_591 = arith.constant 0 : i32
      %dma_wait3A_592 = tpu.memref_slice %arg7[%dma_wait3A_585, %dma_wait3A_586, %dma_wait3A_591] : memref<2x16x128xi32, #tpu.memory_space<vmem>> -> memref<1x1x128xi32, #tpu.memory_space<vmem>>
      %dma_wait3A_593 = tpu.memref_squeeze %dma_wait3A_592 : memref<1x1x128xi32, #tpu.memory_space<vmem>> -> memref<128xi32, #tpu.memory_space<vmem>>
      %dma_wait3A_594 = arith.constant 0 : i32
      %dma_wait3A_595 = arith.constant 0 : i32
      %dma_wait3A_596 = tpu.memref_slice %arg10[%dma_wait3A_594, %dma_wait3A_595] : memref<10240x64xf32, #tpu.memory_space<vmem_shared>> -> memref<10240x64xf32, #tpu.memory_space<vmem_shared>>
      tpu.wait_indirect_dma semaphore(%arg13 : memref<!tpu.dma_semaphore, #tpu.memory_space<semaphore_mem>>) src(%dma_wait3A_590 : memref<128x64xf32, #tpu.memory_space<vmem>>) dst(%dma_wait3A_596 : memref<10240x64xf32, #tpu.memory_space<vmem_shared>>)
      %dma_start3A_597 = arith.constant 12 : i32
      %dma_start3A_598 = arith.constant 0 : i32
      %dma_start3A_599 = arith.constant 0 : i32
      %dma_start3A_600 = arith.constant 0 : i32
      %dma_start3A_601 = tpu.memref_slice %arg8[%dma_start3A_598, %dma_start3A_599, %dma_start3A_600] : memref<4x128x64xf32, #tpu.memory_space<vmem>> -> memref<1x128x64xf32, #tpu.memory_space<vmem>>
      %dma_start3A_602 = tpu.memref_squeeze %dma_start3A_601 : memref<1x128x64xf32, #tpu.memory_space<vmem>> -> memref<128x64xf32, #tpu.memory_space<vmem>>
      %dma_start3A_603 = arith.constant 0 : i32
      %dma_start3A_604 = tpu.memref_slice %arg6[%and3A_74, %dma_start3A_597, %dma_start3A_603] : memref<2x16x128xi32, #tpu.memory_space<vmem>> -> memref<1x1x128xi32, #tpu.memory_space<vmem>>
      %dma_start3A_605 = tpu.memref_squeeze %dma_start3A_604 : memref<1x1x128xi32, #tpu.memory_space<vmem>> -> memref<128xi32, #tpu.memory_space<vmem>>
      %dma_start3A_606 = arith.constant 0 : i32
      %dma_start3A_607 = arith.constant 0 : i32
      %dma_start3A_608 = tpu.memref_slice %arg9[%dma_start3A_606, %dma_start3A_607] : memref<10240x64xf32, #tpu.memory_space<vmem_shared>> -> memref<10240x64xf32, #tpu.memory_space<vmem_shared>>
      tpu.enqueue_indirect_dma source(%dma_start3A_608 : memref<10240x64xf32, #tpu.memory_space<vmem_shared>>) target(%dma_start3A_602 : memref<128x64xf32, #tpu.memory_space<vmem>>) offsets(%dma_start3A_605 : memref<128xi32, #tpu.memory_space<vmem>>) semaphore(%arg12 : memref<!tpu.dma_semaphore, #tpu.memory_space<semaphore_mem>>)
      %dma_wait3A_609 = arith.constant 0 : i32
      %dma_wait3A_610 = arith.constant 0 : i32
      %dma_wait3A_611 = arith.constant 1 : i32
      %dma_wait3A_612 = arith.constant 0 : i32
      %dma_wait3A_613 = arith.constant 0 : i32
      %dma_wait3A_614 = tpu.memref_slice %arg8[%dma_wait3A_611, %dma_wait3A_612, %dma_wait3A_613] : memref<4x128x64xf32, #tpu.memory_space<vmem>> -> memref<1x128x64xf32, #tpu.memory_space<vmem>>
      %dma_wait3A_615 = tpu.memref_squeeze %dma_wait3A_614 : memref<1x128x64xf32, #tpu.memory_space<vmem>> -> memref<128x64xf32, #tpu.memory_space<vmem>>
      %dma_wait3A_616 = arith.constant 0 : i32
      %dma_wait3A_617 = tpu.memref_slice %arg6[%dma_wait3A_609, %dma_wait3A_610, %dma_wait3A_616] : memref<2x16x128xi32, #tpu.memory_space<vmem>> -> memref<1x1x128xi32, #tpu.memory_space<vmem>>
      %dma_wait3A_618 = tpu.memref_squeeze %dma_wait3A_617 : memref<1x1x128xi32, #tpu.memory_space<vmem>> -> memref<128xi32, #tpu.memory_space<vmem>>
      %dma_wait3A_619 = arith.constant 0 : i32
      %dma_wait3A_620 = arith.constant 0 : i32
      %dma_wait3A_621 = tpu.memref_slice %arg9[%dma_wait3A_619, %dma_wait3A_620] : memref<10240x64xf32, #tpu.memory_space<vmem_shared>> -> memref<10240x64xf32, #tpu.memory_space<vmem_shared>>
      tpu.wait_indirect_dma semaphore(%arg12 : memref<!tpu.dma_semaphore, #tpu.memory_space<semaphore_mem>>) src(%dma_wait3A_621 : memref<10240x64xf32, #tpu.memory_space<vmem_shared>>) dst(%dma_wait3A_615 : memref<128x64xf32, #tpu.memory_space<vmem>>)
      %dma_start3A_622 = arith.constant 1 : i32
      %dma_start3A_623 = arith.constant 9 : i32
      %dma_start3A_624 = arith.constant 0 : i32
      %dma_start3A_625 = arith.constant 0 : i32
      %dma_start3A_626 = tpu.memref_slice %arg8[%dma_start3A_622, %dma_start3A_624, %dma_start3A_625] : memref<4x128x64xf32, #tpu.memory_space<vmem>> -> memref<1x128x64xf32, #tpu.memory_space<vmem>>
      %dma_start3A_627 = tpu.memref_squeeze %dma_start3A_626 : memref<1x128x64xf32, #tpu.memory_space<vmem>> -> memref<128x64xf32, #tpu.memory_space<vmem>>
      %dma_start3A_628 = arith.constant 0 : i32
      %dma_start3A_629 = tpu.memref_slice %arg7[%and3A_74, %dma_start3A_623, %dma_start3A_628] : memref<2x16x128xi32, #tpu.memory_space<vmem>> -> memref<1x1x128xi32, #tpu.memory_space<vmem>>
      %dma_start3A_630 = tpu.memref_squeeze %dma_start3A_629 : memref<1x1x128xi32, #tpu.memory_space<vmem>> -> memref<128xi32, #tpu.memory_space<vmem>>
      %dma_start3A_631 = arith.constant 0 : i32
      %dma_start3A_632 = arith.constant 0 : i32
      %dma_start3A_633 = tpu.memref_slice %arg10[%dma_start3A_631, %dma_start3A_632] : memref<10240x64xf32, #tpu.memory_space<vmem_shared>> -> memref<10240x64xf32, #tpu.memory_space<vmem_shared>>
      tpu.enqueue_indirect_dma source(%dma_start3A_627 : memref<128x64xf32, #tpu.memory_space<vmem>>) target(%dma_start3A_633 : memref<10240x64xf32, #tpu.memory_space<vmem_shared>>) offsets(%dma_start3A_630 : memref<128xi32, #tpu.memory_space<vmem>>) semaphore(%arg13 : memref<!tpu.dma_semaphore, #tpu.memory_space<semaphore_mem>>) {add = true}
      %dma_wait3A_634 = arith.constant 0 : i32
      %dma_wait3A_635 = arith.constant 0 : i32
      %dma_wait3A_636 = arith.constant 0 : i32
      %dma_wait3A_637 = arith.constant 0 : i32
      %dma_wait3A_638 = arith.constant 0 : i32
      %dma_wait3A_639 = tpu.memref_slice %arg8[%dma_wait3A_634, %dma_wait3A_637, %dma_wait3A_638] : memref<4x128x64xf32, #tpu.memory_space<vmem>> -> memref<1x128x64xf32, #tpu.memory_space<vmem>>
      %dma_wait3A_640 = tpu.memref_squeeze %dma_wait3A_639 : memref<1x128x64xf32, #tpu.memory_space<vmem>> -> memref<128x64xf32, #tpu.memory_space<vmem>>
      %dma_wait3A_641 = arith.constant 0 : i32
      %dma_wait3A_642 = tpu.memref_slice %arg7[%dma_wait3A_635, %dma_wait3A_636, %dma_wait3A_641] : memref<2x16x128xi32, #tpu.memory_space<vmem>> -> memref<1x1x128xi32, #tpu.memory_space<vmem>>
      %dma_wait3A_643 = tpu.memref_squeeze %dma_wait3A_642 : memref<1x1x128xi32, #tpu.memory_space<vmem>> -> memref<128xi32, #tpu.memory_space<vmem>>
      %dma_wait3A_644 = arith.constant 0 : i32
      %dma_wait3A_645 = arith.constant 0 : i32
      %dma_wait3A_646 = tpu.memref_slice %arg10[%dma_wait3A_644, %dma_wait3A_645] : memref<10240x64xf32, #tpu.memory_space<vmem_shared>> -> memref<10240x64xf32, #tpu.memory_space<vmem_shared>>
      tpu.wait_indirect_dma semaphore(%arg13 : memref<!tpu.dma_semaphore, #tpu.memory_space<semaphore_mem>>) src(%dma_wait3A_640 : memref<128x64xf32, #tpu.memory_space<vmem>>) dst(%dma_wait3A_646 : memref<10240x64xf32, #tpu.memory_space<vmem_shared>>)
      %dma_start3A_647 = arith.constant 13 : i32
      %dma_start3A_648 = arith.constant 1 : i32
      %dma_start3A_649 = arith.constant 0 : i32
      %dma_start3A_650 = arith.constant 0 : i32
      %dma_start3A_651 = tpu.memref_slice %arg8[%dma_start3A_648, %dma_start3A_649, %dma_start3A_650] : memref<4x128x64xf32, #tpu.memory_space<vmem>> -> memref<1x128x64xf32, #tpu.memory_space<vmem>>
      %dma_start3A_652 = tpu.memref_squeeze %dma_start3A_651 : memref<1x128x64xf32, #tpu.memory_space<vmem>> -> memref<128x64xf32, #tpu.memory_space<vmem>>
      %dma_start3A_653 = arith.constant 0 : i32
      %dma_start3A_654 = tpu.memref_slice %arg6[%and3A_74, %dma_start3A_647, %dma_start3A_653] : memref<2x16x128xi32, #tpu.memory_space<vmem>> -> memref<1x1x128xi32, #tpu.memory_space<vmem>>
      %dma_start3A_655 = tpu.memref_squeeze %dma_start3A_654 : memref<1x1x128xi32, #tpu.memory_space<vmem>> -> memref<128xi32, #tpu.memory_space<vmem>>
      %dma_start3A_656 = arith.constant 0 : i32
      %dma_start3A_657 = arith.constant 0 : i32
      %dma_start3A_658 = tpu.memref_slice %arg9[%dma_start3A_656, %dma_start3A_657] : memref<10240x64xf32, #tpu.memory_space<vmem_shared>> -> memref<10240x64xf32, #tpu.memory_space<vmem_shared>>
      tpu.enqueue_indirect_dma source(%dma_start3A_658 : memref<10240x64xf32, #tpu.memory_space<vmem_shared>>) target(%dma_start3A_652 : memref<128x64xf32, #tpu.memory_space<vmem>>) offsets(%dma_start3A_655 : memref<128xi32, #tpu.memory_space<vmem>>) semaphore(%arg12 : memref<!tpu.dma_semaphore, #tpu.memory_space<semaphore_mem>>)
      %dma_wait3A_659 = arith.constant 0 : i32
      %dma_wait3A_660 = arith.constant 0 : i32
      %dma_wait3A_661 = arith.constant 2 : i32
      %dma_wait3A_662 = arith.constant 0 : i32
      %dma_wait3A_663 = arith.constant 0 : i32
      %dma_wait3A_664 = tpu.memref_slice %arg8[%dma_wait3A_661, %dma_wait3A_662, %dma_wait3A_663] : memref<4x128x64xf32, #tpu.memory_space<vmem>> -> memref<1x128x64xf32, #tpu.memory_space<vmem>>
      %dma_wait3A_665 = tpu.memref_squeeze %dma_wait3A_664 : memref<1x128x64xf32, #tpu.memory_space<vmem>> -> memref<128x64xf32, #tpu.memory_space<vmem>>
      %dma_wait3A_666 = arith.constant 0 : i32
      %dma_wait3A_667 = tpu.memref_slice %arg6[%dma_wait3A_659, %dma_wait3A_660, %dma_wait3A_666] : memref<2x16x128xi32, #tpu.memory_space<vmem>> -> memref<1x1x128xi32, #tpu.memory_space<vmem>>
      %dma_wait3A_668 = tpu.memref_squeeze %dma_wait3A_667 : memref<1x1x128xi32, #tpu.memory_space<vmem>> -> memref<128xi32, #tpu.memory_space<vmem>>
      %dma_wait3A_669 = arith.constant 0 : i32
      %dma_wait3A_670 = arith.constant 0 : i32
      %dma_wait3A_671 = tpu.memref_slice %arg9[%dma_wait3A_669, %dma_wait3A_670] : memref<10240x64xf32, #tpu.memory_space<vmem_shared>> -> memref<10240x64xf32, #tpu.memory_space<vmem_shared>>
      tpu.wait_indirect_dma semaphore(%arg12 : memref<!tpu.dma_semaphore, #tpu.memory_space<semaphore_mem>>) src(%dma_wait3A_671 : memref<10240x64xf32, #tpu.memory_space<vmem_shared>>) dst(%dma_wait3A_665 : memref<128x64xf32, #tpu.memory_space<vmem>>)
      %dma_start3A_672 = arith.constant 2 : i32
      %dma_start3A_673 = arith.constant 10 : i32
      %dma_start3A_674 = arith.constant 0 : i32
      %dma_start3A_675 = arith.constant 0 : i32
      %dma_start3A_676 = tpu.memref_slice %arg8[%dma_start3A_672, %dma_start3A_674, %dma_start3A_675] : memref<4x128x64xf32, #tpu.memory_space<vmem>> -> memref<1x128x64xf32, #tpu.memory_space<vmem>>
      %dma_start3A_677 = tpu.memref_squeeze %dma_start3A_676 : memref<1x128x64xf32, #tpu.memory_space<vmem>> -> memref<128x64xf32, #tpu.memory_space<vmem>>
      %dma_start3A_678 = arith.constant 0 : i32
      %dma_start3A_679 = tpu.memref_slice %arg7[%and3A_74, %dma_start3A_673, %dma_start3A_678] : memref<2x16x128xi32, #tpu.memory_space<vmem>> -> memref<1x1x128xi32, #tpu.memory_space<vmem>>
      %dma_start3A_680 = tpu.memref_squeeze %dma_start3A_679 : memref<1x1x128xi32, #tpu.memory_space<vmem>> -> memref<128xi32, #tpu.memory_space<vmem>>
      %dma_start3A_681 = arith.constant 0 : i32
      %dma_start3A_682 = arith.constant 0 : i32
      %dma_start3A_683 = tpu.memref_slice %arg10[%dma_start3A_681, %dma_start3A_682] : memref<10240x64xf32, #tpu.memory_space<vmem_shared>> -> memref<10240x64xf32, #tpu.memory_space<vmem_shared>>
      tpu.enqueue_indirect_dma source(%dma_start3A_677 : memref<128x64xf32, #tpu.memory_space<vmem>>) target(%dma_start3A_683 : memref<10240x64xf32, #tpu.memory_space<vmem_shared>>) offsets(%dma_start3A_680 : memref<128xi32, #tpu.memory_space<vmem>>) semaphore(%arg13 : memref<!tpu.dma_semaphore, #tpu.memory_space<semaphore_mem>>) {add = true}
      %dma_wait3A_684 = arith.constant 0 : i32
      %dma_wait3A_685 = arith.constant 0 : i32
      %dma_wait3A_686 = arith.constant 0 : i32
      %dma_wait3A_687 = arith.constant 0 : i32
      %dma_wait3A_688 = arith.constant 0 : i32
      %dma_wait3A_689 = tpu.memref_slice %arg8[%dma_wait3A_684, %dma_wait3A_687, %dma_wait3A_688] : memref<4x128x64xf32, #tpu.memory_space<vmem>> -> memref<1x128x64xf32, #tpu.memory_space<vmem>>
      %dma_wait3A_690 = tpu.memref_squeeze %dma_wait3A_689 : memref<1x128x64xf32, #tpu.memory_space<vmem>> -> memref<128x64xf32, #tpu.memory_space<vmem>>
      %dma_wait3A_691 = arith.constant 0 : i32
      %dma_wait3A_692 = tpu.memref_slice %arg7[%dma_wait3A_685, %dma_wait3A_686, %dma_wait3A_691] : memref<2x16x128xi32, #tpu.memory_space<vmem>> -> memref<1x1x128xi32, #tpu.memory_space<vmem>>
      %dma_wait3A_693 = tpu.memref_squeeze %dma_wait3A_692 : memref<1x1x128xi32, #tpu.memory_space<vmem>> -> memref<128xi32, #tpu.memory_space<vmem>>
      %dma_wait3A_694 = arith.constant 0 : i32
      %dma_wait3A_695 = arith.constant 0 : i32
      %dma_wait3A_696 = tpu.memref_slice %arg10[%dma_wait3A_694, %dma_wait3A_695] : memref<10240x64xf32, #tpu.memory_space<vmem_shared>> -> memref<10240x64xf32, #tpu.memory_space<vmem_shared>>
      tpu.wait_indirect_dma semaphore(%arg13 : memref<!tpu.dma_semaphore, #tpu.memory_space<semaphore_mem>>) src(%dma_wait3A_690 : memref<128x64xf32, #tpu.memory_space<vmem>>) dst(%dma_wait3A_696 : memref<10240x64xf32, #tpu.memory_space<vmem_shared>>)
      %dma_start3A_697 = arith.constant 14 : i32
      %dma_start3A_698 = arith.constant 2 : i32
      %dma_start3A_699 = arith.constant 0 : i32
      %dma_start3A_700 = arith.constant 0 : i32
      %dma_start3A_701 = tpu.memref_slice %arg8[%dma_start3A_698, %dma_start3A_699, %dma_start3A_700] : memref<4x128x64xf32, #tpu.memory_space<vmem>> -> memref<1x128x64xf32, #tpu.memory_space<vmem>>
      %dma_start3A_702 = tpu.memref_squeeze %dma_start3A_701 : memref<1x128x64xf32, #tpu.memory_space<vmem>> -> memref<128x64xf32, #tpu.memory_space<vmem>>
      %dma_start3A_703 = arith.constant 0 : i32
      %dma_start3A_704 = tpu.memref_slice %arg6[%and3A_74, %dma_start3A_697, %dma_start3A_703] : memref<2x16x128xi32, #tpu.memory_space<vmem>> -> memref<1x1x128xi32, #tpu.memory_space<vmem>>
      %dma_start3A_705 = tpu.memref_squeeze %dma_start3A_704 : memref<1x1x128xi32, #tpu.memory_space<vmem>> -> memref<128xi32, #tpu.memory_space<vmem>>
      %dma_start3A_706 = arith.constant 0 : i32
      %dma_start3A_707 = arith.constant 0 : i32
      %dma_start3A_708 = tpu.memref_slice %arg9[%dma_start3A_706, %dma_start3A_707] : memref<10240x64xf32, #tpu.memory_space<vmem_shared>> -> memref<10240x64xf32, #tpu.memory_space<vmem_shared>>
      tpu.enqueue_indirect_dma source(%dma_start3A_708 : memref<10240x64xf32, #tpu.memory_space<vmem_shared>>) target(%dma_start3A_702 : memref<128x64xf32, #tpu.memory_space<vmem>>) offsets(%dma_start3A_705 : memref<128xi32, #tpu.memory_space<vmem>>) semaphore(%arg12 : memref<!tpu.dma_semaphore, #tpu.memory_space<semaphore_mem>>)
      %dma_wait3A_709 = arith.constant 0 : i32
      %dma_wait3A_710 = arith.constant 0 : i32
      %dma_wait3A_711 = arith.constant 3 : i32
      %dma_wait3A_712 = arith.constant 0 : i32
      %dma_wait3A_713 = arith.constant 0 : i32
      %dma_wait3A_714 = tpu.memref_slice %arg8[%dma_wait3A_711, %dma_wait3A_712, %dma_wait3A_713] : memref<4x128x64xf32, #tpu.memory_space<vmem>> -> memref<1x128x64xf32, #tpu.memory_space<vmem>>
      %dma_wait3A_715 = tpu.memref_squeeze %dma_wait3A_714 : memref<1x128x64xf32, #tpu.memory_space<vmem>> -> memref<128x64xf32, #tpu.memory_space<vmem>>
      %dma_wait3A_716 = arith.constant 0 : i32
      %dma_wait3A_717 = tpu.memref_slice %arg6[%dma_wait3A_709, %dma_wait3A_710, %dma_wait3A_716] : memref<2x16x128xi32, #tpu.memory_space<vmem>> -> memref<1x1x128xi32, #tpu.memory_space<vmem>>
      %dma_wait3A_718 = tpu.memref_squeeze %dma_wait3A_717 : memref<1x1x128xi32, #tpu.memory_space<vmem>> -> memref<128xi32, #tpu.memory_space<vmem>>
      %dma_wait3A_719 = arith.constant 0 : i32
      %dma_wait3A_720 = arith.constant 0 : i32
      %dma_wait3A_721 = tpu.memref_slice %arg9[%dma_wait3A_719, %dma_wait3A_720] : memref<10240x64xf32, #tpu.memory_space<vmem_shared>> -> memref<10240x64xf32, #tpu.memory_space<vmem_shared>>
      tpu.wait_indirect_dma semaphore(%arg12 : memref<!tpu.dma_semaphore, #tpu.memory_space<semaphore_mem>>) src(%dma_wait3A_721 : memref<10240x64xf32, #tpu.memory_space<vmem_shared>>) dst(%dma_wait3A_715 : memref<128x64xf32, #tpu.memory_space<vmem>>)
      %dma_start3A_722 = arith.constant 3 : i32
      %dma_start3A_723 = arith.constant 11 : i32
      %dma_start3A_724 = arith.constant 0 : i32
      %dma_start3A_725 = arith.constant 0 : i32
      %dma_start3A_726 = tpu.memref_slice %arg8[%dma_start3A_722, %dma_start3A_724, %dma_start3A_725] : memref<4x128x64xf32, #tpu.memory_space<vmem>> -> memref<1x128x64xf32, #tpu.memory_space<vmem>>
      %dma_start3A_727 = tpu.memref_squeeze %dma_start3A_726 : memref<1x128x64xf32, #tpu.memory_space<vmem>> -> memref<128x64xf32, #tpu.memory_space<vmem>>
      %dma_start3A_728 = arith.constant 0 : i32
      %dma_start3A_729 = tpu.memref_slice %arg7[%and3A_74, %dma_start3A_723, %dma_start3A_728] : memref<2x16x128xi32, #tpu.memory_space<vmem>> -> memref<1x1x128xi32, #tpu.memory_space<vmem>>
      %dma_start3A_730 = tpu.memref_squeeze %dma_start3A_729 : memref<1x1x128xi32, #tpu.memory_space<vmem>> -> memref<128xi32, #tpu.memory_space<vmem>>
      %dma_start3A_731 = arith.constant 0 : i32
      %dma_start3A_732 = arith.constant 0 : i32
      %dma_start3A_733 = tpu.memref_slice %arg10[%dma_start3A_731, %dma_start3A_732] : memref<10240x64xf32, #tpu.memory_space<vmem_shared>> -> memref<10240x64xf32, #tpu.memory_space<vmem_shared>>
      tpu.enqueue_indirect_dma source(%dma_start3A_727 : memref<128x64xf32, #tpu.memory_space<vmem>>) target(%dma_start3A_733 : memref<10240x64xf32, #tpu.memory_space<vmem_shared>>) offsets(%dma_start3A_730 : memref<128xi32, #tpu.memory_space<vmem>>) semaphore(%arg13 : memref<!tpu.dma_semaphore, #tpu.memory_space<semaphore_mem>>) {add = true}
      %dma_wait3A_734 = arith.constant 0 : i32
      %dma_wait3A_735 = arith.constant 0 : i32
      %dma_wait3A_736 = arith.constant 0 : i32
      %dma_wait3A_737 = arith.constant 0 : i32
      %dma_wait3A_738 = arith.constant 0 : i32
      %dma_wait3A_739 = tpu.memref_slice %arg8[%dma_wait3A_734, %dma_wait3A_737, %dma_wait3A_738] : memref<4x128x64xf32, #tpu.memory_space<vmem>> -> memref<1x128x64xf32, #tpu.memory_space<vmem>>
      %dma_wait3A_740 = tpu.memref_squeeze %dma_wait3A_739 : memref<1x128x64xf32, #tpu.memory_space<vmem>> -> memref<128x64xf32, #tpu.memory_space<vmem>>
      %dma_wait3A_741 = arith.constant 0 : i32
      %dma_wait3A_742 = tpu.memref_slice %arg7[%dma_wait3A_735, %dma_wait3A_736, %dma_wait3A_741] : memref<2x16x128xi32, #tpu.memory_space<vmem>> -> memref<1x1x128xi32, #tpu.memory_space<vmem>>
      %dma_wait3A_743 = tpu.memref_squeeze %dma_wait3A_742 : memref<1x1x128xi32, #tpu.memory_space<vmem>> -> memref<128xi32, #tpu.memory_space<vmem>>
      %dma_wait3A_744 = arith.constant 0 : i32
      %dma_wait3A_745 = arith.constant 0 : i32
      %dma_wait3A_746 = tpu.memref_slice %arg10[%dma_wait3A_744, %dma_wait3A_745] : memref<10240x64xf32, #tpu.memory_space<vmem_shared>> -> memref<10240x64xf32, #tpu.memory_space<vmem_shared>>
      tpu.wait_indirect_dma semaphore(%arg13 : memref<!tpu.dma_semaphore, #tpu.memory_space<semaphore_mem>>) src(%dma_wait3A_740 : memref<128x64xf32, #tpu.memory_space<vmem>>) dst(%dma_wait3A_746 : memref<10240x64xf32, #tpu.memory_space<vmem_shared>>)
      %dma_start3A_747 = arith.constant 15 : i32
      %dma_start3A_748 = arith.constant 3 : i32
      %dma_start3A_749 = arith.constant 0 : i32
      %dma_start3A_750 = arith.constant 0 : i32
      %dma_start3A_751 = tpu.memref_slice %arg8[%dma_start3A_748, %dma_start3A_749, %dma_start3A_750] : memref<4x128x64xf32, #tpu.memory_space<vmem>> -> memref<1x128x64xf32, #tpu.memory_space<vmem>>
      %dma_start3A_752 = tpu.memref_squeeze %dma_start3A_751 : memref<1x128x64xf32, #tpu.memory_space<vmem>> -> memref<128x64xf32, #tpu.memory_space<vmem>>
      %dma_start3A_753 = arith.constant 0 : i32
      %dma_start3A_754 = tpu.memref_slice %arg6[%and3A_74, %dma_start3A_747, %dma_start3A_753] : memref<2x16x128xi32, #tpu.memory_space<vmem>> -> memref<1x1x128xi32, #tpu.memory_space<vmem>>
      %dma_start3A_755 = tpu.memref_squeeze %dma_start3A_754 : memref<1x1x128xi32, #tpu.memory_space<vmem>> -> memref<128xi32, #tpu.memory_space<vmem>>
      %dma_start3A_756 = arith.constant 0 : i32
      %dma_start3A_757 = arith.constant 0 : i32
      %dma_start3A_758 = tpu.memref_slice %arg9[%dma_start3A_756, %dma_start3A_757] : memref<10240x64xf32, #tpu.memory_space<vmem_shared>> -> memref<10240x64xf32, #tpu.memory_space<vmem_shared>>
      tpu.enqueue_indirect_dma source(%dma_start3A_758 : memref<10240x64xf32, #tpu.memory_space<vmem_shared>>) target(%dma_start3A_752 : memref<128x64xf32, #tpu.memory_space<vmem>>) offsets(%dma_start3A_755 : memref<128xi32, #tpu.memory_space<vmem>>) semaphore(%arg12 : memref<!tpu.dma_semaphore, #tpu.memory_space<semaphore_mem>>)
      %dma_wait3A_759 = arith.constant 0 : i32
      %dma_wait3A_760 = arith.constant 0 : i32
      %dma_wait3A_761 = arith.constant 0 : i32
      %dma_wait3A_762 = arith.constant 0 : i32
      %dma_wait3A_763 = arith.constant 0 : i32
      %dma_wait3A_764 = tpu.memref_slice %arg8[%dma_wait3A_761, %dma_wait3A_762, %dma_wait3A_763] : memref<4x128x64xf32, #tpu.memory_space<vmem>> -> memref<1x128x64xf32, #tpu.memory_space<vmem>>
      %dma_wait3A_765 = tpu.memref_squeeze %dma_wait3A_764 : memref<1x128x64xf32, #tpu.memory_space<vmem>> -> memref<128x64xf32, #tpu.memory_space<vmem>>
      %dma_wait3A_766 = arith.constant 0 : i32
      %dma_wait3A_767 = tpu.memref_slice %arg6[%dma_wait3A_759, %dma_wait3A_760, %dma_wait3A_766] : memref<2x16x128xi32, #tpu.memory_space<vmem>> -> memref<1x1x128xi32, #tpu.memory_space<vmem>>
      %dma_wait3A_768 = tpu.memref_squeeze %dma_wait3A_767 : memref<1x1x128xi32, #tpu.memory_space<vmem>> -> memref<128xi32, #tpu.memory_space<vmem>>
      %dma_wait3A_769 = arith.constant 0 : i32
      %dma_wait3A_770 = arith.constant 0 : i32
      %dma_wait3A_771 = tpu.memref_slice %arg9[%dma_wait3A_769, %dma_wait3A_770] : memref<10240x64xf32, #tpu.memory_space<vmem_shared>> -> memref<10240x64xf32, #tpu.memory_space<vmem_shared>>
      tpu.wait_indirect_dma semaphore(%arg12 : memref<!tpu.dma_semaphore, #tpu.memory_space<semaphore_mem>>) src(%dma_wait3A_771 : memref<10240x64xf32, #tpu.memory_space<vmem_shared>>) dst(%dma_wait3A_765 : memref<128x64xf32, #tpu.memory_space<vmem>>)
      %dma_start3A_772 = arith.constant 0 : i32
      %dma_start3A_773 = arith.constant 12 : i32
      %dma_start3A_774 = arith.constant 0 : i32
      %dma_start3A_775 = arith.constant 0 : i32
      %dma_start3A_776 = tpu.memref_slice %arg8[%dma_start3A_772, %dma_start3A_774, %dma_start3A_775] : memref<4x128x64xf32, #tpu.memory_space<vmem>> -> memref<1x128x64xf32, #tpu.memory_space<vmem>>
      %dma_start3A_777 = tpu.memref_squeeze %dma_start3A_776 : memref<1x128x64xf32, #tpu.memory_space<vmem>> -> memref<128x64xf32, #tpu.memory_space<vmem>>
      %dma_start3A_778 = arith.constant 0 : i32
      %dma_start3A_779 = tpu.memref_slice %arg7[%and3A_74, %dma_start3A_773, %dma_start3A_778] : memref<2x16x128xi32, #tpu.memory_space<vmem>> -> memref<1x1x128xi32, #tpu.memory_space<vmem>>
      %dma_start3A_780 = tpu.memref_squeeze %dma_start3A_779 : memref<1x1x128xi32, #tpu.memory_space<vmem>> -> memref<128xi32, #tpu.memory_space<vmem>>
      %dma_start3A_781 = arith.constant 0 : i32
      %dma_start3A_782 = arith.constant 0 : i32
      %dma_start3A_783 = tpu.memref_slice %arg10[%dma_start3A_781, %dma_start3A_782] : memref<10240x64xf32, #tpu.memory_space<vmem_shared>> -> memref<10240x64xf32, #tpu.memory_space<vmem_shared>>
      tpu.enqueue_indirect_dma source(%dma_start3A_777 : memref<128x64xf32, #tpu.memory_space<vmem>>) target(%dma_start3A_783 : memref<10240x64xf32, #tpu.memory_space<vmem_shared>>) offsets(%dma_start3A_780 : memref<128xi32, #tpu.memory_space<vmem>>) semaphore(%arg13 : memref<!tpu.dma_semaphore, #tpu.memory_space<semaphore_mem>>) {add = true}
      %dma_wait3A_784 = arith.constant 0 : i32
      %dma_wait3A_785 = arith.constant 0 : i32
      %dma_wait3A_786 = arith.constant 0 : i32
      %dma_wait3A_787 = arith.constant 0 : i32
      %dma_wait3A_788 = arith.constant 0 : i32
      %dma_wait3A_789 = tpu.memref_slice %arg8[%dma_wait3A_784, %dma_wait3A_787, %dma_wait3A_788] : memref<4x128x64xf32, #tpu.memory_space<vmem>> -> memref<1x128x64xf32, #tpu.memory_space<vmem>>
      %dma_wait3A_790 = tpu.memref_squeeze %dma_wait3A_789 : memref<1x128x64xf32, #tpu.memory_space<vmem>> -> memref<128x64xf32, #tpu.memory_space<vmem>>
      %dma_wait3A_791 = arith.constant 0 : i32
      %dma_wait3A_792 = tpu.memref_slice %arg7[%dma_wait3A_785, %dma_wait3A_786, %dma_wait3A_791] : memref<2x16x128xi32, #tpu.memory_space<vmem>> -> memref<1x1x128xi32, #tpu.memory_space<vmem>>
      %dma_wait3A_793 = tpu.memref_squeeze %dma_wait3A_792 : memref<1x1x128xi32, #tpu.memory_space<vmem>> -> memref<128xi32, #tpu.memory_space<vmem>>
      %dma_wait3A_794 = arith.constant 0 : i32
      %dma_wait3A_795 = arith.constant 0 : i32
      %dma_wait3A_796 = tpu.memref_slice %arg10[%dma_wait3A_794, %dma_wait3A_795] : memref<10240x64xf32, #tpu.memory_space<vmem_shared>> -> memref<10240x64xf32, #tpu.memory_space<vmem_shared>>
      tpu.wait_indirect_dma semaphore(%arg13 : memref<!tpu.dma_semaphore, #tpu.memory_space<semaphore_mem>>) src(%dma_wait3A_790 : memref<128x64xf32, #tpu.memory_space<vmem>>) dst(%dma_wait3A_796 : memref<10240x64xf32, #tpu.memory_space<vmem_shared>>)
      %dma_wait3A_797 = arith.constant 0 : i32
      %dma_wait3A_798 = arith.constant 0 : i32
      %dma_wait3A_799 = arith.constant 1 : i32
      %dma_wait3A_800 = arith.constant 0 : i32
      %dma_wait3A_801 = arith.constant 0 : i32
      %dma_wait3A_802 = tpu.memref_slice %arg8[%dma_wait3A_799, %dma_wait3A_800, %dma_wait3A_801] : memref<4x128x64xf32, #tpu.memory_space<vmem>> -> memref<1x128x64xf32, #tpu.memory_space<vmem>>
      %dma_wait3A_803 = tpu.memref_squeeze %dma_wait3A_802 : memref<1x128x64xf32, #tpu.memory_space<vmem>> -> memref<128x64xf32, #tpu.memory_space<vmem>>
      %dma_wait3A_804 = arith.constant 0 : i32
      %dma_wait3A_805 = tpu.memref_slice %arg6[%dma_wait3A_797, %dma_wait3A_798, %dma_wait3A_804] : memref<2x16x128xi32, #tpu.memory_space<vmem>> -> memref<1x1x128xi32, #tpu.memory_space<vmem>>
      %dma_wait3A_806 = tpu.memref_squeeze %dma_wait3A_805 : memref<1x1x128xi32, #tpu.memory_space<vmem>> -> memref<128xi32, #tpu.memory_space<vmem>>
      %dma_wait3A_807 = arith.constant 0 : i32
      %dma_wait3A_808 = arith.constant 0 : i32
      %dma_wait3A_809 = tpu.memref_slice %arg9[%dma_wait3A_807, %dma_wait3A_808] : memref<10240x64xf32, #tpu.memory_space<vmem_shared>> -> memref<10240x64xf32, #tpu.memory_space<vmem_shared>>
      tpu.wait_indirect_dma semaphore(%arg12 : memref<!tpu.dma_semaphore, #tpu.memory_space<semaphore_mem>>) src(%dma_wait3A_809 : memref<10240x64xf32, #tpu.memory_space<vmem_shared>>) dst(%dma_wait3A_803 : memref<128x64xf32, #tpu.memory_space<vmem>>)
      %dma_start3A_810 = arith.constant 1 : i32
      %dma_start3A_811 = arith.constant 13 : i32
      %dma_start3A_812 = arith.constant 0 : i32
      %dma_start3A_813 = arith.constant 0 : i32
      %dma_start3A_814 = tpu.memref_slice %arg8[%dma_start3A_810, %dma_start3A_812, %dma_start3A_813] : memref<4x128x64xf32, #tpu.memory_space<vmem>> -> memref<1x128x64xf32, #tpu.memory_space<vmem>>
      %dma_start3A_815 = tpu.memref_squeeze %dma_start3A_814 : memref<1x128x64xf32, #tpu.memory_space<vmem>> -> memref<128x64xf32, #tpu.memory_space<vmem>>
      %dma_start3A_816 = arith.constant 0 : i32
      %dma_start3A_817 = tpu.memref_slice %arg7[%and3A_74, %dma_start3A_811, %dma_start3A_816] : memref<2x16x128xi32, #tpu.memory_space<vmem>> -> memref<1x1x128xi32, #tpu.memory_space<vmem>>
      %dma_start3A_818 = tpu.memref_squeeze %dma_start3A_817 : memref<1x1x128xi32, #tpu.memory_space<vmem>> -> memref<128xi32, #tpu.memory_space<vmem>>
      %dma_start3A_819 = arith.constant 0 : i32
      %dma_start3A_820 = arith.constant 0 : i32
      %dma_start3A_821 = tpu.memref_slice %arg10[%dma_start3A_819, %dma_start3A_820] : memref<10240x64xf32, #tpu.memory_space<vmem_shared>> -> memref<10240x64xf32, #tpu.memory_space<vmem_shared>>
      tpu.enqueue_indirect_dma source(%dma_start3A_815 : memref<128x64xf32, #tpu.memory_space<vmem>>) target(%dma_start3A_821 : memref<10240x64xf32, #tpu.memory_space<vmem_shared>>) offsets(%dma_start3A_818 : memref<128xi32, #tpu.memory_space<vmem>>) semaphore(%arg13 : memref<!tpu.dma_semaphore, #tpu.memory_space<semaphore_mem>>) {add = true}
      %dma_wait3A_822 = arith.constant 0 : i32
      %dma_wait3A_823 = arith.constant 0 : i32
      %dma_wait3A_824 = arith.constant 0 : i32
      %dma_wait3A_825 = arith.constant 0 : i32
      %dma_wait3A_826 = arith.constant 0 : i32
      %dma_wait3A_827 = tpu.memref_slice %arg8[%dma_wait3A_822, %dma_wait3A_825, %dma_wait3A_826] : memref<4x128x64xf32, #tpu.memory_space<vmem>> -> memref<1x128x64xf32, #tpu.memory_space<vmem>>
      %dma_wait3A_828 = tpu.memref_squeeze %dma_wait3A_827 : memref<1x128x64xf32, #tpu.memory_space<vmem>> -> memref<128x64xf32, #tpu.memory_space<vmem>>
      %dma_wait3A_829 = arith.constant 0 : i32
      %dma_wait3A_830 = tpu.memref_slice %arg7[%dma_wait3A_823, %dma_wait3A_824, %dma_wait3A_829] : memref<2x16x128xi32, #tpu.memory_space<vmem>> -> memref<1x1x128xi32, #tpu.memory_space<vmem>>
      %dma_wait3A_831 = tpu.memref_squeeze %dma_wait3A_830 : memref<1x1x128xi32, #tpu.memory_space<vmem>> -> memref<128xi32, #tpu.memory_space<vmem>>
      %dma_wait3A_832 = arith.constant 0 : i32
      %dma_wait3A_833 = arith.constant 0 : i32
      %dma_wait3A_834 = tpu.memref_slice %arg10[%dma_wait3A_832, %dma_wait3A_833] : memref<10240x64xf32, #tpu.memory_space<vmem_shared>> -> memref<10240x64xf32, #tpu.memory_space<vmem_shared>>
      tpu.wait_indirect_dma semaphore(%arg13 : memref<!tpu.dma_semaphore, #tpu.memory_space<semaphore_mem>>) src(%dma_wait3A_828 : memref<128x64xf32, #tpu.memory_space<vmem>>) dst(%dma_wait3A_834 : memref<10240x64xf32, #tpu.memory_space<vmem_shared>>)
      %dma_wait3A_835 = arith.constant 0 : i32
      %dma_wait3A_836 = arith.constant 0 : i32
      %dma_wait3A_837 = arith.constant 2 : i32
      %dma_wait3A_838 = arith.constant 0 : i32
      %dma_wait3A_839 = arith.constant 0 : i32
      %dma_wait3A_840 = tpu.memref_slice %arg8[%dma_wait3A_837, %dma_wait3A_838, %dma_wait3A_839] : memref<4x128x64xf32, #tpu.memory_space<vmem>> -> memref<1x128x64xf32, #tpu.memory_space<vmem>>
      %dma_wait3A_841 = tpu.memref_squeeze %dma_wait3A_840 : memref<1x128x64xf32, #tpu.memory_space<vmem>> -> memref<128x64xf32, #tpu.memory_space<vmem>>
      %dma_wait3A_842 = arith.constant 0 : i32
      %dma_wait3A_843 = tpu.memref_slice %arg6[%dma_wait3A_835, %dma_wait3A_836, %dma_wait3A_842] : memref<2x16x128xi32, #tpu.memory_space<vmem>> -> memref<1x1x128xi32, #tpu.memory_space<vmem>>
      %dma_wait3A_844 = tpu.memref_squeeze %dma_wait3A_843 : memref<1x1x128xi32, #tpu.memory_space<vmem>> -> memref<128xi32, #tpu.memory_space<vmem>>
      %dma_wait3A_845 = arith.constant 0 : i32
      %dma_wait3A_846 = arith.constant 0 : i32
      %dma_wait3A_847 = tpu.memref_slice %arg9[%dma_wait3A_845, %dma_wait3A_846] : memref<10240x64xf32, #tpu.memory_space<vmem_shared>> -> memref<10240x64xf32, #tpu.memory_space<vmem_shared>>
      tpu.wait_indirect_dma semaphore(%arg12 : memref<!tpu.dma_semaphore, #tpu.memory_space<semaphore_mem>>) src(%dma_wait3A_847 : memref<10240x64xf32, #tpu.memory_space<vmem_shared>>) dst(%dma_wait3A_841 : memref<128x64xf32, #tpu.memory_space<vmem>>)
      %dma_start3A_848 = arith.constant 2 : i32
      %dma_start3A_849 = arith.constant 14 : i32
      %dma_start3A_850 = arith.constant 0 : i32
      %dma_start3A_851 = arith.constant 0 : i32
      %dma_start3A_852 = tpu.memref_slice %arg8[%dma_start3A_848, %dma_start3A_850, %dma_start3A_851] : memref<4x128x64xf32, #tpu.memory_space<vmem>> -> memref<1x128x64xf32, #tpu.memory_space<vmem>>
      %dma_start3A_853 = tpu.memref_squeeze %dma_start3A_852 : memref<1x128x64xf32, #tpu.memory_space<vmem>> -> memref<128x64xf32, #tpu.memory_space<vmem>>
      %dma_start3A_854 = arith.constant 0 : i32
      %dma_start3A_855 = tpu.memref_slice %arg7[%and3A_74, %dma_start3A_849, %dma_start3A_854] : memref<2x16x128xi32, #tpu.memory_space<vmem>> -> memref<1x1x128xi32, #tpu.memory_space<vmem>>
      %dma_start3A_856 = tpu.memref_squeeze %dma_start3A_855 : memref<1x1x128xi32, #tpu.memory_space<vmem>> -> memref<128xi32, #tpu.memory_space<vmem>>
      %dma_start3A_857 = arith.constant 0 : i32
      %dma_start3A_858 = arith.constant 0 : i32
      %dma_start3A_859 = tpu.memref_slice %arg10[%dma_start3A_857, %dma_start3A_858] : memref<10240x64xf32, #tpu.memory_space<vmem_shared>> -> memref<10240x64xf32, #tpu.memory_space<vmem_shared>>
      tpu.enqueue_indirect_dma source(%dma_start3A_853 : memref<128x64xf32, #tpu.memory_space<vmem>>) target(%dma_start3A_859 : memref<10240x64xf32, #tpu.memory_space<vmem_shared>>) offsets(%dma_start3A_856 : memref<128xi32, #tpu.memory_space<vmem>>) semaphore(%arg13 : memref<!tpu.dma_semaphore, #tpu.memory_space<semaphore_mem>>) {add = true}
      %dma_wait3A_860 = arith.constant 0 : i32
      %dma_wait3A_861 = arith.constant 0 : i32
      %dma_wait3A_862 = arith.constant 0 : i32
      %dma_wait3A_863 = arith.constant 0 : i32
      %dma_wait3A_864 = arith.constant 0 : i32
      %dma_wait3A_865 = tpu.memref_slice %arg8[%dma_wait3A_860, %dma_wait3A_863, %dma_wait3A_864] : memref<4x128x64xf32, #tpu.memory_space<vmem>> -> memref<1x128x64xf32, #tpu.memory_space<vmem>>
      %dma_wait3A_866 = tpu.memref_squeeze %dma_wait3A_865 : memref<1x128x64xf32, #tpu.memory_space<vmem>> -> memref<128x64xf32, #tpu.memory_space<vmem>>
      %dma_wait3A_867 = arith.constant 0 : i32
      %dma_wait3A_868 = tpu.memref_slice %arg7[%dma_wait3A_861, %dma_wait3A_862, %dma_wait3A_867] : memref<2x16x128xi32, #tpu.memory_space<vmem>> -> memref<1x1x128xi32, #tpu.memory_space<vmem>>
      %dma_wait3A_869 = tpu.memref_squeeze %dma_wait3A_868 : memref<1x1x128xi32, #tpu.memory_space<vmem>> -> memref<128xi32, #tpu.memory_space<vmem>>
      %dma_wait3A_870 = arith.constant 0 : i32
      %dma_wait3A_871 = arith.constant 0 : i32
      %dma_wait3A_872 = tpu.memref_slice %arg10[%dma_wait3A_870, %dma_wait3A_871] : memref<10240x64xf32, #tpu.memory_space<vmem_shared>> -> memref<10240x64xf32, #tpu.memory_space<vmem_shared>>
      tpu.wait_indirect_dma semaphore(%arg13 : memref<!tpu.dma_semaphore, #tpu.memory_space<semaphore_mem>>) src(%dma_wait3A_866 : memref<128x64xf32, #tpu.memory_space<vmem>>) dst(%dma_wait3A_872 : memref<10240x64xf32, #tpu.memory_space<vmem_shared>>)
      %dma_wait3A_873 = arith.constant 0 : i32
      %dma_wait3A_874 = arith.constant 0 : i32
      %dma_wait3A_875 = arith.constant 3 : i32
      %dma_wait3A_876 = arith.constant 0 : i32
      %dma_wait3A_877 = arith.constant 0 : i32
      %dma_wait3A_878 = tpu.memref_slice %arg8[%dma_wait3A_875, %dma_wait3A_876, %dma_wait3A_877] : memref<4x128x64xf32, #tpu.memory_space<vmem>> -> memref<1x128x64xf32, #tpu.memory_space<vmem>>
      %dma_wait3A_879 = tpu.memref_squeeze %dma_wait3A_878 : memref<1x128x64xf32, #tpu.memory_space<vmem>> -> memref<128x64xf32, #tpu.memory_space<vmem>>
      %dma_wait3A_880 = arith.constant 0 : i32
      %dma_wait3A_881 = tpu.memref_slice %arg6[%dma_wait3A_873, %dma_wait3A_874, %dma_wait3A_880] : memref<2x16x128xi32, #tpu.memory_space<vmem>> -> memref<1x1x128xi32, #tpu.memory_space<vmem>>
      %dma_wait3A_882 = tpu.memref_squeeze %dma_wait3A_881 : memref<1x1x128xi32, #tpu.memory_space<vmem>> -> memref<128xi32, #tpu.memory_space<vmem>>
      %dma_wait3A_883 = arith.constant 0 : i32
      %dma_wait3A_884 = arith.constant 0 : i32
      %dma_wait3A_885 = tpu.memref_slice %arg9[%dma_wait3A_883, %dma_wait3A_884] : memref<10240x64xf32, #tpu.memory_space<vmem_shared>> -> memref<10240x64xf32, #tpu.memory_space<vmem_shared>>
      tpu.wait_indirect_dma semaphore(%arg12 : memref<!tpu.dma_semaphore, #tpu.memory_space<semaphore_mem>>) src(%dma_wait3A_885 : memref<10240x64xf32, #tpu.memory_space<vmem_shared>>) dst(%dma_wait3A_879 : memref<128x64xf32, #tpu.memory_space<vmem>>)
      %dma_start3A_886 = arith.constant 3 : i32
      %dma_start3A_887 = arith.constant 15 : i32
      %dma_start3A_888 = arith.constant 0 : i32
      %dma_start3A_889 = arith.constant 0 : i32
      %dma_start3A_890 = tpu.memref_slice %arg8[%dma_start3A_886, %dma_start3A_888, %dma_start3A_889] : memref<4x128x64xf32, #tpu.memory_space<vmem>> -> memref<1x128x64xf32, #tpu.memory_space<vmem>>
      %dma_start3A_891 = tpu.memref_squeeze %dma_start3A_890 : memref<1x128x64xf32, #tpu.memory_space<vmem>> -> memref<128x64xf32, #tpu.memory_space<vmem>>
      %dma_start3A_892 = arith.constant 0 : i32
      %dma_start3A_893 = tpu.memref_slice %arg7[%and3A_74, %dma_start3A_887, %dma_start3A_892] : memref<2x16x128xi32, #tpu.memory_space<vmem>> -> memref<1x1x128xi32, #tpu.memory_space<vmem>>
      %dma_start3A_894 = tpu.memref_squeeze %dma_start3A_893 : memref<1x1x128xi32, #tpu.memory_space<vmem>> -> memref<128xi32, #tpu.memory_space<vmem>>
      %dma_start3A_895 = arith.constant 0 : i32
      %dma_start3A_896 = arith.constant 0 : i32
      %dma_start3A_897 = tpu.memref_slice %arg10[%dma_start3A_895, %dma_start3A_896] : memref<10240x64xf32, #tpu.memory_space<vmem_shared>> -> memref<10240x64xf32, #tpu.memory_space<vmem_shared>>
      tpu.enqueue_indirect_dma source(%dma_start3A_891 : memref<128x64xf32, #tpu.memory_space<vmem>>) target(%dma_start3A_897 : memref<10240x64xf32, #tpu.memory_space<vmem_shared>>) offsets(%dma_start3A_894 : memref<128xi32, #tpu.memory_space<vmem>>) semaphore(%arg13 : memref<!tpu.dma_semaphore, #tpu.memory_space<semaphore_mem>>) {add = true}
      %scan3A_898 = arith.constant 0 : i32
      scf.yield %scan3A_898 : i32
    }
    %scan3A_53 = arith.constant 10 : i32
    %dma_wait3A_54 = arith.constant 0 : i32
    %dma_wait3A_55 = arith.constant 0 : i32
    %dma_wait3A_56 = arith.constant 0 : i32
    %dma_wait3A_57 = arith.constant 0 : i32
    %dma_wait3A_58 = arith.constant 0 : i32
    %dma_wait3A_59 = tpu.memref_slice %arg8[%dma_wait3A_54, %dma_wait3A_57, %dma_wait3A_58] : memref<4x128x64xf32, #tpu.memory_space<vmem>> -> memref<1x128x64xf32, #tpu.memory_space<vmem>>
    %dma_wait3A_60 = tpu.memref_squeeze %dma_wait3A_59 : memref<1x128x64xf32, #tpu.memory_space<vmem>> -> memref<128x64xf32, #tpu.memory_space<vmem>>
    %dma_wait3A_61 = arith.constant 0 : i32
    %dma_wait3A_62 = tpu.memref_slice %arg7[%dma_wait3A_55, %dma_wait3A_56, %dma_wait3A_61] : memref<2x16x128xi32, #tpu.memory_space<vmem>> -> memref<1x1x128xi32, #tpu.memory_space<vmem>>
    %dma_wait3A_63 = tpu.memref_squeeze %dma_wait3A_62 : memref<1x1x128xi32, #tpu.memory_space<vmem>> -> memref<128xi32, #tpu.memory_space<vmem>>
    %dma_wait3A_64 = arith.constant 0 : i32
    %dma_wait3A_65 = arith.constant 0 : i32
    %dma_wait3A_66 = tpu.memref_slice %arg10[%dma_wait3A_64, %dma_wait3A_65] : memref<10240x64xf32, #tpu.memory_space<vmem_shared>> -> memref<10240x64xf32, #tpu.memory_space<vmem_shared>>
    tpu.wait_indirect_dma semaphore(%arg13 : memref<!tpu.dma_semaphore, #tpu.memory_space<semaphore_mem>>) src(%dma_wait3A_60 : memref<128x64xf32, #tpu.memory_space<vmem>>) dst(%dma_wait3A_66 : memref<10240x64xf32, #tpu.memory_space<vmem_shared>>)
    %barrier3A_67 = arith.constant 0 : index
    tpu.barrier barrier_id(%barrier3A_67)
    %mul3A_68 = arith.constant 640 : i32
    %mul3A_69 = arith.muli %arg1, %mul3A_68 : i32
    %mul3A_70 = arith.constant 640 : i32
    %mul3A_71 = arith.muli %arg1, %mul3A_70 : i32
    "tpu.region"() ({
      %run_scoped3A = tpu.sem_alloc : memref<!tpu.dma_semaphore, #tpu.memory_space<semaphore_mem>>
      %dma_start3A_72 = arith.constant 0 : i32
      %dma_start3A_73 = tpu.memref_slice %arg5[%arg0, %mul3A_71, %dma_start3A_72] : memref<2x10240x64xf32, #tpu.memory_space<hbm>> -> memref<1x640x64xf32, #tpu.memory_space<hbm>>
      %dma_start3A_74 = tpu.memref_squeeze %dma_start3A_73 : memref<1x640x64xf32, #tpu.memory_space<hbm>> -> memref<640x64xf32, #tpu.memory_space<hbm>>
      %dma_start3A_75 = arith.constant 0 : i32
      %dma_start3A_76 = tpu.memref_slice %arg10[%mul3A_69, %dma_start3A_75] : memref<10240x64xf32, #tpu.memory_space<vmem_shared>> -> memref<640x64xf32, #tpu.memory_space<vmem_shared>>
      tpu.enqueue_dma source(%dma_start3A_76 : memref<640x64xf32, #tpu.memory_space<vmem_shared>>) target(%dma_start3A_74 : memref<640x64xf32, #tpu.memory_space<hbm>>) target_semaphore(%run_scoped3A : memref<!tpu.dma_semaphore, #tpu.memory_space<semaphore_mem>>)
      %dma_wait3A_77 = arith.constant 0 : i32
      %dma_wait3A_78 = tpu.memref_slice %arg5[%arg0, %mul3A_71, %dma_wait3A_77] : memref<2x10240x64xf32, #tpu.memory_space<hbm>> -> memref<1x640x64xf32, #tpu.memory_space<hbm>>
      %dma_wait3A_79 = tpu.memref_squeeze %dma_wait3A_78 : memref<1x640x64xf32, #tpu.memory_space<hbm>> -> memref<640x64xf32, #tpu.memory_space<hbm>>
      %dma_wait3A_80 = arith.constant 0 : i32
      %dma_wait3A_81 = tpu.memref_slice %arg10[%mul3A_69, %dma_wait3A_80] : memref<10240x64xf32, #tpu.memory_space<vmem_shared>> -> memref<640x64xf32, #tpu.memory_space<vmem_shared>>
      tpu.wait_dma2 semaphore(%run_scoped3A : memref<!tpu.dma_semaphore, #tpu.memory_space<semaphore_mem>>) src(%dma_wait3A_81 : memref<640x64xf32, #tpu.memory_space<vmem_shared>>) dst(%dma_wait3A_79 : memref<640x64xf32, #tpu.memory_space<hbm>>)
      tpu.yield
    }) : () -> ()
    return
  }
}

module attributes {stable_mosaic.version = 14 : i64} {
  func.func @_prep_body(%arg0: i32, %arg1: memref<2x5000x1xf32, #tpu.memory_space<vmem>>, %arg2: memref<5000x128xf32, #tpu.memory_space<vmem>>, %arg3: memref<128x128xf32, #tpu.memory_space<vmem>>, %arg4: memref<5000x1xf32, #tpu.memory_space<vmem>>, %arg5: memref<2x5000x64xf32, #tpu.memory_space<vmem>>) attributes {dimension_semantics = [#tpu.dimension_semantics<arbitrary>], iteration_bounds = array<i64: 2>, scalar_prefetch = 0 : i64, scratch_operands = 0 : i64, tpu.core_type = #tpu.core_type<tc>, window_params = [{transform_indices = @transform_0, window_bounds = array<i64: 2, 5000, 1>}, {transform_indices = @transform_1, window_bounds = array<i64: 5000, 128>}, {pipeline_mode = #tpu.pipeline_mode<synchronous>, transform_indices = @transform_2, window_bounds = array<i64: 128, 128>}, {transform_indices = @transform_3, window_bounds = array<i64: 5000, 1>}, {transform_indices = @transform_4, window_bounds = array<i64: 2, 5000, 64>}]} {
    %get3A = arith.constant 0 : index
    %get3A_0 = arith.constant 0 : index
    %get3A_1 = arith.constant 0 : index
    %get3A_2 = vector.load %arg1[%get3A, %get3A_0, %get3A_1] : memref<2x5000x1xf32, #tpu.memory_space<vmem>>, vector<1x5000x1xf32>
    %get3A_3 = vector.shape_cast %get3A_2 : vector<1x5000x1xf32> to vector<5000x1xf32>
    %get3A_4 = arith.constant 1 : index
    %get3A_5 = arith.constant 0 : index
    %get3A_6 = arith.constant 0 : index
    %get3A_7 = vector.load %arg1[%get3A_4, %get3A_5, %get3A_6] : memref<2x5000x1xf32, #tpu.memory_space<vmem>>, vector<1x5000x1xf32>
    %get3A_8 = vector.shape_cast %get3A_7 : vector<1x5000x1xf32> to vector<5000x1xf32>
    %add3A = arith.addf %get3A_3, %get3A_8 : vector<5000x1xf32>
    %add3A_9 = arith.constant 1.000000e+00 : f32
    %add3A_10 = vector.broadcast %add3A_9 : f32 to vector<5000x1xf32>
    %add3A_11 = arith.addf %add3A, %add3A_10 : vector<5000x1xf32>
    %rsqrt3A = math.rsqrt %add3A_11 : vector<5000x1xf32>
    %get3A_12 = arith.constant 0 : index
    %get3A_13 = arith.constant 0 : index
    %get3A_14 = vector.load %arg2[%get3A_12, %get3A_13] : memref<5000x128xf32, #tpu.memory_space<vmem>>, vector<5000x128xf32>
    %get3A_15 = arith.constant 0 : index
    %get3A_16 = arith.constant 0 : index
    %get3A_17 = vector.load %arg3[%get3A_15, %get3A_16] : memref<128x128xf32, #tpu.memory_space<vmem>>, vector<128x128xf32>
    %dot_general3A = arith.constant dense<0.000000e+00> : vector<5000x128xf32>
    %dot_general3A_18 = tpu.matmul %get3A_14, %get3A_17, %dot_general3A {dimension_numbers = #tpu.dot_dimension_numbers<[1], [0], [0], [1], [0, 0, 1, 1], [], []>, transpose_lhs_hint = false} : vector<5000x128xf32>, vector<128x128xf32>, vector<5000x128xf32> -> vector<5000x128xf32>
    %swap3A = arith.constant 0 : index
    %swap3A_19 = arith.constant 0 : index
    %swap3A_20 = vector.load %arg4[%swap3A, %swap3A_19] : memref<5000x1xf32, #tpu.memory_space<vmem>>, vector<5000x1xf32>
    tpu.vector_store %arg4[%swap3A, %swap3A_19], %rsqrt3A {strides = array<i32>} : memref<5000x1xf32, #tpu.memory_space<vmem>>, vector<5000x1xf32>,
    %mul3A = vector.broadcast %rsqrt3A : vector<5000x1xf32> to vector<5000x128xf32>
    %mul3A_21 = arith.mulf %dot_general3A_18, %mul3A : vector<5000x128xf32>
    %slice3A = vector.extract_strided_slice %mul3A_21 {offsets = [0, 0], sizes = [5000, 64], strides = [1, 1]} : vector<5000x128xf32> to vector<5000x64xf32>
    %swap3A_22 = arith.constant 0 : index
    %swap3A_23 = arith.constant 0 : index
    %swap3A_24 = arith.constant 0 : index
    %swap3A_25 = vector.load %arg5[%swap3A_22, %swap3A_23, %swap3A_24] : memref<2x5000x64xf32, #tpu.memory_space<vmem>>, vector<1x5000x64xf32>
    %swap3A_26 = vector.shape_cast %swap3A_25 : vector<1x5000x64xf32> to vector<5000x64xf32>
    %swap3A_27 = vector.shape_cast %slice3A : vector<5000x64xf32> to vector<1x5000x64xf32>
    tpu.vector_store %arg5[%swap3A_22, %swap3A_23, %swap3A_24], %swap3A_27 {strides = array<i32>} : memref<2x5000x64xf32, #tpu.memory_space<vmem>>, vector<1x5000x64xf32>,
    %slice3A_28 = vector.extract_strided_slice %mul3A_21 {offsets = [0, 64], sizes = [5000, 64], strides = [1, 1]} : vector<5000x128xf32> to vector<5000x64xf32>
    %swap3A_29 = arith.constant 1 : index
    %swap3A_30 = arith.constant 0 : index
    %swap3A_31 = arith.constant 0 : index
    %swap3A_32 = vector.load %arg5[%swap3A_29, %swap3A_30, %swap3A_31] : memref<2x5000x64xf32, #tpu.memory_space<vmem>>, vector<1x5000x64xf32>
    %swap3A_33 = vector.shape_cast %swap3A_32 : vector<1x5000x64xf32> to vector<5000x64xf32>
    %swap3A_34 = vector.shape_cast %slice3A_28 : vector<5000x64xf32> to vector<1x5000x64xf32>
    tpu.vector_store %arg5[%swap3A_29, %swap3A_30, %swap3A_31], %swap3A_34 {strides = array<i32>} : memref<2x5000x64xf32, #tpu.memory_space<vmem>>, vector<1x5000x64xf32>,
    return
  }
  func.func @transform_0(%arg0: i32) -> (i32, i32, i32) {
    %c0_i32 = arith.constant 0 : i32
    %c0_i32_0 = arith.constant 0 : i32
    %c0_i32_1 = arith.constant 0 : i32
    return %c0_i32, %arg0, %c0_i32_0 : i32, i32, i32
  }
  func.func @transform_1(%arg0: i32) -> (i32, i32) {
    %c0_i32 = arith.constant 0 : i32
    %c0_i32_0 = arith.constant 0 : i32
    return %arg0, %c0_i32 : i32, i32
  }
  func.func @transform_2(%arg0: i32) -> (i32, i32) {
    %c0_i32 = arith.constant 0 : i32
    %c0_i32_0 = arith.constant 0 : i32
    %c0_i32_1 = arith.constant 0 : i32
    return %c0_i32, %c0_i32_0 : i32, i32
  }
  func.func @transform_3(%arg0: i32) -> (i32, i32) {
    %c0_i32 = arith.constant 0 : i32
    %c0_i32_0 = arith.constant 0 : i32
    return %arg0, %c0_i32 : i32, i32
  }
  func.func @transform_4(%arg0: i32) -> (i32, i32, i32) {
    %c0_i32 = arith.constant 0 : i32
    %c0_i32_0 = arith.constant 0 : i32
    %c0_i32_1 = arith.constant 0 : i32
    return %c0_i32, %arg0, %c0_i32_0 : i32, i32, i32
  }
}

module attributes {stable_mosaic.version = 14 : i64} {
  func.func @_layer_body(%arg0: i32, %arg1: memref<2x5000x64xf32, #tpu.memory_space<vmem>>, %arg2: memref<5000x1xf32, #tpu.memory_space<vmem>>, %arg3: memref<1x128xf32, #tpu.memory_space<vmem>>, %arg4: memref<128x128xf32, #tpu.memory_space<vmem>>, %arg5: memref<2x5000x64xf32, #tpu.memory_space<vmem>>) attributes {dimension_semantics = [#tpu.dimension_semantics<arbitrary>], iteration_bounds = array<i64: 2>, scalar_prefetch = 0 : i64, scratch_operands = 0 : i64, tpu.core_type = #tpu.core_type<tc>, window_params = [{transform_indices = @transform_0, window_bounds = array<i64: 2, 5000, 64>}, {transform_indices = @transform_1, window_bounds = array<i64: 5000, 1>}, {pipeline_mode = #tpu.pipeline_mode<synchronous>, transform_indices = @transform_2, window_bounds = array<i64: 1, 128>}, {pipeline_mode = #tpu.pipeline_mode<synchronous>, transform_indices = @transform_3, window_bounds = array<i64: 128, 128>}, {transform_indices = @transform_4, window_bounds = array<i64: 2, 5000, 64>}]} {
    %get3A = arith.constant 0 : index
    %get3A_0 = arith.constant 0 : index
    %get3A_1 = arith.constant 0 : index
    %get3A_2 = vector.load %arg1[%get3A, %get3A_0, %get3A_1] : memref<2x5000x64xf32, #tpu.memory_space<vmem>>, vector<1x5000x64xf32>
    %get3A_3 = vector.shape_cast %get3A_2 : vector<1x5000x64xf32> to vector<5000x64xf32>
    %get3A_4 = arith.constant 1 : index
    %get3A_5 = arith.constant 0 : index
    %get3A_6 = arith.constant 0 : index
    %get3A_7 = vector.load %arg1[%get3A_4, %get3A_5, %get3A_6] : memref<2x5000x64xf32, #tpu.memory_space<vmem>>, vector<1x5000x64xf32>
    %get3A_8 = vector.shape_cast %get3A_7 : vector<1x5000x64xf32> to vector<5000x64xf32>
    %concatenate3A = tpu.concatenate %get3A_3, %get3A_8 in 1 : vector<5000x64xf32>, vector<5000x64xf32> -> vector<5000x128xf32>
    %get3A_9 = arith.constant 0 : index
    %get3A_10 = arith.constant 0 : index
    %get3A_11 = vector.load %arg2[%get3A_9, %get3A_10] : memref<5000x1xf32, #tpu.memory_space<vmem>>, vector<5000x1xf32>
    %mul3A = vector.broadcast %get3A_11 : vector<5000x1xf32> to vector<5000x128xf32>
    %mul3A_12 = arith.mulf %concatenate3A, %mul3A : vector<5000x128xf32>
    %get3A_13 = arith.constant 0 : index
    %get3A_14 = arith.constant 0 : index
    %get3A_15 = vector.load %arg3[%get3A_13, %get3A_14] : memref<1x128xf32, #tpu.memory_space<vmem>>, vector<1x128xf32>
    %add3A = vector.broadcast %get3A_15 : vector<1x128xf32> to vector<5000x128xf32>
    %add3A_16 = arith.addf %mul3A_12, %add3A : vector<5000x128xf32>
    %max3A = arith.constant 0.000000e+00 : f32
    %max3A_17 = vector.broadcast %max3A : f32 to vector<5000x128xf32>
    %max3A_18 = arith.maximumf %add3A_16, %max3A_17 : vector<5000x128xf32>
    %get3A_19 = arith.constant 0 : index
    %get3A_20 = arith.constant 0 : index
    %get3A_21 = vector.load %arg4[%get3A_19, %get3A_20] : memref<128x128xf32, #tpu.memory_space<vmem>>, vector<128x128xf32>
    %dot_general3A = arith.constant dense<0.000000e+00> : vector<5000x128xf32>
    %dot_general3A_22 = tpu.matmul %max3A_18, %get3A_21, %dot_general3A {dimension_numbers = #tpu.dot_dimension_numbers<[1], [0], [0], [1], [0, 0, 1, 1], [], []>, transpose_lhs_hint = false} : vector<5000x128xf32>, vector<128x128xf32>, vector<5000x128xf32> -> vector<5000x128xf32>
    %get3A_23 = arith.constant 0 : index
    %get3A_24 = arith.constant 0 : index
    %get3A_25 = vector.load %arg2[%get3A_23, %get3A_24] : memref<5000x1xf32, #tpu.memory_space<vmem>>, vector<5000x1xf32>
    %mul3A_26 = vector.broadcast %get3A_25 : vector<5000x1xf32> to vector<5000x128xf32>
    %mul3A_27 = arith.mulf %dot_general3A_22, %mul3A_26 : vector<5000x128xf32>
    %slice3A = vector.extract_strided_slice %mul3A_27 {offsets = [0, 0], sizes = [5000, 64], strides = [1, 1]} : vector<5000x128xf32> to vector<5000x64xf32>
    %swap3A = arith.constant 0 : index
    %swap3A_28 = arith.constant 0 : index
    %swap3A_29 = arith.constant 0 : index
    %swap3A_30 = vector.load %arg5[%swap3A, %swap3A_28, %swap3A_29] : memref<2x5000x64xf32, #tpu.memory_space<vmem>>, vector<1x5000x64xf32>
    %swap3A_31 = vector.shape_cast %swap3A_30 : vector<1x5000x64xf32> to vector<5000x64xf32>
    %swap3A_32 = vector.shape_cast %slice3A : vector<5000x64xf32> to vector<1x5000x64xf32>
    tpu.vector_store %arg5[%swap3A, %swap3A_28, %swap3A_29], %swap3A_32 {strides = array<i32>} : memref<2x5000x64xf32, #tpu.memory_space<vmem>>, vector<1x5000x64xf32>,
    %slice3A_33 = vector.extract_strided_slice %mul3A_27 {offsets = [0, 64], sizes = [5000, 64], strides = [1, 1]} : vector<5000x128xf32> to vector<5000x64xf32>
    %swap3A_34 = arith.constant 1 : index
    %swap3A_35 = arith.constant 0 : index
    %swap3A_36 = arith.constant 0 : index
    %swap3A_37 = vector.load %arg5[%swap3A_34, %swap3A_35, %swap3A_36] : memref<2x5000x64xf32, #tpu.memory_space<vmem>>, vector<1x5000x64xf32>
    %swap3A_38 = vector.shape_cast %swap3A_37 : vector<1x5000x64xf32> to vector<5000x64xf32>
    %swap3A_39 = vector.shape_cast %slice3A_33 : vector<5000x64xf32> to vector<1x5000x64xf32>
    tpu.vector_store %arg5[%swap3A_34, %swap3A_35, %swap3A_36], %swap3A_39 {strides = array<i32>} : memref<2x5000x64xf32, #tpu.memory_space<vmem>>, vector<1x5000x64xf32>,
    return
  }
  func.func @transform_0(%arg0: i32) -> (i32, i32, i32) {
    %c0_i32 = arith.constant 0 : i32
    %c0_i32_0 = arith.constant 0 : i32
    %c0_i32_1 = arith.constant 0 : i32
    return %c0_i32, %arg0, %c0_i32_0 : i32, i32, i32
  }
  func.func @transform_1(%arg0: i32) -> (i32, i32) {
    %c0_i32 = arith.constant 0 : i32
    %c0_i32_0 = arith.constant 0 : i32
    return %arg0, %c0_i32 : i32, i32
  }
  func.func @transform_2(%arg0: i32) -> (i32, i32) {
    %c0_i32 = arith.constant 0 : i32
    %c0_i32_0 = arith.constant 0 : i32
    %c0_i32_1 = arith.constant 0 : i32
    return %c0_i32, %c0_i32_0 : i32, i32
  }
  func.func @transform_3(%arg0: i32) -> (i32, i32) {
    %c0_i32 = arith.constant 0 : i32
    %c0_i32_0 = arith.constant 0 : i32
    %c0_i32_1 = arith.constant 0 : i32
    return %c0_i32, %c0_i32_0 : i32, i32
  }
  func.func @transform_4(%arg0: i32) -> (i32, i32, i32) {
    %c0_i32 = arith.constant 0 : i32
    %c0_i32_0 = arith.constant 0 : i32
    %c0_i32_1 = arith.constant 0 : i32
    return %c0_i32, %arg0, %c0_i32_0 : i32, i32, i32
  }
}

module attributes {stable_mosaic.version = 14 : i64} {
  func.func @_layer_body(%arg0: i32, %arg1: memref<2x5000x64xf32, #tpu.memory_space<vmem>>, %arg2: memref<5000x1xf32, #tpu.memory_space<vmem>>, %arg3: memref<1x128xf32, #tpu.memory_space<vmem>>, %arg4: memref<128x64xf32, #tpu.memory_space<vmem>>, %arg5: memref<2x5000x32xf32, #tpu.memory_space<vmem>>) attributes {dimension_semantics = [#tpu.dimension_semantics<arbitrary>], iteration_bounds = array<i64: 2>, scalar_prefetch = 0 : i64, scratch_operands = 0 : i64, tpu.core_type = #tpu.core_type<tc>, window_params = [{transform_indices = @transform_0, window_bounds = array<i64: 2, 5000, 64>}, {transform_indices = @transform_1, window_bounds = array<i64: 5000, 1>}, {pipeline_mode = #tpu.pipeline_mode<synchronous>, transform_indices = @transform_2, window_bounds = array<i64: 1, 128>}, {pipeline_mode = #tpu.pipeline_mode<synchronous>, transform_indices = @transform_3, window_bounds = array<i64: 128, 64>}, {transform_indices = @transform_4, window_bounds = array<i64: 2, 5000, 32>}]} {
    %get3A = arith.constant 0 : index
    %get3A_0 = arith.constant 0 : index
    %get3A_1 = arith.constant 0 : index
    %get3A_2 = vector.load %arg1[%get3A, %get3A_0, %get3A_1] : memref<2x5000x64xf32, #tpu.memory_space<vmem>>, vector<1x5000x64xf32>
    %get3A_3 = vector.shape_cast %get3A_2 : vector<1x5000x64xf32> to vector<5000x64xf32>
    %get3A_4 = arith.constant 1 : index
    %get3A_5 = arith.constant 0 : index
    %get3A_6 = arith.constant 0 : index
    %get3A_7 = vector.load %arg1[%get3A_4, %get3A_5, %get3A_6] : memref<2x5000x64xf32, #tpu.memory_space<vmem>>, vector<1x5000x64xf32>
    %get3A_8 = vector.shape_cast %get3A_7 : vector<1x5000x64xf32> to vector<5000x64xf32>
    %concatenate3A = tpu.concatenate %get3A_3, %get3A_8 in 1 : vector<5000x64xf32>, vector<5000x64xf32> -> vector<5000x128xf32>
    %get3A_9 = arith.constant 0 : index
    %get3A_10 = arith.constant 0 : index
    %get3A_11 = vector.load %arg2[%get3A_9, %get3A_10] : memref<5000x1xf32, #tpu.memory_space<vmem>>, vector<5000x1xf32>
    %mul3A = vector.broadcast %get3A_11 : vector<5000x1xf32> to vector<5000x128xf32>
    %mul3A_12 = arith.mulf %concatenate3A, %mul3A : vector<5000x128xf32>
    %get3A_13 = arith.constant 0 : index
    %get3A_14 = arith.constant 0 : index
    %get3A_15 = vector.load %arg3[%get3A_13, %get3A_14] : memref<1x128xf32, #tpu.memory_space<vmem>>, vector<1x128xf32>
    %add3A = vector.broadcast %get3A_15 : vector<1x128xf32> to vector<5000x128xf32>
    %add3A_16 = arith.addf %mul3A_12, %add3A : vector<5000x128xf32>
    %max3A = arith.constant 0.000000e+00 : f32
    %max3A_17 = vector.broadcast %max3A : f32 to vector<5000x128xf32>
    %max3A_18 = arith.maximumf %add3A_16, %max3A_17 : vector<5000x128xf32>
    %get3A_19 = arith.constant 0 : index
    %get3A_20 = arith.constant 0 : index
    %get3A_21 = vector.load %arg4[%get3A_19, %get3A_20] : memref<128x64xf32, #tpu.memory_space<vmem>>, vector<128x64xf32>
    %dot_general3A = arith.constant dense<0.000000e+00> : vector<5000x64xf32>
    %dot_general3A_22 = tpu.matmul %max3A_18, %get3A_21, %dot_general3A {dimension_numbers = #tpu.dot_dimension_numbers<[1], [0], [0], [1], [0, 0, 1, 1], [], []>, transpose_lhs_hint = false} : vector<5000x128xf32>, vector<128x64xf32>, vector<5000x64xf32> -> vector<5000x64xf32>
    %get3A_23 = arith.constant 0 : index
    %get3A_24 = arith.constant 0 : index
    %get3A_25 = vector.load %arg2[%get3A_23, %get3A_24] : memref<5000x1xf32, #tpu.memory_space<vmem>>, vector<5000x1xf32>
    %mul3A_26 = vector.broadcast %get3A_25 : vector<5000x1xf32> to vector<5000x64xf32>
    %mul3A_27 = arith.mulf %dot_general3A_22, %mul3A_26 : vector<5000x64xf32>
    %slice3A = vector.extract_strided_slice %mul3A_27 {offsets = [0, 0], sizes = [5000, 32], strides = [1, 1]} : vector<5000x64xf32> to vector<5000x32xf32>
    %swap3A = arith.constant 0 : index
    %swap3A_28 = arith.constant 0 : index
    %swap3A_29 = arith.constant 0 : index
    %swap3A_30 = vector.load %arg5[%swap3A, %swap3A_28, %swap3A_29] : memref<2x5000x32xf32, #tpu.memory_space<vmem>>, vector<1x5000x32xf32>
    %swap3A_31 = vector.shape_cast %swap3A_30 : vector<1x5000x32xf32> to vector<5000x32xf32>
    %swap3A_32 = vector.shape_cast %slice3A : vector<5000x32xf32> to vector<1x5000x32xf32>
    tpu.vector_store %arg5[%swap3A, %swap3A_28, %swap3A_29], %swap3A_32 {strides = array<i32>} : memref<2x5000x32xf32, #tpu.memory_space<vmem>>, vector<1x5000x32xf32>,
    %slice3A_33 = vector.extract_strided_slice %mul3A_27 {offsets = [0, 32], sizes = [5000, 32], strides = [1, 1]} : vector<5000x64xf32> to vector<5000x32xf32>
    %swap3A_34 = arith.constant 1 : index
    %swap3A_35 = arith.constant 0 : index
    %swap3A_36 = arith.constant 0 : index
    %swap3A_37 = vector.load %arg5[%swap3A_34, %swap3A_35, %swap3A_36] : memref<2x5000x32xf32, #tpu.memory_space<vmem>>, vector<1x5000x32xf32>
    %swap3A_38 = vector.shape_cast %swap3A_37 : vector<1x5000x32xf32> to vector<5000x32xf32>
    %swap3A_39 = vector.shape_cast %slice3A_33 : vector<5000x32xf32> to vector<1x5000x32xf32>
    tpu.vector_store %arg5[%swap3A_34, %swap3A_35, %swap3A_36], %swap3A_39 {strides = array<i32>} : memref<2x5000x32xf32, #tpu.memory_space<vmem>>, vector<1x5000x32xf32>,
    return
  }
  func.func @transform_0(%arg0: i32) -> (i32, i32, i32) {
    %c0_i32 = arith.constant 0 : i32
    %c0_i32_0 = arith.constant 0 : i32
    %c0_i32_1 = arith.constant 0 : i32
    return %c0_i32, %arg0, %c0_i32_0 : i32, i32, i32
  }
  func.func @transform_1(%arg0: i32) -> (i32, i32) {
    %c0_i32 = arith.constant 0 : i32
    %c0_i32_0 = arith.constant 0 : i32
    return %arg0, %c0_i32 : i32, i32
  }
  func.func @transform_2(%arg0: i32) -> (i32, i32) {
    %c0_i32 = arith.constant 0 : i32
    %c0_i32_0 = arith.constant 0 : i32
    %c0_i32_1 = arith.constant 0 : i32
    return %c0_i32, %c0_i32_0 : i32, i32
  }
  func.func @transform_3(%arg0: i32) -> (i32, i32) {
    %c0_i32 = arith.constant 0 : i32
    %c0_i32_0 = arith.constant 0 : i32
    %c0_i32_1 = arith.constant 0 : i32
    return %c0_i32, %c0_i32_0 : i32, i32
  }
  func.func @transform_4(%arg0: i32) -> (i32, i32, i32) {
    %c0_i32 = arith.constant 0 : i32
    %c0_i32_0 = arith.constant 0 : i32
    %c0_i32_1 = arith.constant 0 : i32
    return %c0_i32, %arg0, %c0_i32_0 : i32, i32, i32
  }
}

module attributes {stable_mosaic.version = 14 : i64} {
  func.func @_final_body(%arg0: i32, %arg1: memref<2x5000x32xf32, #tpu.memory_space<vmem>>, %arg2: memref<5000x1xf32, #tpu.memory_space<vmem>>, %arg3: memref<1x64xf32, #tpu.memory_space<vmem>>, %arg4: memref<5000x64xf32, #tpu.memory_space<vmem>>) attributes {dimension_semantics = [#tpu.dimension_semantics<arbitrary>], iteration_bounds = array<i64: 2>, scalar_prefetch = 0 : i64, scratch_operands = 0 : i64, tpu.core_type = #tpu.core_type<tc>, window_params = [{transform_indices = @transform_0, window_bounds = array<i64: 2, 5000, 32>}, {transform_indices = @transform_1, window_bounds = array<i64: 5000, 1>}, {pipeline_mode = #tpu.pipeline_mode<synchronous>, transform_indices = @transform_2, window_bounds = array<i64: 1, 64>}, {transform_indices = @transform_3, window_bounds = array<i64: 5000, 64>}]} {
    %get3A = arith.constant 0 : index
    %get3A_0 = arith.constant 0 : index
    %get3A_1 = arith.constant 0 : index
    %get3A_2 = vector.load %arg1[%get3A, %get3A_0, %get3A_1] : memref<2x5000x32xf32, #tpu.memory_space<vmem>>, vector<1x5000x32xf32>
    %get3A_3 = vector.shape_cast %get3A_2 : vector<1x5000x32xf32> to vector<5000x32xf32>
    %get3A_4 = arith.constant 1 : index
    %get3A_5 = arith.constant 0 : index
    %get3A_6 = arith.constant 0 : index
    %get3A_7 = vector.load %arg1[%get3A_4, %get3A_5, %get3A_6] : memref<2x5000x32xf32, #tpu.memory_space<vmem>>, vector<1x5000x32xf32>
    %get3A_8 = vector.shape_cast %get3A_7 : vector<1x5000x32xf32> to vector<5000x32xf32>
    %concatenate3A = tpu.concatenate %get3A_3, %get3A_8 in 1 : vector<5000x32xf32>, vector<5000x32xf32> -> vector<5000x64xf32>
    %get3A_9 = arith.constant 0 : index
    %get3A_10 = arith.constant 0 : index
    %get3A_11 = vector.load %arg2[%get3A_9, %get3A_10] : memref<5000x1xf32, #tpu.memory_space<vmem>>, vector<5000x1xf32>
    %mul3A = vector.broadcast %get3A_11 : vector<5000x1xf32> to vector<5000x64xf32>
    %mul3A_12 = arith.mulf %concatenate3A, %mul3A : vector<5000x64xf32>
    %get3A_13 = arith.constant 0 : index
    %get3A_14 = arith.constant 0 : index
    %get3A_15 = vector.load %arg3[%get3A_13, %get3A_14] : memref<1x64xf32, #tpu.memory_space<vmem>>, vector<1x64xf32>
    %add3A = vector.broadcast %get3A_15 : vector<1x64xf32> to vector<5000x64xf32>
    %add3A_16 = arith.addf %mul3A_12, %add3A : vector<5000x64xf32>
    %reduce_max3A = arith.constant dense<0xFF800000> : vector<5000xf32>
    %reduce_max3A_17 = vector.multi_reduction <maximumf>, %add3A_16, %reduce_max3A [1] : vector<5000x64xf32> to vector<5000xf32>
    %broadcast_in_dim3A = vector.shape_cast %reduce_max3A_17 : vector<5000xf32> to vector<5000x1xf32>
    %sub3A = vector.broadcast %broadcast_in_dim3A : vector<5000x1xf32> to vector<5000x64xf32>
    %sub3A_18 = arith.subf %add3A_16, %sub3A : vector<5000x64xf32>
    %exp3A = math.exp %sub3A_18 : vector<5000x64xf32>
    %reduce_sum3A = arith.constant dense<0.000000e+00> : vector<5000xf32>
    %reduce_sum3A_19 = vector.multi_reduction <add>, %exp3A, %reduce_sum3A [1] : vector<5000x64xf32> to vector<5000xf32>
    %broadcast_in_dim3A_20 = vector.shape_cast %reduce_sum3A_19 : vector<5000xf32> to vector<5000x1xf32>
    %log3A = math.log %broadcast_in_dim3A_20 : vector<5000x1xf32>
    %sub3A_21 = vector.broadcast %log3A : vector<5000x1xf32> to vector<5000x64xf32>
    %sub3A_22 = arith.subf %sub3A_18, %sub3A_21 : vector<5000x64xf32>
    %swap3A = arith.constant 0 : index
    %swap3A_23 = arith.constant 0 : index
    %swap3A_24 = vector.load %arg4[%swap3A, %swap3A_23] : memref<5000x64xf32, #tpu.memory_space<vmem>>, vector<5000x64xf32>
    tpu.vector_store %arg4[%swap3A, %swap3A_23], %sub3A_22 {strides = array<i32>} : memref<5000x64xf32, #tpu.memory_space<vmem>>, vector<5000x64xf32>,
    return
  }
  func.func @transform_0(%arg0: i32) -> (i32, i32, i32) {
    %c0_i32 = arith.constant 0 : i32
    %c0_i32_0 = arith.constant 0 : i32
    %c0_i32_1 = arith.constant 0 : i32
    return %c0_i32, %arg0, %c0_i32_0 : i32, i32, i32
  }
  func.func @transform_1(%arg0: i32) -> (i32, i32) {
    %c0_i32 = arith.constant 0 : i32
    %c0_i32_0 = arith.constant 0 : i32
    return %arg0, %c0_i32 : i32, i32
  }
  func.func @transform_2(%arg0: i32) -> (i32, i32) {
    %c0_i32 = arith.constant 0 : i32
    %c0_i32_0 = arith.constant 0 : i32
    %c0_i32_1 = arith.constant 0 : i32
    return %c0_i32, %c0_i32_0 : i32, i32
  }
  func.func @transform_3(%arg0: i32) -> (i32, i32) {
    %c0_i32 = arith.constant 0 : i32
    %c0_i32_0 = arith.constant 0 : i32
    return %arg0, %c0_i32 : i32, i32
  }
}

</mosaic_0001>

<sc_bundles>
// kernel: kernel.10.cloned.1.call-start
scs
__scs_entry_jumppad:
0x0: {  	(pc) =	sbr.rel $0x88, $3  }
0x1: {  	(tag) =	ssettag $0x0;
	lr =	simm.s32 $0x1  }
0x2: {  	[smem:$0x3F99] =	sst lr;
	_ =	strace $0xD0000000  }
0x3: {  	_ = 	snop  }
0x4: {  	_ = 	snop  }
0x5: {  	_ = 	snop  }
0x6: {  	_ = 	snop  }
0x7: {  	_ = 	snop  }
__scs_overlays_trampoline_lowered:
0x8: {  	[smem:$0x3FA8] =	sst s0  }
0x9: {  	[smem:$0x3FA9] =	sst s1  }
0xa: {  	[smem:$0x3FAA] =	sst s2  }
0xb: {  	[smem:$0x3FAB] =	sst s3  }
0xc: {  	[smem:$0x3FAC] =	sst s4  }
0xd: {  	[smem:$0x3FAD] =	sst s5  }
0xe: {  	[smem:$0x3FAE] =	sst s6  }
0xf: {  	[smem:$0x3FAF] =	sst s7  }
0x10: {  	[smem:$0x3FB0] =	sst s8  }
0x11: {  	[smem:$0x3FB1] =	sst s9;
	s0 =	simm.s32 @!p0 $0x0  }
0x12: {  	s1 =	sld [smem:$0x3F97];
	s0 =	simm.s32 @p0 $0x1  }
0x13: {  	[smem:$0x3FB2] =	sst s0;
	s0 =	simm.s32 @!p1 $0x0  }
0x14: {  	s2 =	sld [smem:$0x3F96];
	s0 =	simm.s32 @p1 $0x1  }
0x15: {  	[smem:$0x3FB3] =	sst s0;
	s0 =	simm.s32 @!p2 $0x0  }
0x16: {  	s3 =	sld [smem:$0x3FDB];
	s0 =	simm.s32 @p2 $0x1  }
0x17: {  	s4 =	simm.s32 $0x1BF5;
	[smem:$0x3FB5] =	sst s0  }
0x18: {  	s0 =	sld [smem:$0x3F98];
	_ =	swait.ge [sflag:s4], $0x0  }
0x19: {  	s7 =	sld [smem:$0x3F99]  }
0x1a: {  	s8 =	sadd.s32 $0xFFFFE003, lr  }
0x1b: {  	s9 =	sadd.s32 $0xFFFFFEF7, lr;
	s5 =	simm.s32 $0xFFFFFFFF;
	p2 =	slt.u32 s8, $0xFFFFF086  }
0x1c: {  	p1 =	slt.u32 s9, $0xF7A;
	s5 =	simm.s32 @!p2 $0x0  }
0x1d: {  	s5 =	simm.s32 @p1 $0x1;
	p0 =	seq.s32 s7, s2  }
0x1e: {  	s7 =	smul.u32 @!p0 $0xF7A, s2;
	p2 =	seq.s32 @!p0 s5, $0x0  }
0x1f: {  	s9 =	smul.u32 $0xF7A, s1;
	s8 =	simm.s32 @!p0 $0x1BF5;
	p2 =	por !p2, p0  }
0x20: {  	[sflag:s8] =	ssyncset.s32 @!p0 $0xFFFFF086;
	s6 =	sadd.s32 @!p0 s3, s7;
	s7 =	simm.s32 @!p0 $0x108  }
0x21: {  	s3 =	sadd.s32 s3, s9;
	s6 =	sadd.s32 @!p0 $0x88, s6;
	s7 =	simm.s32 @p2 $0x1082  }
0x22: {  	[simem:s7], [sflag:s8] =	dma.local @!p0 [hbm:s6], $0xF7A  }
0x23: {  	s9 =	sor.u32 $0xD0000000, s2;
	s6 =	simm.s32 $0x108;
	_ =	swait.ge @!p0 [sflag:s8], $0x0  }
0x24: {  	s3 =	sadd.s32 $0x88, s3;
	s6 =	simm.s32 @!p1 $0x1082;
	[sflag:s4] =	ssyncset.s32 $0xFFFFF086  }
0x25: {  	[simem:s6], [sflag:s4] =	dma.local [hbm:s3], $0xF7A  }
0x26: {  	[smem:$0x3F99] =	sst s1;
	(tag) =	ssettag s2;
	_ =	strace s9  }
0x27: {  	s1 =	sld [smem:$0x3FA9]  }
0x28: {  	s2 =	sld [smem:$0x3FAA]  }
0x29: {  	s4 =	sld [smem:$0x3FAC]  }
0x2a: {  	p0 =	seq.s32 s5, $0x0;
	s5 =	sld [smem:$0x3FAD]  }
0x2b: {  	s6 =	sld [smem:$0x3FAE]  }
0x2c: {  	s7 =	sld [smem:$0x3FAF]  }
0x2d: {  	s3 =	simm.s32 $0x108;
	s8 =	sld [smem:$0x3FB0]  }
0x2e: {  	s3 =	simm.s32 @!p0 $0x1082;
	s9 =	sld [smem:$0x3FB1]  }
0x2f: {  	lr =	sadd.s32 s0, s3;
	s0 =	sld [smem:$0x3FA8]  }
0x30: {  	s3 =	sld [smem:$0x3FAB]  }
0x31: {  	[smem:$0x3FB4] =	sst s10  }
0x32: {  	s10 =	sld [smem:$0x3FB2];
	_ =	sdelay $0x3  }
0x33: {  	p0 =	seq.s32 s10, $0x1;
	s10 =	sld [smem:$0x3FB4];
	_ =	sdelay $0x3  }
0x34: {  	[smem:$0x3FB4] =	sst s10  }
0x35: {  	s10 =	sld [smem:$0x3FB3];
	_ =	sdelay $0x3  }
0x36: {  	p1 =	seq.s32 s10, $0x1;
	s10 =	sld [smem:$0x3FB4];
	_ =	sdelay $0x3  }
0x37: {  	[smem:$0x3FB4] =	sst s10  }
0x38: {  	s10 =	sld [smem:$0x3FB5]  }
0x39: {  	_ = 	snop;
	(pc) =	sbr.ind lr, $3  }
0x3a: {  	_ = 	snop  }
0x3b: {  	_ = 	snop  }
0x3c: {  	p2 =	seq.s32 s10, $0x1;
	s10 =	sld [smem:$0x3FB4]  }
0x3d: {  	_ =	shalt  }
0x3e: {  	_ =	shalt  }
0x3f: {  	_ =	shalt  }
0x40: {  	_ =	shalt  }
0x41: {  	_ =	shalt  }
0x42: {  	_ =	shalt  }
0x43: {  	_ =	shalt  }
0x44: {  	_ =	shalt  }
0x45: {  	_ =	shalt  }
0x46: {  	_ =	shalt  }
0x47: {  	_ =	shalt  }
0x48: {  	_ =	shalt  }
0x49: {  	_ =	shalt  }
0x4a: {  	_ =	shalt  }
0x4b: {  	_ =	shalt  }
0x4c: {  	_ =	shalt  }
0x4d: {  	_ =	shalt  }
0x4e: {  	_ =	shalt  }
0x4f: {  	_ =	shalt  }
0x50: {  	_ =	shalt  }
0x51: {  	_ =	shalt  }
0x52: {  	_ =	shalt  }
0x53: {  	_ =	shalt  }
0x54: {  	_ =	shalt  }
0x55: {  	_ =	shalt  }
0x56: {  	_ =	shalt  }
0x57: {  	_ =	shalt  }
0x58: {  	_ =	shalt  }
0x59: {  	_ =	shalt  }
0x5a: {  	_ =	shalt  }
0x5b: {  	_ =	shalt  }
0x5c: {  	_ =	shalt  }
0x5d: {  	_ =	shalt  }
0x5e: {  	_ =	shalt  }
0x5f: {  	_ =	shalt  }
0x60: {  	_ =	shalt  }
0x61: {  	_ =	shalt  }
0x62: {  	_ =	shalt  }
0x63: {  	_ =	shalt  }
0x64: {  	_ =	shalt  }
0x65: {  	_ =	shalt  }
0x66: {  	_ =	shalt  }
0x67: {  	_ =	shalt  }
0x68: {  	_ =	shalt  }
0x69: {  	_ =	shalt  }
0x6a: {  	_ =	shalt  }
0x6b: {  	_ =	shalt  }
0x6c: {  	_ =	shalt  }
0x6d: {  	_ =	shalt  }
0x6e: {  	_ =	shalt  }
0x6f: {  	_ =	shalt  }
0x70: {  	_ =	shalt  }
0x71: {  	_ =	shalt  }
0x72: {  	_ =	shalt  }
0x73: {  	_ =	shalt  }
0x74: {  	_ =	shalt  }
0x75: {  	_ =	shalt  }
0x76: {  	_ =	shalt  }
0x77: {  	_ =	shalt  }
0x78: {  	_ =	shalt  }
0x79: {  	_ =	shalt  }
0x7a: {  	_ =	shalt  }
0x7b: {  	_ =	shalt  }
0x7c: {  	_ =	shalt  }
0x7d: {  	_ =	shalt  }
0x7e: {  	_ =	shalt  }
0x7f: {  	_ =	shalt  }
0x80: {  	_ =	shalt  }
0x81: {  	_ =	shalt  }
0x82: {  	_ =	shalt  }
0x83: {  	_ =	shalt  }
0x84: {  	_ =	shalt  }
0x85: {  	_ =	shalt  }
0x86: {  	_ =	shalt  }
0x87: {  	_ =	shalt  }
.Lfunc_end0:
.L_simem_size_0:
called_computation_lowered:
.L_overlay_start_0:
0x88: {  	s2 =	sld [smem:$0x3FD9]  }
0x89: {  	s3 =	sld [smem:$0x3FFE];
	_ =	sdelay $0x1  }
0x8a: {  	s1 =	srdreg.scid  }
0x8b: {  	s0 =	sand.u32 $0x1, s1  }
0x8c: {  	s17 =	sshll.u32 s0, $0xA;
	s2 =	sadd.s32 s3, s2  }
0x8d: {  	s2 =	sadd.s32 s2, s17  }
0x8e: {  	[smem:$0x3FC0] =	sst s2  }
0x8f: {  	_ = 	snop  }
0x90: {  	s2 =	sld [smem:$0x3FD0];
	(tm) =	ssettm $0x1  }
0x91: {  	s18 =	sld [smem:$0x3FFB];
	_ =	sdelay $0x3  }
0x92: {  	_ =	strace s18  }
0x93: {  	s3 =	sld [smem:$0x3FFC];
	_ =	sdelay $0x3  }
0x94: {  	_ =	strace s3  }
0x95: {  	s3 =	sld [smem:$0x3FFD];
	_ =	sdelay $0x3  }
0x96: {  	_ =	strace s3  }
0x97: {  	_ =	strace $0x8FFFFFFF  }
0x98: {  	s19 =	sld [smem:$0x3FDB];
	_ =	sdelay $0x1  }
0x99: {  	s4 =	simm.s32 $_scs_section_size  }
0x9a: {  	s5 =	simm.s32 $_size__tile_overlayer_lowered;
	s6 =	simm.s32 $_tile_overlayer_lowered  }
0x9b: {  	s22 =	simm.s32 $0x1BFF;
	s21 =	sshll.u32 s6, $0x1;
	s3 =	sadd.s32 s4, s19  }
0x9c: {  	s7 =	simm.s32 $0x0;
	s20 =	sshll.u32 s5, $0x1;
	s5 =	sadd.s32 s21, s3  }
0x9d: {  	[timem:s7], [sflag:s22] =	dma.local [hbm:s5], s20  }
0x9e: {  	_ =	swait.ge [sflag:s22], s20  }
0x9f: {  	s4 =	ssub.s32 $0x0, s20;
	[sflag:s22] =	ssyncset.done $0x0  }
0xa0: {  	[sflag:s22] =	ssyncadd.s32 s4;
	_ =	sdelay $0x1  }
0xa1: {  	s23 =	simm.s32 $0x1B8B  }
0xa2: {  	_ =	swait.ge [sflag:s23], $0x1  }
0xa3: {  	[sflag:s23] =	ssyncset.done $0x0  }
0xa4: {  	s25 =	simm.s32 $0x1B8E;
	s24 =	sld [smem:$0x3FFE];
	[sflag:s23] =	ssyncadd.s32 $0xFFFFFFFF  }
0xa5: {  	s26 =	simm.s32 $execute0_lowered;
	[smem:$0x3FD2] =	sst s25  }
0xa6: {  	s5 =	sshll.u32 s26, $0x1;
	_ =	strace $0x80000046;
	[dreg:$0x1] =	wrdreg $0xFFFFFFFF  }
0xa7: {  	s28 =	simm.s32 $_size_execute0_lowered;
	s3 =	sadd.s32 s3, s5;
	[dreg:$0x0] =	wrdreg $0x0  }
0xa8: {  	s5 =	sshll.u32 s28, $0x1;
	[dreg:$0x2] =	wrdreg s3  }
0xa9: {  	[dreg:$0x3] =	wrdreg s5  }
0xaa: {  	[dreg:$0x4] =	wrdreg $0xC0  }
0xab: {  	_ =	task [dreg:s7], $0x5FFFF  }
0xac: {  	[dreg:$0x1] =	wrdreg $0xFFFFFFFF  }
0xad: {  	[dreg:$0x0] =	wrdreg $0x60  }
0xae: {  	[dreg:$0x2] =	wrdreg s24  }
0xaf: {  	[dreg:$0x3] =	wrdreg s2  }
0xb0: {  	[dreg:$0x4] =	wrdreg $0x2B000  }
0xb1: {  	[dreg:$0x5] =	wrdreg $0x9  }
0xb2: {  	_ =	task.clear_ibuf [dreg:s7], $0x6FFFF;
	_ =	strace $0x90000046  }
0xb3: {  	s29 =	simm.s32 $0x9;
	_ =	strace $0x80000048  }
0xb4: {  	_ =	swait.ge [sflag:s29], $0x1  }
0xb5: {  	[sflag:s29] =	ssyncadd.s32 $0xFFFFFFFF  }
0xb6: {  	_ =	strace $0x90000048  }
0xb7: {  	_ =	sfence  }
0xb8: {  	s30 =	sld [smem:$0x0];
	_ =	sdelay $0x2  }
0xb9: {  	s31 =	sshll.u32 s1, $0xD;
	s1 =	sshrl.u32 s1, $0x2  }
0xba: {  	s3 =	sand.u32 $0x4000, s31;
	s1 =	sadd.s32 s1, s30  }
0xbb: {  	s0 =	sor.u32 s3, s0;
	s1 =	sshll.u32 s1, $0x11  }
0xbc: {  	s0 =	sor.u32 s1, s0  }
0xbd: {  	s0 =	sadd.s32 $0x8F2B, s0  }
0xbe: {  	[sflag:s0] =	ssyncadd.remote.s32 $0x1  }
0xbf: {  	_ =	sfence.sel $0xFFFF  }
0xc0: {  	[dreg:$0x0] =	wrdreg $0xFFFFFFFF;
	(pc) =	sbr.abs _section_cstart, $3  }
0xc1: {  	[dreg:$0x1] =	wrdreg $0xFFFFFFFF  }
0xc2: {  	_ =	task.clear_ibuf [dreg:s7], $0x2FFFF;
	_ =	strace $0x9FFFFFFF  }
0xc3: {  	(tm) =	ssettm $0x7FFFFFFF  }
tec
execute0_lowered:
.L_overlay_start_1:
0x0: {  	(tag) =	ssettag $0x1  }
0x1: {  	s3 =	rddreg [dreg:$0x0]  }
0x2: {  	s0 =	srdreg.scid;
	s5 =	rddreg [dreg:$0x1]  }
0x3: {  	s11 =	stileid.u32;
	s1 =	rddreg [dreg:$0x2]  }
0x4: {  	s2 =	simm.s32 $0x0;
	s13 =	simm.s32 $0x0;
	s4 =	sand.u32 $0x1, s0  }
0x5: {  	[smem:$0x7FF] =	sst s2;
	s8 =	smul.u32 $0xA00, s11;
	p0 =	sne.s32 s11, $0x0  }
0x6: {  	s0 =	sshll.u32 s4, $0x4;
	s7 =	ssub.s32 $0x2, s4;
	s10 =	smul.u32 $0x500, s4  }
0x7: {  	s12 =	sshrl.u32 @!p0 s1, $0x3;
	s6 =	sor.u32 s11, s0;
	s0 =	rddreg [dreg:$0x3]  }
0x8: {  	_ =	strace $0x80000047;
	s9 =	sshrl.u32 s7, $0x1;
	s31 =	sshrl.u32 s8, $0x2  }
0x9: {  	s8 =	simm.s32 $0x2;
	s11 =	simm.s32 $0x2800;
	s6 =	smul.u32 $0x500, s6  }
0xa: {  	s30 =	ssub.s32 s7, s9;
	s4 =	sadd.s32 s31, s1;
	s5 =	sadd.s32 s5, s10  }
0xb: {  	s7 =	simm.s32 $0x2880;
	s9 =	simm.s32 $0x1;
	s3 =	sadd.s32 s6, s3  }
0xc: {  	v0 =	vimm.f32 $1.000000000e+00;
	v1 =	vimm.f32 $0.0e+00;
	s10 =	simm.s32 $0x80;
	s6 =	smax.u32 s30, $0x1;
	s3 =	sadd.s32 $0x1E00, s3  }
.LBB2_1:
0xd: {  	[tilespmem:s2], [sflag:$0x1] =	stream.linear.gather [hbm4b:s3+s2], $0x2800, $0x38;
	[tilespmem:$0x2D80] =	vst v63  }
0xe: {  	[tilespmem:$0x2800] =	vst v0  }
0xf: {  	[tilespmem:$0x2810] =	vst v0  }
0x10: {  	[tilespmem:$0x2820] =	vst v0  }
0x11: {  	[tilespmem:$0x2830] =	vst v0  }
0x12: {  	[tilespmem:$0x2840] =	vst v0  }
0x13: {  	[tilespmem:$0x2850] =	vst v0  }
0x14: {  	[tilespmem:$0x2860] =	vst v0  }
0x15: {  	[tilespmem:$0x2870] =	vst v0  }
0x16: {  	[tilespmem:$0x2880] =	vst v1  }
0x17: {  	[tilespmem:$0x2890] =	vst v1  }
0x18: {  	[tilespmem:$0x28A0] =	vst v1  }
0x19: {  	[tilespmem:$0x28B0] =	vst v1  }
0x1a: {  	[tilespmem:$0x28C0] =	vst v1  }
0x1b: {  	[tilespmem:$0x28D0] =	vst v1  }
0x1c: {  	[tilespmem:$0x28E0] =	vst v1  }
0x1d: {  	[tilespmem:$0x28F0] =	vst v1  }
0x1e: {  	[tilespmem:$0x2900] =	vst v1  }
0x1f: {  	[tilespmem:$0x2910] =	vst v1  }
0x20: {  	[tilespmem:$0x2920] =	vst v1  }
0x21: {  	[tilespmem:$0x2930] =	vst v1  }
0x22: {  	[tilespmem:$0x2940] =	vst v1  }
0x23: {  	[tilespmem:$0x2950] =	vst v1  }
0x24: {  	[tilespmem:$0x2960] =	vst v1  }
0x25: {  	[tilespmem:$0x2970] =	vst v1  }
0x26: {  	[tilespmem:$0x2980] =	vst v1  }
0x27: {  	[tilespmem:$0x2990] =	vst v1  }
0x28: {  	[tilespmem:$0x29A0] =	vst v1  }
0x29: {  	[tilespmem:$0x29B0] =	vst v1  }
0x2a: {  	[tilespmem:$0x29C0] =	vst v1  }
0x2b: {  	[tilespmem:$0x29D0] =	vst v1  }
0x2c: {  	[tilespmem:$0x29E0] =	vst v1  }
0x2d: {  	[tilespmem:$0x29F0] =	vst v1  }
0x2e: {  	[tilespmem:$0x2A00] =	vst v1  }
0x2f: {  	[tilespmem:$0x2A10] =	vst v1  }
0x30: {  	[tilespmem:$0x2A20] =	vst v1  }
0x31: {  	[tilespmem:$0x2A30] =	vst v1  }
0x32: {  	[tilespmem:$0x2A40] =	vst v1  }
0x33: {  	[tilespmem:$0x2A50] =	vst v1  }
0x34: {  	[tilespmem:$0x2A60] =	vst v1  }
0x35: {  	[tilespmem:$0x2A70] =	vst v1  }
0x36: {  	[tilespmem:$0x2A80] =	vst v1  }
0x37: {  	[tilespmem:$0x2A90] =	vst v1  }
0x38: {  	[tilespmem:$0x2AA0] =	vst v1  }
0x39: {  	[tilespmem:$0x2AB0] =	vst v1  }
0x3a: {  	[tilespmem:$0x2AC0] =	vst v1  }
0x3b: {  	[tilespmem:$0x2AD0] =	vst v1  }
0x3c: {  	[tilespmem:$0x2AE0] =	vst v1  }
0x3d: {  	[tilespmem:$0x2AF0] =	vst v1  }
0x3e: {  	[spmem:s4] =	stream.linear.scatter [tilespmem:s7], [sflag:$0x2], $0x280, $0x38;
	[tilespmem:$0x2D80] =	vst v63  }
0x3f: {  	_ =	swait.ge [sflag:s8], $0x280  }
0x40: {  	[sflag:s8] =	ssyncset.done $0x0  }
0x41: {  	[sflag:s8] =	ssyncadd.s32 $0xFFFFFD80  }
0x42: {  	_ =	swait.ge [sflag:s9], $0x2800  }
0x43: {  	[sflag:s9] =	ssyncset.done $0x0  }
0x44: {  	[sflag:s9] =	ssyncadd.s32 $0xFFFFD800  }
0x45: {  	s14 =	simm.s32 $0x0;
	[bflag:$0x0] =	sbarrier.arrive $0xFFFF  }
0x46: {  	[spmem:s1] =	stream.indirect.scatter.add.f32 [tilespmem:s11], [sflag:$0x2], $0x1, s14, s10, $0xb8;
	[tilespmem:$0x2D80] =	vst v63  }
0x47: {  	_ =	swait.ge [sflag:s8], $0x80  }
0x48: {  	s14 =	simm.s32 $0x200;
	[sflag:s8] =	ssyncset.done $0x0  }
.LBB2_2:
0x49: {  	s15 =	sshra.s32 s14, $0x2;
	[sflag:s8] =	ssyncadd.s32 $0xFFFFFF80;
	p1 =	sne.s32 s14, $0x9E00  }
0x4a: {  	[spmem:s1] =	stream.indirect.scatter.add.f32 [tilespmem:s11], [sflag:$0x2], $0x1, s15, s10, $0xb8;
	[tilespmem:$0x2D80] =	vst v63  }
.Ltmp0:
0x4b: {  	_ = 	snop;
	(pc) =	sbr.rel @p1 .LBB2_2-.Ltmp0, $4  }
0x4c: {  	_ = 	snop  }
0x4d: {  	s14 =	sadd.s32 $0x200, s14  }
0x4e: {  	_ =	swait.ge [sflag:s8], $0x80  }
0x4f: {  	[sflag:s8] =	ssyncset.done $0x0  }
0x50: {  	[sflag:s8] =	ssyncadd.s32 $0xFFFFFF80;
	s13 =	sadd.s32 $0x1, s13  }
0x51: {  	s14 =	simm.s32 @!p0 $0x1C02;
	[bflag:$0x0] =	sbarrier.arrive $0xFFFF;
	p1 =	sne.s32 s13, s6  }
0x52: {  	[hbm:s5], [sflag:s14] =	dma.local @!p0 [spmem:s12], $0x500  }
.Ltmp1:
0x53: {  	_ = 	snop;
	(pc) =	sbr.rel @p1 .LBB2_1-.Ltmp1, $4  }
0x54: {  	s14 =	simm.s32 @!p0 $0x2  }
0x55: {  	_ =	swait.ge @!p0 [sflag:s14], $0x500  }
0x56: {  	[sflag:s14] =	ssyncset.done @!p0 $0x0  }
0x57: {  	[sflag:s14] =	ssyncadd.s32 @!p0 $0xFFFFFB00  }
0x58: {  	_ =	sfence.sel $0x180000  }
0x59: {  	[bflag:$0x0] =	sbarrier.arrive $0xFFFF  }
0x5a: {  	_ =	strace $0x90000047  }
0x5b: {  	s0 =	sadd.s32 @!p0 $0x100000, s0;
	[bflag:$0x2] =	sbarrier.arrive $0xFFFF  }
0x5c: {  	[sflag:s0] =	ssyncadd.tile.s32 @!p0 $0x1;
	_ =	shalt  }
.Lfunc_end2:
_tile_overlayer_lowered:
.L_overlay_start_2:
0x5d: {  	(tag) =	ssettag $0x2  }
0x5e: {  	s0 =	rddreg [dreg:$0x0];
	s2 =	stileid.u32  }
0x5f: {  	s1 =	rddreg [dreg:$0x1];
	p0 =	sne.s32 s2, $0x0  }
0x60: {  	s3 =	rddreg [dreg:$0x2];
	[bflag:$0x3] =	sbarrier.arrive $0xFFFF;
	s2 =	simm.s32 @!p0 $0x1C02  }
0x61: {  	[timem:s3], [sflag:s2] =	dma.local @!p0 [hbm:s0], s1  }
0x62: {  	s0 =	simm.s32 @!p0 $0x2  }
0x63: {  	_ =	swait.ge @!p0 [sflag:s0], s1  }
0x64: {  	s1 =	ssub.s32 @!p0 $0x0, s1;
	[sflag:s0] =	ssyncset.done @!p0 $0x0  }
0x65: {  	[sflag:s0] =	ssyncadd.s32 @!p0 s1  }
0x66: {  	[bflag:$0x3] =	sbarrier.arrive $0xFFFF  }
0x67: {  	_ =	shalt  }

// kernel: kernel.13.cloned.1.call-start
scs
__scs_entry_jumppad:
0x0: {  	(pc) =	sbr.rel $0x88, $3  }
0x1: {  	(tag) =	ssettag $0x0;
	lr =	simm.s32 $0x1  }
0x2: {  	[smem:$0x3F99] =	sst lr;
	_ =	strace $0xD0000000  }
0x3: {  	_ = 	snop  }
0x4: {  	_ = 	snop  }
0x5: {  	_ = 	snop  }
0x6: {  	_ = 	snop  }
0x7: {  	_ = 	snop  }
__scs_overlays_trampoline_lowered:
0x8: {  	[smem:$0x3FA8] =	sst s0  }
0x9: {  	[smem:$0x3FA9] =	sst s1  }
0xa: {  	[smem:$0x3FAA] =	sst s2  }
0xb: {  	[smem:$0x3FAB] =	sst s3  }
0xc: {  	[smem:$0x3FAC] =	sst s4  }
0xd: {  	[smem:$0x3FAD] =	sst s5  }
0xe: {  	[smem:$0x3FAE] =	sst s6  }
0xf: {  	[smem:$0x3FAF] =	sst s7  }
0x10: {  	[smem:$0x3FB0] =	sst s8  }
0x11: {  	[smem:$0x3FB1] =	sst s9;
	s0 =	simm.s32 @!p0 $0x0  }
0x12: {  	s1 =	sld [smem:$0x3F97];
	s0 =	simm.s32 @p0 $0x1  }
0x13: {  	[smem:$0x3FB2] =	sst s0;
	s0 =	simm.s32 @!p1 $0x0  }
0x14: {  	s2 =	sld [smem:$0x3F96];
	s0 =	simm.s32 @p1 $0x1  }
0x15: {  	[smem:$0x3FB3] =	sst s0;
	s0 =	simm.s32 @!p2 $0x0  }
0x16: {  	s3 =	sld [smem:$0x3FDB];
	s0 =	simm.s32 @p2 $0x1  }
0x17: {  	s4 =	simm.s32 $0x1BF5;
	[smem:$0x3FB5] =	sst s0  }
0x18: {  	s0 =	sld [smem:$0x3F98];
	_ =	swait.ge [sflag:s4], $0x0  }
0x19: {  	s7 =	sld [smem:$0x3F99]  }
0x1a: {  	s8 =	sadd.s32 $0xFFFFE003, lr  }
0x1b: {  	s9 =	sadd.s32 $0xFFFFFEF7, lr;
	s5 =	simm.s32 $0xFFFFFFFF;
	p2 =	slt.u32 s8, $0xFFFFF086  }
0x1c: {  	p1 =	slt.u32 s9, $0xF7A;
	s5 =	simm.s32 @!p2 $0x0  }
0x1d: {  	s5 =	simm.s32 @p1 $0x1;
	p0 =	seq.s32 s7, s2  }
0x1e: {  	s7 =	smul.u32 @!p0 $0xF7A, s2;
	p2 =	seq.s32 @!p0 s5, $0x0  }
0x1f: {  	s9 =	smul.u32 $0xF7A, s1;
	s8 =	simm.s32 @!p0 $0x1BF5;
	p2 =	por !p2, p0  }
0x20: {  	[sflag:s8] =	ssyncset.s32 @!p0 $0xFFFFF086;
	s6 =	sadd.s32 @!p0 s3, s7;
	s7 =	simm.s32 @!p0 $0x108  }
0x21: {  	s3 =	sadd.s32 s3, s9;
	s6 =	sadd.s32 @!p0 $0x88, s6;
	s7 =	simm.s32 @p2 $0x1082  }
0x22: {  	[simem:s7], [sflag:s8] =	dma.local @!p0 [hbm:s6], $0xF7A  }
0x23: {  	s9 =	sor.u32 $0xD0000000, s2;
	s6 =	simm.s32 $0x108;
	_ =	swait.ge @!p0 [sflag:s8], $0x0  }
0x24: {  	s3 =	sadd.s32 $0x88, s3;
	s6 =	simm.s32 @!p1 $0x1082;
	[sflag:s4] =	ssyncset.s32 $0xFFFFF086  }
0x25: {  	[simem:s6], [sflag:s4] =	dma.local [hbm:s3], $0xF7A  }
0x26: {  	[smem:$0x3F99] =	sst s1;
	(tag) =	ssettag s2;
	_ =	strace s9  }
0x27: {  	s1 =	sld [smem:$0x3FA9]  }
0x28: {  	s2 =	sld [smem:$0x3FAA]  }
0x29: {  	s4 =	sld [smem:$0x3FAC]  }
0x2a: {  	p0 =	seq.s32 s5, $0x0;
	s5 =	sld [smem:$0x3FAD]  }
0x2b: {  	s6 =	sld [smem:$0x3FAE]  }
0x2c: {  	s7 =	sld [smem:$0x3FAF]  }
0x2d: {  	s3 =	simm.s32 $0x108;
	s8 =	sld [smem:$0x3FB0]  }
0x2e: {  	s3 =	simm.s32 @!p0 $0x1082;
	s9 =	sld [smem:$0x3FB1]  }
0x2f: {  	lr =	sadd.s32 s0, s3;
	s0 =	sld [smem:$0x3FA8]  }
0x30: {  	s3 =	sld [smem:$0x3FAB]  }
0x31: {  	[smem:$0x3FB4] =	sst s10  }
0x32: {  	s10 =	sld [smem:$0x3FB2];
	_ =	sdelay $0x3  }
0x33: {  	p0 =	seq.s32 s10, $0x1;
	s10 =	sld [smem:$0x3FB4];
	_ =	sdelay $0x3  }
0x34: {  	[smem:$0x3FB4] =	sst s10  }
0x35: {  	s10 =	sld [smem:$0x3FB3];
	_ =	sdelay $0x3  }
0x36: {  	p1 =	seq.s32 s10, $0x1;
	s10 =	sld [smem:$0x3FB4];
	_ =	sdelay $0x3  }
0x37: {  	[smem:$0x3FB4] =	sst s10  }
0x38: {  	s10 =	sld [smem:$0x3FB5]  }
0x39: {  	_ = 	snop;
	(pc) =	sbr.ind lr, $3  }
0x3a: {  	_ = 	snop  }
0x3b: {  	_ = 	snop  }
0x3c: {  	p2 =	seq.s32 s10, $0x1;
	s10 =	sld [smem:$0x3FB4]  }
0x3d: {  	_ =	shalt  }
0x3e: {  	_ =	shalt  }
0x3f: {  	_ =	shalt  }
0x40: {  	_ =	shalt  }
0x41: {  	_ =	shalt  }
0x42: {  	_ =	shalt  }
0x43: {  	_ =	shalt  }
0x44: {  	_ =	shalt  }
0x45: {  	_ =	shalt  }
0x46: {  	_ =	shalt  }
0x47: {  	_ =	shalt  }
0x48: {  	_ =	shalt  }
0x49: {  	_ =	shalt  }
0x4a: {  	_ =	shalt  }
0x4b: {  	_ =	shalt  }
0x4c: {  	_ =	shalt  }
0x4d: {  	_ =	shalt  }
0x4e: {  	_ =	shalt  }
0x4f: {  	_ =	shalt  }
0x50: {  	_ =	shalt  }
0x51: {  	_ =	shalt  }
0x52: {  	_ =	shalt  }
0x53: {  	_ =	shalt  }
0x54: {  	_ =	shalt  }
0x55: {  	_ =	shalt  }
0x56: {  	_ =	shalt  }
0x57: {  	_ =	shalt  }
0x58: {  	_ =	shalt  }
0x59: {  	_ =	shalt  }
0x5a: {  	_ =	shalt  }
0x5b: {  	_ =	shalt  }
0x5c: {  	_ =	shalt  }
0x5d: {  	_ =	shalt  }
0x5e: {  	_ =	shalt  }
0x5f: {  	_ =	shalt  }
0x60: {  	_ =	shalt  }
0x61: {  	_ =	shalt  }
0x62: {  	_ =	shalt  }
0x63: {  	_ =	shalt  }
0x64: {  	_ =	shalt  }
0x65: {  	_ =	shalt  }
0x66: {  	_ =	shalt  }
0x67: {  	_ =	shalt  }
0x68: {  	_ =	shalt  }
0x69: {  	_ =	shalt  }
0x6a: {  	_ =	shalt  }
0x6b: {  	_ =	shalt  }
0x6c: {  	_ =	shalt  }
0x6d: {  	_ =	shalt  }
0x6e: {  	_ =	shalt  }
0x6f: {  	_ =	shalt  }
0x70: {  	_ =	shalt  }
0x71: {  	_ =	shalt  }
0x72: {  	_ =	shalt  }
0x73: {  	_ =	shalt  }
0x74: {  	_ =	shalt  }
0x75: {  	_ =	shalt  }
0x76: {  	_ =	shalt  }
0x77: {  	_ =	shalt  }
0x78: {  	_ =	shalt  }
0x79: {  	_ =	shalt  }
0x7a: {  	_ =	shalt  }
0x7b: {  	_ =	shalt  }
0x7c: {  	_ =	shalt  }
0x7d: {  	_ =	shalt  }
0x7e: {  	_ =	shalt  }
0x7f: {  	_ =	shalt  }
0x80: {  	_ =	shalt  }
0x81: {  	_ =	shalt  }
0x82: {  	_ =	shalt  }
0x83: {  	_ =	shalt  }
0x84: {  	_ =	shalt  }
0x85: {  	_ =	shalt  }
0x86: {  	_ =	shalt  }
0x87: {  	_ =	shalt  }
.Lfunc_end0:
.L_simem_size_0:
called_computation.1_lowered:
.L_overlay_start_0:
0x88: {  	s2 =	sld [smem:$0x3FD9]  }
0x89: {  	s3 =	sld [smem:$0x3FFE];
	_ =	sdelay $0x1  }
0x8a: {  	s1 =	srdreg.scid  }
0x8b: {  	s0 =	sand.u32 $0x1, s1  }
0x8c: {  	s16 =	sshll.u32 s0, $0xA;
	s2 =	sadd.s32 s3, s2  }
0x8d: {  	s2 =	sadd.s32 s2, s16  }
0x8e: {  	[smem:$0x3FC0] =	sst s2  }
0x8f: {  	_ = 	snop  }
0x90: {  	(tm) =	ssettm $0x1  }
0x91: {  	s17 =	sld [smem:$0x3FFB];
	_ =	sdelay $0x3  }
0x92: {  	_ =	strace s17  }
0x93: {  	s2 =	sld [smem:$0x3FFC];
	_ =	sdelay $0x3  }
0x94: {  	_ =	strace s2  }
0x95: {  	s2 =	sld [smem:$0x3FFD];
	_ =	sdelay $0x3  }
0x96: {  	_ =	strace s2  }
0x97: {  	_ =	strace $0x8FFFFFFF  }
0x98: {  	s18 =	sld [smem:$0x3FDB];
	_ =	sdelay $0x1  }
0x99: {  	s19 =	simm.s32 $_scs_section_size  }
0x9a: {  	s4 =	simm.s32 $_size__tile_overlayer_lowered;
	s5 =	simm.s32 $_tile_overlayer_lowered  }
0x9b: {  	s22 =	simm.s32 $0x1BFF;
	s21 =	sshll.u32 s5, $0x1;
	s2 =	sadd.s32 s19, s18  }
0x9c: {  	s6 =	simm.s32 $0x0;
	s20 =	sshll.u32 s4, $0x1;
	s4 =	sadd.s32 s21, s2  }
0x9d: {  	[timem:s6], [sflag:s22] =	dma.local [hbm:s4], s20  }
0x9e: {  	_ =	swait.ge [sflag:s22], s20  }
0x9f: {  	s3 =	ssub.s32 $0x0, s20;
	[sflag:s22] =	ssyncset.done $0x0  }
0xa0: {  	[sflag:s22] =	ssyncadd.s32 s3;
	_ =	sdelay $0x1  }
0xa1: {  	s23 =	simm.s32 $0x1B8B  }
0xa2: {  	_ =	swait.ge [sflag:s23], $0x1  }
0xa3: {  	[sflag:s23] =	ssyncset.done $0x0  }
0xa4: {  	s25 =	simm.s32 $0x1B8E;
	s24 =	sld [smem:$0x3FFE];
	[sflag:s23] =	ssyncadd.s32 $0xFFFFFFFF  }
0xa5: {  	s26 =	simm.s32 $execute0_lowered;
	[smem:$0x3FD2] =	sst s25  }
0xa6: {  	s4 =	sshll.u32 s26, $0x1;
	_ =	strace $0x80000049;
	[dreg:$0x1] =	wrdreg $0xFFFFFFFF  }
0xa7: {  	s28 =	simm.s32 $_size_execute0_lowered;
	s2 =	sadd.s32 s2, s4;
	[dreg:$0x0] =	wrdreg $0x0  }
0xa8: {  	s4 =	sshll.u32 s28, $0x1;
	[dreg:$0x2] =	wrdreg s2  }
0xa9: {  	[dreg:$0x3] =	wrdreg s4  }
0xaa: {  	[dreg:$0x4] =	wrdreg $0xC0  }
0xab: {  	_ =	task [dreg:s6], $0x5FFFF  }
0xac: {  	[dreg:$0x1] =	wrdreg $0xFFFFFFFF  }
0xad: {  	[dreg:$0x0] =	wrdreg $0x60  }
0xae: {  	[dreg:$0x2] =	wrdreg s24  }
0xaf: {  	[dreg:$0x3] =	wrdreg $0xA0000  }
0xb0: {  	[dreg:$0x4] =	wrdreg $0x140000  }
0xb1: {  	[dreg:$0x5] =	wrdreg $0x9  }
0xb2: {  	_ =	task.clear_ibuf [dreg:s6], $0x6FFFF;
	_ =	strace $0x90000049  }
0xb3: {  	s29 =	simm.s32 $0x9;
	_ =	strace $0x8000004B  }
0xb4: {  	_ =	swait.ge [sflag:s29], $0x1  }
0xb5: {  	[sflag:s29] =	ssyncadd.s32 $0xFFFFFFFF  }
0xb6: {  	_ =	strace $0x9000004B  }
0xb7: {  	_ =	sfence  }
0xb8: {  	s30 =	sld [smem:$0x0];
	_ =	sdelay $0x2  }
0xb9: {  	s31 =	sshll.u32 s1, $0xD;
	s1 =	sshrl.u32 s1, $0x2  }
0xba: {  	s3 =	sand.u32 $0x4000, s31;
	s1 =	sadd.s32 s1, s30  }
0xbb: {  	s0 =	sor.u32 s3, s0;
	s1 =	sshll.u32 s1, $0x11  }
0xbc: {  	s0 =	sor.u32 s1, s0  }
0xbd: {  	s0 =	sadd.s32 $0x8F2B, s0  }
0xbe: {  	[sflag:s0] =	ssyncadd.remote.s32 $0x1  }
0xbf: {  	_ =	sfence.sel $0xFFFF  }
0xc0: {  	[dreg:$0x0] =	wrdreg $0xFFFFFFFF;
	(pc) =	sbr.abs _section_cstart, $3  }
0xc1: {  	[dreg:$0x1] =	wrdreg $0xFFFFFFFF  }
0xc2: {  	_ =	task.clear_ibuf [dreg:s6], $0x2FFFF;
	_ =	strace $0x9FFFFFFF  }
0xc3: {  	(tm) =	ssettm $0x7FFFFFFF  }
tec
execute0_lowered:
.L_overlay_start_1:
0x0: {  	(tag) =	ssettag $0x1  }
0x1: {  	s5 =	rddreg [dreg:$0x0]  }
0x2: {  	s0 =	srdreg.scid;
	s2 =	rddreg [dreg:$0x1]  }
0x3: {  	s26 =	stileid.u32;
	s3 =	rddreg [dreg:$0x2];
	s4 =	simm.s32 $0x0  }
0x4: {  	s17 =	simm.s32 $0x80;
	s18 =	simm.s32 $0x2000;
	s8 =	smul.u32 $0x9C40, s26  }
0x5: {  	s19 =	simm.s32 $0x4000;
	s20 =	simm.s32 $0x6000;
	s11 =	smul.u32 $0xA000, s26  }
0x6: {  	s21 =	simm.s32 $0x8000;
	s6 =	sand.u32 $0x1, s0;
	s10 =	smul.u32 $0xA00, s26  }
0x7: {  	s22 =	simm.s32 $0x2;
	s23 =	simm.s32 $0x3;
	s7 =	smul.u32 $0x9C400, s6  }
0x8: {  	s25 =	simm.s32 $0x5;
	[smem:$0x7FF] =	sst s4;
	s9 =	smul.u32 $0xA0000, s6  }
0x9: {  	_ =	strace $0x8000004A;
	s6 =	ssub.s32 $0x2, s6;
	s12 =	sadd.s32 s10, s5  }
0xa: {  	s29 =	sshrl.u32 s6, $0x1;
	s14 =	sadd.s32 s8, s2;
	s15 =	sadd.s32 s8, s3  }
0xb: {  	s24 =	sadd.s32 s11, s3;
	s7 =	sadd.s32 s8, s7;
	s9 =	sadd.s32 s11, s9  }
0xc: {  	s13 =	ssub.s32 s6, s29;
	s30 =	sadd.s32 $0xBE00, s12;
	s31 =	sadd.s32 $0x1E00, s12  }
0xd: {  	s16 =	sadd.s32 $0x1F00, s12;
	s12 =	sadd.s32 $0xBF00, s12;
	[dreg:$0x6] =	wrdreg s30  }
0xe: {  	s24 =	sshrl.u32 s24, $0x3;
	s7 =	sshrl.u32 s7, $0x3;
	[dreg:$0x7] =	wrdreg s31  }
0xf: {  	s9 =	sshrl.u32 s9, $0x3;
	[dreg:$0x5] =	wrdreg s16;
	s11 =	smax.u32 s13, $0x1  }
0x10: {  	[dreg:$0x4] =	wrdreg s12;
	s12 =	sshrl.u32 s14, $0x3;
	s13 =	sshrl.u32 s15, $0x3  }
0x11: {  	s15 =	simm.s32 $0x4;
	s16 =	simm.s32 $0x1;
	s7 =	sadd.s32 s7, s5  }
0x12: {  	s28 =	sadd.s32 s9, s5;
	s5 =	sshll.u32 s26, $0x6;
	s26 =	simm.s32 $0x0  }
0x13: {  	s6 =	sadd.s32 $0x15E00, s7;
	s7 =	sor.u32 $0x1C04, s5;
	s10 =	sadd.s32 $0x3D000, s28  }
.LBB2_1:
0x14: {  	[spmem:s12], [sflag:s7] =	dma.local [hbm:s6], $0x1388  }
0x15: {  	[spmem:s13], [sflag:s7] =	dma.local [hbm:s6], $0x1388  }
0x16: {  	s0 =	rddreg [dreg:$0x6]  }
0x17: {  	[tilespmem:s4], [sflag:$0x1] =	stream.linear.gather [hbm4b:s0+s4], $0x800, $0x38;
	[tilespmem:$0x1E000] =	vst v63  }
0x18: {  	s1 =	simm.s32 $0x1000;
	s9 =	rddreg [dreg:$0x7]  }
0x19: {  	[tilespmem:s1], [sflag:$0x1] =	stream.linear.gather [hbm4b:s9+s4], $0x800, $0x38;
	[tilespmem:$0x1E000] =	vst v63  }
0x1a: {  	_ =	swait.ge [sflag:s15], $0x1388  }
0x1b: {  	[sflag:s15] =	ssyncset.done $0x0  }
0x1c: {  	[sflag:s15] =	ssyncadd.s32 $0xFFFFEC78  }
0x1d: {  	_ =	swait.ge [sflag:s15], $0x1388  }
0x1e: {  	[sflag:s15] =	ssyncset.done $0x0  }
0x1f: {  	[sflag:s15] =	ssyncadd.s32 $0xFFFFEC78  }
0x20: {  	[bflag:$0x0] =	sbarrier.arrive $0xFFFF  }
0x21: {  	_ =	swait.ge [sflag:s16], $0x800  }
0x22: {  	p0 =	por $0x0, $0x0;
	[sflag:s16] =	ssyncset.done $0x0  }
0x23: {  	s29 =	sand.u32 @!p0 $0x800, s4;
	[sflag:s16] =	ssyncadd.s32 $0xFFFFF800  }
0x24: {  	s31 =	sxor.u32 @!p0 $0x800, s29;
	_ =	swait.ge [sflag:s16], $0x800  }
0x25: {  	s1 =	simm.s32 @!p0 $0x0;
	s28 =	rddreg [dreg:$0x4];
	[sflag:s16] =	ssyncset.done $0x0  }
0x26: {  	s30 =	rddreg [dreg:$0x5];
	[sflag:s16] =	ssyncadd.s32 $0xFFFFF800;
	s28 =	sadd.s32 @!p0 $0x0, s28  }
0x27: {  	[tilespmem:s31], [sflag:$0x1] =	stream.linear.gather @!p0 [hbm4b:s28+s1], $0x800, $0x38;
	[tilespmem:$0x1E000] =	vst v63  }
0x28: {  	s30 =	sadd.s32 @!p0 $0x0, s30;
	s28 =	sor.u32 @!p0 $0x1000, s31  }
0x29: {  	[tilespmem:s28], [sflag:$0x1] =	stream.linear.gather @!p0 [hbm4b:s30+s1], $0x800, $0x38;
	[tilespmem:$0x1E000] =	vst v63  }
0x2a: {  	s29 =	simm.s32 @p0 $0x800  }
0x2b: {  	[tilespmem:s18], [sflag:$0x2] =	stream.indirect.gather [spmem:s2], $0x40, s29, s17, $0xb8;
	[tilespmem:$0x1E000] =	vst v63  }
0x2c: {  	s14 =	sor.u32 $0x80, s29;
	p0 =	por $0x1, $0x1  }
0x2d: {  	[tilespmem:s19], [sflag:$0x2] =	stream.indirect.gather [spmem:s2], $0x40, s14, s17, $0xb8;
	[tilespmem:$0x1E000] =	vst v63  }
0x2e: {  	s28 =	sor.u32 $0x100, s29;
	s30 =	simm.s32 @!p0 $0x3  }
0x2f: {  	[tilespmem:s20], [sflag:$0x2] =	stream.indirect.gather [spmem:s2], $0x40, s28, s17, $0xb8;
	[tilespmem:$0x1E000] =	vst v63  }
0x30: {  	_ =	swait.ge @!p0 [sflag:s30], $0x2000  }
0x31: {  	[sflag:s30] =	ssyncset.done @!p0 $0x0  }
0x32: {  	s0 =	sor.u32 $0x180, s29;
	[sflag:s30] =	ssyncadd.s32 @!p0 $0xFFFFE000  }
0x33: {  	[tilespmem:s21], [sflag:$0x2] =	stream.indirect.gather [spmem:s2], $0x40, s0, s17, $0xb8;
	[tilespmem:$0x1E000] =	vst v63  }
0x34: {  	_ =	swait.ge [sflag:s22], $0x2000  }
0x35: {  	[sflag:s22] =	ssyncset.done $0x0  }
0x36: {  	s30 =	sor.u32 $0x1000, s29;
	[sflag:s22] =	ssyncadd.s32 $0xFFFFE000  }
0x37: {  	[spmem:s3] =	stream.indirect.scatter.add.f32 [tilespmem:s18], [sflag:$0x3], $0x40, s30, s17, $0xb8;
	[tilespmem:$0x1E000] =	vst v63  }
0x38: {  	_ =	swait.ge [sflag:s23], $0x2000  }
0x39: {  	[sflag:s23] =	ssyncset.done $0x0  }
0x3a: {  	s30 =	sor.u32 $0x200, s29;
	[sflag:s23] =	ssyncadd.s32 $0xFFFFE000  }
0x3b: {  	[tilespmem:s18], [sflag:$0x2] =	stream.indirect.gather [spmem:s2], $0x40, s30, s17, $0xb8;
	[tilespmem:$0x1E000] =	vst v63  }
0x3c: {  	_ =	swait.ge [sflag:s22], $0x2000  }
0x3d: {  	[sflag:s22] =	ssyncset.done $0x0  }
0x3e: {  	s1 =	sor.u32 $0x1000, s14;
	[sflag:s22] =	ssyncadd.s32 $0xFFFFE000  }
0x3f: {  	[spmem:s3] =	stream.indirect.scatter.add.f32 [tilespmem:s19], [sflag:$0x3], $0x40, s1, s17, $0xb8;
	[tilespmem:$0x1E000] =	vst v63  }
0x40: {  	_ =	swait.ge [sflag:s23], $0x2000  }
0x41: {  	[sflag:s23] =	ssyncset.done $0x0  }
0x42: {  	s8 =	sor.u32 $0x280, s29;
	[sflag:s23] =	ssyncadd.s32 $0xFFFFE000  }
0x43: {  	[tilespmem:s19], [sflag:$0x2] =	stream.indirect.gather [spmem:s2], $0x40, s8, s17, $0xb8;
	[tilespmem:$0x1E000] =	vst v63  }
0x44: {  	_ =	swait.ge [sflag:s22], $0x2000  }
0x45: {  	[sflag:s22] =	ssyncset.done $0x0  }
0x46: {  	s9 =	sor.u32 $0x1000, s28;
	[sflag:s22] =	ssyncadd.s32 $0xFFFFE000  }
0x47: {  	[spmem:s3] =	stream.indirect.scatter.add.f32 [tilespmem:s20], [sflag:$0x3], $0x40, s9, s17, $0xb8;
	[tilespmem:$0x1E000] =	vst v63  }
0x48: {  	_ =	swait.ge [sflag:s23], $0x2000  }
0x49: {  	[sflag:s23] =	ssyncset.done $0x0  }
0x4a: {  	s14 =	sor.u32 $0x300, s29;
	[sflag:s23] =	ssyncadd.s32 $0xFFFFE000  }
0x4b: {  	[tilespmem:s20], [sflag:$0x2] =	stream.indirect.gather [spmem:s2], $0x40, s14, s17, $0xb8;
	[tilespmem:$0x1E000] =	vst v63  }
0x4c: {  	_ =	swait.ge [sflag:s22], $0x2000  }
0x4d: {  	[sflag:s22] =	ssyncset.done $0x0  }
0x4e: {  	s31 =	sor.u32 $0x1180, s29;
	[sflag:s22] =	ssyncadd.s32 $0xFFFFE000  }
0x4f: {  	[spmem:s3] =	stream.indirect.scatter.add.f32 [tilespmem:s21], [sflag:$0x3], $0x40, s31, s17, $0xb8;
	[tilespmem:$0x1E000] =	vst v63  }
0x50: {  	_ =	swait.ge [sflag:s23], $0x2000  }
0x51: {  	[sflag:s23] =	ssyncset.done $0x0  }
0x52: {  	s0 =	sor.u32 $0x380, s29;
	[sflag:s23] =	ssyncadd.s32 $0xFFFFE000  }
0x53: {  	[tilespmem:s21], [sflag:$0x2] =	stream.indirect.gather [spmem:s2], $0x40, s0, s17, $0xb8;
	[tilespmem:$0x1E000] =	vst v63  }
0x54: {  	_ =	swait.ge [sflag:s22], $0x2000  }
0x55: {  	[sflag:s22] =	ssyncset.done $0x0  }
0x56: {  	s8 =	sor.u32 $0x1200, s29;
	[sflag:s22] =	ssyncadd.s32 $0xFFFFE000  }
0x57: {  	[spmem:s3] =	stream.indirect.scatter.add.f32 [tilespmem:s18], [sflag:$0x3], $0x40, s8, s17, $0xb8;
	[tilespmem:$0x1E000] =	vst v63  }
0x58: {  	_ =	swait.ge [sflag:s23], $0x2000  }
0x59: {  	[sflag:s23] =	ssyncset.done $0x0  }
0x5a: {  	s9 =	sor.u32 $0x400, s29;
	[sflag:s23] =	ssyncadd.s32 $0xFFFFE000  }
0x5b: {  	[tilespmem:s18], [sflag:$0x2] =	stream.indirect.gather [spmem:s2], $0x40, s9, s17, $0xb8;
	[tilespmem:$0x1E000] =	vst v63  }
0x5c: {  	_ =	swait.ge [sflag:s22], $0x2000  }
0x5d: {  	[sflag:s22] =	ssyncset.done $0x0  }
0x5e: {  	s14 =	sor.u32 $0x1280, s29;
	[sflag:s22] =	ssyncadd.s32 $0xFFFFE000  }
0x5f: {  	[spmem:s3] =	stream.indirect.scatter.add.f32 [tilespmem:s19], [sflag:$0x3], $0x40, s14, s17, $0xb8;
	[tilespmem:$0x1E000] =	vst v63  }
0x60: {  	_ =	swait.ge [sflag:s23], $0x2000  }
0x61: {  	[sflag:s23] =	ssyncset.done $0x0  }
0x62: {  	s31 =	sor.u32 $0x480, s29;
	[sflag:s23] =	ssyncadd.s32 $0xFFFFE000  }
0x63: {  	[tilespmem:s19], [sflag:$0x2] =	stream.indirect.gather [spmem:s2], $0x40, s31, s17, $0xb8;
	[tilespmem:$0x1E000] =	vst v63  }
0x64: {  	_ =	swait.ge [sflag:s22], $0x2000  }
0x65: {  	[sflag:s22] =	ssyncset.done $0x0  }
0x66: {  	s0 =	sor.u32 $0x1300, s29;
	[sflag:s22] =	ssyncadd.s32 $0xFFFFE000  }
0x67: {  	[spmem:s3] =	stream.indirect.scatter.add.f32 [tilespmem:s20], [sflag:$0x3], $0x40, s0, s17, $0xb8;
	[tilespmem:$0x1E000] =	vst v63  }
0x68: {  	_ =	swait.ge [sflag:s23], $0x2000  }
0x69: {  	[sflag:s23] =	ssyncset.done $0x0  }
0x6a: {  	s8 =	sor.u32 $0x500, s29;
	[sflag:s23] =	ssyncadd.s32 $0xFFFFE000  }
0x6b: {  	[tilespmem:s20], [sflag:$0x2] =	stream.indirect.gather [spmem:s2], $0x40, s8, s17, $0xb8;
	[tilespmem:$0x1E000] =	vst v63  }
0x6c: {  	_ =	swait.ge [sflag:s22], $0x2000  }
0x6d: {  	[sflag:s22] =	ssyncset.done $0x0  }
0x6e: {  	s9 =	sor.u32 $0x1380, s29;
	[sflag:s22] =	ssyncadd.s32 $0xFFFFE000  }
0x6f: {  	[spmem:s3] =	stream.indirect.scatter.add.f32 [tilespmem:s21], [sflag:$0x3], $0x40, s9, s17, $0xb8;
	[tilespmem:$0x1E000] =	vst v63  }
0x70: {  	_ =	swait.ge [sflag:s23], $0x2000  }
0x71: {  	[sflag:s23] =	ssyncset.done $0x0  }
0x72: {  	s14 =	sor.u32 $0x580, s29;
	[sflag:s23] =	ssyncadd.s32 $0xFFFFE000  }
0x73: {  	[tilespmem:s21], [sflag:$0x2] =	stream.indirect.gather [spmem:s2], $0x40, s14, s17, $0xb8;
	[tilespmem:$0x1E000] =	vst v63  }
0x74: {  	_ =	swait.ge [sflag:s22], $0x2000  }
0x75: {  	[sflag:s22] =	ssyncset.done $0x0  }
0x76: {  	s31 =	sor.u32 $0x1400, s29;
	[sflag:s22] =	ssyncadd.s32 $0xFFFFE000  }
0x77: {  	[spmem:s3] =	stream.indirect.scatter.add.f32 [tilespmem:s18], [sflag:$0x3], $0x40, s31, s17, $0xb8;
	[tilespmem:$0x1E000] =	vst v63  }
0x78: {  	_ =	swait.ge [sflag:s23], $0x2000  }
0x79: {  	[sflag:s23] =	ssyncset.done $0x0  }
0x7a: {  	s0 =	sor.u32 $0x600, s29;
	[sflag:s23] =	ssyncadd.s32 $0xFFFFE000  }
0x7b: {  	[tilespmem:s18], [sflag:$0x2] =	stream.indirect.gather [spmem:s2], $0x40, s0, s17, $0xb8;
	[tilespmem:$0x1E000] =	vst v63  }
0x7c: {  	_ =	swait.ge [sflag:s22], $0x2000  }
0x7d: {  	[sflag:s22] =	ssyncset.done $0x0  }
0x7e: {  	s8 =	sor.u32 $0x1480, s29;
	[sflag:s22] =	ssyncadd.s32 $0xFFFFE000  }
0x7f: {  	[spmem:s3] =	stream.indirect.scatter.add.f32 [tilespmem:s19], [sflag:$0x3], $0x40, s8, s17, $0xb8;
	[tilespmem:$0x1E000] =	vst v63  }
0x80: {  	_ =	swait.ge [sflag:s23], $0x2000  }
0x81: {  	[sflag:s23] =	ssyncset.done $0x0  }
0x82: {  	s9 =	sor.u32 $0x680, s29;
	[sflag:s23] =	ssyncadd.s32 $0xFFFFE000  }
0x83: {  	[tilespmem:s19], [sflag:$0x2] =	stream.indirect.gather [spmem:s2], $0x40, s9, s17, $0xb8;
	[tilespmem:$0x1E000] =	vst v63  }
0x84: {  	_ =	swait.ge [sflag:s22], $0x2000  }
0x85: {  	[sflag:s22] =	ssyncset.done $0x0  }
0x86: {  	s14 =	sor.u32 $0x1500, s29;
	[sflag:s22] =	ssyncadd.s32 $0xFFFFE000  }
0x87: {  	[spmem:s3] =	stream.indirect.scatter.add.f32 [tilespmem:s20], [sflag:$0x3], $0x40, s14, s17, $0xb8;
	[tilespmem:$0x1E000] =	vst v63  }
0x88: {  	_ =	swait.ge [sflag:s23], $0x2000  }
0x89: {  	[sflag:s23] =	ssyncset.done $0x0  }
0x8a: {  	s31 =	sor.u32 $0x700, s29;
	[sflag:s23] =	ssyncadd.s32 $0xFFFFE000  }
0x8b: {  	[tilespmem:s20], [sflag:$0x2] =	stream.indirect.gather [spmem:s2], $0x40, s31, s17, $0xb8;
	[tilespmem:$0x1E000] =	vst v63  }
0x8c: {  	_ =	swait.ge [sflag:s22], $0x2000  }
0x8d: {  	[sflag:s22] =	ssyncset.done $0x0  }
0x8e: {  	s0 =	sor.u32 $0x1580, s29;
	[sflag:s22] =	ssyncadd.s32 $0xFFFFE000  }
0x8f: {  	[spmem:s3] =	stream.indirect.scatter.add.f32 [tilespmem:s21], [sflag:$0x3], $0x40, s0, s17, $0xb8;
	[tilespmem:$0x1E000] =	vst v63  }
0x90: {  	_ =	swait.ge [sflag:s23], $0x2000  }
0x91: {  	[sflag:s23] =	ssyncset.done $0x0  }
0x92: {  	s8 =	sor.u32 $0x780, s29;
	[sflag:s23] =	ssyncadd.s32 $0xFFFFE000  }
0x93: {  	[tilespmem:s21], [sflag:$0x2] =	stream.indirect.gather [spmem:s2], $0x40, s8, s17, $0xb8;
	[tilespmem:$0x1E000] =	vst v63  }
0x94: {  	_ =	swait.ge [sflag:s22], $0x2000  }
0x95: {  	[sflag:s22] =	ssyncset.done $0x0  }
0x96: {  	s9 =	sor.u32 $0x1600, s29;
	[sflag:s22] =	ssyncadd.s32 $0xFFFFE000  }
0x97: {  	[spmem:s3] =	stream.indirect.scatter.add.f32 [tilespmem:s18], [sflag:$0x3], $0x40, s9, s17, $0xb8;
	[tilespmem:$0x1E000] =	vst v63  }
0x98: {  	_ =	swait.ge [sflag:s23], $0x2000  }
0x99: {  	[sflag:s23] =	ssyncset.done $0x0  }
0x9a: {  	[sflag:s23] =	ssyncadd.s32 $0xFFFFE000  }
0x9b: {  	_ =	swait.ge [sflag:s22], $0x2000  }
0x9c: {  	[sflag:s22] =	ssyncset.done $0x0  }
0x9d: {  	s14 =	sor.u32 $0x1680, s29;
	[sflag:s22] =	ssyncadd.s32 $0xFFFFE000  }
0x9e: {  	[spmem:s3] =	stream.indirect.scatter.add.f32 [tilespmem:s19], [sflag:$0x3], $0x40, s14, s17, $0xb8;
	[tilespmem:$0x1E000] =	vst v63  }
0x9f: {  	_ =	swait.ge [sflag:s23], $0x2000  }
0xa0: {  	[sflag:s23] =	ssyncset.done $0x0  }
0xa1: {  	[sflag:s23] =	ssyncadd.s32 $0xFFFFE000  }
0xa2: {  	_ =	swait.ge [sflag:s22], $0x2000  }
0xa3: {  	[sflag:s22] =	ssyncset.done $0x0  }
0xa4: {  	s31 =	sor.u32 $0x1700, s29;
	[sflag:s22] =	ssyncadd.s32 $0xFFFFE000  }
0xa5: {  	[spmem:s3] =	stream.indirect.scatter.add.f32 [tilespmem:s20], [sflag:$0x3], $0x40, s31, s17, $0xb8;
	[tilespmem:$0x1E000] =	vst v63  }
0xa6: {  	_ =	swait.ge [sflag:s23], $0x2000  }
0xa7: {  	[sflag:s23] =	ssyncset.done $0x0  }
0xa8: {  	[sflag:s23] =	ssyncadd.s32 $0xFFFFE000  }
0xa9: {  	s28 =	simm.s32 $0x100;
	_ =	swait.ge [sflag:s22], $0x2000  }
0xaa: {  	s30 =	sor.u32 $0x1780, s29;
	s29 =	simm.s32 $0x0;
	[sflag:s22] =	ssyncset.done $0x0  }
.LBB2_2:
0xab: {  	[sflag:s22] =	ssyncadd.s32 $0xFFFFE000  }
0xac: {  	[spmem:s3] =	stream.indirect.scatter.add.f32 [tilespmem:s21], [sflag:$0x3], $0x40, s30, s17, $0xb8;
	[tilespmem:$0x1E000] =	vst v63  }
0xad: {  	_ =	swait.ge [sflag:s16], $0x800  }
0xae: {  	s1 =	smov.u32 s28;
	[sflag:s16] =	ssyncset.done $0x0  }
0xaf: {  	s29 =	sadd.s32 $0x800, s29;
	p1 =	seq.s32 s1, $0x900;
	[sflag:s16] =	ssyncadd.s32 $0xFFFFF800  }
0xb0: {  	s30 =	sand.u32 @!p1 $0x800, s29;
	s8 =	simm.s32 @!p1 $0x0;
	_ =	swait.ge [sflag:s16], $0x800  }
0xb1: {  	s14 =	sxor.u32 @!p1 $0x800, s30;
	s31 =	rddreg [dreg:$0x4];
	[sflag:s16] =	ssyncset.done $0x0  }
0xb2: {  	s0 =	rddreg [dreg:$0x5];
	[sflag:s16] =	ssyncadd.s32 $0xFFFFF800;
	s31 =	sadd.s32 @!p1 s1, s31  }
0xb3: {  	[tilespmem:s14], [sflag:$0x1] =	stream.linear.gather @!p1 [hbm4b:s31+s8], $0x800, $0x38;
	[tilespmem:$0x1E000] =	vst v63  }
0xb4: {  	s9 =	sor.u32 @!p1 $0x1000, s14;
	s0 =	sadd.s32 @!p1 s1, s0  }
0xb5: {  	[tilespmem:s9], [sflag:$0x1] =	stream.linear.gather @!p1 [hbm4b:s0+s8], $0x800, $0x38;
	[tilespmem:$0x1E000] =	vst v63  }
0xb6: {  	s30 =	simm.s32 @p1 $0x800  }
0xb7: {  	[tilespmem:s18], [sflag:$0x2] =	stream.indirect.gather [spmem:s2], $0x40, s30, s17, $0xb8;
	[tilespmem:$0x1E000] =	vst v63  }
0xb8: {  	s0 =	sor.u32 $0x80, s30;
	p1 =	seq.s32 s1, $0x0  }
0xb9: {  	[tilespmem:s19], [sflag:$0x2] =	stream.indirect.gather [spmem:s2], $0x40, s0, s17, $0xb8;
	[tilespmem:$0x1E000] =	vst v63  }
0xba: {  	s8 =	sor.u32 $0x100, s30;
	s1 =	simm.s32 @!p1 $0x3  }
0xbb: {  	[tilespmem:s20], [sflag:$0x2] =	stream.indirect.gather [spmem:s2], $0x40, s8, s17, $0xb8;
	[tilespmem:$0x1E000] =	vst v63  }
0xbc: {  	_ =	swait.ge @!p1 [sflag:s1], $0x2000  }
0xbd: {  	[sflag:s1] =	ssyncset.done @!p1 $0x0  }
0xbe: {  	s31 =	sor.u32 $0x180, s30;
	[sflag:s1] =	ssyncadd.s32 @!p1 $0xFFFFE000  }
0xbf: {  	[tilespmem:s21], [sflag:$0x2] =	stream.indirect.gather [spmem:s2], $0x40, s31, s17, $0xb8;
	[tilespmem:$0x1E000] =	vst v63  }
0xc0: {  	_ =	swait.ge [sflag:s22], $0x2000  }
0xc1: {  	[sflag:s22] =	ssyncset.done $0x0  }
0xc2: {  	s14 =	sor.u32 $0x1000, s30;
	[sflag:s22] =	ssyncadd.s32 $0xFFFFE000  }
0xc3: {  	[spmem:s3] =	stream.indirect.scatter.add.f32 [tilespmem:s18], [sflag:$0x3], $0x40, s14, s17, $0xb8;
	[tilespmem:$0x1E000] =	vst v63  }
0xc4: {  	_ =	swait.ge [sflag:s23], $0x2000  }
0xc5: {  	[sflag:s23] =	ssyncset.done $0x0  }
0xc6: {  	s31 =	sor.u32 $0x200, s30;
	[sflag:s23] =	ssyncadd.s32 $0xFFFFE000  }
0xc7: {  	[tilespmem:s18], [sflag:$0x2] =	stream.indirect.gather [spmem:s2], $0x40, s31, s17, $0xb8;
	[tilespmem:$0x1E000] =	vst v63  }
0xc8: {  	_ =	swait.ge [sflag:s22], $0x2000  }
0xc9: {  	[sflag:s22] =	ssyncset.done $0x0  }
0xca: {  	s0 =	sor.u32 $0x1000, s0;
	[sflag:s22] =	ssyncadd.s32 $0xFFFFE000  }
0xcb: {  	[spmem:s3] =	stream.indirect.scatter.add.f32 [tilespmem:s19], [sflag:$0x3], $0x40, s0, s17, $0xb8;
	[tilespmem:$0x1E000] =	vst v63  }
0xcc: {  	_ =	swait.ge [sflag:s23], $0x2000  }
0xcd: {  	[sflag:s23] =	ssyncset.done $0x0  }
0xce: {  	s1 =	sor.u32 $0x280, s30;
	[sflag:s23] =	ssyncadd.s32 $0xFFFFE000  }
0xcf: {  	[tilespmem:s19], [sflag:$0x2] =	stream.indirect.gather [spmem:s2], $0x40, s1, s17, $0xb8;
	[tilespmem:$0x1E000] =	vst v63  }
0xd0: {  	_ =	swait.ge [sflag:s22], $0x2000  }
0xd1: {  	[sflag:s22] =	ssyncset.done $0x0  }
0xd2: {  	s9 =	sor.u32 $0x1000, s8;
	[sflag:s22] =	ssyncadd.s32 $0xFFFFE000  }
0xd3: {  	[spmem:s3] =	stream.indirect.scatter.add.f32 [tilespmem:s20], [sflag:$0x3], $0x40, s9, s17, $0xb8;
	[tilespmem:$0x1E000] =	vst v63  }
0xd4: {  	_ =	swait.ge [sflag:s23], $0x2000  }
0xd5: {  	[sflag:s23] =	ssyncset.done $0x0  }
0xd6: {  	s14 =	sor.u32 $0x300, s30;
	[sflag:s23] =	ssyncadd.s32 $0xFFFFE000  }
0xd7: {  	[tilespmem:s20], [sflag:$0x2] =	stream.indirect.gather [spmem:s2], $0x40, s14, s17, $0xb8;
	[tilespmem:$0x1E000] =	vst v63  }
0xd8: {  	_ =	swait.ge [sflag:s22], $0x2000  }
0xd9: {  	[sflag:s22] =	ssyncset.done $0x0  }
0xda: {  	s31 =	sor.u32 $0x1180, s30;
	[sflag:s22] =	ssyncadd.s32 $0xFFFFE000  }
0xdb: {  	[spmem:s3] =	stream.indirect.scatter.add.f32 [tilespmem:s21], [sflag:$0x3], $0x40, s31, s17, $0xb8;
	[tilespmem:$0x1E000] =	vst v63  }
0xdc: {  	_ =	swait.ge [sflag:s23], $0x2000  }
0xdd: {  	[sflag:s23] =	ssyncset.done $0x0  }
0xde: {  	s1 =	sor.u32 $0x380, s30;
	[sflag:s23] =	ssyncadd.s32 $0xFFFFE000  }
0xdf: {  	[tilespmem:s21], [sflag:$0x2] =	stream.indirect.gather [spmem:s2], $0x40, s1, s17, $0xb8;
	[tilespmem:$0x1E000] =	vst v63  }
0xe0: {  	_ =	swait.ge [sflag:s22], $0x2000  }
0xe1: {  	[sflag:s22] =	ssyncset.done $0x0  }
0xe2: {  	s8 =	sor.u32 $0x1200, s30;
	[sflag:s22] =	ssyncadd.s32 $0xFFFFE000  }
0xe3: {  	[spmem:s3] =	stream.indirect.scatter.add.f32 [tilespmem:s18], [sflag:$0x3], $0x40, s8, s17, $0xb8;
	[tilespmem:$0x1E000] =	vst v63  }
0xe4: {  	_ =	swait.ge [sflag:s23], $0x2000  }
0xe5: {  	[sflag:s23] =	ssyncset.done $0x0  }
0xe6: {  	s9 =	sor.u32 $0x400, s30;
	[sflag:s23] =	ssyncadd.s32 $0xFFFFE000  }
0xe7: {  	[tilespmem:s18], [sflag:$0x2] =	stream.indirect.gather [spmem:s2], $0x40, s9, s17, $0xb8;
	[tilespmem:$0x1E000] =	vst v63  }
0xe8: {  	_ =	swait.ge [sflag:s22], $0x2000  }
0xe9: {  	[sflag:s22] =	ssyncset.done $0x0  }
0xea: {  	s14 =	sor.u32 $0x1280, s30;
	[sflag:s22] =	ssyncadd.s32 $0xFFFFE000  }
0xeb: {  	[spmem:s3] =	stream.indirect.scatter.add.f32 [tilespmem:s19], [sflag:$0x3], $0x40, s14, s17, $0xb8;
	[tilespmem:$0x1E000] =	vst v63  }
0xec: {  	_ =	swait.ge [sflag:s23], $0x2000  }
0xed: {  	[sflag:s23] =	ssyncset.done $0x0  }
0xee: {  	s31 =	sor.u32 $0x480, s30;
	[sflag:s23] =	ssyncadd.s32 $0xFFFFE000  }
0xef: {  	[tilespmem:s19], [sflag:$0x2] =	stream.indirect.gather [spmem:s2], $0x40, s31, s17, $0xb8;
	[tilespmem:$0x1E000] =	vst v63  }
0xf0: {  	_ =	swait.ge [sflag:s22], $0x2000  }
0xf1: {  	[sflag:s22] =	ssyncset.done $0x0  }
0xf2: {  	s1 =	sor.u32 $0x1300, s30;
	[sflag:s22] =	ssyncadd.s32 $0xFFFFE000  }
0xf3: {  	[spmem:s3] =	stream.indirect.scatter.add.f32 [tilespmem:s20], [sflag:$0x3], $0x40, s1, s17, $0xb8;
	[tilespmem:$0x1E000] =	vst v63  }
0xf4: {  	_ =	swait.ge [sflag:s23], $0x2000  }
0xf5: {  	[sflag:s23] =	ssyncset.done $0x0  }
0xf6: {  	s8 =	sor.u32 $0x500, s30;
	[sflag:s23] =	ssyncadd.s32 $0xFFFFE000  }
0xf7: {  	[tilespmem:s20], [sflag:$0x2] =	stream.indirect.gather [spmem:s2], $0x40, s8, s17, $0xb8;
	[tilespmem:$0x1E000] =	vst v63  }
0xf8: {  	_ =	swait.ge [sflag:s22], $0x2000  }
0xf9: {  	[sflag:s22] =	ssyncset.done $0x0  }
0xfa: {  	s9 =	sor.u32 $0x1380, s30;
	[sflag:s22] =	ssyncadd.s32 $0xFFFFE000  }
0xfb: {  	[spmem:s3] =	stream.indirect.scatter.add.f32 [tilespmem:s21], [sflag:$0x3], $0x40, s9, s17, $0xb8;
	[tilespmem:$0x1E000] =	vst v63  }
0xfc: {  	_ =	swait.ge [sflag:s23], $0x2000  }
0xfd: {  	[sflag:s23] =	ssyncset.done $0x0  }
0xfe: {  	s14 =	sor.u32 $0x580, s30;
	[sflag:s23] =	ssyncadd.s32 $0xFFFFE000  }
0xff: {  	[tilespmem:s21], [sflag:$0x2] =	stream.indirect.gather [spmem:s2], $0x40, s14, s17, $0xb8;
	[tilespmem:$0x1E000] =	vst v63  }
0x100: {  	_ =	swait.ge [sflag:s22], $0x2000  }
0x101: {  	[sflag:s22] =	ssyncset.done $0x0  }
0x102: {  	s31 =	sor.u32 $0x1400, s30;
	[sflag:s22] =	ssyncadd.s32 $0xFFFFE000  }
0x103: {  	[spmem:s3] =	stream.indirect.scatter.add.f32 [tilespmem:s18], [sflag:$0x3], $0x40, s31, s17, $0xb8;
	[tilespmem:$0x1E000] =	vst v63  }
0x104: {  	_ =	swait.ge [sflag:s23], $0x2000  }
0x105: {  	[sflag:s23] =	ssyncset.done $0x0  }
0x106: {  	s1 =	sor.u32 $0x600, s30;
	[sflag:s23] =	ssyncadd.s32 $0xFFFFE000  }
0x107: {  	[tilespmem:s18], [sflag:$0x2] =	stream.indirect.gather [spmem:s2], $0x40, s1, s17, $0xb8;
	[tilespmem:$0x1E000] =	vst v63  }
0x108: {  	_ =	swait.ge [sflag:s22], $0x2000  }
0x109: {  	[sflag:s22] =	ssyncset.done $0x0  }
0x10a: {  	s8 =	sor.u32 $0x1480, s30;
	[sflag:s22] =	ssyncadd.s32 $0xFFFFE000  }
0x10b: {  	[spmem:s3] =	stream.indirect.scatter.add.f32 [tilespmem:s19], [sflag:$0x3], $0x40, s8, s17, $0xb8;
	[tilespmem:$0x1E000] =	vst v63  }
0x10c: {  	_ =	swait.ge [sflag:s23], $0x2000  }
0x10d: {  	[sflag:s23] =	ssyncset.done $0x0  }
0x10e: {  	s9 =	sor.u32 $0x680, s30;
	[sflag:s23] =	ssyncadd.s32 $0xFFFFE000  }
0x10f: {  	[tilespmem:s19], [sflag:$0x2] =	stream.indirect.gather [spmem:s2], $0x40, s9, s17, $0xb8;
	[tilespmem:$0x1E000] =	vst v63  }
0x110: {  	_ =	swait.ge [sflag:s22], $0x2000  }
0x111: {  	[sflag:s22] =	ssyncset.done $0x0  }
0x112: {  	s14 =	sor.u32 $0x1500, s30;
	[sflag:s22] =	ssyncadd.s32 $0xFFFFE000  }
0x113: {  	[spmem:s3] =	stream.indirect.scatter.add.f32 [tilespmem:s20], [sflag:$0x3], $0x40, s14, s17, $0xb8;
	[tilespmem:$0x1E000] =	vst v63  }
0x114: {  	_ =	swait.ge [sflag:s23], $0x2000  }
0x115: {  	[sflag:s23] =	ssyncset.done $0x0  }
0x116: {  	s31 =	sor.u32 $0x700, s30;
	[sflag:s23] =	ssyncadd.s32 $0xFFFFE000  }
0x117: {  	[tilespmem:s20], [sflag:$0x2] =	stream.indirect.gather [spmem:s2], $0x40, s31, s17, $0xb8;
	[tilespmem:$0x1E000] =	vst v63  }
0x118: {  	_ =	swait.ge [sflag:s22], $0x2000  }
0x119: {  	[sflag:s22] =	ssyncset.done $0x0  }
0x11a: {  	s1 =	sor.u32 $0x1580, s30;
	[sflag:s22] =	ssyncadd.s32 $0xFFFFE000  }
0x11b: {  	[spmem:s3] =	stream.indirect.scatter.add.f32 [tilespmem:s21], [sflag:$0x3], $0x40, s1, s17, $0xb8;
	[tilespmem:$0x1E000] =	vst v63  }
0x11c: {  	_ =	swait.ge [sflag:s23], $0x2000  }
0x11d: {  	[sflag:s23] =	ssyncset.done $0x0  }
0x11e: {  	s8 =	sor.u32 $0x780, s30;
	[sflag:s23] =	ssyncadd.s32 $0xFFFFE000  }
0x11f: {  	[tilespmem:s21], [sflag:$0x2] =	stream.indirect.gather [spmem:s2], $0x40, s8, s17, $0xb8;
	[tilespmem:$0x1E000] =	vst v63  }
0x120: {  	_ =	swait.ge [sflag:s22], $0x2000  }
0x121: {  	[sflag:s22] =	ssyncset.done $0x0  }
0x122: {  	s9 =	sor.u32 $0x1600, s30;
	[sflag:s22] =	ssyncadd.s32 $0xFFFFE000  }
0x123: {  	[spmem:s3] =	stream.indirect.scatter.add.f32 [tilespmem:s18], [sflag:$0x3], $0x40, s9, s17, $0xb8;
	[tilespmem:$0x1E000] =	vst v63  }
0x124: {  	_ =	swait.ge [sflag:s23], $0x2000  }
0x125: {  	[sflag:s23] =	ssyncset.done $0x0  }
0x126: {  	[sflag:s23] =	ssyncadd.s32 $0xFFFFE000  }
0x127: {  	_ =	swait.ge [sflag:s22], $0x2000  }
0x128: {  	[sflag:s22] =	ssyncset.done $0x0  }
0x129: {  	s14 =	sor.u32 $0x1680, s30;
	[sflag:s22] =	ssyncadd.s32 $0xFFFFE000  }
0x12a: {  	[spmem:s3] =	stream.indirect.scatter.add.f32 [tilespmem:s19], [sflag:$0x3], $0x40, s14, s17, $0xb8;
	[tilespmem:$0x1E000] =	vst v63  }
0x12b: {  	_ =	swait.ge [sflag:s23], $0x2000  }
0x12c: {  	[sflag:s23] =	ssyncset.done $0x0  }
0x12d: {  	[sflag:s23] =	ssyncadd.s32 $0xFFFFE000  }
0x12e: {  	_ =	swait.ge [sflag:s22], $0x2000  }
0x12f: {  	s28 =	sadd.s32 $0x100, s28;
	[sflag:s22] =	ssyncset.done $0x0  }
0x130: {  	p0 =	sne.s32 s28, $0xA00;
	s31 =	sor.u32 $0x1700, s30;
	[sflag:s22] =	ssyncadd.s32 $0xFFFFE000  }
0x131: {  	[spmem:s3] =	stream.indirect.scatter.add.f32 [tilespmem:s20], [sflag:$0x3], $0x40, s31, s17, $0xb8;
	[tilespmem:$0x1E000] =	vst v63  }
.Ltmp0:
0x132: {  	_ =	swait.ge [sflag:s23], $0x2000;
	(pc) =	sbr.rel @p0 .LBB2_2-.Ltmp0, $4  }
0x133: {  	[sflag:s23] =	ssyncset.done $0x0  }
0x134: {  	[sflag:s23] =	ssyncadd.s32 $0xFFFFE000  }
0x135: {  	_ =	swait.ge [sflag:s22], $0x2000  }
0x136: {  	s30 =	sor.u32 $0x1780, s30;
	[sflag:s22] =	ssyncset.done $0x0  }
0x137: {  	[sflag:s22] =	ssyncadd.s32 $0xFFFFE000  }
0x138: {  	[spmem:s3] =	stream.indirect.scatter.add.f32 [tilespmem:s21], [sflag:$0x3], $0x40, s30, s17, $0xb8;
	[tilespmem:$0x1E000] =	vst v63  }
0x139: {  	_ =	swait.ge [sflag:s23], $0x2000  }
0x13a: {  	s26 =	sadd.s32 $0x1, s26;
	[sflag:s23] =	ssyncset.done $0x0  }
0x13b: {  	p0 =	sne.s32 s26, s11;
	[sflag:s23] =	ssyncadd.s32 $0xFFFFE000  }
.Ltmp1:
0x13c: {  	s0 =	sor.u32 $0x1C05, s5;
	[bflag:$0x0] =	sbarrier.arrive $0xFFFF;
	(pc) =	sbr.rel @p0 .LBB2_1-.Ltmp1, $4  }
0x13d: {  	[hbm:s10], [sflag:s0] =	dma.local [spmem:s24], $0x1400  }
0x13e: {  	_ =	swait.ge [sflag:s25], $0x1400  }
0x13f: {  	[sflag:s25] =	ssyncset.done $0x0  }
0x140: {  	[sflag:s25] =	ssyncadd.s32 $0xFFFFEC00  }
0x141: {  	_ =	sfence.sel $0x180000  }
0x142: {  	[bflag:$0x0] =	sbarrier.arrive $0xFFFF  }
0x143: {  	_ =	strace $0x9000004A  }
0x144: {  	s0 =	stileid.u32;
	[bflag:$0x2] =	sbarrier.arrive $0xFFFF  }
0x145: {  	p0 =	sne.s32 s0, $0x0;
	s0 =	rddreg [dreg:$0x3]  }
0x146: {  	s0 =	sadd.s32 @!p0 $0x100000, s0  }
0x147: {  	[sflag:s0] =	ssyncadd.tile.s32 @!p0 $0x1;
	_ =	shalt  }
.Lfunc_end2:
_tile_overlayer_lowered:
.L_overlay_start_2:
0x148: {  	(tag) =	ssettag $0x2  }
0x149: {  	s0 =	rddreg [dreg:$0x0];
	s2 =	stileid.u32  }
0x14a: {  	s1 =	rddreg [dreg:$0x1];
	p0 =	sne.s32 s2, $0x0  }
0x14b: {  	s3 =	rddreg [dreg:$0x2];
	[bflag:$0x3] =	sbarrier.arrive $0xFFFF;
	s2 =	simm.s32 @!p0 $0x1C05  }
0x14c: {  	[timem:s3], [sflag:s2] =	dma.local @!p0 [hbm:s0], s1  }
0x14d: {  	s0 =	simm.s32 @!p0 $0x5  }
0x14e: {  	_ =	swait.ge @!p0 [sflag:s0], s1  }
0x14f: {  	s1 =	ssub.s32 @!p0 $0x0, s1;
	[sflag:s0] =	ssyncset.done @!p0 $0x0  }
0x150: {  	[sflag:s0] =	ssyncadd.s32 @!p0 s1  }
0x151: {  	[bflag:$0x3] =	sbarrier.arrive $0xFFFF  }
0x152: {  	_ =	shalt  }

// kernel: kernel.16.cloned.1.call-start
scs
__scs_entry_jumppad:
0x0: {  	(pc) =	sbr.rel $0x88, $3  }
0x1: {  	(tag) =	ssettag $0x0;
	lr =	simm.s32 $0x1  }
0x2: {  	[smem:$0x3F99] =	sst lr;
	_ =	strace $0xD0000000  }
0x3: {  	_ = 	snop  }
0x4: {  	_ = 	snop  }
0x5: {  	_ = 	snop  }
0x6: {  	_ = 	snop  }
0x7: {  	_ = 	snop  }
__scs_overlays_trampoline_lowered:
0x8: {  	[smem:$0x3FA8] =	sst s0  }
0x9: {  	[smem:$0x3FA9] =	sst s1  }
0xa: {  	[smem:$0x3FAA] =	sst s2  }
0xb: {  	[smem:$0x3FAB] =	sst s3  }
0xc: {  	[smem:$0x3FAC] =	sst s4  }
0xd: {  	[smem:$0x3FAD] =	sst s5  }
0xe: {  	[smem:$0x3FAE] =	sst s6  }
0xf: {  	[smem:$0x3FAF] =	sst s7  }
0x10: {  	[smem:$0x3FB0] =	sst s8  }
0x11: {  	[smem:$0x3FB1] =	sst s9;
	s0 =	simm.s32 @!p0 $0x0  }
0x12: {  	s1 =	sld [smem:$0x3F97];
	s0 =	simm.s32 @p0 $0x1  }
0x13: {  	[smem:$0x3FB2] =	sst s0;
	s0 =	simm.s32 @!p1 $0x0  }
0x14: {  	s2 =	sld [smem:$0x3F96];
	s0 =	simm.s32 @p1 $0x1  }
0x15: {  	[smem:$0x3FB3] =	sst s0;
	s0 =	simm.s32 @!p2 $0x0  }
0x16: {  	s3 =	sld [smem:$0x3FDB];
	s0 =	simm.s32 @p2 $0x1  }
0x17: {  	s4 =	simm.s32 $0x1BF5;
	[smem:$0x3FB5] =	sst s0  }
0x18: {  	s0 =	sld [smem:$0x3F98];
	_ =	swait.ge [sflag:s4], $0x0  }
0x19: {  	s7 =	sld [smem:$0x3F99]  }
0x1a: {  	s8 =	sadd.s32 $0xFFFFE003, lr  }
0x1b: {  	s9 =	sadd.s32 $0xFFFFFEF7, lr;
	s5 =	simm.s32 $0xFFFFFFFF;
	p2 =	slt.u32 s8, $0xFFFFF086  }
0x1c: {  	p1 =	slt.u32 s9, $0xF7A;
	s5 =	simm.s32 @!p2 $0x0  }
0x1d: {  	s5 =	simm.s32 @p1 $0x1;
	p0 =	seq.s32 s7, s2  }
0x1e: {  	s7 =	smul.u32 @!p0 $0xF7A, s2;
	p2 =	seq.s32 @!p0 s5, $0x0  }
0x1f: {  	s9 =	smul.u32 $0xF7A, s1;
	s8 =	simm.s32 @!p0 $0x1BF5;
	p2 =	por !p2, p0  }
0x20: {  	[sflag:s8] =	ssyncset.s32 @!p0 $0xFFFFF086;
	s6 =	sadd.s32 @!p0 s3, s7;
	s7 =	simm.s32 @!p0 $0x108  }
0x21: {  	s3 =	sadd.s32 s3, s9;
	s6 =	sadd.s32 @!p0 $0x88, s6;
	s7 =	simm.s32 @p2 $0x1082  }
0x22: {  	[simem:s7], [sflag:s8] =	dma.local @!p0 [hbm:s6], $0xF7A  }
0x23: {  	s9 =	sor.u32 $0xD0000000, s2;
	s6 =	simm.s32 $0x108;
	_ =	swait.ge @!p0 [sflag:s8], $0x0  }
0x24: {  	s3 =	sadd.s32 $0x88, s3;
	s6 =	simm.s32 @!p1 $0x1082;
	[sflag:s4] =	ssyncset.s32 $0xFFFFF086  }
0x25: {  	[simem:s6], [sflag:s4] =	dma.local [hbm:s3], $0xF7A  }
0x26: {  	[smem:$0x3F99] =	sst s1;
	(tag) =	ssettag s2;
	_ =	strace s9  }
0x27: {  	s1 =	sld [smem:$0x3FA9]  }
0x28: {  	s2 =	sld [smem:$0x3FAA]  }
0x29: {  	s4 =	sld [smem:$0x3FAC]  }
0x2a: {  	p0 =	seq.s32 s5, $0x0;
	s5 =	sld [smem:$0x3FAD]  }
0x2b: {  	s6 =	sld [smem:$0x3FAE]  }
0x2c: {  	s7 =	sld [smem:$0x3FAF]  }
0x2d: {  	s3 =	simm.s32 $0x108;
	s8 =	sld [smem:$0x3FB0]  }
0x2e: {  	s3 =	simm.s32 @!p0 $0x1082;
	s9 =	sld [smem:$0x3FB1]  }
0x2f: {  	lr =	sadd.s32 s0, s3;
	s0 =	sld [smem:$0x3FA8]  }
0x30: {  	s3 =	sld [smem:$0x3FAB]  }
0x31: {  	[smem:$0x3FB4] =	sst s10  }
0x32: {  	s10 =	sld [smem:$0x3FB2];
	_ =	sdelay $0x3  }
0x33: {  	p0 =	seq.s32 s10, $0x1;
	s10 =	sld [smem:$0x3FB4];
	_ =	sdelay $0x3  }
0x34: {  	[smem:$0x3FB4] =	sst s10  }
0x35: {  	s10 =	sld [smem:$0x3FB3];
	_ =	sdelay $0x3  }
0x36: {  	p1 =	seq.s32 s10, $0x1;
	s10 =	sld [smem:$0x3FB4];
	_ =	sdelay $0x3  }
0x37: {  	[smem:$0x3FB4] =	sst s10  }
0x38: {  	s10 =	sld [smem:$0x3FB5]  }
0x39: {  	_ = 	snop;
	(pc) =	sbr.ind lr, $3  }
0x3a: {  	_ = 	snop  }
0x3b: {  	_ = 	snop  }
0x3c: {  	p2 =	seq.s32 s10, $0x1;
	s10 =	sld [smem:$0x3FB4]  }
0x3d: {  	_ =	shalt  }
0x3e: {  	_ =	shalt  }
0x3f: {  	_ =	shalt  }
0x40: {  	_ =	shalt  }
0x41: {  	_ =	shalt  }
0x42: {  	_ =	shalt  }
0x43: {  	_ =	shalt  }
0x44: {  	_ =	shalt  }
0x45: {  	_ =	shalt  }
0x46: {  	_ =	shalt  }
0x47: {  	_ =	shalt  }
0x48: {  	_ =	shalt  }
0x49: {  	_ =	shalt  }
0x4a: {  	_ =	shalt  }
0x4b: {  	_ =	shalt  }
0x4c: {  	_ =	shalt  }
0x4d: {  	_ =	shalt  }
0x4e: {  	_ =	shalt  }
0x4f: {  	_ =	shalt  }
0x50: {  	_ =	shalt  }
0x51: {  	_ =	shalt  }
0x52: {  	_ =	shalt  }
0x53: {  	_ =	shalt  }
0x54: {  	_ =	shalt  }
0x55: {  	_ =	shalt  }
0x56: {  	_ =	shalt  }
0x57: {  	_ =	shalt  }
0x58: {  	_ =	shalt  }
0x59: {  	_ =	shalt  }
0x5a: {  	_ =	shalt  }
0x5b: {  	_ =	shalt  }
0x5c: {  	_ =	shalt  }
0x5d: {  	_ =	shalt  }
0x5e: {  	_ =	shalt  }
0x5f: {  	_ =	shalt  }
0x60: {  	_ =	shalt  }
0x61: {  	_ =	shalt  }
0x62: {  	_ =	shalt  }
0x63: {  	_ =	shalt  }
0x64: {  	_ =	shalt  }
0x65: {  	_ =	shalt  }
0x66: {  	_ =	shalt  }
0x67: {  	_ =	shalt  }
0x68: {  	_ =	shalt  }
0x69: {  	_ =	shalt  }
0x6a: {  	_ =	shalt  }
0x6b: {  	_ =	shalt  }
0x6c: {  	_ =	shalt  }
0x6d: {  	_ =	shalt  }
0x6e: {  	_ =	shalt  }
0x6f: {  	_ =	shalt  }
0x70: {  	_ =	shalt  }
0x71: {  	_ =	shalt  }
0x72: {  	_ =	shalt  }
0x73: {  	_ =	shalt  }
0x74: {  	_ =	shalt  }
0x75: {  	_ =	shalt  }
0x76: {  	_ =	shalt  }
0x77: {  	_ =	shalt  }
0x78: {  	_ =	shalt  }
0x79: {  	_ =	shalt  }
0x7a: {  	_ =	shalt  }
0x7b: {  	_ =	shalt  }
0x7c: {  	_ =	shalt  }
0x7d: {  	_ =	shalt  }
0x7e: {  	_ =	shalt  }
0x7f: {  	_ =	shalt  }
0x80: {  	_ =	shalt  }
0x81: {  	_ =	shalt  }
0x82: {  	_ =	shalt  }
0x83: {  	_ =	shalt  }
0x84: {  	_ =	shalt  }
0x85: {  	_ =	shalt  }
0x86: {  	_ =	shalt  }
0x87: {  	_ =	shalt  }
.Lfunc_end0:
.L_simem_size_0:
called_computation.2_lowered:
.L_overlay_start_0:
0x88: {  	s2 =	sld [smem:$0x3FD9]  }
0x89: {  	s3 =	sld [smem:$0x3FFE];
	_ =	sdelay $0x1  }
0x8a: {  	s1 =	srdreg.scid  }
0x8b: {  	s0 =	sand.u32 $0x1, s1  }
0x8c: {  	s16 =	sshll.u32 s0, $0xA;
	s2 =	sadd.s32 s3, s2  }
0x8d: {  	s2 =	sadd.s32 s2, s16  }
0x8e: {  	[smem:$0x3FC0] =	sst s2  }
0x8f: {  	_ = 	snop  }
0x90: {  	(tm) =	ssettm $0x1  }
0x91: {  	s17 =	sld [smem:$0x3FFB];
	_ =	sdelay $0x3  }
0x92: {  	_ =	strace s17  }
0x93: {  	s2 =	sld [smem:$0x3FFC];
	_ =	sdelay $0x3  }
0x94: {  	_ =	strace s2  }
0x95: {  	s2 =	sld [smem:$0x3FFD];
	_ =	sdelay $0x3  }
0x96: {  	_ =	strace s2  }
0x97: {  	_ =	strace $0x8FFFFFFF  }
0x98: {  	s18 =	sld [smem:$0x3FDB];
	_ =	sdelay $0x1  }
0x99: {  	s19 =	simm.s32 $_scs_section_size  }
0x9a: {  	s4 =	simm.s32 $_size__tile_overlayer_lowered;
	s5 =	simm.s32 $_tile_overlayer_lowered  }
0x9b: {  	s22 =	simm.s32 $0x1BFF;
	s21 =	sshll.u32 s5, $0x1;
	s2 =	sadd.s32 s19, s18  }
0x9c: {  	s6 =	simm.s32 $0x0;
	s20 =	sshll.u32 s4, $0x1;
	s4 =	sadd.s32 s21, s2  }
0x9d: {  	[timem:s6], [sflag:s22] =	dma.local [hbm:s4], s20  }
0x9e: {  	_ =	swait.ge [sflag:s22], s20  }
0x9f: {  	s3 =	ssub.s32 $0x0, s20;
	[sflag:s22] =	ssyncset.done $0x0  }
0xa0: {  	[sflag:s22] =	ssyncadd.s32 s3;
	_ =	sdelay $0x1  }
0xa1: {  	s23 =	simm.s32 $0x1B8B  }
0xa2: {  	_ =	swait.ge [sflag:s23], $0x1  }
0xa3: {  	[sflag:s23] =	ssyncset.done $0x0  }
0xa4: {  	s25 =	simm.s32 $0x1B8E;
	s24 =	sld [smem:$0x3FFE];
	[sflag:s23] =	ssyncadd.s32 $0xFFFFFFFF  }
0xa5: {  	s26 =	simm.s32 $execute0_lowered;
	[smem:$0x3FD2] =	sst s25  }
0xa6: {  	s4 =	sshll.u32 s26, $0x1;
	_ =	strace $0x8000004C;
	[dreg:$0x1] =	wrdreg $0xFFFFFFFF  }
0xa7: {  	s28 =	simm.s32 $_size_execute0_lowered;
	s2 =	sadd.s32 s2, s4;
	[dreg:$0x0] =	wrdreg $0x0  }
0xa8: {  	s4 =	sshll.u32 s28, $0x1;
	[dreg:$0x2] =	wrdreg s2  }
0xa9: {  	[dreg:$0x3] =	wrdreg s4  }
0xaa: {  	[dreg:$0x4] =	wrdreg $0xC0  }
0xab: {  	_ =	task [dreg:s6], $0x5FFFF  }
0xac: {  	[dreg:$0x1] =	wrdreg $0xFFFFFFFF  }
0xad: {  	[dreg:$0x0] =	wrdreg $0x60  }
0xae: {  	[dreg:$0x2] =	wrdreg s24  }
0xaf: {  	[dreg:$0x3] =	wrdreg $0xA0000  }
0xb0: {  	[dreg:$0x4] =	wrdreg $0x140000  }
0xb1: {  	[dreg:$0x5] =	wrdreg $0x9  }
0xb2: {  	_ =	task.clear_ibuf [dreg:s6], $0x6FFFF;
	_ =	strace $0x9000004C  }
0xb3: {  	s29 =	simm.s32 $0x9;
	_ =	strace $0x8000004E  }
0xb4: {  	_ =	swait.ge [sflag:s29], $0x1  }
0xb5: {  	[sflag:s29] =	ssyncadd.s32 $0xFFFFFFFF  }
0xb6: {  	_ =	strace $0x9000004E  }
0xb7: {  	_ =	sfence  }
0xb8: {  	s30 =	sld [smem:$0x0];
	_ =	sdelay $0x2  }
0xb9: {  	s31 =	sshll.u32 s1, $0xD;
	s1 =	sshrl.u32 s1, $0x2  }
0xba: {  	s3 =	sand.u32 $0x4000, s31;
	s1 =	sadd.s32 s1, s30  }
0xbb: {  	s0 =	sor.u32 s3, s0;
	s1 =	sshll.u32 s1, $0x11  }
0xbc: {  	s0 =	sor.u32 s1, s0  }
0xbd: {  	s0 =	sadd.s32 $0x8F2B, s0  }
0xbe: {  	[sflag:s0] =	ssyncadd.remote.s32 $0x1  }
0xbf: {  	_ =	sfence.sel $0xFFFF  }
0xc0: {  	[dreg:$0x0] =	wrdreg $0xFFFFFFFF;
	(pc) =	sbr.abs _section_cstart, $3  }
0xc1: {  	[dreg:$0x1] =	wrdreg $0xFFFFFFFF  }
0xc2: {  	_ =	task.clear_ibuf [dreg:s6], $0x2FFFF;
	_ =	strace $0x9FFFFFFF  }
0xc3: {  	(tm) =	ssettm $0x7FFFFFFF  }
tec
execute0_lowered:
.L_overlay_start_1:
0x0: {  	(tag) =	ssettag $0x1  }
0x1: {  	s5 =	rddreg [dreg:$0x0]  }
0x2: {  	s0 =	srdreg.scid;
	s2 =	rddreg [dreg:$0x1]  }
0x3: {  	s26 =	stileid.u32;
	s3 =	rddreg [dreg:$0x2];
	s4 =	simm.s32 $0x0  }
0x4: {  	s17 =	simm.s32 $0x80;
	s18 =	simm.s32 $0x2000;
	s8 =	smul.u32 $0x9C40, s26  }
0x5: {  	s19 =	simm.s32 $0x4000;
	s20 =	simm.s32 $0x6000;
	s11 =	smul.u32 $0xA000, s26  }
0x6: {  	s21 =	simm.s32 $0x8000;
	s6 =	sand.u32 $0x1, s0;
	s10 =	smul.u32 $0xA00, s26  }
0x7: {  	s22 =	simm.s32 $0x2;
	s23 =	simm.s32 $0x3;
	s7 =	smul.u32 $0x9C400, s6  }
0x8: {  	s25 =	simm.s32 $0x5;
	[smem:$0x7FF] =	sst s4;
	s9 =	smul.u32 $0xA0000, s6  }
0x9: {  	_ =	strace $0x8000004D;
	s6 =	ssub.s32 $0x2, s6;
	s12 =	sadd.s32 s10, s5  }
0xa: {  	s29 =	sshrl.u32 s6, $0x1;
	s14 =	sadd.s32 s8, s2;
	s15 =	sadd.s32 s8, s3  }
0xb: {  	s24 =	sadd.s32 s11, s3;
	s7 =	sadd.s32 s8, s7;
	s9 =	sadd.s32 s11, s9  }
0xc: {  	s13 =	ssub.s32 s6, s29;
	s30 =	sadd.s32 $0xBE00, s12;
	s31 =	sadd.s32 $0x1E00, s12  }
0xd: {  	s16 =	sadd.s32 $0x1F00, s12;
	s12 =	sadd.s32 $0xBF00, s12;
	[dreg:$0x6] =	wrdreg s30  }
0xe: {  	s24 =	sshrl.u32 s24, $0x3;
	s7 =	sshrl.u32 s7, $0x3;
	[dreg:$0x7] =	wrdreg s31  }
0xf: {  	s9 =	sshrl.u32 s9, $0x3;
	[dreg:$0x5] =	wrdreg s16;
	s11 =	smax.u32 s13, $0x1  }
0x10: {  	[dreg:$0x4] =	wrdreg s12;
	s12 =	sshrl.u32 s14, $0x3;
	s13 =	sshrl.u32 s15, $0x3  }
0x11: {  	s15 =	simm.s32 $0x4;
	s16 =	simm.s32 $0x1;
	s7 =	sadd.s32 s7, s5  }
0x12: {  	s28 =	sadd.s32 s9, s5;
	s5 =	sshll.u32 s26, $0x6;
	s26 =	simm.s32 $0x0  }
0x13: {  	s6 =	sadd.s32 $0x15E00, s7;
	s7 =	sor.u32 $0x1C04, s5;
	s10 =	sadd.s32 $0x3D000, s28  }
.LBB2_1:
0x14: {  	[spmem:s12], [sflag:s7] =	dma.local [hbm:s6], $0x1388  }
0x15: {  	[spmem:s13], [sflag:s7] =	dma.local [hbm:s6], $0x1388  }
0x16: {  	s0 =	rddreg [dreg:$0x6]  }
0x17: {  	[tilespmem:s4], [sflag:$0x1] =	stream.linear.gather [hbm4b:s0+s4], $0x800, $0x38;
	[tilespmem:$0x1E000] =	vst v63  }
0x18: {  	s1 =	simm.s32 $0x1000;
	s9 =	rddreg [dreg:$0x7]  }
0x19: {  	[tilespmem:s1], [sflag:$0x1] =	stream.linear.gather [hbm4b:s9+s4], $0x800, $0x38;
	[tilespmem:$0x1E000] =	vst v63  }
0x1a: {  	_ =	swait.ge [sflag:s15], $0x1388  }
0x1b: {  	[sflag:s15] =	ssyncset.done $0x0  }
0x1c: {  	[sflag:s15] =	ssyncadd.s32 $0xFFFFEC78  }
0x1d: {  	_ =	swait.ge [sflag:s15], $0x1388  }
0x1e: {  	[sflag:s15] =	ssyncset.done $0x0  }
0x1f: {  	[sflag:s15] =	ssyncadd.s32 $0xFFFFEC78  }
0x20: {  	[bflag:$0x0] =	sbarrier.arrive $0xFFFF  }
0x21: {  	_ =	swait.ge [sflag:s16], $0x800  }
0x22: {  	p0 =	por $0x0, $0x0;
	[sflag:s16] =	ssyncset.done $0x0  }
0x23: {  	s29 =	sand.u32 @!p0 $0x800, s4;
	[sflag:s16] =	ssyncadd.s32 $0xFFFFF800  }
0x24: {  	s31 =	sxor.u32 @!p0 $0x800, s29;
	_ =	swait.ge [sflag:s16], $0x800  }
0x25: {  	s1 =	simm.s32 @!p0 $0x0;
	s28 =	rddreg [dreg:$0x4];
	[sflag:s16] =	ssyncset.done $0x0  }
0x26: {  	s30 =	rddreg [dreg:$0x5];
	[sflag:s16] =	ssyncadd.s32 $0xFFFFF800;
	s28 =	sadd.s32 @!p0 $0x0, s28  }
0x27: {  	[tilespmem:s31], [sflag:$0x1] =	stream.linear.gather @!p0 [hbm4b:s28+s1], $0x800, $0x38;
	[tilespmem:$0x1E000] =	vst v63  }
0x28: {  	s30 =	sadd.s32 @!p0 $0x0, s30;
	s28 =	sor.u32 @!p0 $0x1000, s31  }
0x29: {  	[tilespmem:s28], [sflag:$0x1] =	stream.linear.gather @!p0 [hbm4b:s30+s1], $0x800, $0x38;
	[tilespmem:$0x1E000] =	vst v63  }
0x2a: {  	s29 =	simm.s32 @p0 $0x800  }
0x2b: {  	[tilespmem:s18], [sflag:$0x2] =	stream.indirect.gather [spmem:s2], $0x40, s29, s17, $0xb8;
	[tilespmem:$0x1E000] =	vst v63  }
0x2c: {  	s14 =	sor.u32 $0x80, s29;
	p0 =	por $0x1, $0x1  }
0x2d: {  	[tilespmem:s19], [sflag:$0x2] =	stream.indirect.gather [spmem:s2], $0x40, s14, s17, $0xb8;
	[tilespmem:$0x1E000] =	vst v63  }
0x2e: {  	s28 =	sor.u32 $0x100, s29;
	s30 =	simm.s32 @!p0 $0x3  }
0x2f: {  	[tilespmem:s20], [sflag:$0x2] =	stream.indirect.gather [spmem:s2], $0x40, s28, s17, $0xb8;
	[tilespmem:$0x1E000] =	vst v63  }
0x30: {  	_ =	swait.ge @!p0 [sflag:s30], $0x2000  }
0x31: {  	[sflag:s30] =	ssyncset.done @!p0 $0x0  }
0x32: {  	s0 =	sor.u32 $0x180, s29;
	[sflag:s30] =	ssyncadd.s32 @!p0 $0xFFFFE000  }
0x33: {  	[tilespmem:s21], [sflag:$0x2] =	stream.indirect.gather [spmem:s2], $0x40, s0, s17, $0xb8;
	[tilespmem:$0x1E000] =	vst v63  }
0x34: {  	_ =	swait.ge [sflag:s22], $0x2000  }
0x35: {  	[sflag:s22] =	ssyncset.done $0x0  }
0x36: {  	s30 =	sor.u32 $0x1000, s29;
	[sflag:s22] =	ssyncadd.s32 $0xFFFFE000  }
0x37: {  	[spmem:s3] =	stream.indirect.scatter.add.f32 [tilespmem:s18], [sflag:$0x3], $0x40, s30, s17, $0xb8;
	[tilespmem:$0x1E000] =	vst v63  }
0x38: {  	_ =	swait.ge [sflag:s23], $0x2000  }
0x39: {  	[sflag:s23] =	ssyncset.done $0x0  }
0x3a: {  	s30 =	sor.u32 $0x200, s29;
	[sflag:s23] =	ssyncadd.s32 $0xFFFFE000  }
0x3b: {  	[tilespmem:s18], [sflag:$0x2] =	stream.indirect.gather [spmem:s2], $0x40, s30, s17, $0xb8;
	[tilespmem:$0x1E000] =	vst v63  }
0x3c: {  	_ =	swait.ge [sflag:s22], $0x2000  }
0x3d: {  	[sflag:s22] =	ssyncset.done $0x0  }
0x3e: {  	s1 =	sor.u32 $0x1000, s14;
	[sflag:s22] =	ssyncadd.s32 $0xFFFFE000  }
0x3f: {  	[spmem:s3] =	stream.indirect.scatter.add.f32 [tilespmem:s19], [sflag:$0x3], $0x40, s1, s17, $0xb8;
	[tilespmem:$0x1E000] =	vst v63  }
0x40: {  	_ =	swait.ge [sflag:s23], $0x2000  }
0x41: {  	[sflag:s23] =	ssyncset.done $0x0  }
0x42: {  	s8 =	sor.u32 $0x280, s29;
	[sflag:s23] =	ssyncadd.s32 $0xFFFFE000  }
0x43: {  	[tilespmem:s19], [sflag:$0x2] =	stream.indirect.gather [spmem:s2], $0x40, s8, s17, $0xb8;
	[tilespmem:$0x1E000] =	vst v63  }
0x44: {  	_ =	swait.ge [sflag:s22], $0x2000  }
0x45: {  	[sflag:s22] =	ssyncset.done $0x0  }
0x46: {  	s9 =	sor.u32 $0x1000, s28;
	[sflag:s22] =	ssyncadd.s32 $0xFFFFE000  }
0x47: {  	[spmem:s3] =	stream.indirect.scatter.add.f32 [tilespmem:s20], [sflag:$0x3], $0x40, s9, s17, $0xb8;
	[tilespmem:$0x1E000] =	vst v63  }
0x48: {  	_ =	swait.ge [sflag:s23], $0x2000  }
0x49: {  	[sflag:s23] =	ssyncset.done $0x0  }
0x4a: {  	s14 =	sor.u32 $0x300, s29;
	[sflag:s23] =	ssyncadd.s32 $0xFFFFE000  }
0x4b: {  	[tilespmem:s20], [sflag:$0x2] =	stream.indirect.gather [spmem:s2], $0x40, s14, s17, $0xb8;
	[tilespmem:$0x1E000] =	vst v63  }
0x4c: {  	_ =	swait.ge [sflag:s22], $0x2000  }
0x4d: {  	[sflag:s22] =	ssyncset.done $0x0  }
0x4e: {  	s31 =	sor.u32 $0x1180, s29;
	[sflag:s22] =	ssyncadd.s32 $0xFFFFE000  }
0x4f: {  	[spmem:s3] =	stream.indirect.scatter.add.f32 [tilespmem:s21], [sflag:$0x3], $0x40, s31, s17, $0xb8;
	[tilespmem:$0x1E000] =	vst v63  }
0x50: {  	_ =	swait.ge [sflag:s23], $0x2000  }
0x51: {  	[sflag:s23] =	ssyncset.done $0x0  }
0x52: {  	s0 =	sor.u32 $0x380, s29;
	[sflag:s23] =	ssyncadd.s32 $0xFFFFE000  }
0x53: {  	[tilespmem:s21], [sflag:$0x2] =	stream.indirect.gather [spmem:s2], $0x40, s0, s17, $0xb8;
	[tilespmem:$0x1E000] =	vst v63  }
0x54: {  	_ =	swait.ge [sflag:s22], $0x2000  }
0x55: {  	[sflag:s22] =	ssyncset.done $0x0  }
0x56: {  	s8 =	sor.u32 $0x1200, s29;
	[sflag:s22] =	ssyncadd.s32 $0xFFFFE000  }
0x57: {  	[spmem:s3] =	stream.indirect.scatter.add.f32 [tilespmem:s18], [sflag:$0x3], $0x40, s8, s17, $0xb8;
	[tilespmem:$0x1E000] =	vst v63  }
0x58: {  	_ =	swait.ge [sflag:s23], $0x2000  }
0x59: {  	[sflag:s23] =	ssyncset.done $0x0  }
0x5a: {  	s9 =	sor.u32 $0x400, s29;
	[sflag:s23] =	ssyncadd.s32 $0xFFFFE000  }
0x5b: {  	[tilespmem:s18], [sflag:$0x2] =	stream.indirect.gather [spmem:s2], $0x40, s9, s17, $0xb8;
	[tilespmem:$0x1E000] =	vst v63  }
0x5c: {  	_ =	swait.ge [sflag:s22], $0x2000  }
0x5d: {  	[sflag:s22] =	ssyncset.done $0x0  }
0x5e: {  	s14 =	sor.u32 $0x1280, s29;
	[sflag:s22] =	ssyncadd.s32 $0xFFFFE000  }
0x5f: {  	[spmem:s3] =	stream.indirect.scatter.add.f32 [tilespmem:s19], [sflag:$0x3], $0x40, s14, s17, $0xb8;
	[tilespmem:$0x1E000] =	vst v63  }
0x60: {  	_ =	swait.ge [sflag:s23], $0x2000  }
0x61: {  	[sflag:s23] =	ssyncset.done $0x0  }
0x62: {  	s31 =	sor.u32 $0x480, s29;
	[sflag:s23] =	ssyncadd.s32 $0xFFFFE000  }
0x63: {  	[tilespmem:s19], [sflag:$0x2] =	stream.indirect.gather [spmem:s2], $0x40, s31, s17, $0xb8;
	[tilespmem:$0x1E000] =	vst v63  }
0x64: {  	_ =	swait.ge [sflag:s22], $0x2000  }
0x65: {  	[sflag:s22] =	ssyncset.done $0x0  }
0x66: {  	s0 =	sor.u32 $0x1300, s29;
	[sflag:s22] =	ssyncadd.s32 $0xFFFFE000  }
0x67: {  	[spmem:s3] =	stream.indirect.scatter.add.f32 [tilespmem:s20], [sflag:$0x3], $0x40, s0, s17, $0xb8;
	[tilespmem:$0x1E000] =	vst v63  }
0x68: {  	_ =	swait.ge [sflag:s23], $0x2000  }
0x69: {  	[sflag:s23] =	ssyncset.done $0x0  }
0x6a: {  	s8 =	sor.u32 $0x500, s29;
	[sflag:s23] =	ssyncadd.s32 $0xFFFFE000  }
0x6b: {  	[tilespmem:s20], [sflag:$0x2] =	stream.indirect.gather [spmem:s2], $0x40, s8, s17, $0xb8;
	[tilespmem:$0x1E000] =	vst v63  }
0x6c: {  	_ =	swait.ge [sflag:s22], $0x2000  }
0x6d: {  	[sflag:s22] =	ssyncset.done $0x0  }
0x6e: {  	s9 =	sor.u32 $0x1380, s29;
	[sflag:s22] =	ssyncadd.s32 $0xFFFFE000  }
0x6f: {  	[spmem:s3] =	stream.indirect.scatter.add.f32 [tilespmem:s21], [sflag:$0x3], $0x40, s9, s17, $0xb8;
	[tilespmem:$0x1E000] =	vst v63  }
0x70: {  	_ =	swait.ge [sflag:s23], $0x2000  }
0x71: {  	[sflag:s23] =	ssyncset.done $0x0  }
0x72: {  	s14 =	sor.u32 $0x580, s29;
	[sflag:s23] =	ssyncadd.s32 $0xFFFFE000  }
0x73: {  	[tilespmem:s21], [sflag:$0x2] =	stream.indirect.gather [spmem:s2], $0x40, s14, s17, $0xb8;
	[tilespmem:$0x1E000] =	vst v63  }
0x74: {  	_ =	swait.ge [sflag:s22], $0x2000  }
0x75: {  	[sflag:s22] =	ssyncset.done $0x0  }
0x76: {  	s31 =	sor.u32 $0x1400, s29;
	[sflag:s22] =	ssyncadd.s32 $0xFFFFE000  }
0x77: {  	[spmem:s3] =	stream.indirect.scatter.add.f32 [tilespmem:s18], [sflag:$0x3], $0x40, s31, s17, $0xb8;
	[tilespmem:$0x1E000] =	vst v63  }
0x78: {  	_ =	swait.ge [sflag:s23], $0x2000  }
0x79: {  	[sflag:s23] =	ssyncset.done $0x0  }
0x7a: {  	s0 =	sor.u32 $0x600, s29;
	[sflag:s23] =	ssyncadd.s32 $0xFFFFE000  }
0x7b: {  	[tilespmem:s18], [sflag:$0x2] =	stream.indirect.gather [spmem:s2], $0x40, s0, s17, $0xb8;
	[tilespmem:$0x1E000] =	vst v63  }
0x7c: {  	_ =	swait.ge [sflag:s22], $0x2000  }
0x7d: {  	[sflag:s22] =	ssyncset.done $0x0  }
0x7e: {  	s8 =	sor.u32 $0x1480, s29;
	[sflag:s22] =	ssyncadd.s32 $0xFFFFE000  }
0x7f: {  	[spmem:s3] =	stream.indirect.scatter.add.f32 [tilespmem:s19], [sflag:$0x3], $0x40, s8, s17, $0xb8;
	[tilespmem:$0x1E000] =	vst v63  }
0x80: {  	_ =	swait.ge [sflag:s23], $0x2000  }
0x81: {  	[sflag:s23] =	ssyncset.done $0x0  }
0x82: {  	s9 =	sor.u32 $0x680, s29;
	[sflag:s23] =	ssyncadd.s32 $0xFFFFE000  }
0x83: {  	[tilespmem:s19], [sflag:$0x2] =	stream.indirect.gather [spmem:s2], $0x40, s9, s17, $0xb8;
	[tilespmem:$0x1E000] =	vst v63  }
0x84: {  	_ =	swait.ge [sflag:s22], $0x2000  }
0x85: {  	[sflag:s22] =	ssyncset.done $0x0  }
0x86: {  	s14 =	sor.u32 $0x1500, s29;
	[sflag:s22] =	ssyncadd.s32 $0xFFFFE000  }
0x87: {  	[spmem:s3] =	stream.indirect.scatter.add.f32 [tilespmem:s20], [sflag:$0x3], $0x40, s14, s17, $0xb8;
	[tilespmem:$0x1E000] =	vst v63  }
0x88: {  	_ =	swait.ge [sflag:s23], $0x2000  }
0x89: {  	[sflag:s23] =	ssyncset.done $0x0  }
0x8a: {  	s31 =	sor.u32 $0x700, s29;
	[sflag:s23] =	ssyncadd.s32 $0xFFFFE000  }
0x8b: {  	[tilespmem:s20], [sflag:$0x2] =	stream.indirect.gather [spmem:s2], $0x40, s31, s17, $0xb8;
	[tilespmem:$0x1E000] =	vst v63  }
0x8c: {  	_ =	swait.ge [sflag:s22], $0x2000  }
0x8d: {  	[sflag:s22] =	ssyncset.done $0x0  }
0x8e: {  	s0 =	sor.u32 $0x1580, s29;
	[sflag:s22] =	ssyncadd.s32 $0xFFFFE000  }
0x8f: {  	[spmem:s3] =	stream.indirect.scatter.add.f32 [tilespmem:s21], [sflag:$0x3], $0x40, s0, s17, $0xb8;
	[tilespmem:$0x1E000] =	vst v63  }
0x90: {  	_ =	swait.ge [sflag:s23], $0x2000  }
0x91: {  	[sflag:s23] =	ssyncset.done $0x0  }
0x92: {  	s8 =	sor.u32 $0x780, s29;
	[sflag:s23] =	ssyncadd.s32 $0xFFFFE000  }
0x93: {  	[tilespmem:s21], [sflag:$0x2] =	stream.indirect.gather [spmem:s2], $0x40, s8, s17, $0xb8;
	[tilespmem:$0x1E000] =	vst v63  }
0x94: {  	_ =	swait.ge [sflag:s22], $0x2000  }
0x95: {  	[sflag:s22] =	ssyncset.done $0x0  }
0x96: {  	s9 =	sor.u32 $0x1600, s29;
	[sflag:s22] =	ssyncadd.s32 $0xFFFFE000  }
0x97: {  	[spmem:s3] =	stream.indirect.scatter.add.f32 [tilespmem:s18], [sflag:$0x3], $0x40, s9, s17, $0xb8;
	[tilespmem:$0x1E000] =	vst v63  }
0x98: {  	_ =	swait.ge [sflag:s23], $0x2000  }
0x99: {  	[sflag:s23] =	ssyncset.done $0x0  }
0x9a: {  	[sflag:s23] =	ssyncadd.s32 $0xFFFFE000  }
0x9b: {  	_ =	swait.ge [sflag:s22], $0x2000  }
0x9c: {  	[sflag:s22] =	ssyncset.done $0x0  }
0x9d: {  	s14 =	sor.u32 $0x1680, s29;
	[sflag:s22] =	ssyncadd.s32 $0xFFFFE000  }
0x9e: {  	[spmem:s3] =	stream.indirect.scatter.add.f32 [tilespmem:s19], [sflag:$0x3], $0x40, s14, s17, $0xb8;
	[tilespmem:$0x1E000] =	vst v63  }
0x9f: {  	_ =	swait.ge [sflag:s23], $0x2000  }
0xa0: {  	[sflag:s23] =	ssyncset.done $0x0  }
0xa1: {  	[sflag:s23] =	ssyncadd.s32 $0xFFFFE000  }
0xa2: {  	_ =	swait.ge [sflag:s22], $0x2000  }
0xa3: {  	[sflag:s22] =	ssyncset.done $0x0  }
0xa4: {  	s31 =	sor.u32 $0x1700, s29;
	[sflag:s22] =	ssyncadd.s32 $0xFFFFE000  }
0xa5: {  	[spmem:s3] =	stream.indirect.scatter.add.f32 [tilespmem:s20], [sflag:$0x3], $0x40, s31, s17, $0xb8;
	[tilespmem:$0x1E000] =	vst v63  }
0xa6: {  	_ =	swait.ge [sflag:s23], $0x2000  }
0xa7: {  	[sflag:s23] =	ssyncset.done $0x0  }
0xa8: {  	[sflag:s23] =	ssyncadd.s32 $0xFFFFE000  }
0xa9: {  	s28 =	simm.s32 $0x100;
	_ =	swait.ge [sflag:s22], $0x2000  }
0xaa: {  	s30 =	sor.u32 $0x1780, s29;
	s29 =	simm.s32 $0x0;
	[sflag:s22] =	ssyncset.done $0x0  }
.LBB2_2:
0xab: {  	[sflag:s22] =	ssyncadd.s32 $0xFFFFE000  }
0xac: {  	[spmem:s3] =	stream.indirect.scatter.add.f32 [tilespmem:s21], [sflag:$0x3], $0x40, s30, s17, $0xb8;
	[tilespmem:$0x1E000] =	vst v63  }
0xad: {  	_ =	swait.ge [sflag:s16], $0x800  }
0xae: {  	s1 =	smov.u32 s28;
	[sflag:s16] =	ssyncset.done $0x0  }
0xaf: {  	s29 =	sadd.s32 $0x800, s29;
	p1 =	seq.s32 s1, $0x900;
	[sflag:s16] =	ssyncadd.s32 $0xFFFFF800  }
0xb0: {  	s30 =	sand.u32 @!p1 $0x800, s29;
	s8 =	simm.s32 @!p1 $0x0;
	_ =	swait.ge [sflag:s16], $0x800  }
0xb1: {  	s14 =	sxor.u32 @!p1 $0x800, s30;
	s31 =	rddreg [dreg:$0x4];
	[sflag:s16] =	ssyncset.done $0x0  }
0xb2: {  	s0 =	rddreg [dreg:$0x5];
	[sflag:s16] =	ssyncadd.s32 $0xFFFFF800;
	s31 =	sadd.s32 @!p1 s1, s31  }
0xb3: {  	[tilespmem:s14], [sflag:$0x1] =	stream.linear.gather @!p1 [hbm4b:s31+s8], $0x800, $0x38;
	[tilespmem:$0x1E000] =	vst v63  }
0xb4: {  	s9 =	sor.u32 @!p1 $0x1000, s14;
	s0 =	sadd.s32 @!p1 s1, s0  }
0xb5: {  	[tilespmem:s9], [sflag:$0x1] =	stream.linear.gather @!p1 [hbm4b:s0+s8], $0x800, $0x38;
	[tilespmem:$0x1E000] =	vst v63  }
0xb6: {  	s30 =	simm.s32 @p1 $0x800  }
0xb7: {  	[tilespmem:s18], [sflag:$0x2] =	stream.indirect.gather [spmem:s2], $0x40, s30, s17, $0xb8;
	[tilespmem:$0x1E000] =	vst v63  }
0xb8: {  	s0 =	sor.u32 $0x80, s30;
	p1 =	seq.s32 s1, $0x0  }
0xb9: {  	[tilespmem:s19], [sflag:$0x2] =	stream.indirect.gather [spmem:s2], $0x40, s0, s17, $0xb8;
	[tilespmem:$0x1E000] =	vst v63  }
0xba: {  	s8 =	sor.u32 $0x100, s30;
	s1 =	simm.s32 @!p1 $0x3  }
0xbb: {  	[tilespmem:s20], [sflag:$0x2] =	stream.indirect.gather [spmem:s2], $0x40, s8, s17, $0xb8;
	[tilespmem:$0x1E000] =	vst v63  }
0xbc: {  	_ =	swait.ge @!p1 [sflag:s1], $0x2000  }
0xbd: {  	[sflag:s1] =	ssyncset.done @!p1 $0x0  }
0xbe: {  	s31 =	sor.u32 $0x180, s30;
	[sflag:s1] =	ssyncadd.s32 @!p1 $0xFFFFE000  }
0xbf: {  	[tilespmem:s21], [sflag:$0x2] =	stream.indirect.gather [spmem:s2], $0x40, s31, s17, $0xb8;
	[tilespmem:$0x1E000] =	vst v63  }
0xc0: {  	_ =	swait.ge [sflag:s22], $0x2000  }
0xc1: {  	[sflag:s22] =	ssyncset.done $0x0  }
0xc2: {  	s14 =	sor.u32 $0x1000, s30;
	[sflag:s22] =	ssyncadd.s32 $0xFFFFE000  }
0xc3: {  	[spmem:s3] =	stream.indirect.scatter.add.f32 [tilespmem:s18], [sflag:$0x3], $0x40, s14, s17, $0xb8;
	[tilespmem:$0x1E000] =	vst v63  }
0xc4: {  	_ =	swait.ge [sflag:s23], $0x2000  }
0xc5: {  	[sflag:s23] =	ssyncset.done $0x0  }
0xc6: {  	s31 =	sor.u32 $0x200, s30;
	[sflag:s23] =	ssyncadd.s32 $0xFFFFE000  }
0xc7: {  	[tilespmem:s18], [sflag:$0x2] =	stream.indirect.gather [spmem:s2], $0x40, s31, s17, $0xb8;
	[tilespmem:$0x1E000] =	vst v63  }
0xc8: {  	_ =	swait.ge [sflag:s22], $0x2000  }
0xc9: {  	[sflag:s22] =	ssyncset.done $0x0  }
0xca: {  	s0 =	sor.u32 $0x1000, s0;
	[sflag:s22] =	ssyncadd.s32 $0xFFFFE000  }
0xcb: {  	[spmem:s3] =	stream.indirect.scatter.add.f32 [tilespmem:s19], [sflag:$0x3], $0x40, s0, s17, $0xb8;
	[tilespmem:$0x1E000] =	vst v63  }
0xcc: {  	_ =	swait.ge [sflag:s23], $0x2000  }
0xcd: {  	[sflag:s23] =	ssyncset.done $0x0  }
0xce: {  	s1 =	sor.u32 $0x280, s30;
	[sflag:s23] =	ssyncadd.s32 $0xFFFFE000  }
0xcf: {  	[tilespmem:s19], [sflag:$0x2] =	stream.indirect.gather [spmem:s2], $0x40, s1, s17, $0xb8;
	[tilespmem:$0x1E000] =	vst v63  }
0xd0: {  	_ =	swait.ge [sflag:s22], $0x2000  }
0xd1: {  	[sflag:s22] =	ssyncset.done $0x0  }
0xd2: {  	s9 =	sor.u32 $0x1000, s8;
	[sflag:s22] =	ssyncadd.s32 $0xFFFFE000  }
0xd3: {  	[spmem:s3] =	stream.indirect.scatter.add.f32 [tilespmem:s20], [sflag:$0x3], $0x40, s9, s17, $0xb8;
	[tilespmem:$0x1E000] =	vst v63  }
0xd4: {  	_ =	swait.ge [sflag:s23], $0x2000  }
0xd5: {  	[sflag:s23] =	ssyncset.done $0x0  }
0xd6: {  	s14 =	sor.u32 $0x300, s30;
	[sflag:s23] =	ssyncadd.s32 $0xFFFFE000  }
0xd7: {  	[tilespmem:s20], [sflag:$0x2] =	stream.indirect.gather [spmem:s2], $0x40, s14, s17, $0xb8;
	[tilespmem:$0x1E000] =	vst v63  }
0xd8: {  	_ =	swait.ge [sflag:s22], $0x2000  }
0xd9: {  	[sflag:s22] =	ssyncset.done $0x0  }
0xda: {  	s31 =	sor.u32 $0x1180, s30;
	[sflag:s22] =	ssyncadd.s32 $0xFFFFE000  }
0xdb: {  	[spmem:s3] =	stream.indirect.scatter.add.f32 [tilespmem:s21], [sflag:$0x3], $0x40, s31, s17, $0xb8;
	[tilespmem:$0x1E000] =	vst v63  }
0xdc: {  	_ =	swait.ge [sflag:s23], $0x2000  }
0xdd: {  	[sflag:s23] =	ssyncset.done $0x0  }
0xde: {  	s1 =	sor.u32 $0x380, s30;
	[sflag:s23] =	ssyncadd.s32 $0xFFFFE000  }
0xdf: {  	[tilespmem:s21], [sflag:$0x2] =	stream.indirect.gather [spmem:s2], $0x40, s1, s17, $0xb8;
	[tilespmem:$0x1E000] =	vst v63  }
0xe0: {  	_ =	swait.ge [sflag:s22], $0x2000  }
0xe1: {  	[sflag:s22] =	ssyncset.done $0x0  }
0xe2: {  	s8 =	sor.u32 $0x1200, s30;
	[sflag:s22] =	ssyncadd.s32 $0xFFFFE000  }
0xe3: {  	[spmem:s3] =	stream.indirect.scatter.add.f32 [tilespmem:s18], [sflag:$0x3], $0x40, s8, s17, $0xb8;
	[tilespmem:$0x1E000] =	vst v63  }
0xe4: {  	_ =	swait.ge [sflag:s23], $0x2000  }
0xe5: {  	[sflag:s23] =	ssyncset.done $0x0  }
0xe6: {  	s9 =	sor.u32 $0x400, s30;
	[sflag:s23] =	ssyncadd.s32 $0xFFFFE000  }
0xe7: {  	[tilespmem:s18], [sflag:$0x2] =	stream.indirect.gather [spmem:s2], $0x40, s9, s17, $0xb8;
	[tilespmem:$0x1E000] =	vst v63  }
0xe8: {  	_ =	swait.ge [sflag:s22], $0x2000  }
0xe9: {  	[sflag:s22] =	ssyncset.done $0x0  }
0xea: {  	s14 =	sor.u32 $0x1280, s30;
	[sflag:s22] =	ssyncadd.s32 $0xFFFFE000  }
0xeb: {  	[spmem:s3] =	stream.indirect.scatter.add.f32 [tilespmem:s19], [sflag:$0x3], $0x40, s14, s17, $0xb8;
	[tilespmem:$0x1E000] =	vst v63  }
0xec: {  	_ =	swait.ge [sflag:s23], $0x2000  }
0xed: {  	[sflag:s23] =	ssyncset.done $0x0  }
0xee: {  	s31 =	sor.u32 $0x480, s30;
	[sflag:s23] =	ssyncadd.s32 $0xFFFFE000  }
0xef: {  	[tilespmem:s19], [sflag:$0x2] =	stream.indirect.gather [spmem:s2], $0x40, s31, s17, $0xb8;
	[tilespmem:$0x1E000] =	vst v63  }
0xf0: {  	_ =	swait.ge [sflag:s22], $0x2000  }
0xf1: {  	[sflag:s22] =	ssyncset.done $0x0  }
0xf2: {  	s1 =	sor.u32 $0x1300, s30;
	[sflag:s22] =	ssyncadd.s32 $0xFFFFE000  }
0xf3: {  	[spmem:s3] =	stream.indirect.scatter.add.f32 [tilespmem:s20], [sflag:$0x3], $0x40, s1, s17, $0xb8;
	[tilespmem:$0x1E000] =	vst v63  }
0xf4: {  	_ =	swait.ge [sflag:s23], $0x2000  }
0xf5: {  	[sflag:s23] =	ssyncset.done $0x0  }
0xf6: {  	s8 =	sor.u32 $0x500, s30;
	[sflag:s23] =	ssyncadd.s32 $0xFFFFE000  }
0xf7: {  	[tilespmem:s20], [sflag:$0x2] =	stream.indirect.gather [spmem:s2], $0x40, s8, s17, $0xb8;
	[tilespmem:$0x1E000] =	vst v63  }
0xf8: {  	_ =	swait.ge [sflag:s22], $0x2000  }
0xf9: {  	[sflag:s22] =	ssyncset.done $0x0  }
0xfa: {  	s9 =	sor.u32 $0x1380, s30;
	[sflag:s22] =	ssyncadd.s32 $0xFFFFE000  }
0xfb: {  	[spmem:s3] =	stream.indirect.scatter.add.f32 [tilespmem:s21], [sflag:$0x3], $0x40, s9, s17, $0xb8;
	[tilespmem:$0x1E000] =	vst v63  }
0xfc: {  	_ =	swait.ge [sflag:s23], $0x2000  }
0xfd: {  	[sflag:s23] =	ssyncset.done $0x0  }
0xfe: {  	s14 =	sor.u32 $0x580, s30;
	[sflag:s23] =	ssyncadd.s32 $0xFFFFE000  }
0xff: {  	[tilespmem:s21], [sflag:$0x2] =	stream.indirect.gather [spmem:s2], $0x40, s14, s17, $0xb8;
	[tilespmem:$0x1E000] =	vst v63  }
0x100: {  	_ =	swait.ge [sflag:s22], $0x2000  }
0x101: {  	[sflag:s22] =	ssyncset.done $0x0  }
0x102: {  	s31 =	sor.u32 $0x1400, s30;
	[sflag:s22] =	ssyncadd.s32 $0xFFFFE000  }
0x103: {  	[spmem:s3] =	stream.indirect.scatter.add.f32 [tilespmem:s18], [sflag:$0x3], $0x40, s31, s17, $0xb8;
	[tilespmem:$0x1E000] =	vst v63  }
0x104: {  	_ =	swait.ge [sflag:s23], $0x2000  }
0x105: {  	[sflag:s23] =	ssyncset.done $0x0  }
0x106: {  	s1 =	sor.u32 $0x600, s30;
	[sflag:s23] =	ssyncadd.s32 $0xFFFFE000  }
0x107: {  	[tilespmem:s18], [sflag:$0x2] =	stream.indirect.gather [spmem:s2], $0x40, s1, s17, $0xb8;
	[tilespmem:$0x1E000] =	vst v63  }
0x108: {  	_ =	swait.ge [sflag:s22], $0x2000  }
0x109: {  	[sflag:s22] =	ssyncset.done $0x0  }
0x10a: {  	s8 =	sor.u32 $0x1480, s30;
	[sflag:s22] =	ssyncadd.s32 $0xFFFFE000  }
0x10b: {  	[spmem:s3] =	stream.indirect.scatter.add.f32 [tilespmem:s19], [sflag:$0x3], $0x40, s8, s17, $0xb8;
	[tilespmem:$0x1E000] =	vst v63  }
0x10c: {  	_ =	swait.ge [sflag:s23], $0x2000  }
0x10d: {  	[sflag:s23] =	ssyncset.done $0x0  }
0x10e: {  	s9 =	sor.u32 $0x680, s30;
	[sflag:s23] =	ssyncadd.s32 $0xFFFFE000  }
0x10f: {  	[tilespmem:s19], [sflag:$0x2] =	stream.indirect.gather [spmem:s2], $0x40, s9, s17, $0xb8;
	[tilespmem:$0x1E000] =	vst v63  }
0x110: {  	_ =	swait.ge [sflag:s22], $0x2000  }
0x111: {  	[sflag:s22] =	ssyncset.done $0x0  }
0x112: {  	s14 =	sor.u32 $0x1500, s30;
	[sflag:s22] =	ssyncadd.s32 $0xFFFFE000  }
0x113: {  	[spmem:s3] =	stream.indirect.scatter.add.f32 [tilespmem:s20], [sflag:$0x3], $0x40, s14, s17, $0xb8;
	[tilespmem:$0x1E000] =	vst v63  }
0x114: {  	_ =	swait.ge [sflag:s23], $0x2000  }
0x115: {  	[sflag:s23] =	ssyncset.done $0x0  }
0x116: {  	s31 =	sor.u32 $0x700, s30;
	[sflag:s23] =	ssyncadd.s32 $0xFFFFE000  }
0x117: {  	[tilespmem:s20], [sflag:$0x2] =	stream.indirect.gather [spmem:s2], $0x40, s31, s17, $0xb8;
	[tilespmem:$0x1E000] =	vst v63  }
0x118: {  	_ =	swait.ge [sflag:s22], $0x2000  }
0x119: {  	[sflag:s22] =	ssyncset.done $0x0  }
0x11a: {  	s1 =	sor.u32 $0x1580, s30;
	[sflag:s22] =	ssyncadd.s32 $0xFFFFE000  }
0x11b: {  	[spmem:s3] =	stream.indirect.scatter.add.f32 [tilespmem:s21], [sflag:$0x3], $0x40, s1, s17, $0xb8;
	[tilespmem:$0x1E000] =	vst v63  }
0x11c: {  	_ =	swait.ge [sflag:s23], $0x2000  }
0x11d: {  	[sflag:s23] =	ssyncset.done $0x0  }
0x11e: {  	s8 =	sor.u32 $0x780, s30;
	[sflag:s23] =	ssyncadd.s32 $0xFFFFE000  }
0x11f: {  	[tilespmem:s21], [sflag:$0x2] =	stream.indirect.gather [spmem:s2], $0x40, s8, s17, $0xb8;
	[tilespmem:$0x1E000] =	vst v63  }
0x120: {  	_ =	swait.ge [sflag:s22], $0x2000  }
0x121: {  	[sflag:s22] =	ssyncset.done $0x0  }
0x122: {  	s9 =	sor.u32 $0x1600, s30;
	[sflag:s22] =	ssyncadd.s32 $0xFFFFE000  }
0x123: {  	[spmem:s3] =	stream.indirect.scatter.add.f32 [tilespmem:s18], [sflag:$0x3], $0x40, s9, s17, $0xb8;
	[tilespmem:$0x1E000] =	vst v63  }
0x124: {  	_ =	swait.ge [sflag:s23], $0x2000  }
0x125: {  	[sflag:s23] =	ssyncset.done $0x0  }
0x126: {  	[sflag:s23] =	ssyncadd.s32 $0xFFFFE000  }
0x127: {  	_ =	swait.ge [sflag:s22], $0x2000  }
0x128: {  	[sflag:s22] =	ssyncset.done $0x0  }
0x129: {  	s14 =	sor.u32 $0x1680, s30;
	[sflag:s22] =	ssyncadd.s32 $0xFFFFE000  }
0x12a: {  	[spmem:s3] =	stream.indirect.scatter.add.f32 [tilespmem:s19], [sflag:$0x3], $0x40, s14, s17, $0xb8;
	[tilespmem:$0x1E000] =	vst v63  }
0x12b: {  	_ =	swait.ge [sflag:s23], $0x2000  }
0x12c: {  	[sflag:s23] =	ssyncset.done $0x0  }
0x12d: {  	[sflag:s23] =	ssyncadd.s32 $0xFFFFE000  }
0x12e: {  	_ =	swait.ge [sflag:s22], $0x2000  }
0x12f: {  	s28 =	sadd.s32 $0x100, s28;
	[sflag:s22] =	ssyncset.done $0x0  }
0x130: {  	p0 =	sne.s32 s28, $0xA00;
	s31 =	sor.u32 $0x1700, s30;
	[sflag:s22] =	ssyncadd.s32 $0xFFFFE000  }
0x131: {  	[spmem:s3] =	stream.indirect.scatter.add.f32 [tilespmem:s20], [sflag:$0x3], $0x40, s31, s17, $0xb8;
	[tilespmem:$0x1E000] =	vst v63  }
.Ltmp0:
0x132: {  	_ =	swait.ge [sflag:s23], $0x2000;
	(pc) =	sbr.rel @p0 .LBB2_2-.Ltmp0, $4  }
0x133: {  	[sflag:s23] =	ssyncset.done $0x0  }
0x134: {  	[sflag:s23] =	ssyncadd.s32 $0xFFFFE000  }
0x135: {  	_ =	swait.ge [sflag:s22], $0x2000  }
0x136: {  	s30 =	sor.u32 $0x1780, s30;
	[sflag:s22] =	ssyncset.done $0x0  }
0x137: {  	[sflag:s22] =	ssyncadd.s32 $0xFFFFE000  }
0x138: {  	[spmem:s3] =	stream.indirect.scatter.add.f32 [tilespmem:s21], [sflag:$0x3], $0x40, s30, s17, $0xb8;
	[tilespmem:$0x1E000] =	vst v63  }
0x139: {  	_ =	swait.ge [sflag:s23], $0x2000  }
0x13a: {  	s26 =	sadd.s32 $0x1, s26;
	[sflag:s23] =	ssyncset.done $0x0  }
0x13b: {  	p0 =	sne.s32 s26, s11;
	[sflag:s23] =	ssyncadd.s32 $0xFFFFE000  }
.Ltmp1:
0x13c: {  	s0 =	sor.u32 $0x1C05, s5;
	[bflag:$0x0] =	sbarrier.arrive $0xFFFF;
	(pc) =	sbr.rel @p0 .LBB2_1-.Ltmp1, $4  }
0x13d: {  	[hbm:s10], [sflag:s0] =	dma.local [spmem:s24], $0x1400  }
0x13e: {  	_ =	swait.ge [sflag:s25], $0x1400  }
0x13f: {  	[sflag:s25] =	ssyncset.done $0x0  }
0x140: {  	[sflag:s25] =	ssyncadd.s32 $0xFFFFEC00  }
0x141: {  	_ =	sfence.sel $0x180000  }
0x142: {  	[bflag:$0x0] =	sbarrier.arrive $0xFFFF  }
0x143: {  	_ =	strace $0x9000004D  }
0x144: {  	s0 =	stileid.u32;
	[bflag:$0x2] =	sbarrier.arrive $0xFFFF  }
0x145: {  	p0 =	sne.s32 s0, $0x0;
	s0 =	rddreg [dreg:$0x3]  }
0x146: {  	s0 =	sadd.s32 @!p0 $0x100000, s0  }
0x147: {  	[sflag:s0] =	ssyncadd.tile.s32 @!p0 $0x1;
	_ =	shalt  }
.Lfunc_end2:
_tile_overlayer_lowered:
.L_overlay_start_2:
0x148: {  	(tag) =	ssettag $0x2  }
0x149: {  	s0 =	rddreg [dreg:$0x0];
	s2 =	stileid.u32  }
0x14a: {  	s1 =	rddreg [dreg:$0x1];
	p0 =	sne.s32 s2, $0x0  }
0x14b: {  	s3 =	rddreg [dreg:$0x2];
	[bflag:$0x3] =	sbarrier.arrive $0xFFFF;
	s2 =	simm.s32 @!p0 $0x1C05  }
0x14c: {  	[timem:s3], [sflag:s2] =	dma.local @!p0 [hbm:s0], s1  }
0x14d: {  	s0 =	simm.s32 @!p0 $0x5  }
0x14e: {  	_ =	swait.ge @!p0 [sflag:s0], s1  }
0x14f: {  	s1 =	ssub.s32 @!p0 $0x0, s1;
	[sflag:s0] =	ssyncset.done @!p0 $0x0  }
0x150: {  	[sflag:s0] =	ssyncadd.s32 @!p0 s1  }
0x151: {  	[bflag:$0x3] =	sbarrier.arrive $0xFFFF  }
0x152: {  	_ =	shalt  }

// kernel: kernel.19.cloned.1.call-start
scs
__scs_entry_jumppad:
0x0: {  	(pc) =	sbr.rel $0x88, $3  }
0x1: {  	(tag) =	ssettag $0x0;
	lr =	simm.s32 $0x1  }
0x2: {  	[smem:$0x3F99] =	sst lr;
	_ =	strace $0xD0000000  }
0x3: {  	_ = 	snop  }
0x4: {  	_ = 	snop  }
0x5: {  	_ = 	snop  }
0x6: {  	_ = 	snop  }
0x7: {  	_ = 	snop  }
__scs_overlays_trampoline_lowered:
0x8: {  	[smem:$0x3FA8] =	sst s0  }
0x9: {  	[smem:$0x3FA9] =	sst s1  }
0xa: {  	[smem:$0x3FAA] =	sst s2  }
0xb: {  	[smem:$0x3FAB] =	sst s3  }
0xc: {  	[smem:$0x3FAC] =	sst s4  }
0xd: {  	[smem:$0x3FAD] =	sst s5  }
0xe: {  	[smem:$0x3FAE] =	sst s6  }
0xf: {  	[smem:$0x3FAF] =	sst s7  }
0x10: {  	[smem:$0x3FB0] =	sst s8  }
0x11: {  	[smem:$0x3FB1] =	sst s9;
	s0 =	simm.s32 @!p0 $0x0  }
0x12: {  	s1 =	sld [smem:$0x3F97];
	s0 =	simm.s32 @p0 $0x1  }
0x13: {  	[smem:$0x3FB2] =	sst s0;
	s0 =	simm.s32 @!p1 $0x0  }
0x14: {  	s2 =	sld [smem:$0x3F96];
	s0 =	simm.s32 @p1 $0x1  }
0x15: {  	[smem:$0x3FB3] =	sst s0;
	s0 =	simm.s32 @!p2 $0x0  }
0x16: {  	s3 =	sld [smem:$0x3FDB];
	s0 =	simm.s32 @p2 $0x1  }
0x17: {  	s4 =	simm.s32 $0x1BF5;
	[smem:$0x3FB5] =	sst s0  }
0x18: {  	s0 =	sld [smem:$0x3F98];
	_ =	swait.ge [sflag:s4], $0x0  }
0x19: {  	s7 =	sld [smem:$0x3F99]  }
0x1a: {  	s8 =	sadd.s32 $0xFFFFE003, lr  }
0x1b: {  	s9 =	sadd.s32 $0xFFFFFEF7, lr;
	s5 =	simm.s32 $0xFFFFFFFF;
	p2 =	slt.u32 s8, $0xFFFFF086  }
0x1c: {  	p1 =	slt.u32 s9, $0xF7A;
	s5 =	simm.s32 @!p2 $0x0  }
0x1d: {  	s5 =	simm.s32 @p1 $0x1;
	p0 =	seq.s32 s7, s2  }
0x1e: {  	s7 =	smul.u32 @!p0 $0xF7A, s2;
	p2 =	seq.s32 @!p0 s5, $0x0  }
0x1f: {  	s9 =	smul.u32 $0xF7A, s1;
	s8 =	simm.s32 @!p0 $0x1BF5;
	p2 =	por !p2, p0  }
0x20: {  	[sflag:s8] =	ssyncset.s32 @!p0 $0xFFFFF086;
	s6 =	sadd.s32 @!p0 s3, s7;
	s7 =	simm.s32 @!p0 $0x108  }
0x21: {  	s3 =	sadd.s32 s3, s9;
	s6 =	sadd.s32 @!p0 $0x88, s6;
	s7 =	simm.s32 @p2 $0x1082  }
0x22: {  	[simem:s7], [sflag:s8] =	dma.local @!p0 [hbm:s6], $0xF7A  }
0x23: {  	s9 =	sor.u32 $0xD0000000, s2;
	s6 =	simm.s32 $0x108;
	_ =	swait.ge @!p0 [sflag:s8], $0x0  }
0x24: {  	s3 =	sadd.s32 $0x88, s3;
	s6 =	simm.s32 @!p1 $0x1082;
	[sflag:s4] =	ssyncset.s32 $0xFFFFF086  }
0x25: {  	[simem:s6], [sflag:s4] =	dma.local [hbm:s3], $0xF7A  }
0x26: {  	[smem:$0x3F99] =	sst s1;
	(tag) =	ssettag s2;
	_ =	strace s9  }
0x27: {  	s1 =	sld [smem:$0x3FA9]  }
0x28: {  	s2 =	sld [smem:$0x3FAA]  }
0x29: {  	s4 =	sld [smem:$0x3FAC]  }
0x2a: {  	p0 =	seq.s32 s5, $0x0;
	s5 =	sld [smem:$0x3FAD]  }
0x2b: {  	s6 =	sld [smem:$0x3FAE]  }
0x2c: {  	s7 =	sld [smem:$0x3FAF]  }
0x2d: {  	s3 =	simm.s32 $0x108;
	s8 =	sld [smem:$0x3FB0]  }
0x2e: {  	s3 =	simm.s32 @!p0 $0x1082;
	s9 =	sld [smem:$0x3FB1]  }
0x2f: {  	lr =	sadd.s32 s0, s3;
	s0 =	sld [smem:$0x3FA8]  }
0x30: {  	s3 =	sld [smem:$0x3FAB]  }
0x31: {  	[smem:$0x3FB4] =	sst s10  }
0x32: {  	s10 =	sld [smem:$0x3FB2];
	_ =	sdelay $0x3  }
0x33: {  	p0 =	seq.s32 s10, $0x1;
	s10 =	sld [smem:$0x3FB4];
	_ =	sdelay $0x3  }
0x34: {  	[smem:$0x3FB4] =	sst s10  }
0x35: {  	s10 =	sld [smem:$0x3FB3];
	_ =	sdelay $0x3  }
0x36: {  	p1 =	seq.s32 s10, $0x1;
	s10 =	sld [smem:$0x3FB4];
	_ =	sdelay $0x3  }
0x37: {  	[smem:$0x3FB4] =	sst s10  }
0x38: {  	s10 =	sld [smem:$0x3FB5]  }
0x39: {  	_ = 	snop;
	(pc) =	sbr.ind lr, $3  }
0x3a: {  	_ = 	snop  }
0x3b: {  	_ = 	snop  }
0x3c: {  	p2 =	seq.s32 s10, $0x1;
	s10 =	sld [smem:$0x3FB4]  }
0x3d: {  	_ =	shalt  }
0x3e: {  	_ =	shalt  }
0x3f: {  	_ =	shalt  }
0x40: {  	_ =	shalt  }
0x41: {  	_ =	shalt  }
0x42: {  	_ =	shalt  }
0x43: {  	_ =	shalt  }
0x44: {  	_ =	shalt  }
0x45: {  	_ =	shalt  }
0x46: {  	_ =	shalt  }
0x47: {  	_ =	shalt  }
0x48: {  	_ =	shalt  }
0x49: {  	_ =	shalt  }
0x4a: {  	_ =	shalt  }
0x4b: {  	_ =	shalt  }
0x4c: {  	_ =	shalt  }
0x4d: {  	_ =	shalt  }
0x4e: {  	_ =	shalt  }
0x4f: {  	_ =	shalt  }
0x50: {  	_ =	shalt  }
0x51: {  	_ =	shalt  }
0x52: {  	_ =	shalt  }
0x53: {  	_ =	shalt  }
0x54: {  	_ =	shalt  }
0x55: {  	_ =	shalt  }
0x56: {  	_ =	shalt  }
0x57: {  	_ =	shalt  }
0x58: {  	_ =	shalt  }
0x59: {  	_ =	shalt  }
0x5a: {  	_ =	shalt  }
0x5b: {  	_ =	shalt  }
0x5c: {  	_ =	shalt  }
0x5d: {  	_ =	shalt  }
0x5e: {  	_ =	shalt  }
0x5f: {  	_ =	shalt  }
0x60: {  	_ =	shalt  }
0x61: {  	_ =	shalt  }
0x62: {  	_ =	shalt  }
0x63: {  	_ =	shalt  }
0x64: {  	_ =	shalt  }
0x65: {  	_ =	shalt  }
0x66: {  	_ =	shalt  }
0x67: {  	_ =	shalt  }
0x68: {  	_ =	shalt  }
0x69: {  	_ =	shalt  }
0x6a: {  	_ =	shalt  }
0x6b: {  	_ =	shalt  }
0x6c: {  	_ =	shalt  }
0x6d: {  	_ =	shalt  }
0x6e: {  	_ =	shalt  }
0x6f: {  	_ =	shalt  }
0x70: {  	_ =	shalt  }
0x71: {  	_ =	shalt  }
0x72: {  	_ =	shalt  }
0x73: {  	_ =	shalt  }
0x74: {  	_ =	shalt  }
0x75: {  	_ =	shalt  }
0x76: {  	_ =	shalt  }
0x77: {  	_ =	shalt  }
0x78: {  	_ =	shalt  }
0x79: {  	_ =	shalt  }
0x7a: {  	_ =	shalt  }
0x7b: {  	_ =	shalt  }
0x7c: {  	_ =	shalt  }
0x7d: {  	_ =	shalt  }
0x7e: {  	_ =	shalt  }
0x7f: {  	_ =	shalt  }
0x80: {  	_ =	shalt  }
0x81: {  	_ =	shalt  }
0x82: {  	_ =	shalt  }
0x83: {  	_ =	shalt  }
0x84: {  	_ =	shalt  }
0x85: {  	_ =	shalt  }
0x86: {  	_ =	shalt  }
0x87: {  	_ =	shalt  }
.Lfunc_end0:
.L_simem_size_0:
called_computation.3_lowered:
.L_overlay_start_0:
0x88: {  	s2 =	sld [smem:$0x3FD9]  }
0x89: {  	s3 =	sld [smem:$0x3FFE];
	_ =	sdelay $0x1  }
0x8a: {  	s1 =	srdreg.scid  }
0x8b: {  	s0 =	sand.u32 $0x1, s1  }
0x8c: {  	s17 =	sshll.u32 s0, $0xA;
	s2 =	sadd.s32 s3, s2  }
0x8d: {  	s2 =	sadd.s32 s2, s17  }
0x8e: {  	[smem:$0x3FC0] =	sst s2  }
0x8f: {  	_ = 	snop  }
0x90: {  	s2 =	sld [smem:$0x3FD0];
	(tm) =	ssettm $0x1  }
0x91: {  	s18 =	sld [smem:$0x3FFB];
	_ =	sdelay $0x3  }
0x92: {  	_ =	strace s18  }
0x93: {  	s3 =	sld [smem:$0x3FFC];
	_ =	sdelay $0x3  }
0x94: {  	_ =	strace s3  }
0x95: {  	s3 =	sld [smem:$0x3FFD];
	_ =	sdelay $0x3  }
0x96: {  	_ =	strace s3  }
0x97: {  	_ =	strace $0x8FFFFFFF  }
0x98: {  	s19 =	sld [smem:$0x3FDB];
	_ =	sdelay $0x1  }
0x99: {  	s4 =	simm.s32 $_scs_section_size  }
0x9a: {  	s5 =	simm.s32 $_size__tile_overlayer_lowered;
	s6 =	simm.s32 $_tile_overlayer_lowered  }
0x9b: {  	s22 =	simm.s32 $0x1BFF;
	s21 =	sshll.u32 s6, $0x1;
	s3 =	sadd.s32 s4, s19  }
0x9c: {  	s7 =	simm.s32 $0x0;
	s20 =	sshll.u32 s5, $0x1;
	s5 =	sadd.s32 s21, s3  }
0x9d: {  	[timem:s7], [sflag:s22] =	dma.local [hbm:s5], s20  }
0x9e: {  	_ =	swait.ge [sflag:s22], s20  }
0x9f: {  	s4 =	ssub.s32 $0x0, s20;
	[sflag:s22] =	ssyncset.done $0x0  }
0xa0: {  	[sflag:s22] =	ssyncadd.s32 s4;
	_ =	sdelay $0x1  }
0xa1: {  	s23 =	simm.s32 $0x1B8B  }
0xa2: {  	_ =	swait.ge [sflag:s23], $0x1  }
0xa3: {  	[sflag:s23] =	ssyncset.done $0x0  }
0xa4: {  	s25 =	simm.s32 $0x1B8E;
	s24 =	sld [smem:$0x3FFE];
	[sflag:s23] =	ssyncadd.s32 $0xFFFFFFFF  }
0xa5: {  	s26 =	simm.s32 $execute0_lowered;
	[smem:$0x3FD2] =	sst s25  }
0xa6: {  	s5 =	sshll.u32 s26, $0x1;
	_ =	strace $0x8000004F;
	[dreg:$0x1] =	wrdreg $0xFFFFFFFF  }
0xa7: {  	s28 =	simm.s32 $_size_execute0_lowered;
	s3 =	sadd.s32 s3, s5;
	[dreg:$0x0] =	wrdreg $0x0  }
0xa8: {  	s5 =	sshll.u32 s28, $0x1;
	[dreg:$0x2] =	wrdreg s3  }
0xa9: {  	[dreg:$0x3] =	wrdreg s5  }
0xaa: {  	[dreg:$0x4] =	wrdreg $0xC0  }
0xab: {  	_ =	task [dreg:s7], $0x5FFFF  }
0xac: {  	[dreg:$0x1] =	wrdreg $0xFFFFFFFF  }
0xad: {  	[dreg:$0x0] =	wrdreg $0x60  }
0xae: {  	[dreg:$0x2] =	wrdreg s2  }
0xaf: {  	[dreg:$0x3] =	wrdreg s24  }
0xb0: {  	[dreg:$0x4] =	wrdreg $0x60000  }
0xb1: {  	[dreg:$0x5] =	wrdreg $0xB0000  }
0xb2: {  	[dreg:$0x6] =	wrdreg $0x9  }
0xb3: {  	_ =	task.clear_ibuf [dreg:s7], $0x7FFFF;
	_ =	strace $0x9000004F  }
0xb4: {  	s29 =	simm.s32 $0x9;
	_ =	strace $0x80000051  }
0xb5: {  	_ =	swait.ge [sflag:s29], $0x1  }
0xb6: {  	[sflag:s29] =	ssyncadd.s32 $0xFFFFFFFF  }
0xb7: {  	_ =	strace $0x90000051  }
0xb8: {  	_ =	sfence  }
0xb9: {  	s30 =	sld [smem:$0x0];
	_ =	sdelay $0x2  }
0xba: {  	s31 =	sshll.u32 s1, $0xD;
	s1 =	sshrl.u32 s1, $0x2  }
0xbb: {  	s3 =	sand.u32 $0x4000, s31;
	s1 =	sadd.s32 s1, s30  }
0xbc: {  	s0 =	sor.u32 s3, s0;
	s1 =	sshll.u32 s1, $0x11  }
0xbd: {  	s0 =	sor.u32 s1, s0  }
0xbe: {  	s0 =	sadd.s32 $0x8F2B, s0  }
0xbf: {  	[sflag:s0] =	ssyncadd.remote.s32 $0x1  }
0xc0: {  	_ =	sfence.sel $0xFFFF  }
0xc1: {  	[dreg:$0x0] =	wrdreg $0xFFFFFFFF;
	(pc) =	sbr.abs _section_cstart, $3  }
0xc2: {  	[dreg:$0x1] =	wrdreg $0xFFFFFFFF  }
0xc3: {  	_ =	task.clear_ibuf [dreg:s7], $0x2FFFF;
	_ =	strace $0x9FFFFFFF  }
0xc4: {  	(tm) =	ssettm $0x7FFFFFFF  }
0xc5: {  	_ =	shalt  }
tec
execute0_lowered:
.L_overlay_start_1:
0x0: {  	(tag) =	ssettag $0x1  }
0x1: {  	s6 =	rddreg [dreg:$0x0]  }
0x2: {  	s5 =	rddreg [dreg:$0x1]  }
0x3: {  	s2 =	rddreg [dreg:$0x2]  }
0x4: {  	s3 =	rddreg [dreg:$0x3]  }
0x5: {  	s0 =	stileid.u32;
	s8 =	srdreg.scid  }
0x6: {  	s4 =	simm.s32 $0x0;
	s18 =	simm.s32 $0x2000;
	s7 =	smul.u32 $0xA00, s0  }
0x7: {  	s19 =	simm.s32 $0x3000;
	s20 =	simm.s32 $0x4000;
	s11 =	smul.u32 $0x5000, s0  }
0x8: {  	s21 =	simm.s32 $0x5000;
	s8 =	sand.u32 $0x1, s8;
	s12 =	smul.u32 $0x4E20, s0  }
0x9: {  	s22 =	simm.s32 $0x2;
	[smem:$0x7FF] =	sst s4;
	s9 =	smul.u32 $0x50000, s8  }
0xa: {  	_ =	strace $0x80000050;
	s10 =	smul.u32 $0x4E200, s8;
	s8 =	ssub.s32 $0x2, s8  }
0xb: {  	s13 =	sadd.s32 s7, s5;
	s24 =	sshrl.u32 s8, $0x1;
	s16 =	sadd.s32 s12, s2  }
0xc: {  	s17 =	sadd.s32 s12, s3;
	s9 =	sadd.s32 s11, s9;
	s15 =	ssub.s32 s8, s24  }
0xd: {  	s25 =	sadd.s32 s12, s10;
	s28 =	sadd.s32 $0xBE00, s13;
	s29 =	sadd.s32 $0x1E00, s13  }
0xe: {  	s30 =	sadd.s32 $0x1F00, s13;
	s31 =	sadd.s32 $0xBF00, s13;
	s24 =	sadd.s32 s11, s3  }
0xf: {  	s12 =	sshrl.u32 s16, $0x3;
	s13 =	sshrl.u32 s17, $0x3;
	[dreg:$0x7] =	wrdreg s28  }
0x10: {  	s16 =	simm.s32 $0x1;
	s17 =	simm.s32 $0x80;
	[dreg:$0x8] =	wrdreg s29  }
0x11: {  	s23 =	sshrl.u32 s9, $0x3;
	s26 =	sshrl.u32 s25, $0x3;
	[dreg:$0x6] =	wrdreg s30  }
0x12: {  	s11 =	smax.u32 s15, $0x1;
	[dreg:$0x5] =	wrdreg s31;
	s15 =	simm.s32 $0x4  }
0x13: {  	s24 =	sshrl.u32 s24, $0x3;
	s25 =	simm.s32 $0x5;
	s14 =	sadd.s32 s23, s5  }
0x14: {  	s5 =	sshll.u32 s0, $0x6;
	s6 =	sadd.s32 s6, s26;
	s23 =	simm.s32 $0x3  }
0x15: {  	s26 =	simm.s32 $0x0;
	s7 =	sor.u32 $0x1C04, s5;
	s10 =	sadd.s32 $0x15E00, s14  }
.LBB2_1:
0x16: {  	[spmem:s12], [sflag:s7] =	dma.local [hbm:s6], $0x9C4  }
0x17: {  	[spmem:s13], [sflag:s7] =	dma.local [hbm:s6], $0x9C4  }
0x18: {  	s0 =	rddreg [dreg:$0x7]  }
0x19: {  	[tilespmem:s4], [sflag:$0x1] =	stream.linear.gather [hbm4b:s0+s4], $0x800, $0x38;
	[tilespmem:$0x10000] =	vst v63  }
0x1a: {  	s1 =	simm.s32 $0x1000;
	s9 =	rddreg [dreg:$0x8]  }
0x1b: {  	[tilespmem:s1], [sflag:$0x1] =	stream.linear.gather [hbm4b:s9+s4], $0x800, $0x38;
	[tilespmem:$0x10000] =	vst v63  }
0x1c: {  	_ =	swait.ge [sflag:s15], $0x9C4  }
0x1d: {  	[sflag:s15] =	ssyncset.done $0x0  }
0x1e: {  	[sflag:s15] =	ssyncadd.s32 $0xFFFFF63C  }
0x1f: {  	_ =	swait.ge [sflag:s15], $0x9C4  }
0x20: {  	[sflag:s15] =	ssyncset.done $0x0  }
0x21: {  	[sflag:s15] =	ssyncadd.s32 $0xFFFFF63C  }
0x22: {  	[bflag:$0x0] =	sbarrier.arrive $0xFFFF  }
0x23: {  	_ =	swait.ge [sflag:s16], $0x800  }
0x24: {  	p0 =	por $0x0, $0x0;
	[sflag:s16] =	ssyncset.done $0x0  }
0x25: {  	s29 =	sand.u32 @!p0 $0x800, s4;
	[sflag:s16] =	ssyncadd.s32 $0xFFFFF800  }
0x26: {  	s31 =	sxor.u32 @!p0 $0x800, s29;
	_ =	swait.ge [sflag:s16], $0x800  }
0x27: {  	s0 =	simm.s32 @!p0 $0x0;
	s28 =	rddreg [dreg:$0x5];
	[sflag:s16] =	ssyncset.done $0x0  }
0x28: {  	s30 =	rddreg [dreg:$0x6];
	[sflag:s16] =	ssyncadd.s32 $0xFFFFF800;
	s28 =	sadd.s32 @!p0 $0x0, s28  }
0x29: {  	[tilespmem:s31], [sflag:$0x1] =	stream.linear.gather @!p0 [hbm4b:s28+s0], $0x800, $0x38;
	[tilespmem:$0x10000] =	vst v63  }
0x2a: {  	s30 =	sadd.s32 @!p0 $0x0, s30;
	s28 =	sor.u32 @!p0 $0x1000, s31  }
0x2b: {  	[tilespmem:s28], [sflag:$0x1] =	stream.linear.gather @!p0 [hbm4b:s30+s0], $0x800, $0x38;
	[tilespmem:$0x10000] =	vst v63  }
0x2c: {  	s29 =	simm.s32 @p0 $0x800  }
0x2d: {  	[tilespmem:s18], [sflag:$0x2] =	stream.indirect.gather [spmem:s2], $0x20, s29, s17, $0xb8;
	[tilespmem:$0x10000] =	vst v63  }
0x2e: {  	s14 =	sor.u32 $0x80, s29;
	p0 =	por $0x1, $0x1  }
0x2f: {  	[tilespmem:s19], [sflag:$0x2] =	stream.indirect.gather [spmem:s2], $0x20, s14, s17, $0xb8;
	[tilespmem:$0x10000] =	vst v63  }
0x30: {  	s28 =	sor.u32 $0x100, s29;
	s30 =	simm.s32 @!p0 $0x3  }
0x31: {  	[tilespmem:s20], [sflag:$0x2] =	stream.indirect.gather [spmem:s2], $0x20, s28, s17, $0xb8;
	[tilespmem:$0x10000] =	vst v63  }
0x32: {  	_ =	swait.ge @!p0 [sflag:s30], $0x1000  }
0x33: {  	[sflag:s30] =	ssyncset.done @!p0 $0x0  }
0x34: {  	s1 =	sor.u32 $0x180, s29;
	[sflag:s30] =	ssyncadd.s32 @!p0 $0xFFFFF000  }
0x35: {  	[tilespmem:s21], [sflag:$0x2] =	stream.indirect.gather [spmem:s2], $0x20, s1, s17, $0xb8;
	[tilespmem:$0x10000] =	vst v63  }
0x36: {  	_ =	swait.ge [sflag:s22], $0x1000  }
0x37: {  	[sflag:s22] =	ssyncset.done $0x0  }
0x38: {  	s30 =	sor.u32 $0x1000, s29;
	[sflag:s22] =	ssyncadd.s32 $0xFFFFF000  }
0x39: {  	[spmem:s3] =	stream.indirect.scatter.add.f32 [tilespmem:s18], [sflag:$0x3], $0x20, s30, s17, $0xb8;
	[tilespmem:$0x10000] =	vst v63  }
0x3a: {  	_ =	swait.ge [sflag:s23], $0x1000  }
0x3b: {  	[sflag:s23] =	ssyncset.done $0x0  }
0x3c: {  	s30 =	sor.u32 $0x200, s29;
	[sflag:s23] =	ssyncadd.s32 $0xFFFFF000  }
0x3d: {  	[tilespmem:s18], [sflag:$0x2] =	stream.indirect.gather [spmem:s2], $0x20, s30, s17, $0xb8;
	[tilespmem:$0x10000] =	vst v63  }
0x3e: {  	_ =	swait.ge [sflag:s22], $0x1000  }
0x3f: {  	[sflag:s22] =	ssyncset.done $0x0  }
0x40: {  	s0 =	sor.u32 $0x1000, s14;
	[sflag:s22] =	ssyncadd.s32 $0xFFFFF000  }
0x41: {  	[spmem:s3] =	stream.indirect.scatter.add.f32 [tilespmem:s19], [sflag:$0x3], $0x20, s0, s17, $0xb8;
	[tilespmem:$0x10000] =	vst v63  }
0x42: {  	_ =	swait.ge [sflag:s23], $0x1000  }
0x43: {  	[sflag:s23] =	ssyncset.done $0x0  }
0x44: {  	s8 =	sor.u32 $0x280, s29;
	[sflag:s23] =	ssyncadd.s32 $0xFFFFF000  }
0x45: {  	[tilespmem:s19], [sflag:$0x2] =	stream.indirect.gather [spmem:s2], $0x20, s8, s17, $0xb8;
	[tilespmem:$0x10000] =	vst v63  }
0x46: {  	_ =	swait.ge [sflag:s22], $0x1000  }
0x47: {  	[sflag:s22] =	ssyncset.done $0x0  }
0x48: {  	s9 =	sor.u32 $0x1000, s28;
	[sflag:s22] =	ssyncadd.s32 $0xFFFFF000  }
0x49: {  	[spmem:s3] =	stream.indirect.scatter.add.f32 [tilespmem:s20], [sflag:$0x3], $0x20, s9, s17, $0xb8;
	[tilespmem:$0x10000] =	vst v63  }
0x4a: {  	_ =	swait.ge [sflag:s23], $0x1000  }
0x4b: {  	[sflag:s23] =	ssyncset.done $0x0  }
0x4c: {  	s14 =	sor.u32 $0x300, s29;
	[sflag:s23] =	ssyncadd.s32 $0xFFFFF000  }
0x4d: {  	[tilespmem:s20], [sflag:$0x2] =	stream.indirect.gather [spmem:s2], $0x20, s14, s17, $0xb8;
	[tilespmem:$0x10000] =	vst v63  }
0x4e: {  	_ =	swait.ge [sflag:s22], $0x1000  }
0x4f: {  	[sflag:s22] =	ssyncset.done $0x0  }
0x50: {  	s31 =	sor.u32 $0x1180, s29;
	[sflag:s22] =	ssyncadd.s32 $0xFFFFF000  }
0x51: {  	[spmem:s3] =	stream.indirect.scatter.add.f32 [tilespmem:s21], [sflag:$0x3], $0x20, s31, s17, $0xb8;
	[tilespmem:$0x10000] =	vst v63  }
0x52: {  	_ =	swait.ge [sflag:s23], $0x1000  }
0x53: {  	[sflag:s23] =	ssyncset.done $0x0  }
0x54: {  	s1 =	sor.u32 $0x380, s29;
	[sflag:s23] =	ssyncadd.s32 $0xFFFFF000  }
0x55: {  	[tilespmem:s21], [sflag:$0x2] =	stream.indirect.gather [spmem:s2], $0x20, s1, s17, $0xb8;
	[tilespmem:$0x10000] =	vst v63  }
0x56: {  	_ =	swait.ge [sflag:s22], $0x1000  }
0x57: {  	[sflag:s22] =	ssyncset.done $0x0  }
0x58: {  	s8 =	sor.u32 $0x1200, s29;
	[sflag:s22] =	ssyncadd.s32 $0xFFFFF000  }
0x59: {  	[spmem:s3] =	stream.indirect.scatter.add.f32 [tilespmem:s18], [sflag:$0x3], $0x20, s8, s17, $0xb8;
	[tilespmem:$0x10000] =	vst v63  }
0x5a: {  	_ =	swait.ge [sflag:s23], $0x1000  }
0x5b: {  	[sflag:s23] =	ssyncset.done $0x0  }
0x5c: {  	s9 =	sor.u32 $0x400, s29;
	[sflag:s23] =	ssyncadd.s32 $0xFFFFF000  }
0x5d: {  	[tilespmem:s18], [sflag:$0x2] =	stream.indirect.gather [spmem:s2], $0x20, s9, s17, $0xb8;
	[tilespmem:$0x10000] =	vst v63  }
0x5e: {  	_ =	swait.ge [sflag:s22], $0x1000  }
0x5f: {  	[sflag:s22] =	ssyncset.done $0x0  }
0x60: {  	s14 =	sor.u32 $0x1280, s29;
	[sflag:s22] =	ssyncadd.s32 $0xFFFFF000  }
0x61: {  	[spmem:s3] =	stream.indirect.scatter.add.f32 [tilespmem:s19], [sflag:$0x3], $0x20, s14, s17, $0xb8;
	[tilespmem:$0x10000] =	vst v63  }
0x62: {  	_ =	swait.ge [sflag:s23], $0x1000  }
0x63: {  	[sflag:s23] =	ssyncset.done $0x0  }
0x64: {  	s31 =	sor.u32 $0x480, s29;
	[sflag:s23] =	ssyncadd.s32 $0xFFFFF000  }
0x65: {  	[tilespmem:s19], [sflag:$0x2] =	stream.indirect.gather [spmem:s2], $0x20, s31, s17, $0xb8;
	[tilespmem:$0x10000] =	vst v63  }
0x66: {  	_ =	swait.ge [sflag:s22], $0x1000  }
0x67: {  	[sflag:s22] =	ssyncset.done $0x0  }
0x68: {  	s1 =	sor.u32 $0x1300, s29;
	[sflag:s22] =	ssyncadd.s32 $0xFFFFF000  }
0x69: {  	[spmem:s3] =	stream.indirect.scatter.add.f32 [tilespmem:s20], [sflag:$0x3], $0x20, s1, s17, $0xb8;
	[tilespmem:$0x10000] =	vst v63  }
0x6a: {  	_ =	swait.ge [sflag:s23], $0x1000  }
0x6b: {  	[sflag:s23] =	ssyncset.done $0x0  }
0x6c: {  	s8 =	sor.u32 $0x500, s29;
	[sflag:s23] =	ssyncadd.s32 $0xFFFFF000  }
0x6d: {  	[tilespmem:s20], [sflag:$0x2] =	stream.indirect.gather [spmem:s2], $0x20, s8, s17, $0xb8;
	[tilespmem:$0x10000] =	vst v63  }
0x6e: {  	_ =	swait.ge [sflag:s22], $0x1000  }
0x6f: {  	[sflag:s22] =	ssyncset.done $0x0  }
0x70: {  	s9 =	sor.u32 $0x1380, s29;
	[sflag:s22] =	ssyncadd.s32 $0xFFFFF000  }
0x71: {  	[spmem:s3] =	stream.indirect.scatter.add.f32 [tilespmem:s21], [sflag:$0x3], $0x20, s9, s17, $0xb8;
	[tilespmem:$0x10000] =	vst v63  }
0x72: {  	_ =	swait.ge [sflag:s23], $0x1000  }
0x73: {  	[sflag:s23] =	ssyncset.done $0x0  }
0x74: {  	s14 =	sor.u32 $0x580, s29;
	[sflag:s23] =	ssyncadd.s32 $0xFFFFF000  }
0x75: {  	[tilespmem:s21], [sflag:$0x2] =	stream.indirect.gather [spmem:s2], $0x20, s14, s17, $0xb8;
	[tilespmem:$0x10000] =	vst v63  }
0x76: {  	_ =	swait.ge [sflag:s22], $0x1000  }
0x77: {  	[sflag:s22] =	ssyncset.done $0x0  }
0x78: {  	s31 =	sor.u32 $0x1400, s29;
	[sflag:s22] =	ssyncadd.s32 $0xFFFFF000  }
0x79: {  	[spmem:s3] =	stream.indirect.scatter.add.f32 [tilespmem:s18], [sflag:$0x3], $0x20, s31, s17, $0xb8;
	[tilespmem:$0x10000] =	vst v63  }
0x7a: {  	_ =	swait.ge [sflag:s23], $0x1000  }
0x7b: {  	[sflag:s23] =	ssyncset.done $0x0  }
0x7c: {  	s1 =	sor.u32 $0x600, s29;
	[sflag:s23] =	ssyncadd.s32 $0xFFFFF000  }
0x7d: {  	[tilespmem:s18], [sflag:$0x2] =	stream.indirect.gather [spmem:s2], $0x20, s1, s17, $0xb8;
	[tilespmem:$0x10000] =	vst v63  }
0x7e: {  	_ =	swait.ge [sflag:s22], $0x1000  }
0x7f: {  	[sflag:s22] =	ssyncset.done $0x0  }
0x80: {  	s8 =	sor.u32 $0x1480, s29;
	[sflag:s22] =	ssyncadd.s32 $0xFFFFF000  }
0x81: {  	[spmem:s3] =	stream.indirect.scatter.add.f32 [tilespmem:s19], [sflag:$0x3], $0x20, s8, s17, $0xb8;
	[tilespmem:$0x10000] =	vst v63  }
0x82: {  	_ =	swait.ge [sflag:s23], $0x1000  }
0x83: {  	[sflag:s23] =	ssyncset.done $0x0  }
0x84: {  	s9 =	sor.u32 $0x680, s29;
	[sflag:s23] =	ssyncadd.s32 $0xFFFFF000  }
0x85: {  	[tilespmem:s19], [sflag:$0x2] =	stream.indirect.gather [spmem:s2], $0x20, s9, s17, $0xb8;
	[tilespmem:$0x10000] =	vst v63  }
0x86: {  	_ =	swait.ge [sflag:s22], $0x1000  }
0x87: {  	[sflag:s22] =	ssyncset.done $0x0  }
0x88: {  	s14 =	sor.u32 $0x1500, s29;
	[sflag:s22] =	ssyncadd.s32 $0xFFFFF000  }
0x89: {  	[spmem:s3] =	stream.indirect.scatter.add.f32 [tilespmem:s20], [sflag:$0x3], $0x20, s14, s17, $0xb8;
	[tilespmem:$0x10000] =	vst v63  }
0x8a: {  	_ =	swait.ge [sflag:s23], $0x1000  }
0x8b: {  	[sflag:s23] =	ssyncset.done $0x0  }
0x8c: {  	s31 =	sor.u32 $0x700, s29;
	[sflag:s23] =	ssyncadd.s32 $0xFFFFF000  }
0x8d: {  	[tilespmem:s20], [sflag:$0x2] =	stream.indirect.gather [spmem:s2], $0x20, s31, s17, $0xb8;
	[tilespmem:$0x10000] =	vst v63  }
0x8e: {  	_ =	swait.ge [sflag:s22], $0x1000  }
0x8f: {  	[sflag:s22] =	ssyncset.done $0x0  }
0x90: {  	s1 =	sor.u32 $0x1580, s29;
	[sflag:s22] =	ssyncadd.s32 $0xFFFFF000  }
0x91: {  	[spmem:s3] =	stream.indirect.scatter.add.f32 [tilespmem:s21], [sflag:$0x3], $0x20, s1, s17, $0xb8;
	[tilespmem:$0x10000] =	vst v63  }
0x92: {  	_ =	swait.ge [sflag:s23], $0x1000  }
0x93: {  	[sflag:s23] =	ssyncset.done $0x0  }
0x94: {  	s8 =	sor.u32 $0x780, s29;
	[sflag:s23] =	ssyncadd.s32 $0xFFFFF000  }
0x95: {  	[tilespmem:s21], [sflag:$0x2] =	stream.indirect.gather [spmem:s2], $0x20, s8, s17, $0xb8;
	[tilespmem:$0x10000] =	vst v63  }
0x96: {  	_ =	swait.ge [sflag:s22], $0x1000  }
0x97: {  	[sflag:s22] =	ssyncset.done $0x0  }
0x98: {  	s9 =	sor.u32 $0x1600, s29;
	[sflag:s22] =	ssyncadd.s32 $0xFFFFF000  }
0x99: {  	[spmem:s3] =	stream.indirect.scatter.add.f32 [tilespmem:s18], [sflag:$0x3], $0x20, s9, s17, $0xb8;
	[tilespmem:$0x10000] =	vst v63  }
0x9a: {  	_ =	swait.ge [sflag:s23], $0x1000  }
0x9b: {  	[sflag:s23] =	ssyncset.done $0x0  }
0x9c: {  	[sflag:s23] =	ssyncadd.s32 $0xFFFFF000  }
0x9d: {  	_ =	swait.ge [sflag:s22], $0x1000  }
0x9e: {  	[sflag:s22] =	ssyncset.done $0x0  }
0x9f: {  	s14 =	sor.u32 $0x1680, s29;
	[sflag:s22] =	ssyncadd.s32 $0xFFFFF000  }
0xa0: {  	[spmem:s3] =	stream.indirect.scatter.add.f32 [tilespmem:s19], [sflag:$0x3], $0x20, s14, s17, $0xb8;
	[tilespmem:$0x10000] =	vst v63  }
0xa1: {  	_ =	swait.ge [sflag:s23], $0x1000  }
0xa2: {  	[sflag:s23] =	ssyncset.done $0x0  }
0xa3: {  	[sflag:s23] =	ssyncadd.s32 $0xFFFFF000  }
0xa4: {  	_ =	swait.ge [sflag:s22], $0x1000  }
0xa5: {  	[sflag:s22] =	ssyncset.done $0x0  }
0xa6: {  	s31 =	sor.u32 $0x1700, s29;
	[sflag:s22] =	ssyncadd.s32 $0xFFFFF000  }
0xa7: {  	[spmem:s3] =	stream.indirect.scatter.add.f32 [tilespmem:s20], [sflag:$0x3], $0x20, s31, s17, $0xb8;
	[tilespmem:$0x10000] =	vst v63  }
0xa8: {  	_ =	swait.ge [sflag:s23], $0x1000  }
0xa9: {  	[sflag:s23] =	ssyncset.done $0x0  }
0xaa: {  	[sflag:s23] =	ssyncadd.s32 $0xFFFFF000  }
0xab: {  	s28 =	simm.s32 $0x100;
	_ =	swait.ge [sflag:s22], $0x1000  }
0xac: {  	s30 =	sor.u32 $0x1780, s29;
	s29 =	simm.s32 $0x0;
	[sflag:s22] =	ssyncset.done $0x0  }
.LBB2_2:
0xad: {  	[sflag:s22] =	ssyncadd.s32 $0xFFFFF000  }
0xae: {  	[spmem:s3] =	stream.indirect.scatter.add.f32 [tilespmem:s21], [sflag:$0x3], $0x20, s30, s17, $0xb8;
	[tilespmem:$0x10000] =	vst v63  }
0xaf: {  	_ =	swait.ge [sflag:s16], $0x800  }
0xb0: {  	s0 =	smov.u32 s28;
	[sflag:s16] =	ssyncset.done $0x0  }
0xb1: {  	s29 =	sadd.s32 $0x800, s29;
	p1 =	seq.s32 s0, $0x900;
	[sflag:s16] =	ssyncadd.s32 $0xFFFFF800  }
0xb2: {  	s30 =	sand.u32 @!p1 $0x800, s29;
	s8 =	simm.s32 @!p1 $0x0;
	_ =	swait.ge [sflag:s16], $0x800  }
0xb3: {  	s14 =	sxor.u32 @!p1 $0x800, s30;
	s31 =	rddreg [dreg:$0x5];
	[sflag:s16] =	ssyncset.done $0x0  }
0xb4: {  	s1 =	rddreg [dreg:$0x6];
	[sflag:s16] =	ssyncadd.s32 $0xFFFFF800;
	s31 =	sadd.s32 @!p1 s0, s31  }
0xb5: {  	[tilespmem:s14], [sflag:$0x1] =	stream.linear.gather @!p1 [hbm4b:s31+s8], $0x800, $0x38;
	[tilespmem:$0x10000] =	vst v63  }
0xb6: {  	s9 =	sor.u32 @!p1 $0x1000, s14;
	s1 =	sadd.s32 @!p1 s0, s1  }
0xb7: {  	[tilespmem:s9], [sflag:$0x1] =	stream.linear.gather @!p1 [hbm4b:s1+s8], $0x800, $0x38;
	[tilespmem:$0x10000] =	vst v63  }
0xb8: {  	s30 =	simm.s32 @p1 $0x800  }
0xb9: {  	[tilespmem:s18], [sflag:$0x2] =	stream.indirect.gather [spmem:s2], $0x20, s30, s17, $0xb8;
	[tilespmem:$0x10000] =	vst v63  }
0xba: {  	s1 =	sor.u32 $0x80, s30;
	p1 =	seq.s32 s0, $0x0  }
0xbb: {  	[tilespmem:s19], [sflag:$0x2] =	stream.indirect.gather [spmem:s2], $0x20, s1, s17, $0xb8;
	[tilespmem:$0x10000] =	vst v63  }
0xbc: {  	s8 =	sor.u32 $0x100, s30;
	s0 =	simm.s32 @!p1 $0x3  }
0xbd: {  	[tilespmem:s20], [sflag:$0x2] =	stream.indirect.gather [spmem:s2], $0x20, s8, s17, $0xb8;
	[tilespmem:$0x10000] =	vst v63  }
0xbe: {  	_ =	swait.ge @!p1 [sflag:s0], $0x1000  }
0xbf: {  	[sflag:s0] =	ssyncset.done @!p1 $0x0  }
0xc0: {  	s31 =	sor.u32 $0x180, s30;
	[sflag:s0] =	ssyncadd.s32 @!p1 $0xFFFFF000  }
0xc1: {  	[tilespmem:s21], [sflag:$0x2] =	stream.indirect.gather [spmem:s2], $0x20, s31, s17, $0xb8;
	[tilespmem:$0x10000] =	vst v63  }
0xc2: {  	_ =	swait.ge [sflag:s22], $0x1000  }
0xc3: {  	[sflag:s22] =	ssyncset.done $0x0  }
0xc4: {  	s9 =	sor.u32 $0x1000, s30;
	[sflag:s22] =	ssyncadd.s32 $0xFFFFF000  }
0xc5: {  	[spmem:s3] =	stream.indirect.scatter.add.f32 [tilespmem:s18], [sflag:$0x3], $0x20, s9, s17, $0xb8;
	[tilespmem:$0x10000] =	vst v63  }
0xc6: {  	_ =	swait.ge [sflag:s23], $0x1000  }
0xc7: {  	[sflag:s23] =	ssyncset.done $0x0  }
0xc8: {  	s14 =	sor.u32 $0x200, s30;
	[sflag:s23] =	ssyncadd.s32 $0xFFFFF000  }
0xc9: {  	[tilespmem:s18], [sflag:$0x2] =	stream.indirect.gather [spmem:s2], $0x20, s14, s17, $0xb8;
	[tilespmem:$0x10000] =	vst v63  }
0xca: {  	_ =	swait.ge [sflag:s22], $0x1000  }
0xcb: {  	[sflag:s22] =	ssyncset.done $0x0  }
0xcc: {  	s31 =	sor.u32 $0x1000, s1;
	[sflag:s22] =	ssyncadd.s32 $0xFFFFF000  }
0xcd: {  	[spmem:s3] =	stream.indirect.scatter.add.f32 [tilespmem:s19], [sflag:$0x3], $0x20, s31, s17, $0xb8;
	[tilespmem:$0x10000] =	vst v63  }
0xce: {  	_ =	swait.ge [sflag:s23], $0x1000  }
0xcf: {  	[sflag:s23] =	ssyncset.done $0x0  }
0xd0: {  	s1 =	sor.u32 $0x280, s30;
	[sflag:s23] =	ssyncadd.s32 $0xFFFFF000  }
0xd1: {  	[tilespmem:s19], [sflag:$0x2] =	stream.indirect.gather [spmem:s2], $0x20, s1, s17, $0xb8;
	[tilespmem:$0x10000] =	vst v63  }
0xd2: {  	_ =	swait.ge [sflag:s22], $0x1000  }
0xd3: {  	[sflag:s22] =	ssyncset.done $0x0  }
0xd4: {  	s9 =	sor.u32 $0x1000, s8;
	[sflag:s22] =	ssyncadd.s32 $0xFFFFF000  }
0xd5: {  	[spmem:s3] =	stream.indirect.scatter.add.f32 [tilespmem:s20], [sflag:$0x3], $0x20, s9, s17, $0xb8;
	[tilespmem:$0x10000] =	vst v63  }
0xd6: {  	_ =	swait.ge [sflag:s23], $0x1000  }
0xd7: {  	[sflag:s23] =	ssyncset.done $0x0  }
0xd8: {  	s14 =	sor.u32 $0x300, s30;
	[sflag:s23] =	ssyncadd.s32 $0xFFFFF000  }
0xd9: {  	[tilespmem:s20], [sflag:$0x2] =	stream.indirect.gather [spmem:s2], $0x20, s14, s17, $0xb8;
	[tilespmem:$0x10000] =	vst v63  }
0xda: {  	_ =	swait.ge [sflag:s22], $0x1000  }
0xdb: {  	[sflag:s22] =	ssyncset.done $0x0  }
0xdc: {  	s31 =	sor.u32 $0x1180, s30;
	[sflag:s22] =	ssyncadd.s32 $0xFFFFF000  }
0xdd: {  	[spmem:s3] =	stream.indirect.scatter.add.f32 [tilespmem:s21], [sflag:$0x3], $0x20, s31, s17, $0xb8;
	[tilespmem:$0x10000] =	vst v63  }
0xde: {  	_ =	swait.ge [sflag:s23], $0x1000  }
0xdf: {  	[sflag:s23] =	ssyncset.done $0x0  }
0xe0: {  	s1 =	sor.u32 $0x380, s30;
	[sflag:s23] =	ssyncadd.s32 $0xFFFFF000  }
0xe1: {  	[tilespmem:s21], [sflag:$0x2] =	stream.indirect.gather [spmem:s2], $0x20, s1, s17, $0xb8;
	[tilespmem:$0x10000] =	vst v63  }
0xe2: {  	_ =	swait.ge [sflag:s22], $0x1000  }
0xe3: {  	[sflag:s22] =	ssyncset.done $0x0  }
0xe4: {  	s8 =	sor.u32 $0x1200, s30;
	[sflag:s22] =	ssyncadd.s32 $0xFFFFF000  }
0xe5: {  	[spmem:s3] =	stream.indirect.scatter.add.f32 [tilespmem:s18], [sflag:$0x3], $0x20, s8, s17, $0xb8;
	[tilespmem:$0x10000] =	vst v63  }
0xe6: {  	_ =	swait.ge [sflag:s23], $0x1000  }
0xe7: {  	[sflag:s23] =	ssyncset.done $0x0  }
0xe8: {  	s9 =	sor.u32 $0x400, s30;
	[sflag:s23] =	ssyncadd.s32 $0xFFFFF000  }
0xe9: {  	[tilespmem:s18], [sflag:$0x2] =	stream.indirect.gather [spmem:s2], $0x20, s9, s17, $0xb8;
	[tilespmem:$0x10000] =	vst v63  }
0xea: {  	_ =	swait.ge [sflag:s22], $0x1000  }
0xeb: {  	[sflag:s22] =	ssyncset.done $0x0  }
0xec: {  	s14 =	sor.u32 $0x1280, s30;
	[sflag:s22] =	ssyncadd.s32 $0xFFFFF000  }
0xed: {  	[spmem:s3] =	stream.indirect.scatter.add.f32 [tilespmem:s19], [sflag:$0x3], $0x20, s14, s17, $0xb8;
	[tilespmem:$0x10000] =	vst v63  }
0xee: {  	_ =	swait.ge [sflag:s23], $0x1000  }
0xef: {  	[sflag:s23] =	ssyncset.done $0x0  }
0xf0: {  	s31 =	sor.u32 $0x480, s30;
	[sflag:s23] =	ssyncadd.s32 $0xFFFFF000  }
0xf1: {  	[tilespmem:s19], [sflag:$0x2] =	stream.indirect.gather [spmem:s2], $0x20, s31, s17, $0xb8;
	[tilespmem:$0x10000] =	vst v63  }
0xf2: {  	_ =	swait.ge [sflag:s22], $0x1000  }
0xf3: {  	[sflag:s22] =	ssyncset.done $0x0  }
0xf4: {  	s1 =	sor.u32 $0x1300, s30;
	[sflag:s22] =	ssyncadd.s32 $0xFFFFF000  }
0xf5: {  	[spmem:s3] =	stream.indirect.scatter.add.f32 [tilespmem:s20], [sflag:$0x3], $0x20, s1, s17, $0xb8;
	[tilespmem:$0x10000] =	vst v63  }
0xf6: {  	_ =	swait.ge [sflag:s23], $0x1000  }
0xf7: {  	[sflag:s23] =	ssyncset.done $0x0  }
0xf8: {  	s8 =	sor.u32 $0x500, s30;
	[sflag:s23] =	ssyncadd.s32 $0xFFFFF000  }
0xf9: {  	[tilespmem:s20], [sflag:$0x2] =	stream.indirect.gather [spmem:s2], $0x20, s8, s17, $0xb8;
	[tilespmem:$0x10000] =	vst v63  }
0xfa: {  	_ =	swait.ge [sflag:s22], $0x1000  }
0xfb: {  	[sflag:s22] =	ssyncset.done $0x0  }
0xfc: {  	s9 =	sor.u32 $0x1380, s30;
	[sflag:s22] =	ssyncadd.s32 $0xFFFFF000  }
0xfd: {  	[spmem:s3] =	stream.indirect.scatter.add.f32 [tilespmem:s21], [sflag:$0x3], $0x20, s9, s17, $0xb8;
	[tilespmem:$0x10000] =	vst v63  }
0xfe: {  	_ =	swait.ge [sflag:s23], $0x1000  }
0xff: {  	[sflag:s23] =	ssyncset.done $0x0  }
0x100: {  	s14 =	sor.u32 $0x580, s30;
	[sflag:s23] =	ssyncadd.s32 $0xFFFFF000  }
0x101: {  	[tilespmem:s21], [sflag:$0x2] =	stream.indirect.gather [spmem:s2], $0x20, s14, s17, $0xb8;
	[tilespmem:$0x10000] =	vst v63  }
0x102: {  	_ =	swait.ge [sflag:s22], $0x1000  }
0x103: {  	[sflag:s22] =	ssyncset.done $0x0  }
0x104: {  	s31 =	sor.u32 $0x1400, s30;
	[sflag:s22] =	ssyncadd.s32 $0xFFFFF000  }
0x105: {  	[spmem:s3] =	stream.indirect.scatter.add.f32 [tilespmem:s18], [sflag:$0x3], $0x20, s31, s17, $0xb8;
	[tilespmem:$0x10000] =	vst v63  }
0x106: {  	_ =	swait.ge [sflag:s23], $0x1000  }
0x107: {  	[sflag:s23] =	ssyncset.done $0x0  }
0x108: {  	s1 =	sor.u32 $0x600, s30;
	[sflag:s23] =	ssyncadd.s32 $0xFFFFF000  }
0x109: {  	[tilespmem:s18], [sflag:$0x2] =	stream.indirect.gather [spmem:s2], $0x20, s1, s17, $0xb8;
	[tilespmem:$0x10000] =	vst v63  }
0x10a: {  	_ =	swait.ge [sflag:s22], $0x1000  }
0x10b: {  	[sflag:s22] =	ssyncset.done $0x0  }
0x10c: {  	s8 =	sor.u32 $0x1480, s30;
	[sflag:s22] =	ssyncadd.s32 $0xFFFFF000  }
0x10d: {  	[spmem:s3] =	stream.indirect.scatter.add.f32 [tilespmem:s19], [sflag:$0x3], $0x20, s8, s17, $0xb8;
	[tilespmem:$0x10000] =	vst v63  }
0x10e: {  	_ =	swait.ge [sflag:s23], $0x1000  }
0x10f: {  	[sflag:s23] =	ssyncset.done $0x0  }
0x110: {  	s9 =	sor.u32 $0x680, s30;
	[sflag:s23] =	ssyncadd.s32 $0xFFFFF000  }
0x111: {  	[tilespmem:s19], [sflag:$0x2] =	stream.indirect.gather [spmem:s2], $0x20, s9, s17, $0xb8;
	[tilespmem:$0x10000] =	vst v63  }
0x112: {  	_ =	swait.ge [sflag:s22], $0x1000  }
0x113: {  	[sflag:s22] =	ssyncset.done $0x0  }
0x114: {  	s14 =	sor.u32 $0x1500, s30;
	[sflag:s22] =	ssyncadd.s32 $0xFFFFF000  }
0x115: {  	[spmem:s3] =	stream.indirect.scatter.add.f32 [tilespmem:s20], [sflag:$0x3], $0x20, s14, s17, $0xb8;
	[tilespmem:$0x10000] =	vst v63  }
0x116: {  	_ =	swait.ge [sflag:s23], $0x1000  }
0x117: {  	[sflag:s23] =	ssyncset.done $0x0  }
0x118: {  	s31 =	sor.u32 $0x700, s30;
	[sflag:s23] =	ssyncadd.s32 $0xFFFFF000  }
0x119: {  	[tilespmem:s20], [sflag:$0x2] =	stream.indirect.gather [spmem:s2], $0x20, s31, s17, $0xb8;
	[tilespmem:$0x10000] =	vst v63  }
0x11a: {  	_ =	swait.ge [sflag:s22], $0x1000  }
0x11b: {  	[sflag:s22] =	ssyncset.done $0x0  }
0x11c: {  	s1 =	sor.u32 $0x1580, s30;
	[sflag:s22] =	ssyncadd.s32 $0xFFFFF000  }
0x11d: {  	[spmem:s3] =	stream.indirect.scatter.add.f32 [tilespmem:s21], [sflag:$0x3], $0x20, s1, s17, $0xb8;
	[tilespmem:$0x10000] =	vst v63  }
0x11e: {  	_ =	swait.ge [sflag:s23], $0x1000  }
0x11f: {  	[sflag:s23] =	ssyncset.done $0x0  }
0x120: {  	s8 =	sor.u32 $0x780, s30;
	[sflag:s23] =	ssyncadd.s32 $0xFFFFF000  }
0x121: {  	[tilespmem:s21], [sflag:$0x2] =	stream.indirect.gather [spmem:s2], $0x20, s8, s17, $0xb8;
	[tilespmem:$0x10000] =	vst v63  }
0x122: {  	_ =	swait.ge [sflag:s22], $0x1000  }
0x123: {  	[sflag:s22] =	ssyncset.done $0x0  }
0x124: {  	s9 =	sor.u32 $0x1600, s30;
	[sflag:s22] =	ssyncadd.s32 $0xFFFFF000  }
0x125: {  	[spmem:s3] =	stream.indirect.scatter.add.f32 [tilespmem:s18], [sflag:$0x3], $0x20, s9, s17, $0xb8;
	[tilespmem:$0x10000] =	vst v63  }
0x126: {  	_ =	swait.ge [sflag:s23], $0x1000  }
0x127: {  	[sflag:s23] =	ssyncset.done $0x0  }
0x128: {  	[sflag:s23] =	ssyncadd.s32 $0xFFFFF000  }
0x129: {  	_ =	swait.ge [sflag:s22], $0x1000  }
0x12a: {  	[sflag:s22] =	ssyncset.done $0x0  }
0x12b: {  	s14 =	sor.u32 $0x1680, s30;
	[sflag:s22] =	ssyncadd.s32 $0xFFFFF000  }
0x12c: {  	[spmem:s3] =	stream.indirect.scatter.add.f32 [tilespmem:s19], [sflag:$0x3], $0x20, s14, s17, $0xb8;
	[tilespmem:$0x10000] =	vst v63  }
0x12d: {  	_ =	swait.ge [sflag:s23], $0x1000  }
0x12e: {  	[sflag:s23] =	ssyncset.done $0x0  }
0x12f: {  	[sflag:s23] =	ssyncadd.s32 $0xFFFFF000  }
0x130: {  	_ =	swait.ge [sflag:s22], $0x1000  }
0x131: {  	s28 =	sadd.s32 $0x100, s28;
	[sflag:s22] =	ssyncset.done $0x0  }
0x132: {  	p0 =	sne.s32 s28, $0xA00;
	s31 =	sor.u32 $0x1700, s30;
	[sflag:s22] =	ssyncadd.s32 $0xFFFFF000  }
0x133: {  	[spmem:s3] =	stream.indirect.scatter.add.f32 [tilespmem:s20], [sflag:$0x3], $0x20, s31, s17, $0xb8;
	[tilespmem:$0x10000] =	vst v63  }
.Ltmp0:
0x134: {  	_ =	swait.ge [sflag:s23], $0x1000;
	(pc) =	sbr.rel @p0 .LBB2_2-.Ltmp0, $4  }
0x135: {  	[sflag:s23] =	ssyncset.done $0x0  }
0x136: {  	[sflag:s23] =	ssyncadd.s32 $0xFFFFF000  }
0x137: {  	_ =	swait.ge [sflag:s22], $0x1000  }
0x138: {  	s30 =	sor.u32 $0x1780, s30;
	[sflag:s22] =	ssyncset.done $0x0  }
0x139: {  	[sflag:s22] =	ssyncadd.s32 $0xFFFFF000  }
0x13a: {  	[spmem:s3] =	stream.indirect.scatter.add.f32 [tilespmem:s21], [sflag:$0x3], $0x20, s30, s17, $0xb8;
	[tilespmem:$0x10000] =	vst v63  }
0x13b: {  	_ =	swait.ge [sflag:s23], $0x1000  }
0x13c: {  	s26 =	sadd.s32 $0x1, s26;
	[sflag:s23] =	ssyncset.done $0x0  }
0x13d: {  	p0 =	sne.s32 s26, s11;
	[sflag:s23] =	ssyncadd.s32 $0xFFFFF000  }
.Ltmp1:
0x13e: {  	s0 =	sor.u32 $0x1C05, s5;
	[bflag:$0x0] =	sbarrier.arrive $0xFFFF;
	(pc) =	sbr.rel @p0 .LBB2_1-.Ltmp1, $4  }
0x13f: {  	[hbm:s10], [sflag:s0] =	dma.local [spmem:s24], $0xA00  }
0x140: {  	_ =	swait.ge [sflag:s25], $0xA00  }
0x141: {  	[sflag:s25] =	ssyncset.done $0x0  }
0x142: {  	[sflag:s25] =	ssyncadd.s32 $0xFFFFF600  }
0x143: {  	_ =	sfence.sel $0x180000  }
0x144: {  	[bflag:$0x0] =	sbarrier.arrive $0xFFFF  }
0x145: {  	_ =	strace $0x90000050  }
0x146: {  	s0 =	stileid.u32;
	[bflag:$0x2] =	sbarrier.arrive $0xFFFF  }
0x147: {  	p0 =	sne.s32 s0, $0x0;
	s0 =	rddreg [dreg:$0x4]  }
0x148: {  	s0 =	sadd.s32 @!p0 $0x100000, s0  }
0x149: {  	[sflag:s0] =	ssyncadd.tile.s32 @!p0 $0x1;
	_ =	shalt  }
.Lfunc_end2:
_tile_overlayer_lowered:
.L_overlay_start_2:
0x14a: {  	(tag) =	ssettag $0x2  }
0x14b: {  	s0 =	rddreg [dreg:$0x0];
	s2 =	stileid.u32  }
0x14c: {  	s1 =	rddreg [dreg:$0x1];
	p0 =	sne.s32 s2, $0x0  }
0x14d: {  	s3 =	rddreg [dreg:$0x2];
	[bflag:$0x3] =	sbarrier.arrive $0xFFFF;
	s2 =	simm.s32 @!p0 $0x1C05  }
0x14e: {  	[timem:s3], [sflag:s2] =	dma.local @!p0 [hbm:s0], s1  }
0x14f: {  	s0 =	simm.s32 @!p0 $0x5  }
0x150: {  	_ =	swait.ge @!p0 [sflag:s0], s1  }
0x151: {  	s1 =	ssub.s32 @!p0 $0x0, s1;
	[sflag:s0] =	ssyncset.done @!p0 $0x0  }
0x152: {  	[sflag:s0] =	ssyncadd.s32 @!p0 s1  }
0x153: {  	[bflag:$0x3] =	sbarrier.arrive $0xFFFF  }
0x154: {  	_ =	shalt  }

</sc_bundles>
